<compile_context>
chip_gen: v7x
topology: tpu7x:2x2x1
jax: 0.10.2.dev20260603
libtpu: 0.0.44.dev20260713+nightly
codegen_flags: <defaults>
</compile_context>

<pallas_src>
import functools

import jax
import jax.numpy as jnp
from jax import lax
from jax.experimental import pallas as pl
from jax.experimental.pallas import tpu as pltpu
from jax.experimental.pallas import tpu_sc as plsc

N = 10000
E = 320000
IN_FEATS = 128
OUT_FEATS = 32
NUM_HEADS = 4
D = OUT_FEATS * NUM_HEADS
SCALE = 1.0 / (OUT_FEATS ** 0.5)

NC = 2
NS = 16
L = 16
NW = NC * NS
EPT = E // NW
CH = 40
NCHUNK = EPT // CH
NP = 10240
RPT = NP // NS
RB = 40
ASUM_W = 16


BLK = 2000
NB = N // BLK


def _proj_body(feat_ref, wq_ref, bq_ref, wk_ref, bk_ref, wv_ref, bv_ref,
               ws_ref, bs_ref, q_ref, k_ref, v_ref, skip_ref):
    f = feat_ref[...]
    q_ref[...] = (jnp.dot(f, wq_ref[...], preferred_element_type=jnp.float32)
                  + bq_ref[...]) * SCALE
    k_ref[...] = jnp.dot(f, wk_ref[...], preferred_element_type=jnp.float32) + bk_ref[...]
    v_ref[...] = jnp.dot(f, wv_ref[...], preferred_element_type=jnp.float32) + bv_ref[...]
    skip_ref[...] = jnp.dot(f, ws_ref[...], preferred_element_type=jnp.float32) + bs_ref[...]


def _proj(feat, Wq, bq, Wk, bk, Wv, bv, Ws, bs):
    wspec = pl.BlockSpec((IN_FEATS, D), lambda i: (0, 0))
    bspec = pl.BlockSpec((D,), lambda i: (0,))
    return pl.pallas_call(
        _proj_body,
        grid=(NB,),
        in_specs=[pl.BlockSpec((BLK, IN_FEATS), lambda i: (i, 0)),
                  wspec, bspec, wspec, bspec, wspec, bspec, wspec, bspec],
        out_specs=[pl.BlockSpec((BLK, D), lambda i: (i, 0))] * 4,
        out_shape=[jax.ShapeDtypeStruct((N, D), jnp.float32)] * 4,
    )(feat, Wq, bq, Wk, bk, Wv, bv, Ws, bs)



def _edge_body(src_hbm, dst_hbm, q_hbm, k_hbm, v_hbm,
               agg0_hbm, agg1_hbm, asum0_hbm, asum1_hbm,
               src_v, dst_v, q_rows, k_rows, v_rows, sbuf,
               src_vb, dst_vb, q_rowsb, k_rowsb, v_rowsb, sbufb,
               agg_sh, asum_sh, sem_q, sem_k, sem_v,
               sem_qb, sem_kb, sem_vb):
    c = lax.axis_index("c")
    s = lax.axis_index("s")
    w = c * NS + s
    zv = jnp.zeros((L,), jnp.float32)
    lane = lax.broadcasted_iota(jnp.int32, (L,), 0)

    def _zero_blocks(i, carry):
        for j in range(D // L):
            v_rows[i, pl.ds(j * L, L)] = zv
        sbuf[i, pl.ds(0, ASUM_W)] = zv
        return carry
    lax.fori_loop(0, CH, _zero_blocks, 0)

    row0 = s * RPT
    for t in range(RPT // RB):
        pltpu.sync_copy(v_rows, agg_sh.at[pl.ds(row0 + t * RB, RB)])
        pltpu.sync_copy(sbuf, asum_sh.at[pl.ds(row0 + t * RB, RB)])
    plsc.subcore_barrier()

    ebase0 = w * EPT
    setA = (src_v, dst_v, q_rows, k_rows, v_rows, sbuf, sem_q, sem_k, sem_v)
    setB = (src_vb, dst_vb, q_rowsb, k_rowsb, v_rowsb, sbufb,
            sem_qb, sem_kb, sem_vb)

    def _issue(i, bufs):
        sv, dv, qr, kr, vr, sb, sq, sk, svv = bufs
        base = ebase0 + i * CH
        pltpu.sync_copy(src_hbm.at[pl.ds(base, CH)], sv)
        pltpu.sync_copy(dst_hbm.at[pl.ds(base, CH)], dv)
        pltpu.async_copy(q_hbm.at[sv], qr, sq)
        pltpu.async_copy(k_hbm.at[dv], kr, sk)
        pltpu.async_copy(v_hbm.at[sv], vr, svv)

    def _finish(bufs):
        sv, dv, qr, kr, vr, sb, sq, sk, svv = bufs
        pltpu.make_async_copy(q_hbm.at[sv], qr, sq).wait()
        pltpu.make_async_copy(k_hbm.at[dv], kr, sk).wait()
        pltpu.make_async_copy(v_hbm.at[sv], vr, svv).wait()

        def _edge_comp(e, carry2):
            srow = zv
            for h in range(NUM_HEADS):
                sl0 = pl.ds(h * OUT_FEATS, L)
                sl1 = pl.ds(h * OUT_FEATS + L, L)
                u = qr[e, sl0] * kr[e, sl0] + qr[e, sl1] * kr[e, sl1]
                r = jnp.sum(u)
                ef = jnp.exp(jnp.full((L,), r, jnp.float32))
                vr[e, sl0] = vr[e, sl0] * ef
                vr[e, sl1] = vr[e, sl1] * ef
                srow = srow + ef * (lane == h).astype(jnp.float32)
            sb[e, pl.ds(0, ASUM_W)] = srow
            return carry2
        lax.fori_loop(0, CH, _edge_comp, 0)
        pltpu.sync_copy(sb, asum_sh.at[dv], add=True)
        pltpu.sync_copy(vr, agg_sh.at[dv], add=True)

    _issue(0, setA)

    def _pair(p, carry):
        _issue(2 * p + 1, setB)
        _finish(setA)

        @pl.when(p < NCHUNK // 2 - 1)
        def _():
            _issue(2 * p + 2, setA)
        _finish(setB)
        return carry
    lax.fori_loop(0, NCHUNK // 2, _pair, 0)
    plsc.subcore_barrier()

    @pl.when(c == 0)
    def _():
        for t in range(RPT // RB):
            r = row0 + t * RB
            pltpu.sync_copy(agg_sh.at[pl.ds(r, RB)], v_rows)
            pltpu.sync_copy(v_rows, agg0_hbm.at[pl.ds(r, RB)])
            pltpu.sync_copy(asum_sh.at[pl.ds(r, RB)], sbuf)
            pltpu.sync_copy(sbuf, asum0_hbm.at[pl.ds(r, RB)])

    @pl.when(c == 1)
    def _():
        for t in range(RPT // RB):
            r = row0 + t * RB
            pltpu.sync_copy(agg_sh.at[pl.ds(r, RB)], v_rows)
            pltpu.sync_copy(v_rows, agg1_hbm.at[pl.ds(r, RB)])
            pltpu.sync_copy(asum_sh.at[pl.ds(r, RB)], sbuf)
            pltpu.sync_copy(sbuf, asum1_hbm.at[pl.ds(r, RB)])


_edge = functools.partial(
    pl.kernel,
    out_type=[jax.ShapeDtypeStruct((NP, D), jnp.float32),
              jax.ShapeDtypeStruct((NP, D), jnp.float32),
              jax.ShapeDtypeStruct((NP, ASUM_W), jnp.float32),
              jax.ShapeDtypeStruct((NP, ASUM_W), jnp.float32)],
    mesh=plsc.VectorSubcoreMesh(core_axis_name="c", subcore_axis_name="s",
                                num_cores=NC, num_subcores=NS),
    compiler_params=pltpu.CompilerParams(needs_layout_passes=False,
                                         use_tc_tiling_on_sc=False),
    scratch_types=[
        pltpu.VMEM((CH,), jnp.int32),
        pltpu.VMEM((CH,), jnp.int32),
        pltpu.VMEM((CH, D), jnp.float32),
        pltpu.VMEM((CH, D), jnp.float32),
        pltpu.VMEM((CH, D), jnp.float32),
        pltpu.VMEM((CH, ASUM_W), jnp.float32),
        pltpu.VMEM((CH,), jnp.int32),
        pltpu.VMEM((CH,), jnp.int32),
        pltpu.VMEM((CH, D), jnp.float32),
        pltpu.VMEM((CH, D), jnp.float32),
        pltpu.VMEM((CH, D), jnp.float32),
        pltpu.VMEM((CH, ASUM_W), jnp.float32),
        pltpu.VMEM_SHARED((NP, D), jnp.float32),
        pltpu.VMEM_SHARED((NP, ASUM_W), jnp.float32),
        pltpu.SemaphoreType.DMA,
        pltpu.SemaphoreType.DMA,
        pltpu.SemaphoreType.DMA,
        pltpu.SemaphoreType.DMA,
        pltpu.SemaphoreType.DMA,
        pltpu.SemaphoreType.DMA,
    ],
)(_edge_body)



def _final_body(skip_ref, a0_ref, a1_ref, s0_ref, s1_ref, wg_ref, bg_ref,
                gam_ref, bet_ref, pa_ref, out_ref):
    skip = skip_ref[...]
    agg = a0_ref[...] + a1_ref[...]
    asum = s0_ref[...] + s1_ref[...]
    row = lax.broadcasted_iota(jnp.int32, (ASUM_W, D), 0)
    colh = lax.broadcasted_iota(jnp.int32, (ASUM_W, D), 1) // OUT_FEATS
    sel = (row == colh).astype(jnp.float32)
    denom = jnp.dot(asum, sel, preferred_element_type=jnp.float32)
    rst = agg / jnp.maximum(denom, 1e-30)
    wg = wg_ref[...]
    ws = wg[0:1, :] + wg[2:3, :]
    wr = wg[1:2, :] - wg[2:3, :]
    logit = jnp.sum(skip * ws + rst * wr, axis=1, keepdims=True) + bg_ref[...]
    gate = jax.nn.sigmoid(logit)
    y = gate * skip + (1.0 - gate) * rst
    mean = jnp.mean(y, axis=1, keepdims=True)
    cen = y - mean
    var = jnp.mean(cen * cen, axis=1, keepdims=True)
    y = cen * lax.rsqrt(var + 1e-5) * gam_ref[...] + bet_ref[...]
    out_ref[...] = jnp.where(y >= 0, y, pa_ref[...] * y)


def _final(skip, agg0, agg1, asum0, asum1, wg, bg, gamma, beta, pa):
    nspec = pl.BlockSpec((BLK, D), lambda i: (i, 0))
    aspec = pl.BlockSpec((BLK, ASUM_W), lambda i: (i, 0))
    return pl.pallas_call(
        _final_body,
        grid=(NB,),
        in_specs=[nspec, nspec, nspec, aspec, aspec,
                  pl.BlockSpec((3, D), lambda i: (0, 0)),
                  pl.BlockSpec((1, 1), lambda i: (0, 0)),
                  pl.BlockSpec((D,), lambda i: (0,)),
                  pl.BlockSpec((D,), lambda i: (0,)),
                  pl.BlockSpec((1, 1), lambda i: (0, 0))],
        out_specs=nspec,
        out_shape=jax.ShapeDtypeStruct((N, D), jnp.float32),
    )(skip, agg0, agg1, asum0, asum1, wg, bg, gamma, beta, pa)



def kernel(feat, edge_index, Wq, bq, Wk, bk, Wv, bv, Wskip, bskip,
           Wgate, bgate, ln_gamma, ln_beta, prelu_a):
    q, k, v, skip = _proj(feat, Wq, bq, Wk, bk, Wv, bv, Wskip, bskip)
    src = edge_index[0]
    dst = edge_index[1]
    agg0, agg1, asum0, asum1 = _edge(src, dst, q, k, v)
    return _final(skip, agg0, agg1, asum0, asum1,
                  Wgate.reshape(3, D), bgate.reshape(1, 1),
                  ln_gamma, ln_beta, prelu_a.reshape(1, 1))

# --- scband reference (transcript-rebuilt; emitter-appended) ---
"""Pipeline reference for scband-transformer-conv-28063316312097 (READ-ONLY COPY).

The authoritative reference and input builder live on the scoring server;
editing this copy changes nothing except your own understanding.
"""

import jax, jax.numpy as jnp
import numpy as np

N = 10000
E = 320000
IN_FEATS = 128
OUT_FEATS = 32
NUM_HEADS = 4
D = OUT_FEATS * NUM_HEADS


def setup_inputs(seed: int = 0):
    key = jax.random.key(seed)
    ks = jax.random.split(key, 14)
    s = 0.05
    feat = jax.random.normal(ks[0], (N, IN_FEATS), dtype=jnp.float32)
    edge_index = jax.random.randint(ks[1], (2, E), 0, N, dtype=jnp.int32)
    return {
        'feat': feat,
        'edge_index': edge_index,
        'Wq': jax.random.normal(ks[2], (IN_FEATS, D), dtype=jnp.float32) * s,
        'bq': jax.random.normal(ks[3], (D,), dtype=jnp.float32) * s,
        'Wk': jax.random.normal(ks[4], (IN_FEATS, D), dtype=jnp.float32) * s,
        'bk': jax.random.normal(ks[5], (D,), dtype=jnp.float32) * s,
        'Wv': jax.random.normal(ks[6], (IN_FEATS, D), dtype=jnp.float32) * s,
        'bv': jax.random.normal(ks[7], (D,), dtype=jnp.float32) * s,
        'Wskip': jax.random.normal(ks[8], (IN_FEATS, D), dtype=jnp.float32) * s,
        'bskip': jax.random.normal(ks[9], (D,), dtype=jnp.float32) * s,
        'Wgate': jax.random.normal(ks[10], (3 * D, 1), dtype=jnp.float32) * s,
        'bgate': jax.random.normal(ks[11], (1,), dtype=jnp.float32) * s,
        'ln_gamma': jnp.ones((D,), dtype=jnp.float32),
        'ln_beta': jnp.zeros((D,), dtype=jnp.float32),
        'prelu_a': jnp.full((1,), 0.25, dtype=jnp.float32),
    }


def reference(feat, edge_index, Wq, bq, Wk, bk, Wv, bv, Wskip, bskip, Wgate, bgate, ln_gamma, ln_beta, prelu_a):
    src = edge_index[0]
    dst = edge_index[1]
    n = feat.shape[0]
    # q/k/v projections (homogeneous graph: h_src == h_dst == feat)
    q = (feat @ Wq + bq).reshape(n, NUM_HEADS, OUT_FEATS)
    k = (feat @ Wk + bk).reshape(n, NUM_HEADS, OUT_FEATS)
    v = (feat @ Wv + bv).reshape(n, NUM_HEADS, OUT_FEATS)
    # u_dot_v: per-edge, per-head dot product between q[src] and k[dst]
    a = jnp.sum(q[src] * k[dst], axis=-1, keepdims=True)  # [E, H, 1]
    a = a / jnp.sqrt(jnp.float32(OUT_FEATS))
    # edge softmax over incoming edges of each dst node, per head
    a_max = jax.ops.segment_max(a, dst, num_segments=n)
    a_exp = jnp.exp(a - a_max[dst])
    a_sum = jax.ops.segment_sum(a_exp, dst, num_segments=n)
    sa = a_exp / a_sum[dst]  # [E, H, 1]
    # u_mul_e + sum aggregation to dst nodes
    msg = v[src] * sa  # [E, H, OUT_FEATS]
    agg = jax.ops.segment_sum(msg, dst, num_segments=n)
    rst = agg.reshape(n, D)
    # skip connection + gate
    skip = feat @ Wskip + bskip
    gate = jax.nn.sigmoid(jnp.concatenate([skip, rst, skip - rst], axis=-1) @ Wgate + bgate)
    rst = gate * skip + (1.0 - gate) * rst
    # layer norm
    mean = jnp.mean(rst, axis=-1, keepdims=True)
    var = jnp.var(rst, axis=-1, keepdims=True)
    rst = (rst - mean) / jnp.sqrt(var + 1e-5) * ln_gamma + ln_beta
    # PReLU activation
    rst = jnp.where(rst >= 0, rst, prelu_a * rst)
    return rst


if False:  # reference __main__ guard neutralized (emitter)
    out = reference(**setup_inputs())
    print(out.shape, out.dtype)

if __name__ == "__main__":
    import jax
    _d = setup_inputs()
    print(jax.jit(kernel)(*tuple(_d.values())))

</pallas_src>

<mosaic_0001>
#map = affine_map<(d0, d1) -> (0)>
#map1 = affine_map<(d0, d1) -> (0, 0)>
module attributes {stable_mosaic.version = 14 : i64} {
  func.func @_edge_body(%arg0: i32, %arg1: i32, %arg2: memref<320000xi32, #tpu.memory_space<hbm>>, %arg3: memref<320000xi32, #tpu.memory_space<hbm>>, %arg4: memref<10000x128xf32, #tpu.memory_space<hbm>>, %arg5: memref<10000x128xf32, #tpu.memory_space<hbm>>, %arg6: memref<10000x128xf32, #tpu.memory_space<hbm>>, %arg7: memref<10240x128xf32, #tpu.memory_space<hbm>>, %arg8: memref<10240x128xf32, #tpu.memory_space<hbm>>, %arg9: memref<10240x16xf32, #tpu.memory_space<hbm>>, %arg10: memref<10240x16xf32, #tpu.memory_space<hbm>>, %arg11: memref<40xi32, #tpu.memory_space<vmem>>, %arg12: memref<40xi32, #tpu.memory_space<vmem>>, %arg13: memref<40x128xf32, #tpu.memory_space<vmem>>, %arg14: memref<40x128xf32, #tpu.memory_space<vmem>>, %arg15: memref<40x128xf32, #tpu.memory_space<vmem>>, %arg16: memref<40x16xf32, #tpu.memory_space<vmem>>, %arg17: memref<40xi32, #tpu.memory_space<vmem>>, %arg18: memref<40xi32, #tpu.memory_space<vmem>>, %arg19: memref<40x128xf32, #tpu.memory_space<vmem>>, %arg20: memref<40x128xf32, #tpu.memory_space<vmem>>, %arg21: memref<40x128xf32, #tpu.memory_space<vmem>>, %arg22: memref<40x16xf32, #tpu.memory_space<vmem>>, %arg23: memref<10240x128xf32, #tpu.memory_space<vmem_shared>>, %arg24: memref<10240x16xf32, #tpu.memory_space<vmem_shared>>, %arg25: memref<!tpu.dma_semaphore, #tpu.memory_space<semaphore_mem>>, %arg26: memref<!tpu.dma_semaphore, #tpu.memory_space<semaphore_mem>>, %arg27: memref<!tpu.dma_semaphore, #tpu.memory_space<semaphore_mem>>, %arg28: memref<!tpu.dma_semaphore, #tpu.memory_space<semaphore_mem>>, %arg29: memref<!tpu.dma_semaphore, #tpu.memory_space<semaphore_mem>>, %arg30: memref<!tpu.dma_semaphore, #tpu.memory_space<semaphore_mem>>) attributes {dimension_semantics = [#tpu.dimension_semantics<core_parallel>, #tpu.dimension_semantics<subcore_parallel>], iteration_bounds = array<i64: 2, 16>, scalar_prefetch = 0 : i64, scratch_operands = 20 : i64, tpu.core_type = #tpu.core_type<sc_vector_subcore>, window_params = [{transform_indices = #map}, {transform_indices = #map}, {transform_indices = #map1}, {transform_indices = #map1}, {transform_indices = #map1}, {transform_indices = #map1}, {transform_indices = #map1}, {transform_indices = #map1}, {transform_indices = #map1}]} {
    %mul3A = arith.constant 16 : i32
    %mul3A_0 = arith.muli %arg0, %mul3A : i32
    %add3A = arith.addi %mul3A_0, %arg1 : i32
    %broadcast_in_dim3A = arith.constant 0.000000e+00 : f32
    %broadcast_in_dim3A_1 = vector.broadcast %broadcast_in_dim3A : f32 to vector<16xf32>
    %iota3A = tpu.iota {dimensions = array<i32: 0>} : vector<16xi32>
    %scan3A = arith.constant 0 : i32
    %scan3A_2 = arith.constant 0 : i32
    %scan3A_3 = arith.constant 40 : i32
    %scan3A_4 = arith.addi %scan3A_2, %scan3A_3 : i32
    %scan3A_5 = arith.constant 1 : i32
    scf.for %scan3A_99 = %scan3A_2 to %scan3A_4 step %scan3A_5  : i32 {
      %swap3A = arith.index_cast %scan3A_99 : i32 to index
      %swap3A_100 = arith.constant 0 : index
      %swap3A_101 = tpu.vector_load %arg15[%swap3A, %swap3A_100] {strides = array<i32>} : memref<40x128xf32, #tpu.memory_space<vmem>>, vector<16xf32>,
      tpu.vector_store %arg15[%swap3A, %swap3A_100], %broadcast_in_dim3A_1 {strides = array<i32>} : memref<40x128xf32, #tpu.memory_space<vmem>>, vector<16xf32>,
      %swap3A_102 = arith.index_cast %scan3A_99 : i32 to index
      %swap3A_103 = arith.constant 16 : index
      %swap3A_104 = tpu.vector_load %arg15[%swap3A_102, %swap3A_103] {strides = array<i32>} : memref<40x128xf32, #tpu.memory_space<vmem>>, vector<16xf32>,
      tpu.vector_store %arg15[%swap3A_102, %swap3A_103], %broadcast_in_dim3A_1 {strides = array<i32>} : memref<40x128xf32, #tpu.memory_space<vmem>>, vector<16xf32>,
      %swap3A_105 = arith.index_cast %scan3A_99 : i32 to index
      %swap3A_106 = arith.constant 32 : index
      %swap3A_107 = tpu.vector_load %arg15[%swap3A_105, %swap3A_106] {strides = array<i32>} : memref<40x128xf32, #tpu.memory_space<vmem>>, vector<16xf32>,
      tpu.vector_store %arg15[%swap3A_105, %swap3A_106], %broadcast_in_dim3A_1 {strides = array<i32>} : memref<40x128xf32, #tpu.memory_space<vmem>>, vector<16xf32>,
      %swap3A_108 = arith.index_cast %scan3A_99 : i32 to index
      %swap3A_109 = arith.constant 48 : index
      %swap3A_110 = tpu.vector_load %arg15[%swap3A_108, %swap3A_109] {strides = array<i32>} : memref<40x128xf32, #tpu.memory_space<vmem>>, vector<16xf32>,
      tpu.vector_store %arg15[%swap3A_108, %swap3A_109], %broadcast_in_dim3A_1 {strides = array<i32>} : memref<40x128xf32, #tpu.memory_space<vmem>>, vector<16xf32>,
      %swap3A_111 = arith.index_cast %scan3A_99 : i32 to index
      %swap3A_112 = arith.constant 64 : index
      %swap3A_113 = tpu.vector_load %arg15[%swap3A_111, %swap3A_112] {strides = array<i32>} : memref<40x128xf32, #tpu.memory_space<vmem>>, vector<16xf32>,
      tpu.vector_store %arg15[%swap3A_111, %swap3A_112], %broadcast_in_dim3A_1 {strides = array<i32>} : memref<40x128xf32, #tpu.memory_space<vmem>>, vector<16xf32>,
      %swap3A_114 = arith.index_cast %scan3A_99 : i32 to index
      %swap3A_115 = arith.constant 80 : index
      %swap3A_116 = tpu.vector_load %arg15[%swap3A_114, %swap3A_115] {strides = array<i32>} : memref<40x128xf32, #tpu.memory_space<vmem>>, vector<16xf32>,
      tpu.vector_store %arg15[%swap3A_114, %swap3A_115], %broadcast_in_dim3A_1 {strides = array<i32>} : memref<40x128xf32, #tpu.memory_space<vmem>>, vector<16xf32>,
      %swap3A_117 = arith.index_cast %scan3A_99 : i32 to index
      %swap3A_118 = arith.constant 96 : index
      %swap3A_119 = tpu.vector_load %arg15[%swap3A_117, %swap3A_118] {strides = array<i32>} : memref<40x128xf32, #tpu.memory_space<vmem>>, vector<16xf32>,
      tpu.vector_store %arg15[%swap3A_117, %swap3A_118], %broadcast_in_dim3A_1 {strides = array<i32>} : memref<40x128xf32, #tpu.memory_space<vmem>>, vector<16xf32>,
      %swap3A_120 = arith.index_cast %scan3A_99 : i32 to index
      %swap3A_121 = arith.constant 112 : index
      %swap3A_122 = tpu.vector_load %arg15[%swap3A_120, %swap3A_121] {strides = array<i32>} : memref<40x128xf32, #tpu.memory_space<vmem>>, vector<16xf32>,
      tpu.vector_store %arg15[%swap3A_120, %swap3A_121], %broadcast_in_dim3A_1 {strides = array<i32>} : memref<40x128xf32, #tpu.memory_space<vmem>>, vector<16xf32>,
      %swap3A_123 = arith.index_cast %scan3A_99 : i32 to index
      %swap3A_124 = arith.constant 0 : index
      %swap3A_125 = tpu.vector_load %arg16[%swap3A_123, %swap3A_124] {strides = array<i32>} : memref<40x16xf32, #tpu.memory_space<vmem>>, vector<16xf32>,
      tpu.vector_store %arg16[%swap3A_123, %swap3A_124], %broadcast_in_dim3A_1 {strides = array<i32>} : memref<40x16xf32, #tpu.memory_space<vmem>>, vector<16xf32>,
    }
    %scan3A_6 = arith.constant 40 : i32
    %mul3A_7 = arith.constant 640 : i32
    %mul3A_8 = arith.muli %arg1, %mul3A_7 : i32
    %add3A_9 = arith.constant 0 : i32
    %add3A_10 = arith.addi %mul3A_8, %add3A_9 : i32
    "tpu.region"() ({
      %run_scoped3A = tpu.sem_alloc : memref<!tpu.dma_semaphore, #tpu.memory_space<semaphore_mem>>
      %dma_start3A_99 = arith.constant 0 : i32
      %dma_start3A_100 = tpu.memref_slice %arg23[%add3A_10, %dma_start3A_99] : memref<10240x128xf32, #tpu.memory_space<vmem_shared>> -> memref<40x128xf32, #tpu.memory_space<vmem_shared>>
      %dma_start3A_101 = arith.constant 0 : i32
      %dma_start3A_102 = tpu.memref_slice %arg23[%add3A_10, %dma_start3A_101] : memref<10240x128xf32, #tpu.memory_space<vmem_shared>> -> memref<40x128xf32, #tpu.memory_space<vmem_shared>>
      tpu.enqueue_dma source(%arg15 : memref<40x128xf32, #tpu.memory_space<vmem>>) target(%dma_start3A_102 : memref<40x128xf32, #tpu.memory_space<vmem_shared>>) target_semaphore(%run_scoped3A : memref<!tpu.dma_semaphore, #tpu.memory_space<semaphore_mem>>)
      %dma_wait3A = arith.constant 0 : i32
      %dma_wait3A_103 = tpu.memref_slice %arg23[%add3A_10, %dma_wait3A] : memref<10240x128xf32, #tpu.memory_space<vmem_shared>> -> memref<40x128xf32, #tpu.memory_space<vmem_shared>>
      %dma_wait3A_104 = arith.constant 0 : i32
      %dma_wait3A_105 = tpu.memref_slice %arg23[%add3A_10, %dma_wait3A_104] : memref<10240x128xf32, #tpu.memory_space<vmem_shared>> -> memref<40x128xf32, #tpu.memory_space<vmem_shared>>
      tpu.wait_dma2 semaphore(%run_scoped3A : memref<!tpu.dma_semaphore, #tpu.memory_space<semaphore_mem>>) src(%arg15 : memref<40x128xf32, #tpu.memory_space<vmem>>) dst(%dma_wait3A_105 : memref<40x128xf32, #tpu.memory_space<vmem_shared>>)
      tpu.yield
    }) : () -> ()
    %add3A_11 = arith.constant 0 : i32
    %add3A_12 = arith.addi %mul3A_8, %add3A_11 : i32
    "tpu.region"() ({
      %run_scoped3A = tpu.sem_alloc : memref<!tpu.dma_semaphore, #tpu.memory_space<semaphore_mem>>
      %dma_start3A_99 = arith.constant 0 : i32
      %dma_start3A_100 = tpu.memref_slice %arg24[%add3A_12, %dma_start3A_99] : memref<10240x16xf32, #tpu.memory_space<vmem_shared>> -> memref<40x16xf32, #tpu.memory_space<vmem_shared>>
      %dma_start3A_101 = arith.constant 0 : i32
      %dma_start3A_102 = tpu.memref_slice %arg24[%add3A_12, %dma_start3A_101] : memref<10240x16xf32, #tpu.memory_space<vmem_shared>> -> memref<40x16xf32, #tpu.memory_space<vmem_shared>>
      tpu.enqueue_dma source(%arg16 : memref<40x16xf32, #tpu.memory_space<vmem>>) target(%dma_start3A_102 : memref<40x16xf32, #tpu.memory_space<vmem_shared>>) target_semaphore(%run_scoped3A : memref<!tpu.dma_semaphore, #tpu.memory_space<semaphore_mem>>)
      %dma_wait3A = arith.constant 0 : i32
      %dma_wait3A_103 = tpu.memref_slice %arg24[%add3A_12, %dma_wait3A] : memref<10240x16xf32, #tpu.memory_space<vmem_shared>> -> memref<40x16xf32, #tpu.memory_space<vmem_shared>>
      %dma_wait3A_104 = arith.constant 0 : i32
      %dma_wait3A_105 = tpu.memref_slice %arg24[%add3A_12, %dma_wait3A_104] : memref<10240x16xf32, #tpu.memory_space<vmem_shared>> -> memref<40x16xf32, #tpu.memory_space<vmem_shared>>
      tpu.wait_dma2 semaphore(%run_scoped3A : memref<!tpu.dma_semaphore, #tpu.memory_space<semaphore_mem>>) src(%arg16 : memref<40x16xf32, #tpu.memory_space<vmem>>) dst(%dma_wait3A_105 : memref<40x16xf32, #tpu.memory_space<vmem_shared>>)
      tpu.yield
    }) : () -> ()
    %add3A_13 = arith.constant 40 : i32
    %add3A_14 = arith.addi %mul3A_8, %add3A_13 : i32
    "tpu.region"() ({
      %run_scoped3A = tpu.sem_alloc : memref<!tpu.dma_semaphore, #tpu.memory_space<semaphore_mem>>
      %dma_start3A_99 = arith.constant 0 : i32
      %dma_start3A_100 = tpu.memref_slice %arg23[%add3A_14, %dma_start3A_99] : memref<10240x128xf32, #tpu.memory_space<vmem_shared>> -> memref<40x128xf32, #tpu.memory_space<vmem_shared>>
      %dma_start3A_101 = arith.constant 0 : i32
      %dma_start3A_102 = tpu.memref_slice %arg23[%add3A_14, %dma_start3A_101] : memref<10240x128xf32, #tpu.memory_space<vmem_shared>> -> memref<40x128xf32, #tpu.memory_space<vmem_shared>>
      tpu.enqueue_dma source(%arg15 : memref<40x128xf32, #tpu.memory_space<vmem>>) target(%dma_start3A_102 : memref<40x128xf32, #tpu.memory_space<vmem_shared>>) target_semaphore(%run_scoped3A : memref<!tpu.dma_semaphore, #tpu.memory_space<semaphore_mem>>)
      %dma_wait3A = arith.constant 0 : i32
      %dma_wait3A_103 = tpu.memref_slice %arg23[%add3A_14, %dma_wait3A] : memref<10240x128xf32, #tpu.memory_space<vmem_shared>> -> memref<40x128xf32, #tpu.memory_space<vmem_shared>>
      %dma_wait3A_104 = arith.constant 0 : i32
      %dma_wait3A_105 = tpu.memref_slice %arg23[%add3A_14, %dma_wait3A_104] : memref<10240x128xf32, #tpu.memory_space<vmem_shared>> -> memref<40x128xf32, #tpu.memory_space<vmem_shared>>
      tpu.wait_dma2 semaphore(%run_scoped3A : memref<!tpu.dma_semaphore, #tpu.memory_space<semaphore_mem>>) src(%arg15 : memref<40x128xf32, #tpu.memory_space<vmem>>) dst(%dma_wait3A_105 : memref<40x128xf32, #tpu.memory_space<vmem_shared>>)
      tpu.yield
    }) : () -> ()
    %add3A_15 = arith.constant 40 : i32
    %add3A_16 = arith.addi %mul3A_8, %add3A_15 : i32
    "tpu.region"() ({
      %run_scoped3A = tpu.sem_alloc : memref<!tpu.dma_semaphore, #tpu.memory_space<semaphore_mem>>
      %dma_start3A_99 = arith.constant 0 : i32
      %dma_start3A_100 = tpu.memref_slice %arg24[%add3A_16, %dma_start3A_99] : memref<10240x16xf32, #tpu.memory_space<vmem_shared>> -> memref<40x16xf32, #tpu.memory_space<vmem_shared>>
      %dma_start3A_101 = arith.constant 0 : i32
      %dma_start3A_102 = tpu.memref_slice %arg24[%add3A_16, %dma_start3A_101] : memref<10240x16xf32, #tpu.memory_space<vmem_shared>> -> memref<40x16xf32, #tpu.memory_space<vmem_shared>>
      tpu.enqueue_dma source(%arg16 : memref<40x16xf32, #tpu.memory_space<vmem>>) target(%dma_start3A_102 : memref<40x16xf32, #tpu.memory_space<vmem_shared>>) target_semaphore(%run_scoped3A : memref<!tpu.dma_semaphore, #tpu.memory_space<semaphore_mem>>)
      %dma_wait3A = arith.constant 0 : i32
      %dma_wait3A_103 = tpu.memref_slice %arg24[%add3A_16, %dma_wait3A] : memref<10240x16xf32, #tpu.memory_space<vmem_shared>> -> memref<40x16xf32, #tpu.memory_space<vmem_shared>>
      %dma_wait3A_104 = arith.constant 0 : i32
      %dma_wait3A_105 = tpu.memref_slice %arg24[%add3A_16, %dma_wait3A_104] : memref<10240x16xf32, #tpu.memory_space<vmem_shared>> -> memref<40x16xf32, #tpu.memory_space<vmem_shared>>
      tpu.wait_dma2 semaphore(%run_scoped3A : memref<!tpu.dma_semaphore, #tpu.memory_space<semaphore_mem>>) src(%arg16 : memref<40x16xf32, #tpu.memory_space<vmem>>) dst(%dma_wait3A_105 : memref<40x16xf32, #tpu.memory_space<vmem_shared>>)
      tpu.yield
    }) : () -> ()
    %add3A_17 = arith.constant 80 : i32
    %add3A_18 = arith.addi %mul3A_8, %add3A_17 : i32
    "tpu.region"() ({
      %run_scoped3A = tpu.sem_alloc : memref<!tpu.dma_semaphore, #tpu.memory_space<semaphore_mem>>
      %dma_start3A_99 = arith.constant 0 : i32
      %dma_start3A_100 = tpu.memref_slice %arg23[%add3A_18, %dma_start3A_99] : memref<10240x128xf32, #tpu.memory_space<vmem_shared>> -> memref<40x128xf32, #tpu.memory_space<vmem_shared>>
      %dma_start3A_101 = arith.constant 0 : i32
      %dma_start3A_102 = tpu.memref_slice %arg23[%add3A_18, %dma_start3A_101] : memref<10240x128xf32, #tpu.memory_space<vmem_shared>> -> memref<40x128xf32, #tpu.memory_space<vmem_shared>>
      tpu.enqueue_dma source(%arg15 : memref<40x128xf32, #tpu.memory_space<vmem>>) target(%dma_start3A_102 : memref<40x128xf32, #tpu.memory_space<vmem_shared>>) target_semaphore(%run_scoped3A : memref<!tpu.dma_semaphore, #tpu.memory_space<semaphore_mem>>)
      %dma_wait3A = arith.constant 0 : i32
      %dma_wait3A_103 = tpu.memref_slice %arg23[%add3A_18, %dma_wait3A] : memref<10240x128xf32, #tpu.memory_space<vmem_shared>> -> memref<40x128xf32, #tpu.memory_space<vmem_shared>>
      %dma_wait3A_104 = arith.constant 0 : i32
      %dma_wait3A_105 = tpu.memref_slice %arg23[%add3A_18, %dma_wait3A_104] : memref<10240x128xf32, #tpu.memory_space<vmem_shared>> -> memref<40x128xf32, #tpu.memory_space<vmem_shared>>
      tpu.wait_dma2 semaphore(%run_scoped3A : memref<!tpu.dma_semaphore, #tpu.memory_space<semaphore_mem>>) src(%arg15 : memref<40x128xf32, #tpu.memory_space<vmem>>) dst(%dma_wait3A_105 : memref<40x128xf32, #tpu.memory_space<vmem_shared>>)
      tpu.yield
    }) : () -> ()
    %add3A_19 = arith.constant 80 : i32
    %add3A_20 = arith.addi %mul3A_8, %add3A_19 : i32
    "tpu.region"() ({
      %run_scoped3A = tpu.sem_alloc : memref<!tpu.dma_semaphore, #tpu.memory_space<semaphore_mem>>
      %dma_start3A_99 = arith.constant 0 : i32
      %dma_start3A_100 = tpu.memref_slice %arg24[%add3A_20, %dma_start3A_99] : memref<10240x16xf32, #tpu.memory_space<vmem_shared>> -> memref<40x16xf32, #tpu.memory_space<vmem_shared>>
      %dma_start3A_101 = arith.constant 0 : i32
      %dma_start3A_102 = tpu.memref_slice %arg24[%add3A_20, %dma_start3A_101] : memref<10240x16xf32, #tpu.memory_space<vmem_shared>> -> memref<40x16xf32, #tpu.memory_space<vmem_shared>>
      tpu.enqueue_dma source(%arg16 : memref<40x16xf32, #tpu.memory_space<vmem>>) target(%dma_start3A_102 : memref<40x16xf32, #tpu.memory_space<vmem_shared>>) target_semaphore(%run_scoped3A : memref<!tpu.dma_semaphore, #tpu.memory_space<semaphore_mem>>)
      %dma_wait3A = arith.constant 0 : i32
      %dma_wait3A_103 = tpu.memref_slice %arg24[%add3A_20, %dma_wait3A] : memref<10240x16xf32, #tpu.memory_space<vmem_shared>> -> memref<40x16xf32, #tpu.memory_space<vmem_shared>>
      %dma_wait3A_104 = arith.constant 0 : i32
      %dma_wait3A_105 = tpu.memref_slice %arg24[%add3A_20, %dma_wait3A_104] : memref<10240x16xf32, #tpu.memory_space<vmem_shared>> -> memref<40x16xf32, #tpu.memory_space<vmem_shared>>
      tpu.wait_dma2 semaphore(%run_scoped3A : memref<!tpu.dma_semaphore, #tpu.memory_space<semaphore_mem>>) src(%arg16 : memref<40x16xf32, #tpu.memory_space<vmem>>) dst(%dma_wait3A_105 : memref<40x16xf32, #tpu.memory_space<vmem_shared>>)
      tpu.yield
    }) : () -> ()
    %add3A_21 = arith.constant 120 : i32
    %add3A_22 = arith.addi %mul3A_8, %add3A_21 : i32
    "tpu.region"() ({
      %run_scoped3A = tpu.sem_alloc : memref<!tpu.dma_semaphore, #tpu.memory_space<semaphore_mem>>
      %dma_start3A_99 = arith.constant 0 : i32
      %dma_start3A_100 = tpu.memref_slice %arg23[%add3A_22, %dma_start3A_99] : memref<10240x128xf32, #tpu.memory_space<vmem_shared>> -> memref<40x128xf32, #tpu.memory_space<vmem_shared>>
      %dma_start3A_101 = arith.constant 0 : i32
      %dma_start3A_102 = tpu.memref_slice %arg23[%add3A_22, %dma_start3A_101] : memref<10240x128xf32, #tpu.memory_space<vmem_shared>> -> memref<40x128xf32, #tpu.memory_space<vmem_shared>>
      tpu.enqueue_dma source(%arg15 : memref<40x128xf32, #tpu.memory_space<vmem>>) target(%dma_start3A_102 : memref<40x128xf32, #tpu.memory_space<vmem_shared>>) target_semaphore(%run_scoped3A : memref<!tpu.dma_semaphore, #tpu.memory_space<semaphore_mem>>)
      %dma_wait3A = arith.constant 0 : i32
      %dma_wait3A_103 = tpu.memref_slice %arg23[%add3A_22, %dma_wait3A] : memref<10240x128xf32, #tpu.memory_space<vmem_shared>> -> memref<40x128xf32, #tpu.memory_space<vmem_shared>>
      %dma_wait3A_104 = arith.constant 0 : i32
      %dma_wait3A_105 = tpu.memref_slice %arg23[%add3A_22, %dma_wait3A_104] : memref<10240x128xf32, #tpu.memory_space<vmem_shared>> -> memref<40x128xf32, #tpu.memory_space<vmem_shared>>
      tpu.wait_dma2 semaphore(%run_scoped3A : memref<!tpu.dma_semaphore, #tpu.memory_space<semaphore_mem>>) src(%arg15 : memref<40x128xf32, #tpu.memory_space<vmem>>) dst(%dma_wait3A_105 : memref<40x128xf32, #tpu.memory_space<vmem_shared>>)
      tpu.yield
    }) : () -> ()
    %add3A_23 = arith.constant 120 : i32
    %add3A_24 = arith.addi %mul3A_8, %add3A_23 : i32
    "tpu.region"() ({
      %run_scoped3A = tpu.sem_alloc : memref<!tpu.dma_semaphore, #tpu.memory_space<semaphore_mem>>
      %dma_start3A_99 = arith.constant 0 : i32
      %dma_start3A_100 = tpu.memref_slice %arg24[%add3A_24, %dma_start3A_99] : memref<10240x16xf32, #tpu.memory_space<vmem_shared>> -> memref<40x16xf32, #tpu.memory_space<vmem_shared>>
      %dma_start3A_101 = arith.constant 0 : i32
      %dma_start3A_102 = tpu.memref_slice %arg24[%add3A_24, %dma_start3A_101] : memref<10240x16xf32, #tpu.memory_space<vmem_shared>> -> memref<40x16xf32, #tpu.memory_space<vmem_shared>>
      tpu.enqueue_dma source(%arg16 : memref<40x16xf32, #tpu.memory_space<vmem>>) target(%dma_start3A_102 : memref<40x16xf32, #tpu.memory_space<vmem_shared>>) target_semaphore(%run_scoped3A : memref<!tpu.dma_semaphore, #tpu.memory_space<semaphore_mem>>)
      %dma_wait3A = arith.constant 0 : i32
      %dma_wait3A_103 = tpu.memref_slice %arg24[%add3A_24, %dma_wait3A] : memref<10240x16xf32, #tpu.memory_space<vmem_shared>> -> memref<40x16xf32, #tpu.memory_space<vmem_shared>>
      %dma_wait3A_104 = arith.constant 0 : i32
      %dma_wait3A_105 = tpu.memref_slice %arg24[%add3A_24, %dma_wait3A_104] : memref<10240x16xf32, #tpu.memory_space<vmem_shared>> -> memref<40x16xf32, #tpu.memory_space<vmem_shared>>
      tpu.wait_dma2 semaphore(%run_scoped3A : memref<!tpu.dma_semaphore, #tpu.memory_space<semaphore_mem>>) src(%arg16 : memref<40x16xf32, #tpu.memory_space<vmem>>) dst(%dma_wait3A_105 : memref<40x16xf32, #tpu.memory_space<vmem_shared>>)
      tpu.yield
    }) : () -> ()
    %add3A_25 = arith.constant 160 : i32
    %add3A_26 = arith.addi %mul3A_8, %add3A_25 : i32
    "tpu.region"() ({
      %run_scoped3A = tpu.sem_alloc : memref<!tpu.dma_semaphore, #tpu.memory_space<semaphore_mem>>
      %dma_start3A_99 = arith.constant 0 : i32
      %dma_start3A_100 = tpu.memref_slice %arg23[%add3A_26, %dma_start3A_99] : memref<10240x128xf32, #tpu.memory_space<vmem_shared>> -> memref<40x128xf32, #tpu.memory_space<vmem_shared>>
      %dma_start3A_101 = arith.constant 0 : i32
      %dma_start3A_102 = tpu.memref_slice %arg23[%add3A_26, %dma_start3A_101] : memref<10240x128xf32, #tpu.memory_space<vmem_shared>> -> memref<40x128xf32, #tpu.memory_space<vmem_shared>>
      tpu.enqueue_dma source(%arg15 : memref<40x128xf32, #tpu.memory_space<vmem>>) target(%dma_start3A_102 : memref<40x128xf32, #tpu.memory_space<vmem_shared>>) target_semaphore(%run_scoped3A : memref<!tpu.dma_semaphore, #tpu.memory_space<semaphore_mem>>)
      %dma_wait3A = arith.constant 0 : i32
      %dma_wait3A_103 = tpu.memref_slice %arg23[%add3A_26, %dma_wait3A] : memref<10240x128xf32, #tpu.memory_space<vmem_shared>> -> memref<40x128xf32, #tpu.memory_space<vmem_shared>>
      %dma_wait3A_104 = arith.constant 0 : i32
      %dma_wait3A_105 = tpu.memref_slice %arg23[%add3A_26, %dma_wait3A_104] : memref<10240x128xf32, #tpu.memory_space<vmem_shared>> -> memref<40x128xf32, #tpu.memory_space<vmem_shared>>
      tpu.wait_dma2 semaphore(%run_scoped3A : memref<!tpu.dma_semaphore, #tpu.memory_space<semaphore_mem>>) src(%arg15 : memref<40x128xf32, #tpu.memory_space<vmem>>) dst(%dma_wait3A_105 : memref<40x128xf32, #tpu.memory_space<vmem_shared>>)
      tpu.yield
    }) : () -> ()
    %add3A_27 = arith.constant 160 : i32
    %add3A_28 = arith.addi %mul3A_8, %add3A_27 : i32
    "tpu.region"() ({
      %run_scoped3A = tpu.sem_alloc : memref<!tpu.dma_semaphore, #tpu.memory_space<semaphore_mem>>
      %dma_start3A_99 = arith.constant 0 : i32
      %dma_start3A_100 = tpu.memref_slice %arg24[%add3A_28, %dma_start3A_99] : memref<10240x16xf32, #tpu.memory_space<vmem_shared>> -> memref<40x16xf32, #tpu.memory_space<vmem_shared>>
      %dma_start3A_101 = arith.constant 0 : i32
      %dma_start3A_102 = tpu.memref_slice %arg24[%add3A_28, %dma_start3A_101] : memref<10240x16xf32, #tpu.memory_space<vmem_shared>> -> memref<40x16xf32, #tpu.memory_space<vmem_shared>>
      tpu.enqueue_dma source(%arg16 : memref<40x16xf32, #tpu.memory_space<vmem>>) target(%dma_start3A_102 : memref<40x16xf32, #tpu.memory_space<vmem_shared>>) target_semaphore(%run_scoped3A : memref<!tpu.dma_semaphore, #tpu.memory_space<semaphore_mem>>)
      %dma_wait3A = arith.constant 0 : i32
      %dma_wait3A_103 = tpu.memref_slice %arg24[%add3A_28, %dma_wait3A] : memref<10240x16xf32, #tpu.memory_space<vmem_shared>> -> memref<40x16xf32, #tpu.memory_space<vmem_shared>>
      %dma_wait3A_104 = arith.constant 0 : i32
      %dma_wait3A_105 = tpu.memref_slice %arg24[%add3A_28, %dma_wait3A_104] : memref<10240x16xf32, #tpu.memory_space<vmem_shared>> -> memref<40x16xf32, #tpu.memory_space<vmem_shared>>
      tpu.wait_dma2 semaphore(%run_scoped3A : memref<!tpu.dma_semaphore, #tpu.memory_space<semaphore_mem>>) src(%arg16 : memref<40x16xf32, #tpu.memory_space<vmem>>) dst(%dma_wait3A_105 : memref<40x16xf32, #tpu.memory_space<vmem_shared>>)
      tpu.yield
    }) : () -> ()
    %add3A_29 = arith.constant 200 : i32
    %add3A_30 = arith.addi %mul3A_8, %add3A_29 : i32
    "tpu.region"() ({
      %run_scoped3A = tpu.sem_alloc : memref<!tpu.dma_semaphore, #tpu.memory_space<semaphore_mem>>
      %dma_start3A_99 = arith.constant 0 : i32
      %dma_start3A_100 = tpu.memref_slice %arg23[%add3A_30, %dma_start3A_99] : memref<10240x128xf32, #tpu.memory_space<vmem_shared>> -> memref<40x128xf32, #tpu.memory_space<vmem_shared>>
      %dma_start3A_101 = arith.constant 0 : i32
      %dma_start3A_102 = tpu.memref_slice %arg23[%add3A_30, %dma_start3A_101] : memref<10240x128xf32, #tpu.memory_space<vmem_shared>> -> memref<40x128xf32, #tpu.memory_space<vmem_shared>>
      tpu.enqueue_dma source(%arg15 : memref<40x128xf32, #tpu.memory_space<vmem>>) target(%dma_start3A_102 : memref<40x128xf32, #tpu.memory_space<vmem_shared>>) target_semaphore(%run_scoped3A : memref<!tpu.dma_semaphore, #tpu.memory_space<semaphore_mem>>)
      %dma_wait3A = arith.constant 0 : i32
      %dma_wait3A_103 = tpu.memref_slice %arg23[%add3A_30, %dma_wait3A] : memref<10240x128xf32, #tpu.memory_space<vmem_shared>> -> memref<40x128xf32, #tpu.memory_space<vmem_shared>>
      %dma_wait3A_104 = arith.constant 0 : i32
      %dma_wait3A_105 = tpu.memref_slice %arg23[%add3A_30, %dma_wait3A_104] : memref<10240x128xf32, #tpu.memory_space<vmem_shared>> -> memref<40x128xf32, #tpu.memory_space<vmem_shared>>
      tpu.wait_dma2 semaphore(%run_scoped3A : memref<!tpu.dma_semaphore, #tpu.memory_space<semaphore_mem>>) src(%arg15 : memref<40x128xf32, #tpu.memory_space<vmem>>) dst(%dma_wait3A_105 : memref<40x128xf32, #tpu.memory_space<vmem_shared>>)
      tpu.yield
    }) : () -> ()
    %add3A_31 = arith.constant 200 : i32
    %add3A_32 = arith.addi %mul3A_8, %add3A_31 : i32
    "tpu.region"() ({
      %run_scoped3A = tpu.sem_alloc : memref<!tpu.dma_semaphore, #tpu.memory_space<semaphore_mem>>
      %dma_start3A_99 = arith.constant 0 : i32
      %dma_start3A_100 = tpu.memref_slice %arg24[%add3A_32, %dma_start3A_99] : memref<10240x16xf32, #tpu.memory_space<vmem_shared>> -> memref<40x16xf32, #tpu.memory_space<vmem_shared>>
      %dma_start3A_101 = arith.constant 0 : i32
      %dma_start3A_102 = tpu.memref_slice %arg24[%add3A_32, %dma_start3A_101] : memref<10240x16xf32, #tpu.memory_space<vmem_shared>> -> memref<40x16xf32, #tpu.memory_space<vmem_shared>>
      tpu.enqueue_dma source(%arg16 : memref<40x16xf32, #tpu.memory_space<vmem>>) target(%dma_start3A_102 : memref<40x16xf32, #tpu.memory_space<vmem_shared>>) target_semaphore(%run_scoped3A : memref<!tpu.dma_semaphore, #tpu.memory_space<semaphore_mem>>)
      %dma_wait3A = arith.constant 0 : i32
      %dma_wait3A_103 = tpu.memref_slice %arg24[%add3A_32, %dma_wait3A] : memref<10240x16xf32, #tpu.memory_space<vmem_shared>> -> memref<40x16xf32, #tpu.memory_space<vmem_shared>>
      %dma_wait3A_104 = arith.constant 0 : i32
      %dma_wait3A_105 = tpu.memref_slice %arg24[%add3A_32, %dma_wait3A_104] : memref<10240x16xf32, #tpu.memory_space<vmem_shared>> -> memref<40x16xf32, #tpu.memory_space<vmem_shared>>
      tpu.wait_dma2 semaphore(%run_scoped3A : memref<!tpu.dma_semaphore, #tpu.memory_space<semaphore_mem>>) src(%arg16 : memref<40x16xf32, #tpu.memory_space<vmem>>) dst(%dma_wait3A_105 : memref<40x16xf32, #tpu.memory_space<vmem_shared>>)
      tpu.yield
    }) : () -> ()
    %add3A_33 = arith.constant 240 : i32
    %add3A_34 = arith.addi %mul3A_8, %add3A_33 : i32
    "tpu.region"() ({
      %run_scoped3A = tpu.sem_alloc : memref<!tpu.dma_semaphore, #tpu.memory_space<semaphore_mem>>
      %dma_start3A_99 = arith.constant 0 : i32
      %dma_start3A_100 = tpu.memref_slice %arg23[%add3A_34, %dma_start3A_99] : memref<10240x128xf32, #tpu.memory_space<vmem_shared>> -> memref<40x128xf32, #tpu.memory_space<vmem_shared>>
      %dma_start3A_101 = arith.constant 0 : i32
      %dma_start3A_102 = tpu.memref_slice %arg23[%add3A_34, %dma_start3A_101] : memref<10240x128xf32, #tpu.memory_space<vmem_shared>> -> memref<40x128xf32, #tpu.memory_space<vmem_shared>>
      tpu.enqueue_dma source(%arg15 : memref<40x128xf32, #tpu.memory_space<vmem>>) target(%dma_start3A_102 : memref<40x128xf32, #tpu.memory_space<vmem_shared>>) target_semaphore(%run_scoped3A : memref<!tpu.dma_semaphore, #tpu.memory_space<semaphore_mem>>)
      %dma_wait3A = arith.constant 0 : i32
      %dma_wait3A_103 = tpu.memref_slice %arg23[%add3A_34, %dma_wait3A] : memref<10240x128xf32, #tpu.memory_space<vmem_shared>> -> memref<40x128xf32, #tpu.memory_space<vmem_shared>>
      %dma_wait3A_104 = arith.constant 0 : i32
      %dma_wait3A_105 = tpu.memref_slice %arg23[%add3A_34, %dma_wait3A_104] : memref<10240x128xf32, #tpu.memory_space<vmem_shared>> -> memref<40x128xf32, #tpu.memory_space<vmem_shared>>
      tpu.wait_dma2 semaphore(%run_scoped3A : memref<!tpu.dma_semaphore, #tpu.memory_space<semaphore_mem>>) src(%arg15 : memref<40x128xf32, #tpu.memory_space<vmem>>) dst(%dma_wait3A_105 : memref<40x128xf32, #tpu.memory_space<vmem_shared>>)
      tpu.yield
    }) : () -> ()
    %add3A_35 = arith.constant 240 : i32
    %add3A_36 = arith.addi %mul3A_8, %add3A_35 : i32
    "tpu.region"() ({
      %run_scoped3A = tpu.sem_alloc : memref<!tpu.dma_semaphore, #tpu.memory_space<semaphore_mem>>
      %dma_start3A_99 = arith.constant 0 : i32
      %dma_start3A_100 = tpu.memref_slice %arg24[%add3A_36, %dma_start3A_99] : memref<10240x16xf32, #tpu.memory_space<vmem_shared>> -> memref<40x16xf32, #tpu.memory_space<vmem_shared>>
      %dma_start3A_101 = arith.constant 0 : i32
      %dma_start3A_102 = tpu.memref_slice %arg24[%add3A_36, %dma_start3A_101] : memref<10240x16xf32, #tpu.memory_space<vmem_shared>> -> memref<40x16xf32, #tpu.memory_space<vmem_shared>>
      tpu.enqueue_dma source(%arg16 : memref<40x16xf32, #tpu.memory_space<vmem>>) target(%dma_start3A_102 : memref<40x16xf32, #tpu.memory_space<vmem_shared>>) target_semaphore(%run_scoped3A : memref<!tpu.dma_semaphore, #tpu.memory_space<semaphore_mem>>)
      %dma_wait3A = arith.constant 0 : i32
      %dma_wait3A_103 = tpu.memref_slice %arg24[%add3A_36, %dma_wait3A] : memref<10240x16xf32, #tpu.memory_space<vmem_shared>> -> memref<40x16xf32, #tpu.memory_space<vmem_shared>>
      %dma_wait3A_104 = arith.constant 0 : i32
      %dma_wait3A_105 = tpu.memref_slice %arg24[%add3A_36, %dma_wait3A_104] : memref<10240x16xf32, #tpu.memory_space<vmem_shared>> -> memref<40x16xf32, #tpu.memory_space<vmem_shared>>
      tpu.wait_dma2 semaphore(%run_scoped3A : memref<!tpu.dma_semaphore, #tpu.memory_space<semaphore_mem>>) src(%arg16 : memref<40x16xf32, #tpu.memory_space<vmem>>) dst(%dma_wait3A_105 : memref<40x16xf32, #tpu.memory_space<vmem_shared>>)
      tpu.yield
    }) : () -> ()
    %add3A_37 = arith.constant 280 : i32
    %add3A_38 = arith.addi %mul3A_8, %add3A_37 : i32
    "tpu.region"() ({
      %run_scoped3A = tpu.sem_alloc : memref<!tpu.dma_semaphore, #tpu.memory_space<semaphore_mem>>
      %dma_start3A_99 = arith.constant 0 : i32
      %dma_start3A_100 = tpu.memref_slice %arg23[%add3A_38, %dma_start3A_99] : memref<10240x128xf32, #tpu.memory_space<vmem_shared>> -> memref<40x128xf32, #tpu.memory_space<vmem_shared>>
      %dma_start3A_101 = arith.constant 0 : i32
      %dma_start3A_102 = tpu.memref_slice %arg23[%add3A_38, %dma_start3A_101] : memref<10240x128xf32, #tpu.memory_space<vmem_shared>> -> memref<40x128xf32, #tpu.memory_space<vmem_shared>>
      tpu.enqueue_dma source(%arg15 : memref<40x128xf32, #tpu.memory_space<vmem>>) target(%dma_start3A_102 : memref<40x128xf32, #tpu.memory_space<vmem_shared>>) target_semaphore(%run_scoped3A : memref<!tpu.dma_semaphore, #tpu.memory_space<semaphore_mem>>)
      %dma_wait3A = arith.constant 0 : i32
      %dma_wait3A_103 = tpu.memref_slice %arg23[%add3A_38, %dma_wait3A] : memref<10240x128xf32, #tpu.memory_space<vmem_shared>> -> memref<40x128xf32, #tpu.memory_space<vmem_shared>>
      %dma_wait3A_104 = arith.constant 0 : i32
      %dma_wait3A_105 = tpu.memref_slice %arg23[%add3A_38, %dma_wait3A_104] : memref<10240x128xf32, #tpu.memory_space<vmem_shared>> -> memref<40x128xf32, #tpu.memory_space<vmem_shared>>
      tpu.wait_dma2 semaphore(%run_scoped3A : memref<!tpu.dma_semaphore, #tpu.memory_space<semaphore_mem>>) src(%arg15 : memref<40x128xf32, #tpu.memory_space<vmem>>) dst(%dma_wait3A_105 : memref<40x128xf32, #tpu.memory_space<vmem_shared>>)
      tpu.yield
    }) : () -> ()
    %add3A_39 = arith.constant 280 : i32
    %add3A_40 = arith.addi %mul3A_8, %add3A_39 : i32
    "tpu.region"() ({
      %run_scoped3A = tpu.sem_alloc : memref<!tpu.dma_semaphore, #tpu.memory_space<semaphore_mem>>
      %dma_start3A_99 = arith.constant 0 : i32
      %dma_start3A_100 = tpu.memref_slice %arg24[%add3A_40, %dma_start3A_99] : memref<10240x16xf32, #tpu.memory_space<vmem_shared>> -> memref<40x16xf32, #tpu.memory_space<vmem_shared>>
      %dma_start3A_101 = arith.constant 0 : i32
      %dma_start3A_102 = tpu.memref_slice %arg24[%add3A_40, %dma_start3A_101] : memref<10240x16xf32, #tpu.memory_space<vmem_shared>> -> memref<40x16xf32, #tpu.memory_space<vmem_shared>>
      tpu.enqueue_dma source(%arg16 : memref<40x16xf32, #tpu.memory_space<vmem>>) target(%dma_start3A_102 : memref<40x16xf32, #tpu.memory_space<vmem_shared>>) target_semaphore(%run_scoped3A : memref<!tpu.dma_semaphore, #tpu.memory_space<semaphore_mem>>)
      %dma_wait3A = arith.constant 0 : i32
      %dma_wait3A_103 = tpu.memref_slice %arg24[%add3A_40, %dma_wait3A] : memref<10240x16xf32, #tpu.memory_space<vmem_shared>> -> memref<40x16xf32, #tpu.memory_space<vmem_shared>>
      %dma_wait3A_104 = arith.constant 0 : i32
      %dma_wait3A_105 = tpu.memref_slice %arg24[%add3A_40, %dma_wait3A_104] : memref<10240x16xf32, #tpu.memory_space<vmem_shared>> -> memref<40x16xf32, #tpu.memory_space<vmem_shared>>
      tpu.wait_dma2 semaphore(%run_scoped3A : memref<!tpu.dma_semaphore, #tpu.memory_space<semaphore_mem>>) src(%arg16 : memref<40x16xf32, #tpu.memory_space<vmem>>) dst(%dma_wait3A_105 : memref<40x16xf32, #tpu.memory_space<vmem_shared>>)
      tpu.yield
    }) : () -> ()
    %add3A_41 = arith.constant 320 : i32
    %add3A_42 = arith.addi %mul3A_8, %add3A_41 : i32
    "tpu.region"() ({
      %run_scoped3A = tpu.sem_alloc : memref<!tpu.dma_semaphore, #tpu.memory_space<semaphore_mem>>
      %dma_start3A_99 = arith.constant 0 : i32
      %dma_start3A_100 = tpu.memref_slice %arg23[%add3A_42, %dma_start3A_99] : memref<10240x128xf32, #tpu.memory_space<vmem_shared>> -> memref<40x128xf32, #tpu.memory_space<vmem_shared>>
      %dma_start3A_101 = arith.constant 0 : i32
      %dma_start3A_102 = tpu.memref_slice %arg23[%add3A_42, %dma_start3A_101] : memref<10240x128xf32, #tpu.memory_space<vmem_shared>> -> memref<40x128xf32, #tpu.memory_space<vmem_shared>>
      tpu.enqueue_dma source(%arg15 : memref<40x128xf32, #tpu.memory_space<vmem>>) target(%dma_start3A_102 : memref<40x128xf32, #tpu.memory_space<vmem_shared>>) target_semaphore(%run_scoped3A : memref<!tpu.dma_semaphore, #tpu.memory_space<semaphore_mem>>)
      %dma_wait3A = arith.constant 0 : i32
      %dma_wait3A_103 = tpu.memref_slice %arg23[%add3A_42, %dma_wait3A] : memref<10240x128xf32, #tpu.memory_space<vmem_shared>> -> memref<40x128xf32, #tpu.memory_space<vmem_shared>>
      %dma_wait3A_104 = arith.constant 0 : i32
      %dma_wait3A_105 = tpu.memref_slice %arg23[%add3A_42, %dma_wait3A_104] : memref<10240x128xf32, #tpu.memory_space<vmem_shared>> -> memref<40x128xf32, #tpu.memory_space<vmem_shared>>
      tpu.wait_dma2 semaphore(%run_scoped3A : memref<!tpu.dma_semaphore, #tpu.memory_space<semaphore_mem>>) src(%arg15 : memref<40x128xf32, #tpu.memory_space<vmem>>) dst(%dma_wait3A_105 : memref<40x128xf32, #tpu.memory_space<vmem_shared>>)
      tpu.yield
    }) : () -> ()
    %add3A_43 = arith.constant 320 : i32
    %add3A_44 = arith.addi %mul3A_8, %add3A_43 : i32
    "tpu.region"() ({
      %run_scoped3A = tpu.sem_alloc : memref<!tpu.dma_semaphore, #tpu.memory_space<semaphore_mem>>
      %dma_start3A_99 = arith.constant 0 : i32
      %dma_start3A_100 = tpu.memref_slice %arg24[%add3A_44, %dma_start3A_99] : memref<10240x16xf32, #tpu.memory_space<vmem_shared>> -> memref<40x16xf32, #tpu.memory_space<vmem_shared>>
      %dma_start3A_101 = arith.constant 0 : i32
      %dma_start3A_102 = tpu.memref_slice %arg24[%add3A_44, %dma_start3A_101] : memref<10240x16xf32, #tpu.memory_space<vmem_shared>> -> memref<40x16xf32, #tpu.memory_space<vmem_shared>>
      tpu.enqueue_dma source(%arg16 : memref<40x16xf32, #tpu.memory_space<vmem>>) target(%dma_start3A_102 : memref<40x16xf32, #tpu.memory_space<vmem_shared>>) target_semaphore(%run_scoped3A : memref<!tpu.dma_semaphore, #tpu.memory_space<semaphore_mem>>)
      %dma_wait3A = arith.constant 0 : i32
      %dma_wait3A_103 = tpu.memref_slice %arg24[%add3A_44, %dma_wait3A] : memref<10240x16xf32, #tpu.memory_space<vmem_shared>> -> memref<40x16xf32, #tpu.memory_space<vmem_shared>>
      %dma_wait3A_104 = arith.constant 0 : i32
      %dma_wait3A_105 = tpu.memref_slice %arg24[%add3A_44, %dma_wait3A_104] : memref<10240x16xf32, #tpu.memory_space<vmem_shared>> -> memref<40x16xf32, #tpu.memory_space<vmem_shared>>
      tpu.wait_dma2 semaphore(%run_scoped3A : memref<!tpu.dma_semaphore, #tpu.memory_space<semaphore_mem>>) src(%arg16 : memref<40x16xf32, #tpu.memory_space<vmem>>) dst(%dma_wait3A_105 : memref<40x16xf32, #tpu.memory_space<vmem_shared>>)
      tpu.yield
    }) : () -> ()
    %add3A_45 = arith.constant 360 : i32
    %add3A_46 = arith.addi %mul3A_8, %add3A_45 : i32
    "tpu.region"() ({
      %run_scoped3A = tpu.sem_alloc : memref<!tpu.dma_semaphore, #tpu.memory_space<semaphore_mem>>
      %dma_start3A_99 = arith.constant 0 : i32
      %dma_start3A_100 = tpu.memref_slice %arg23[%add3A_46, %dma_start3A_99] : memref<10240x128xf32, #tpu.memory_space<vmem_shared>> -> memref<40x128xf32, #tpu.memory_space<vmem_shared>>
      %dma_start3A_101 = arith.constant 0 : i32
      %dma_start3A_102 = tpu.memref_slice %arg23[%add3A_46, %dma_start3A_101] : memref<10240x128xf32, #tpu.memory_space<vmem_shared>> -> memref<40x128xf32, #tpu.memory_space<vmem_shared>>
      tpu.enqueue_dma source(%arg15 : memref<40x128xf32, #tpu.memory_space<vmem>>) target(%dma_start3A_102 : memref<40x128xf32, #tpu.memory_space<vmem_shared>>) target_semaphore(%run_scoped3A : memref<!tpu.dma_semaphore, #tpu.memory_space<semaphore_mem>>)
      %dma_wait3A = arith.constant 0 : i32
      %dma_wait3A_103 = tpu.memref_slice %arg23[%add3A_46, %dma_wait3A] : memref<10240x128xf32, #tpu.memory_space<vmem_shared>> -> memref<40x128xf32, #tpu.memory_space<vmem_shared>>
      %dma_wait3A_104 = arith.constant 0 : i32
      %dma_wait3A_105 = tpu.memref_slice %arg23[%add3A_46, %dma_wait3A_104] : memref<10240x128xf32, #tpu.memory_space<vmem_shared>> -> memref<40x128xf32, #tpu.memory_space<vmem_shared>>
      tpu.wait_dma2 semaphore(%run_scoped3A : memref<!tpu.dma_semaphore, #tpu.memory_space<semaphore_mem>>) src(%arg15 : memref<40x128xf32, #tpu.memory_space<vmem>>) dst(%dma_wait3A_105 : memref<40x128xf32, #tpu.memory_space<vmem_shared>>)
      tpu.yield
    }) : () -> ()
    %add3A_47 = arith.constant 360 : i32
    %add3A_48 = arith.addi %mul3A_8, %add3A_47 : i32
    "tpu.region"() ({
      %run_scoped3A = tpu.sem_alloc : memref<!tpu.dma_semaphore, #tpu.memory_space<semaphore_mem>>
      %dma_start3A_99 = arith.constant 0 : i32
      %dma_start3A_100 = tpu.memref_slice %arg24[%add3A_48, %dma_start3A_99] : memref<10240x16xf32, #tpu.memory_space<vmem_shared>> -> memref<40x16xf32, #tpu.memory_space<vmem_shared>>
      %dma_start3A_101 = arith.constant 0 : i32
      %dma_start3A_102 = tpu.memref_slice %arg24[%add3A_48, %dma_start3A_101] : memref<10240x16xf32, #tpu.memory_space<vmem_shared>> -> memref<40x16xf32, #tpu.memory_space<vmem_shared>>
      tpu.enqueue_dma source(%arg16 : memref<40x16xf32, #tpu.memory_space<vmem>>) target(%dma_start3A_102 : memref<40x16xf32, #tpu.memory_space<vmem_shared>>) target_semaphore(%run_scoped3A : memref<!tpu.dma_semaphore, #tpu.memory_space<semaphore_mem>>)
      %dma_wait3A = arith.constant 0 : i32
      %dma_wait3A_103 = tpu.memref_slice %arg24[%add3A_48, %dma_wait3A] : memref<10240x16xf32, #tpu.memory_space<vmem_shared>> -> memref<40x16xf32, #tpu.memory_space<vmem_shared>>
      %dma_wait3A_104 = arith.constant 0 : i32
      %dma_wait3A_105 = tpu.memref_slice %arg24[%add3A_48, %dma_wait3A_104] : memref<10240x16xf32, #tpu.memory_space<vmem_shared>> -> memref<40x16xf32, #tpu.memory_space<vmem_shared>>
      tpu.wait_dma2 semaphore(%run_scoped3A : memref<!tpu.dma_semaphore, #tpu.memory_space<semaphore_mem>>) src(%arg16 : memref<40x16xf32, #tpu.memory_space<vmem>>) dst(%dma_wait3A_105 : memref<40x16xf32, #tpu.memory_space<vmem_shared>>)
      tpu.yield
    }) : () -> ()
    %add3A_49 = arith.constant 400 : i32
    %add3A_50 = arith.addi %mul3A_8, %add3A_49 : i32
    "tpu.region"() ({
      %run_scoped3A = tpu.sem_alloc : memref<!tpu.dma_semaphore, #tpu.memory_space<semaphore_mem>>
      %dma_start3A_99 = arith.constant 0 : i32
      %dma_start3A_100 = tpu.memref_slice %arg23[%add3A_50, %dma_start3A_99] : memref<10240x128xf32, #tpu.memory_space<vmem_shared>> -> memref<40x128xf32, #tpu.memory_space<vmem_shared>>
      %dma_start3A_101 = arith.constant 0 : i32
      %dma_start3A_102 = tpu.memref_slice %arg23[%add3A_50, %dma_start3A_101] : memref<10240x128xf32, #tpu.memory_space<vmem_shared>> -> memref<40x128xf32, #tpu.memory_space<vmem_shared>>
      tpu.enqueue_dma source(%arg15 : memref<40x128xf32, #tpu.memory_space<vmem>>) target(%dma_start3A_102 : memref<40x128xf32, #tpu.memory_space<vmem_shared>>) target_semaphore(%run_scoped3A : memref<!tpu.dma_semaphore, #tpu.memory_space<semaphore_mem>>)
      %dma_wait3A = arith.constant 0 : i32
      %dma_wait3A_103 = tpu.memref_slice %arg23[%add3A_50, %dma_wait3A] : memref<10240x128xf32, #tpu.memory_space<vmem_shared>> -> memref<40x128xf32, #tpu.memory_space<vmem_shared>>
      %dma_wait3A_104 = arith.constant 0 : i32
      %dma_wait3A_105 = tpu.memref_slice %arg23[%add3A_50, %dma_wait3A_104] : memref<10240x128xf32, #tpu.memory_space<vmem_shared>> -> memref<40x128xf32, #tpu.memory_space<vmem_shared>>
      tpu.wait_dma2 semaphore(%run_scoped3A : memref<!tpu.dma_semaphore, #tpu.memory_space<semaphore_mem>>) src(%arg15 : memref<40x128xf32, #tpu.memory_space<vmem>>) dst(%dma_wait3A_105 : memref<40x128xf32, #tpu.memory_space<vmem_shared>>)
      tpu.yield
    }) : () -> ()
    %add3A_51 = arith.constant 400 : i32
    %add3A_52 = arith.addi %mul3A_8, %add3A_51 : i32
    "tpu.region"() ({
      %run_scoped3A = tpu.sem_alloc : memref<!tpu.dma_semaphore, #tpu.memory_space<semaphore_mem>>
      %dma_start3A_99 = arith.constant 0 : i32
      %dma_start3A_100 = tpu.memref_slice %arg24[%add3A_52, %dma_start3A_99] : memref<10240x16xf32, #tpu.memory_space<vmem_shared>> -> memref<40x16xf32, #tpu.memory_space<vmem_shared>>
      %dma_start3A_101 = arith.constant 0 : i32
      %dma_start3A_102 = tpu.memref_slice %arg24[%add3A_52, %dma_start3A_101] : memref<10240x16xf32, #tpu.memory_space<vmem_shared>> -> memref<40x16xf32, #tpu.memory_space<vmem_shared>>
      tpu.enqueue_dma source(%arg16 : memref<40x16xf32, #tpu.memory_space<vmem>>) target(%dma_start3A_102 : memref<40x16xf32, #tpu.memory_space<vmem_shared>>) target_semaphore(%run_scoped3A : memref<!tpu.dma_semaphore, #tpu.memory_space<semaphore_mem>>)
      %dma_wait3A = arith.constant 0 : i32
      %dma_wait3A_103 = tpu.memref_slice %arg24[%add3A_52, %dma_wait3A] : memref<10240x16xf32, #tpu.memory_space<vmem_shared>> -> memref<40x16xf32, #tpu.memory_space<vmem_shared>>
      %dma_wait3A_104 = arith.constant 0 : i32
      %dma_wait3A_105 = tpu.memref_slice %arg24[%add3A_52, %dma_wait3A_104] : memref<10240x16xf32, #tpu.memory_space<vmem_shared>> -> memref<40x16xf32, #tpu.memory_space<vmem_shared>>
      tpu.wait_dma2 semaphore(%run_scoped3A : memref<!tpu.dma_semaphore, #tpu.memory_space<semaphore_mem>>) src(%arg16 : memref<40x16xf32, #tpu.memory_space<vmem>>) dst(%dma_wait3A_105 : memref<40x16xf32, #tpu.memory_space<vmem_shared>>)
      tpu.yield
    }) : () -> ()
    %add3A_53 = arith.constant 440 : i32
    %add3A_54 = arith.addi %mul3A_8, %add3A_53 : i32
    "tpu.region"() ({
      %run_scoped3A = tpu.sem_alloc : memref<!tpu.dma_semaphore, #tpu.memory_space<semaphore_mem>>
      %dma_start3A_99 = arith.constant 0 : i32
      %dma_start3A_100 = tpu.memref_slice %arg23[%add3A_54, %dma_start3A_99] : memref<10240x128xf32, #tpu.memory_space<vmem_shared>> -> memref<40x128xf32, #tpu.memory_space<vmem_shared>>
      %dma_start3A_101 = arith.constant 0 : i32
      %dma_start3A_102 = tpu.memref_slice %arg23[%add3A_54, %dma_start3A_101] : memref<10240x128xf32, #tpu.memory_space<vmem_shared>> -> memref<40x128xf32, #tpu.memory_space<vmem_shared>>
      tpu.enqueue_dma source(%arg15 : memref<40x128xf32, #tpu.memory_space<vmem>>) target(%dma_start3A_102 : memref<40x128xf32, #tpu.memory_space<vmem_shared>>) target_semaphore(%run_scoped3A : memref<!tpu.dma_semaphore, #tpu.memory_space<semaphore_mem>>)
      %dma_wait3A = arith.constant 0 : i32
      %dma_wait3A_103 = tpu.memref_slice %arg23[%add3A_54, %dma_wait3A] : memref<10240x128xf32, #tpu.memory_space<vmem_shared>> -> memref<40x128xf32, #tpu.memory_space<vmem_shared>>
      %dma_wait3A_104 = arith.constant 0 : i32
      %dma_wait3A_105 = tpu.memref_slice %arg23[%add3A_54, %dma_wait3A_104] : memref<10240x128xf32, #tpu.memory_space<vmem_shared>> -> memref<40x128xf32, #tpu.memory_space<vmem_shared>>
      tpu.wait_dma2 semaphore(%run_scoped3A : memref<!tpu.dma_semaphore, #tpu.memory_space<semaphore_mem>>) src(%arg15 : memref<40x128xf32, #tpu.memory_space<vmem>>) dst(%dma_wait3A_105 : memref<40x128xf32, #tpu.memory_space<vmem_shared>>)
      tpu.yield
    }) : () -> ()
    %add3A_55 = arith.constant 440 : i32
    %add3A_56 = arith.addi %mul3A_8, %add3A_55 : i32
    "tpu.region"() ({
      %run_scoped3A = tpu.sem_alloc : memref<!tpu.dma_semaphore, #tpu.memory_space<semaphore_mem>>
      %dma_start3A_99 = arith.constant 0 : i32
      %dma_start3A_100 = tpu.memref_slice %arg24[%add3A_56, %dma_start3A_99] : memref<10240x16xf32, #tpu.memory_space<vmem_shared>> -> memref<40x16xf32, #tpu.memory_space<vmem_shared>>
      %dma_start3A_101 = arith.constant 0 : i32
      %dma_start3A_102 = tpu.memref_slice %arg24[%add3A_56, %dma_start3A_101] : memref<10240x16xf32, #tpu.memory_space<vmem_shared>> -> memref<40x16xf32, #tpu.memory_space<vmem_shared>>
      tpu.enqueue_dma source(%arg16 : memref<40x16xf32, #tpu.memory_space<vmem>>) target(%dma_start3A_102 : memref<40x16xf32, #tpu.memory_space<vmem_shared>>) target_semaphore(%run_scoped3A : memref<!tpu.dma_semaphore, #tpu.memory_space<semaphore_mem>>)
      %dma_wait3A = arith.constant 0 : i32
      %dma_wait3A_103 = tpu.memref_slice %arg24[%add3A_56, %dma_wait3A] : memref<10240x16xf32, #tpu.memory_space<vmem_shared>> -> memref<40x16xf32, #tpu.memory_space<vmem_shared>>
      %dma_wait3A_104 = arith.constant 0 : i32
      %dma_wait3A_105 = tpu.memref_slice %arg24[%add3A_56, %dma_wait3A_104] : memref<10240x16xf32, #tpu.memory_space<vmem_shared>> -> memref<40x16xf32, #tpu.memory_space<vmem_shared>>
      tpu.wait_dma2 semaphore(%run_scoped3A : memref<!tpu.dma_semaphore, #tpu.memory_space<semaphore_mem>>) src(%arg16 : memref<40x16xf32, #tpu.memory_space<vmem>>) dst(%dma_wait3A_105 : memref<40x16xf32, #tpu.memory_space<vmem_shared>>)
      tpu.yield
    }) : () -> ()
    %add3A_57 = arith.constant 480 : i32
    %add3A_58 = arith.addi %mul3A_8, %add3A_57 : i32
    "tpu.region"() ({
      %run_scoped3A = tpu.sem_alloc : memref<!tpu.dma_semaphore, #tpu.memory_space<semaphore_mem>>
      %dma_start3A_99 = arith.constant 0 : i32
      %dma_start3A_100 = tpu.memref_slice %arg23[%add3A_58, %dma_start3A_99] : memref<10240x128xf32, #tpu.memory_space<vmem_shared>> -> memref<40x128xf32, #tpu.memory_space<vmem_shared>>
      %dma_start3A_101 = arith.constant 0 : i32
      %dma_start3A_102 = tpu.memref_slice %arg23[%add3A_58, %dma_start3A_101] : memref<10240x128xf32, #tpu.memory_space<vmem_shared>> -> memref<40x128xf32, #tpu.memory_space<vmem_shared>>
      tpu.enqueue_dma source(%arg15 : memref<40x128xf32, #tpu.memory_space<vmem>>) target(%dma_start3A_102 : memref<40x128xf32, #tpu.memory_space<vmem_shared>>) target_semaphore(%run_scoped3A : memref<!tpu.dma_semaphore, #tpu.memory_space<semaphore_mem>>)
      %dma_wait3A = arith.constant 0 : i32
      %dma_wait3A_103 = tpu.memref_slice %arg23[%add3A_58, %dma_wait3A] : memref<10240x128xf32, #tpu.memory_space<vmem_shared>> -> memref<40x128xf32, #tpu.memory_space<vmem_shared>>
      %dma_wait3A_104 = arith.constant 0 : i32
      %dma_wait3A_105 = tpu.memref_slice %arg23[%add3A_58, %dma_wait3A_104] : memref<10240x128xf32, #tpu.memory_space<vmem_shared>> -> memref<40x128xf32, #tpu.memory_space<vmem_shared>>
      tpu.wait_dma2 semaphore(%run_scoped3A : memref<!tpu.dma_semaphore, #tpu.memory_space<semaphore_mem>>) src(%arg15 : memref<40x128xf32, #tpu.memory_space<vmem>>) dst(%dma_wait3A_105 : memref<40x128xf32, #tpu.memory_space<vmem_shared>>)
      tpu.yield
    }) : () -> ()
    %add3A_59 = arith.constant 480 : i32
    %add3A_60 = arith.addi %mul3A_8, %add3A_59 : i32
    "tpu.region"() ({
      %run_scoped3A = tpu.sem_alloc : memref<!tpu.dma_semaphore, #tpu.memory_space<semaphore_mem>>
      %dma_start3A_99 = arith.constant 0 : i32
      %dma_start3A_100 = tpu.memref_slice %arg24[%add3A_60, %dma_start3A_99] : memref<10240x16xf32, #tpu.memory_space<vmem_shared>> -> memref<40x16xf32, #tpu.memory_space<vmem_shared>>
      %dma_start3A_101 = arith.constant 0 : i32
      %dma_start3A_102 = tpu.memref_slice %arg24[%add3A_60, %dma_start3A_101] : memref<10240x16xf32, #tpu.memory_space<vmem_shared>> -> memref<40x16xf32, #tpu.memory_space<vmem_shared>>
      tpu.enqueue_dma source(%arg16 : memref<40x16xf32, #tpu.memory_space<vmem>>) target(%dma_start3A_102 : memref<40x16xf32, #tpu.memory_space<vmem_shared>>) target_semaphore(%run_scoped3A : memref<!tpu.dma_semaphore, #tpu.memory_space<semaphore_mem>>)
      %dma_wait3A = arith.constant 0 : i32
      %dma_wait3A_103 = tpu.memref_slice %arg24[%add3A_60, %dma_wait3A] : memref<10240x16xf32, #tpu.memory_space<vmem_shared>> -> memref<40x16xf32, #tpu.memory_space<vmem_shared>>
      %dma_wait3A_104 = arith.constant 0 : i32
      %dma_wait3A_105 = tpu.memref_slice %arg24[%add3A_60, %dma_wait3A_104] : memref<10240x16xf32, #tpu.memory_space<vmem_shared>> -> memref<40x16xf32, #tpu.memory_space<vmem_shared>>
      tpu.wait_dma2 semaphore(%run_scoped3A : memref<!tpu.dma_semaphore, #tpu.memory_space<semaphore_mem>>) src(%arg16 : memref<40x16xf32, #tpu.memory_space<vmem>>) dst(%dma_wait3A_105 : memref<40x16xf32, #tpu.memory_space<vmem_shared>>)
      tpu.yield
    }) : () -> ()
    %add3A_61 = arith.constant 520 : i32
    %add3A_62 = arith.addi %mul3A_8, %add3A_61 : i32
    "tpu.region"() ({
      %run_scoped3A = tpu.sem_alloc : memref<!tpu.dma_semaphore, #tpu.memory_space<semaphore_mem>>
      %dma_start3A_99 = arith.constant 0 : i32
      %dma_start3A_100 = tpu.memref_slice %arg23[%add3A_62, %dma_start3A_99] : memref<10240x128xf32, #tpu.memory_space<vmem_shared>> -> memref<40x128xf32, #tpu.memory_space<vmem_shared>>
      %dma_start3A_101 = arith.constant 0 : i32
      %dma_start3A_102 = tpu.memref_slice %arg23[%add3A_62, %dma_start3A_101] : memref<10240x128xf32, #tpu.memory_space<vmem_shared>> -> memref<40x128xf32, #tpu.memory_space<vmem_shared>>
      tpu.enqueue_dma source(%arg15 : memref<40x128xf32, #tpu.memory_space<vmem>>) target(%dma_start3A_102 : memref<40x128xf32, #tpu.memory_space<vmem_shared>>) target_semaphore(%run_scoped3A : memref<!tpu.dma_semaphore, #tpu.memory_space<semaphore_mem>>)
      %dma_wait3A = arith.constant 0 : i32
      %dma_wait3A_103 = tpu.memref_slice %arg23[%add3A_62, %dma_wait3A] : memref<10240x128xf32, #tpu.memory_space<vmem_shared>> -> memref<40x128xf32, #tpu.memory_space<vmem_shared>>
      %dma_wait3A_104 = arith.constant 0 : i32
      %dma_wait3A_105 = tpu.memref_slice %arg23[%add3A_62, %dma_wait3A_104] : memref<10240x128xf32, #tpu.memory_space<vmem_shared>> -> memref<40x128xf32, #tpu.memory_space<vmem_shared>>
      tpu.wait_dma2 semaphore(%run_scoped3A : memref<!tpu.dma_semaphore, #tpu.memory_space<semaphore_mem>>) src(%arg15 : memref<40x128xf32, #tpu.memory_space<vmem>>) dst(%dma_wait3A_105 : memref<40x128xf32, #tpu.memory_space<vmem_shared>>)
      tpu.yield
    }) : () -> ()
    %add3A_63 = arith.constant 520 : i32
    %add3A_64 = arith.addi %mul3A_8, %add3A_63 : i32
    "tpu.region"() ({
      %run_scoped3A = tpu.sem_alloc : memref<!tpu.dma_semaphore, #tpu.memory_space<semaphore_mem>>
      %dma_start3A_99 = arith.constant 0 : i32
      %dma_start3A_100 = tpu.memref_slice %arg24[%add3A_64, %dma_start3A_99] : memref<10240x16xf32, #tpu.memory_space<vmem_shared>> -> memref<40x16xf32, #tpu.memory_space<vmem_shared>>
      %dma_start3A_101 = arith.constant 0 : i32
      %dma_start3A_102 = tpu.memref_slice %arg24[%add3A_64, %dma_start3A_101] : memref<10240x16xf32, #tpu.memory_space<vmem_shared>> -> memref<40x16xf32, #tpu.memory_space<vmem_shared>>
      tpu.enqueue_dma source(%arg16 : memref<40x16xf32, #tpu.memory_space<vmem>>) target(%dma_start3A_102 : memref<40x16xf32, #tpu.memory_space<vmem_shared>>) target_semaphore(%run_scoped3A : memref<!tpu.dma_semaphore, #tpu.memory_space<semaphore_mem>>)
      %dma_wait3A = arith.constant 0 : i32
      %dma_wait3A_103 = tpu.memref_slice %arg24[%add3A_64, %dma_wait3A] : memref<10240x16xf32, #tpu.memory_space<vmem_shared>> -> memref<40x16xf32, #tpu.memory_space<vmem_shared>>
      %dma_wait3A_104 = arith.constant 0 : i32
      %dma_wait3A_105 = tpu.memref_slice %arg24[%add3A_64, %dma_wait3A_104] : memref<10240x16xf32, #tpu.memory_space<vmem_shared>> -> memref<40x16xf32, #tpu.memory_space<vmem_shared>>
      tpu.wait_dma2 semaphore(%run_scoped3A : memref<!tpu.dma_semaphore, #tpu.memory_space<semaphore_mem>>) src(%arg16 : memref<40x16xf32, #tpu.memory_space<vmem>>) dst(%dma_wait3A_105 : memref<40x16xf32, #tpu.memory_space<vmem_shared>>)
      tpu.yield
    }) : () -> ()
    %add3A_65 = arith.constant 560 : i32
    %add3A_66 = arith.addi %mul3A_8, %add3A_65 : i32
    "tpu.region"() ({
      %run_scoped3A = tpu.sem_alloc : memref<!tpu.dma_semaphore, #tpu.memory_space<semaphore_mem>>
      %dma_start3A_99 = arith.constant 0 : i32
      %dma_start3A_100 = tpu.memref_slice %arg23[%add3A_66, %dma_start3A_99] : memref<10240x128xf32, #tpu.memory_space<vmem_shared>> -> memref<40x128xf32, #tpu.memory_space<vmem_shared>>
      %dma_start3A_101 = arith.constant 0 : i32
      %dma_start3A_102 = tpu.memref_slice %arg23[%add3A_66, %dma_start3A_101] : memref<10240x128xf32, #tpu.memory_space<vmem_shared>> -> memref<40x128xf32, #tpu.memory_space<vmem_shared>>
      tpu.enqueue_dma source(%arg15 : memref<40x128xf32, #tpu.memory_space<vmem>>) target(%dma_start3A_102 : memref<40x128xf32, #tpu.memory_space<vmem_shared>>) target_semaphore(%run_scoped3A : memref<!tpu.dma_semaphore, #tpu.memory_space<semaphore_mem>>)
      %dma_wait3A = arith.constant 0 : i32
      %dma_wait3A_103 = tpu.memref_slice %arg23[%add3A_66, %dma_wait3A] : memref<10240x128xf32, #tpu.memory_space<vmem_shared>> -> memref<40x128xf32, #tpu.memory_space<vmem_shared>>
      %dma_wait3A_104 = arith.constant 0 : i32
      %dma_wait3A_105 = tpu.memref_slice %arg23[%add3A_66, %dma_wait3A_104] : memref<10240x128xf32, #tpu.memory_space<vmem_shared>> -> memref<40x128xf32, #tpu.memory_space<vmem_shared>>
      tpu.wait_dma2 semaphore(%run_scoped3A : memref<!tpu.dma_semaphore, #tpu.memory_space<semaphore_mem>>) src(%arg15 : memref<40x128xf32, #tpu.memory_space<vmem>>) dst(%dma_wait3A_105 : memref<40x128xf32, #tpu.memory_space<vmem_shared>>)
      tpu.yield
    }) : () -> ()
    %add3A_67 = arith.constant 560 : i32
    %add3A_68 = arith.addi %mul3A_8, %add3A_67 : i32
    "tpu.region"() ({
      %run_scoped3A = tpu.sem_alloc : memref<!tpu.dma_semaphore, #tpu.memory_space<semaphore_mem>>
      %dma_start3A_99 = arith.constant 0 : i32
      %dma_start3A_100 = tpu.memref_slice %arg24[%add3A_68, %dma_start3A_99] : memref<10240x16xf32, #tpu.memory_space<vmem_shared>> -> memref<40x16xf32, #tpu.memory_space<vmem_shared>>
      %dma_start3A_101 = arith.constant 0 : i32
      %dma_start3A_102 = tpu.memref_slice %arg24[%add3A_68, %dma_start3A_101] : memref<10240x16xf32, #tpu.memory_space<vmem_shared>> -> memref<40x16xf32, #tpu.memory_space<vmem_shared>>
      tpu.enqueue_dma source(%arg16 : memref<40x16xf32, #tpu.memory_space<vmem>>) target(%dma_start3A_102 : memref<40x16xf32, #tpu.memory_space<vmem_shared>>) target_semaphore(%run_scoped3A : memref<!tpu.dma_semaphore, #tpu.memory_space<semaphore_mem>>)
      %dma_wait3A = arith.constant 0 : i32
      %dma_wait3A_103 = tpu.memref_slice %arg24[%add3A_68, %dma_wait3A] : memref<10240x16xf32, #tpu.memory_space<vmem_shared>> -> memref<40x16xf32, #tpu.memory_space<vmem_shared>>
      %dma_wait3A_104 = arith.constant 0 : i32
      %dma_wait3A_105 = tpu.memref_slice %arg24[%add3A_68, %dma_wait3A_104] : memref<10240x16xf32, #tpu.memory_space<vmem_shared>> -> memref<40x16xf32, #tpu.memory_space<vmem_shared>>
      tpu.wait_dma2 semaphore(%run_scoped3A : memref<!tpu.dma_semaphore, #tpu.memory_space<semaphore_mem>>) src(%arg16 : memref<40x16xf32, #tpu.memory_space<vmem>>) dst(%dma_wait3A_105 : memref<40x16xf32, #tpu.memory_space<vmem_shared>>)
      tpu.yield
    }) : () -> ()
    %add3A_69 = arith.constant 600 : i32
    %add3A_70 = arith.addi %mul3A_8, %add3A_69 : i32
    "tpu.region"() ({
      %run_scoped3A = tpu.sem_alloc : memref<!tpu.dma_semaphore, #tpu.memory_space<semaphore_mem>>
      %dma_start3A_99 = arith.constant 0 : i32
      %dma_start3A_100 = tpu.memref_slice %arg23[%add3A_70, %dma_start3A_99] : memref<10240x128xf32, #tpu.memory_space<vmem_shared>> -> memref<40x128xf32, #tpu.memory_space<vmem_shared>>
      %dma_start3A_101 = arith.constant 0 : i32
      %dma_start3A_102 = tpu.memref_slice %arg23[%add3A_70, %dma_start3A_101] : memref<10240x128xf32, #tpu.memory_space<vmem_shared>> -> memref<40x128xf32, #tpu.memory_space<vmem_shared>>
      tpu.enqueue_dma source(%arg15 : memref<40x128xf32, #tpu.memory_space<vmem>>) target(%dma_start3A_102 : memref<40x128xf32, #tpu.memory_space<vmem_shared>>) target_semaphore(%run_scoped3A : memref<!tpu.dma_semaphore, #tpu.memory_space<semaphore_mem>>)
      %dma_wait3A = arith.constant 0 : i32
      %dma_wait3A_103 = tpu.memref_slice %arg23[%add3A_70, %dma_wait3A] : memref<10240x128xf32, #tpu.memory_space<vmem_shared>> -> memref<40x128xf32, #tpu.memory_space<vmem_shared>>
      %dma_wait3A_104 = arith.constant 0 : i32
      %dma_wait3A_105 = tpu.memref_slice %arg23[%add3A_70, %dma_wait3A_104] : memref<10240x128xf32, #tpu.memory_space<vmem_shared>> -> memref<40x128xf32, #tpu.memory_space<vmem_shared>>
      tpu.wait_dma2 semaphore(%run_scoped3A : memref<!tpu.dma_semaphore, #tpu.memory_space<semaphore_mem>>) src(%arg15 : memref<40x128xf32, #tpu.memory_space<vmem>>) dst(%dma_wait3A_105 : memref<40x128xf32, #tpu.memory_space<vmem_shared>>)
      tpu.yield
    }) : () -> ()
    %add3A_71 = arith.constant 600 : i32
    %add3A_72 = arith.addi %mul3A_8, %add3A_71 : i32
    "tpu.region"() ({
      %run_scoped3A = tpu.sem_alloc : memref<!tpu.dma_semaphore, #tpu.memory_space<semaphore_mem>>
      %dma_start3A_99 = arith.constant 0 : i32
      %dma_start3A_100 = tpu.memref_slice %arg24[%add3A_72, %dma_start3A_99] : memref<10240x16xf32, #tpu.memory_space<vmem_shared>> -> memref<40x16xf32, #tpu.memory_space<vmem_shared>>
      %dma_start3A_101 = arith.constant 0 : i32
      %dma_start3A_102 = tpu.memref_slice %arg24[%add3A_72, %dma_start3A_101] : memref<10240x16xf32, #tpu.memory_space<vmem_shared>> -> memref<40x16xf32, #tpu.memory_space<vmem_shared>>
      tpu.enqueue_dma source(%arg16 : memref<40x16xf32, #tpu.memory_space<vmem>>) target(%dma_start3A_102 : memref<40x16xf32, #tpu.memory_space<vmem_shared>>) target_semaphore(%run_scoped3A : memref<!tpu.dma_semaphore, #tpu.memory_space<semaphore_mem>>)
      %dma_wait3A = arith.constant 0 : i32
      %dma_wait3A_103 = tpu.memref_slice %arg24[%add3A_72, %dma_wait3A] : memref<10240x16xf32, #tpu.memory_space<vmem_shared>> -> memref<40x16xf32, #tpu.memory_space<vmem_shared>>
      %dma_wait3A_104 = arith.constant 0 : i32
      %dma_wait3A_105 = tpu.memref_slice %arg24[%add3A_72, %dma_wait3A_104] : memref<10240x16xf32, #tpu.memory_space<vmem_shared>> -> memref<40x16xf32, #tpu.memory_space<vmem_shared>>
      tpu.wait_dma2 semaphore(%run_scoped3A : memref<!tpu.dma_semaphore, #tpu.memory_space<semaphore_mem>>) src(%arg16 : memref<40x16xf32, #tpu.memory_space<vmem>>) dst(%dma_wait3A_105 : memref<40x16xf32, #tpu.memory_space<vmem_shared>>)
      tpu.yield
    }) : () -> ()
    %barrier3A = arith.constant 0 : index
    tpu.barrier barrier_id(%barrier3A)
    %mul3A_73 = arith.constant 10000 : i32
    %mul3A_74 = arith.muli %add3A, %mul3A_73 : i32
    %add3A_75 = arith.constant 0 : i32
    %add3A_76 = arith.addi %mul3A_74, %add3A_75 : i32
    "tpu.region"() ({
      %run_scoped3A = tpu.sem_alloc : memref<!tpu.dma_semaphore, #tpu.memory_space<semaphore_mem>>
      %dma_start3A_99 = tpu.memref_slice %arg2[%add3A_76] : memref<320000xi32, #tpu.memory_space<hbm>> -> memref<40xi32, #tpu.memory_space<hbm>>
      %dma_start3A_100 = tpu.memref_slice %arg2[%add3A_76] : memref<320000xi32, #tpu.memory_space<hbm>> -> memref<40xi32, #tpu.memory_space<hbm>>
      tpu.enqueue_dma source(%dma_start3A_100 : memref<40xi32, #tpu.memory_space<hbm>>) target(%arg11 : memref<40xi32, #tpu.memory_space<vmem>>) target_semaphore(%run_scoped3A : memref<!tpu.dma_semaphore, #tpu.memory_space<semaphore_mem>>)
      %dma_wait3A = tpu.memref_slice %arg2[%add3A_76] : memref<320000xi32, #tpu.memory_space<hbm>> -> memref<40xi32, #tpu.memory_space<hbm>>
      %dma_wait3A_101 = tpu.memref_slice %arg2[%add3A_76] : memref<320000xi32, #tpu.memory_space<hbm>> -> memref<40xi32, #tpu.memory_space<hbm>>
      tpu.wait_dma2 semaphore(%run_scoped3A : memref<!tpu.dma_semaphore, #tpu.memory_space<semaphore_mem>>) src(%dma_wait3A_101 : memref<40xi32, #tpu.memory_space<hbm>>) dst(%arg11 : memref<40xi32, #tpu.memory_space<vmem>>)
      tpu.yield
    }) : () -> ()
    "tpu.region"() ({
      %run_scoped3A = tpu.sem_alloc : memref<!tpu.dma_semaphore, #tpu.memory_space<semaphore_mem>>
      %dma_start3A_99 = tpu.memref_slice %arg3[%add3A_76] : memref<320000xi32, #tpu.memory_space<hbm>> -> memref<40xi32, #tpu.memory_space<hbm>>
      %dma_start3A_100 = tpu.memref_slice %arg3[%add3A_76] : memref<320000xi32, #tpu.memory_space<hbm>> -> memref<40xi32, #tpu.memory_space<hbm>>
      tpu.enqueue_dma source(%dma_start3A_100 : memref<40xi32, #tpu.memory_space<hbm>>) target(%arg12 : memref<40xi32, #tpu.memory_space<vmem>>) target_semaphore(%run_scoped3A : memref<!tpu.dma_semaphore, #tpu.memory_space<semaphore_mem>>)
      %dma_wait3A = tpu.memref_slice %arg3[%add3A_76] : memref<320000xi32, #tpu.memory_space<hbm>> -> memref<40xi32, #tpu.memory_space<hbm>>
      %dma_wait3A_101 = tpu.memref_slice %arg3[%add3A_76] : memref<320000xi32, #tpu.memory_space<hbm>> -> memref<40xi32, #tpu.memory_space<hbm>>
      tpu.wait_dma2 semaphore(%run_scoped3A : memref<!tpu.dma_semaphore, #tpu.memory_space<semaphore_mem>>) src(%dma_wait3A_101 : memref<40xi32, #tpu.memory_space<hbm>>) dst(%arg12 : memref<40xi32, #tpu.memory_space<vmem>>)
      tpu.yield
    }) : () -> ()
    %dma_start3A = arith.constant 0 : i32
    %dma_start3A_77 = arith.constant 0 : i32
    %dma_start3A_78 = tpu.memref_slice %arg4[%dma_start3A, %dma_start3A_77] : memref<10000x128xf32, #tpu.memory_space<hbm>> -> memref<10000x128xf32, #tpu.memory_space<hbm>>
    tpu.enqueue_indirect_dma source(%dma_start3A_78 : memref<10000x128xf32, #tpu.memory_space<hbm>>) target(%arg13 : memref<40x128xf32, #tpu.memory_space<vmem>>) offsets(%arg11 : memref<40xi32, #tpu.memory_space<vmem>>) semaphore(%arg25 : memref<!tpu.dma_semaphore, #tpu.memory_space<semaphore_mem>>)
    %dma_start3A_79 = arith.constant 0 : i32
    %dma_start3A_80 = arith.constant 0 : i32
    %dma_start3A_81 = tpu.memref_slice %arg5[%dma_start3A_79, %dma_start3A_80] : memref<10000x128xf32, #tpu.memory_space<hbm>> -> memref<10000x128xf32, #tpu.memory_space<hbm>>
    tpu.enqueue_indirect_dma source(%dma_start3A_81 : memref<10000x128xf32, #tpu.memory_space<hbm>>) target(%arg14 : memref<40x128xf32, #tpu.memory_space<vmem>>) offsets(%arg12 : memref<40xi32, #tpu.memory_space<vmem>>) semaphore(%arg26 : memref<!tpu.dma_semaphore, #tpu.memory_space<semaphore_mem>>)
    %dma_start3A_82 = arith.constant 0 : i32
    %dma_start3A_83 = arith.constant 0 : i32
    %dma_start3A_84 = tpu.memref_slice %arg6[%dma_start3A_82, %dma_start3A_83] : memref<10000x128xf32, #tpu.memory_space<hbm>> -> memref<10000x128xf32, #tpu.memory_space<hbm>>
    tpu.enqueue_indirect_dma source(%dma_start3A_84 : memref<10000x128xf32, #tpu.memory_space<hbm>>) target(%arg15 : memref<40x128xf32, #tpu.memory_space<vmem>>) offsets(%arg11 : memref<40xi32, #tpu.memory_space<vmem>>) semaphore(%arg27 : memref<!tpu.dma_semaphore, #tpu.memory_space<semaphore_mem>>)
    %scan3A_85 = arith.constant 0 : i32
    %scan3A_86 = arith.constant 0 : i32
    %scan3A_87 = arith.constant 125 : i32
    %scan3A_88 = arith.addi %scan3A_86, %scan3A_87 : i32
    %scan3A_89 = arith.constant 1 : i32
    scf.for %scan3A_99 = %scan3A_86 to %scan3A_88 step %scan3A_89  : i32 {
      %mul3A_100 = arith.constant 2 : i32
      %mul3A_101 = arith.muli %mul3A_100, %scan3A_99 : i32
      %add3A_102 = arith.constant 1 : i32
      %add3A_103 = arith.addi %mul3A_101, %add3A_102 : i32
      %mul3A_104 = arith.constant 40 : i32
      %mul3A_105 = arith.muli %add3A_103, %mul3A_104 : i32
      %add3A_106 = arith.addi %mul3A_74, %mul3A_105 : i32
      "tpu.region"() ({
        %run_scoped3A = tpu.sem_alloc : memref<!tpu.dma_semaphore, #tpu.memory_space<semaphore_mem>>
        %dma_start3A_149 = tpu.memref_slice %arg2[%add3A_106] : memref<320000xi32, #tpu.memory_space<hbm>> -> memref<40xi32, #tpu.memory_space<hbm>>
        %dma_start3A_150 = tpu.memref_slice %arg2[%add3A_106] : memref<320000xi32, #tpu.memory_space<hbm>> -> memref<40xi32, #tpu.memory_space<hbm>>
        tpu.enqueue_dma source(%dma_start3A_150 : memref<40xi32, #tpu.memory_space<hbm>>) target(%arg17 : memref<40xi32, #tpu.memory_space<vmem>>) target_semaphore(%run_scoped3A : memref<!tpu.dma_semaphore, #tpu.memory_space<semaphore_mem>>)
        %dma_wait3A_151 = tpu.memref_slice %arg2[%add3A_106] : memref<320000xi32, #tpu.memory_space<hbm>> -> memref<40xi32, #tpu.memory_space<hbm>>
        %dma_wait3A_152 = tpu.memref_slice %arg2[%add3A_106] : memref<320000xi32, #tpu.memory_space<hbm>> -> memref<40xi32, #tpu.memory_space<hbm>>
        tpu.wait_dma2 semaphore(%run_scoped3A : memref<!tpu.dma_semaphore, #tpu.memory_space<semaphore_mem>>) src(%dma_wait3A_152 : memref<40xi32, #tpu.memory_space<hbm>>) dst(%arg17 : memref<40xi32, #tpu.memory_space<vmem>>)
        tpu.yield
      }) : () -> ()
      "tpu.region"() ({
        %run_scoped3A = tpu.sem_alloc : memref<!tpu.dma_semaphore, #tpu.memory_space<semaphore_mem>>
        %dma_start3A_149 = tpu.memref_slice %arg3[%add3A_106] : memref<320000xi32, #tpu.memory_space<hbm>> -> memref<40xi32, #tpu.memory_space<hbm>>
        %dma_start3A_150 = tpu.memref_slice %arg3[%add3A_106] : memref<320000xi32, #tpu.memory_space<hbm>> -> memref<40xi32, #tpu.memory_space<hbm>>
        tpu.enqueue_dma source(%dma_start3A_150 : memref<40xi32, #tpu.memory_space<hbm>>) target(%arg18 : memref<40xi32, #tpu.memory_space<vmem>>) target_semaphore(%run_scoped3A : memref<!tpu.dma_semaphore, #tpu.memory_space<semaphore_mem>>)
        %dma_wait3A_151 = tpu.memref_slice %arg3[%add3A_106] : memref<320000xi32, #tpu.memory_space<hbm>> -> memref<40xi32, #tpu.memory_space<hbm>>
        %dma_wait3A_152 = tpu.memref_slice %arg3[%add3A_106] : memref<320000xi32, #tpu.memory_space<hbm>> -> memref<40xi32, #tpu.memory_space<hbm>>
        tpu.wait_dma2 semaphore(%run_scoped3A : memref<!tpu.dma_semaphore, #tpu.memory_space<semaphore_mem>>) src(%dma_wait3A_152 : memref<40xi32, #tpu.memory_space<hbm>>) dst(%arg18 : memref<40xi32, #tpu.memory_space<vmem>>)
        tpu.yield
      }) : () -> ()
      %dma_start3A_107 = arith.constant 0 : i32
      %dma_start3A_108 = arith.constant 0 : i32
      %dma_start3A_109 = tpu.memref_slice %arg4[%dma_start3A_107, %dma_start3A_108] : memref<10000x128xf32, #tpu.memory_space<hbm>> -> memref<10000x128xf32, #tpu.memory_space<hbm>>
      tpu.enqueue_indirect_dma source(%dma_start3A_109 : memref<10000x128xf32, #tpu.memory_space<hbm>>) target(%arg19 : memref<40x128xf32, #tpu.memory_space<vmem>>) offsets(%arg17 : memref<40xi32, #tpu.memory_space<vmem>>) semaphore(%arg28 : memref<!tpu.dma_semaphore, #tpu.memory_space<semaphore_mem>>)
      %dma_start3A_110 = arith.constant 0 : i32
      %dma_start3A_111 = arith.constant 0 : i32
      %dma_start3A_112 = tpu.memref_slice %arg5[%dma_start3A_110, %dma_start3A_111] : memref<10000x128xf32, #tpu.memory_space<hbm>> -> memref<10000x128xf32, #tpu.memory_space<hbm>>
      tpu.enqueue_indirect_dma source(%dma_start3A_112 : memref<10000x128xf32, #tpu.memory_space<hbm>>) target(%arg20 : memref<40x128xf32, #tpu.memory_space<vmem>>) offsets(%arg18 : memref<40xi32, #tpu.memory_space<vmem>>) semaphore(%arg29 : memref<!tpu.dma_semaphore, #tpu.memory_space<semaphore_mem>>)
      %dma_start3A_113 = arith.constant 0 : i32
      %dma_start3A_114 = arith.constant 0 : i32
      %dma_start3A_115 = tpu.memref_slice %arg6[%dma_start3A_113, %dma_start3A_114] : memref<10000x128xf32, #tpu.memory_space<hbm>> -> memref<10000x128xf32, #tpu.memory_space<hbm>>
      tpu.enqueue_indirect_dma source(%dma_start3A_115 : memref<10000x128xf32, #tpu.memory_space<hbm>>) target(%arg21 : memref<40x128xf32, #tpu.memory_space<vmem>>) offsets(%arg17 : memref<40xi32, #tpu.memory_space<vmem>>) semaphore(%arg30 : memref<!tpu.dma_semaphore, #tpu.memory_space<semaphore_mem>>)
      %dma_wait3A = arith.constant 0 : i32
      %dma_wait3A_116 = arith.constant 0 : i32
      %dma_wait3A_117 = tpu.memref_slice %arg4[%dma_wait3A, %dma_wait3A_116] : memref<10000x128xf32, #tpu.memory_space<hbm>> -> memref<10000x128xf32, #tpu.memory_space<hbm>>
      tpu.wait_indirect_dma semaphore(%arg25 : memref<!tpu.dma_semaphore, #tpu.memory_space<semaphore_mem>>) src(%dma_wait3A_117 : memref<10000x128xf32, #tpu.memory_space<hbm>>) dst(%arg13 : memref<40x128xf32, #tpu.memory_space<vmem>>)
      %dma_wait3A_118 = arith.constant 0 : i32
      %dma_wait3A_119 = arith.constant 0 : i32
      %dma_wait3A_120 = tpu.memref_slice %arg5[%dma_wait3A_118, %dma_wait3A_119] : memref<10000x128xf32, #tpu.memory_space<hbm>> -> memref<10000x128xf32, #tpu.memory_space<hbm>>
      tpu.wait_indirect_dma semaphore(%arg26 : memref<!tpu.dma_semaphore, #tpu.memory_space<semaphore_mem>>) src(%dma_wait3A_120 : memref<10000x128xf32, #tpu.memory_space<hbm>>) dst(%arg14 : memref<40x128xf32, #tpu.memory_space<vmem>>)
      %dma_wait3A_121 = arith.constant 0 : i32
      %dma_wait3A_122 = arith.constant 0 : i32
      %dma_wait3A_123 = tpu.memref_slice %arg6[%dma_wait3A_121, %dma_wait3A_122] : memref<10000x128xf32, #tpu.memory_space<hbm>> -> memref<10000x128xf32, #tpu.memory_space<hbm>>
      tpu.wait_indirect_dma semaphore(%arg27 : memref<!tpu.dma_semaphore, #tpu.memory_space<semaphore_mem>>) src(%dma_wait3A_123 : memref<10000x128xf32, #tpu.memory_space<hbm>>) dst(%arg15 : memref<40x128xf32, #tpu.memory_space<vmem>>)
      %scan3A_124 = arith.constant 0 : i32
      %scan3A_125 = arith.constant 0 : i32
      %scan3A_126 = arith.constant 40 : i32
      %scan3A_127 = arith.addi %scan3A_125, %scan3A_126 : i32
      %scan3A_128 = arith.constant 1 : i32
      scf.for %scan3A_149 = %scan3A_125 to %scan3A_127 step %scan3A_128  : i32 {
        %get3A = arith.index_cast %scan3A_149 : i32 to index
        %get3A_150 = arith.constant 0 : index
        %get3A_151 = tpu.vector_load %arg13[%get3A, %get3A_150] {strides = array<i32>} : memref<40x128xf32, #tpu.memory_space<vmem>>, vector<16xf32>,
        %get3A_152 = arith.index_cast %scan3A_149 : i32 to index
        %get3A_153 = arith.constant 0 : index
        %get3A_154 = tpu.vector_load %arg14[%get3A_152, %get3A_153] {strides = array<i32>} : memref<40x128xf32, #tpu.memory_space<vmem>>, vector<16xf32>,
        %mul3A_155 = arith.mulf %get3A_151, %get3A_154 : vector<16xf32>
        %get3A_156 = arith.index_cast %scan3A_149 : i32 to index
        %get3A_157 = arith.constant 16 : index
        %get3A_158 = tpu.vector_load %arg13[%get3A_156, %get3A_157] {strides = array<i32>} : memref<40x128xf32, #tpu.memory_space<vmem>>, vector<16xf32>,
        %get3A_159 = arith.index_cast %scan3A_149 : i32 to index
        %get3A_160 = arith.constant 16 : index
        %get3A_161 = tpu.vector_load %arg14[%get3A_159, %get3A_160] {strides = array<i32>} : memref<40x128xf32, #tpu.memory_space<vmem>>, vector<16xf32>,
        %mul3A_162 = arith.mulf %get3A_158, %get3A_161 : vector<16xf32>
        %add3A_163 = arith.addf %mul3A_155, %mul3A_162 : vector<16xf32>
        %reduce_sum3A = arith.constant true
        %reduce_sum3A_164 = vector.broadcast %reduce_sum3A : i1 to vector<16xi1>
        %reduce_sum3A_165 = tpu.scan <sum>, %add3A_163 masked %reduce_sum3A_164 : vector<16xf32>, vector<16xi1> -> vector<16xf32>
        %reduce_sum3A_166 = vector.extract %reduce_sum3A_165[15] : f32 from vector<16xf32>
        %broadcast_in_dim3A_167 = vector.broadcast %reduce_sum3A_166 : f32 to vector<16xf32>
        %exp3A = math.exp %broadcast_in_dim3A_167 : vector<16xf32>
        %get3A_168 = arith.index_cast %scan3A_149 : i32 to index
        %get3A_169 = arith.constant 0 : index
        %get3A_170 = tpu.vector_load %arg15[%get3A_168, %get3A_169] {strides = array<i32>} : memref<40x128xf32, #tpu.memory_space<vmem>>, vector<16xf32>,
        %mul3A_171 = arith.mulf %get3A_170, %exp3A : vector<16xf32>
        %swap3A = arith.index_cast %scan3A_149 : i32 to index
        %swap3A_172 = arith.constant 0 : index
        %swap3A_173 = tpu.vector_load %arg15[%swap3A, %swap3A_172] {strides = array<i32>} : memref<40x128xf32, #tpu.memory_space<vmem>>, vector<16xf32>,
        tpu.vector_store %arg15[%swap3A, %swap3A_172], %mul3A_171 {strides = array<i32>} : memref<40x128xf32, #tpu.memory_space<vmem>>, vector<16xf32>,
        %get3A_174 = arith.index_cast %scan3A_149 : i32 to index
        %get3A_175 = arith.constant 16 : index
        %get3A_176 = tpu.vector_load %arg15[%get3A_174, %get3A_175] {strides = array<i32>} : memref<40x128xf32, #tpu.memory_space<vmem>>, vector<16xf32>,
        %mul3A_177 = arith.mulf %get3A_176, %exp3A : vector<16xf32>
        %swap3A_178 = arith.index_cast %scan3A_149 : i32 to index
        %swap3A_179 = arith.constant 16 : index
        %swap3A_180 = tpu.vector_load %arg15[%swap3A_178, %swap3A_179] {strides = array<i32>} : memref<40x128xf32, #tpu.memory_space<vmem>>, vector<16xf32>,
        tpu.vector_store %arg15[%swap3A_178, %swap3A_179], %mul3A_177 {strides = array<i32>} : memref<40x128xf32, #tpu.memory_space<vmem>>, vector<16xf32>,
        %eq3A_181 = arith.constant 0 : i32
        %eq3A_182 = vector.broadcast %eq3A_181 : i32 to vector<16xi32>
        %eq3A_183 = arith.cmpi eq, %iota3A, %eq3A_182 : vector<16xi32>
        %convert_element_type3A_184 = arith.extui %eq3A_183 : vector<16xi1> to vector<16xi32>
        %convert_element_type3A_185 = arith.sitofp %convert_element_type3A_184 : vector<16xi32> to vector<16xf32>
        %mul3A_186 = arith.mulf %exp3A, %convert_element_type3A_185 : vector<16xf32>
        %add3A_187 = arith.addf %broadcast_in_dim3A_1, %mul3A_186 : vector<16xf32>
        %get3A_188 = arith.index_cast %scan3A_149 : i32 to index
        %get3A_189 = arith.constant 32 : index
        %get3A_190 = tpu.vector_load %arg13[%get3A_188, %get3A_189] {strides = array<i32>} : memref<40x128xf32, #tpu.memory_space<vmem>>, vector<16xf32>,
        %get3A_191 = arith.index_cast %scan3A_149 : i32 to index
        %get3A_192 = arith.constant 32 : index
        %get3A_193 = tpu.vector_load %arg14[%get3A_191, %get3A_192] {strides = array<i32>} : memref<40x128xf32, #tpu.memory_space<vmem>>, vector<16xf32>,
        %mul3A_194 = arith.mulf %get3A_190, %get3A_193 : vector<16xf32>
        %get3A_195 = arith.index_cast %scan3A_149 : i32 to index
        %get3A_196 = arith.constant 48 : index
        %get3A_197 = tpu.vector_load %arg13[%get3A_195, %get3A_196] {strides = array<i32>} : memref<40x128xf32, #tpu.memory_space<vmem>>, vector<16xf32>,
        %get3A_198 = arith.index_cast %scan3A_149 : i32 to index
        %get3A_199 = arith.constant 48 : index
        %get3A_200 = tpu.vector_load %arg14[%get3A_198, %get3A_199] {strides = array<i32>} : memref<40x128xf32, #tpu.memory_space<vmem>>, vector<16xf32>,
        %mul3A_201 = arith.mulf %get3A_197, %get3A_200 : vector<16xf32>
        %add3A_202 = arith.addf %mul3A_194, %mul3A_201 : vector<16xf32>
        %reduce_sum3A_203 = arith.constant true
        %reduce_sum3A_204 = vector.broadcast %reduce_sum3A_203 : i1 to vector<16xi1>
        %reduce_sum3A_205 = tpu.scan <sum>, %add3A_202 masked %reduce_sum3A_204 : vector<16xf32>, vector<16xi1> -> vector<16xf32>
        %reduce_sum3A_206 = vector.extract %reduce_sum3A_205[15] : f32 from vector<16xf32>
        %broadcast_in_dim3A_207 = vector.broadcast %reduce_sum3A_206 : f32 to vector<16xf32>
        %exp3A_208 = math.exp %broadcast_in_dim3A_207 : vector<16xf32>
        %get3A_209 = arith.index_cast %scan3A_149 : i32 to index
        %get3A_210 = arith.constant 32 : index
        %get3A_211 = tpu.vector_load %arg15[%get3A_209, %get3A_210] {strides = array<i32>} : memref<40x128xf32, #tpu.memory_space<vmem>>, vector<16xf32>,
        %mul3A_212 = arith.mulf %get3A_211, %exp3A_208 : vector<16xf32>
        %swap3A_213 = arith.index_cast %scan3A_149 : i32 to index
        %swap3A_214 = arith.constant 32 : index
        %swap3A_215 = tpu.vector_load %arg15[%swap3A_213, %swap3A_214] {strides = array<i32>} : memref<40x128xf32, #tpu.memory_space<vmem>>, vector<16xf32>,
        tpu.vector_store %arg15[%swap3A_213, %swap3A_214], %mul3A_212 {strides = array<i32>} : memref<40x128xf32, #tpu.memory_space<vmem>>, vector<16xf32>,
        %get3A_216 = arith.index_cast %scan3A_149 : i32 to index
        %get3A_217 = arith.constant 48 : index
        %get3A_218 = tpu.vector_load %arg15[%get3A_216, %get3A_217] {strides = array<i32>} : memref<40x128xf32, #tpu.memory_space<vmem>>, vector<16xf32>,
        %mul3A_219 = arith.mulf %get3A_218, %exp3A_208 : vector<16xf32>
        %swap3A_220 = arith.index_cast %scan3A_149 : i32 to index
        %swap3A_221 = arith.constant 48 : index
        %swap3A_222 = tpu.vector_load %arg15[%swap3A_220, %swap3A_221] {strides = array<i32>} : memref<40x128xf32, #tpu.memory_space<vmem>>, vector<16xf32>,
        tpu.vector_store %arg15[%swap3A_220, %swap3A_221], %mul3A_219 {strides = array<i32>} : memref<40x128xf32, #tpu.memory_space<vmem>>, vector<16xf32>,
        %eq3A_223 = arith.constant 1 : i32
        %eq3A_224 = vector.broadcast %eq3A_223 : i32 to vector<16xi32>
        %eq3A_225 = arith.cmpi eq, %iota3A, %eq3A_224 : vector<16xi32>
        %convert_element_type3A_226 = arith.extui %eq3A_225 : vector<16xi1> to vector<16xi32>
        %convert_element_type3A_227 = arith.sitofp %convert_element_type3A_226 : vector<16xi32> to vector<16xf32>
        %mul3A_228 = arith.mulf %exp3A_208, %convert_element_type3A_227 : vector<16xf32>
        %add3A_229 = arith.addf %add3A_187, %mul3A_228 : vector<16xf32>
        %get3A_230 = arith.index_cast %scan3A_149 : i32 to index
        %get3A_231 = arith.constant 64 : index
        %get3A_232 = tpu.vector_load %arg13[%get3A_230, %get3A_231] {strides = array<i32>} : memref<40x128xf32, #tpu.memory_space<vmem>>, vector<16xf32>,
        %get3A_233 = arith.index_cast %scan3A_149 : i32 to index
        %get3A_234 = arith.constant 64 : index
        %get3A_235 = tpu.vector_load %arg14[%get3A_233, %get3A_234] {strides = array<i32>} : memref<40x128xf32, #tpu.memory_space<vmem>>, vector<16xf32>,
        %mul3A_236 = arith.mulf %get3A_232, %get3A_235 : vector<16xf32>
        %get3A_237 = arith.index_cast %scan3A_149 : i32 to index
        %get3A_238 = arith.constant 80 : index
        %get3A_239 = tpu.vector_load %arg13[%get3A_237, %get3A_238] {strides = array<i32>} : memref<40x128xf32, #tpu.memory_space<vmem>>, vector<16xf32>,
        %get3A_240 = arith.index_cast %scan3A_149 : i32 to index
        %get3A_241 = arith.constant 80 : index
        %get3A_242 = tpu.vector_load %arg14[%get3A_240, %get3A_241] {strides = array<i32>} : memref<40x128xf32, #tpu.memory_space<vmem>>, vector<16xf32>,
        %mul3A_243 = arith.mulf %get3A_239, %get3A_242 : vector<16xf32>
        %add3A_244 = arith.addf %mul3A_236, %mul3A_243 : vector<16xf32>
        %reduce_sum3A_245 = arith.constant true
        %reduce_sum3A_246 = vector.broadcast %reduce_sum3A_245 : i1 to vector<16xi1>
        %reduce_sum3A_247 = tpu.scan <sum>, %add3A_244 masked %reduce_sum3A_246 : vector<16xf32>, vector<16xi1> -> vector<16xf32>
        %reduce_sum3A_248 = vector.extract %reduce_sum3A_247[15] : f32 from vector<16xf32>
        %broadcast_in_dim3A_249 = vector.broadcast %reduce_sum3A_248 : f32 to vector<16xf32>
        %exp3A_250 = math.exp %broadcast_in_dim3A_249 : vector<16xf32>
        %get3A_251 = arith.index_cast %scan3A_149 : i32 to index
        %get3A_252 = arith.constant 64 : index
        %get3A_253 = tpu.vector_load %arg15[%get3A_251, %get3A_252] {strides = array<i32>} : memref<40x128xf32, #tpu.memory_space<vmem>>, vector<16xf32>,
        %mul3A_254 = arith.mulf %get3A_253, %exp3A_250 : vector<16xf32>
        %swap3A_255 = arith.index_cast %scan3A_149 : i32 to index
        %swap3A_256 = arith.constant 64 : index
        %swap3A_257 = tpu.vector_load %arg15[%swap3A_255, %swap3A_256] {strides = array<i32>} : memref<40x128xf32, #tpu.memory_space<vmem>>, vector<16xf32>,
        tpu.vector_store %arg15[%swap3A_255, %swap3A_256], %mul3A_254 {strides = array<i32>} : memref<40x128xf32, #tpu.memory_space<vmem>>, vector<16xf32>,
        %get3A_258 = arith.index_cast %scan3A_149 : i32 to index
        %get3A_259 = arith.constant 80 : index
        %get3A_260 = tpu.vector_load %arg15[%get3A_258, %get3A_259] {strides = array<i32>} : memref<40x128xf32, #tpu.memory_space<vmem>>, vector<16xf32>,
        %mul3A_261 = arith.mulf %get3A_260, %exp3A_250 : vector<16xf32>
        %swap3A_262 = arith.index_cast %scan3A_149 : i32 to index
        %swap3A_263 = arith.constant 80 : index
        %swap3A_264 = tpu.vector_load %arg15[%swap3A_262, %swap3A_263] {strides = array<i32>} : memref<40x128xf32, #tpu.memory_space<vmem>>, vector<16xf32>,
        tpu.vector_store %arg15[%swap3A_262, %swap3A_263], %mul3A_261 {strides = array<i32>} : memref<40x128xf32, #tpu.memory_space<vmem>>, vector<16xf32>,
        %eq3A_265 = arith.constant 2 : i32
        %eq3A_266 = vector.broadcast %eq3A_265 : i32 to vector<16xi32>
        %eq3A_267 = arith.cmpi eq, %iota3A, %eq3A_266 : vector<16xi32>
        %convert_element_type3A_268 = arith.extui %eq3A_267 : vector<16xi1> to vector<16xi32>
        %convert_element_type3A_269 = arith.sitofp %convert_element_type3A_268 : vector<16xi32> to vector<16xf32>
        %mul3A_270 = arith.mulf %exp3A_250, %convert_element_type3A_269 : vector<16xf32>
        %add3A_271 = arith.addf %add3A_229, %mul3A_270 : vector<16xf32>
        %get3A_272 = arith.index_cast %scan3A_149 : i32 to index
        %get3A_273 = arith.constant 96 : index
        %get3A_274 = tpu.vector_load %arg13[%get3A_272, %get3A_273] {strides = array<i32>} : memref<40x128xf32, #tpu.memory_space<vmem>>, vector<16xf32>,
        %get3A_275 = arith.index_cast %scan3A_149 : i32 to index
        %get3A_276 = arith.constant 96 : index
        %get3A_277 = tpu.vector_load %arg14[%get3A_275, %get3A_276] {strides = array<i32>} : memref<40x128xf32, #tpu.memory_space<vmem>>, vector<16xf32>,
        %mul3A_278 = arith.mulf %get3A_274, %get3A_277 : vector<16xf32>
        %get3A_279 = arith.index_cast %scan3A_149 : i32 to index
        %get3A_280 = arith.constant 112 : index
        %get3A_281 = tpu.vector_load %arg13[%get3A_279, %get3A_280] {strides = array<i32>} : memref<40x128xf32, #tpu.memory_space<vmem>>, vector<16xf32>,
        %get3A_282 = arith.index_cast %scan3A_149 : i32 to index
        %get3A_283 = arith.constant 112 : index
        %get3A_284 = tpu.vector_load %arg14[%get3A_282, %get3A_283] {strides = array<i32>} : memref<40x128xf32, #tpu.memory_space<vmem>>, vector<16xf32>,
        %mul3A_285 = arith.mulf %get3A_281, %get3A_284 : vector<16xf32>
        %add3A_286 = arith.addf %mul3A_278, %mul3A_285 : vector<16xf32>
        %reduce_sum3A_287 = arith.constant true
        %reduce_sum3A_288 = vector.broadcast %reduce_sum3A_287 : i1 to vector<16xi1>
        %reduce_sum3A_289 = tpu.scan <sum>, %add3A_286 masked %reduce_sum3A_288 : vector<16xf32>, vector<16xi1> -> vector<16xf32>
        %reduce_sum3A_290 = vector.extract %reduce_sum3A_289[15] : f32 from vector<16xf32>
        %broadcast_in_dim3A_291 = vector.broadcast %reduce_sum3A_290 : f32 to vector<16xf32>
        %exp3A_292 = math.exp %broadcast_in_dim3A_291 : vector<16xf32>
        %get3A_293 = arith.index_cast %scan3A_149 : i32 to index
        %get3A_294 = arith.constant 96 : index
        %get3A_295 = tpu.vector_load %arg15[%get3A_293, %get3A_294] {strides = array<i32>} : memref<40x128xf32, #tpu.memory_space<vmem>>, vector<16xf32>,
        %mul3A_296 = arith.mulf %get3A_295, %exp3A_292 : vector<16xf32>
        %swap3A_297 = arith.index_cast %scan3A_149 : i32 to index
        %swap3A_298 = arith.constant 96 : index
        %swap3A_299 = tpu.vector_load %arg15[%swap3A_297, %swap3A_298] {strides = array<i32>} : memref<40x128xf32, #tpu.memory_space<vmem>>, vector<16xf32>,
        tpu.vector_store %arg15[%swap3A_297, %swap3A_298], %mul3A_296 {strides = array<i32>} : memref<40x128xf32, #tpu.memory_space<vmem>>, vector<16xf32>,
        %get3A_300 = arith.index_cast %scan3A_149 : i32 to index
        %get3A_301 = arith.constant 112 : index
        %get3A_302 = tpu.vector_load %arg15[%get3A_300, %get3A_301] {strides = array<i32>} : memref<40x128xf32, #tpu.memory_space<vmem>>, vector<16xf32>,
        %mul3A_303 = arith.mulf %get3A_302, %exp3A_292 : vector<16xf32>
        %swap3A_304 = arith.index_cast %scan3A_149 : i32 to index
        %swap3A_305 = arith.constant 112 : index
        %swap3A_306 = tpu.vector_load %arg15[%swap3A_304, %swap3A_305] {strides = array<i32>} : memref<40x128xf32, #tpu.memory_space<vmem>>, vector<16xf32>,
        tpu.vector_store %arg15[%swap3A_304, %swap3A_305], %mul3A_303 {strides = array<i32>} : memref<40x128xf32, #tpu.memory_space<vmem>>, vector<16xf32>,
        %eq3A_307 = arith.constant 3 : i32
        %eq3A_308 = vector.broadcast %eq3A_307 : i32 to vector<16xi32>
        %eq3A_309 = arith.cmpi eq, %iota3A, %eq3A_308 : vector<16xi32>
        %convert_element_type3A_310 = arith.extui %eq3A_309 : vector<16xi1> to vector<16xi32>
        %convert_element_type3A_311 = arith.sitofp %convert_element_type3A_310 : vector<16xi32> to vector<16xf32>
        %mul3A_312 = arith.mulf %exp3A_292, %convert_element_type3A_311 : vector<16xf32>
        %add3A_313 = arith.addf %add3A_271, %mul3A_312 : vector<16xf32>
        %swap3A_314 = arith.index_cast %scan3A_149 : i32 to index
        %swap3A_315 = arith.constant 0 : index
        %swap3A_316 = tpu.vector_load %arg16[%swap3A_314, %swap3A_315] {strides = array<i32>} : memref<40x16xf32, #tpu.memory_space<vmem>>, vector<16xf32>,
        tpu.vector_store %arg16[%swap3A_314, %swap3A_315], %add3A_313 {strides = array<i32>} : memref<40x16xf32, #tpu.memory_space<vmem>>, vector<16xf32>,
      }
      %scan3A_129 = arith.constant 40 : i32
      "tpu.region"() ({
        %run_scoped3A = tpu.sem_alloc : memref<!tpu.dma_semaphore, #tpu.memory_space<semaphore_mem>>
        %dma_start3A_149 = arith.constant 0 : i32
        %dma_start3A_150 = arith.constant 0 : i32
        %dma_start3A_151 = tpu.memref_slice %arg24[%dma_start3A_149, %dma_start3A_150] : memref<10240x16xf32, #tpu.memory_space<vmem_shared>> -> memref<10240x16xf32, #tpu.memory_space<vmem_shared>>
        tpu.enqueue_indirect_dma source(%arg16 : memref<40x16xf32, #tpu.memory_space<vmem>>) target(%dma_start3A_151 : memref<10240x16xf32, #tpu.memory_space<vmem_shared>>) offsets(%arg12 : memref<40xi32, #tpu.memory_space<vmem>>) semaphore(%run_scoped3A : memref<!tpu.dma_semaphore, #tpu.memory_space<semaphore_mem>>) {add = true}
        %dma_wait3A_152 = arith.constant 0 : i32
        %dma_wait3A_153 = arith.constant 0 : i32
        %dma_wait3A_154 = tpu.memref_slice %arg24[%dma_wait3A_152, %dma_wait3A_153] : memref<10240x16xf32, #tpu.memory_space<vmem_shared>> -> memref<10240x16xf32, #tpu.memory_space<vmem_shared>>
        tpu.wait_indirect_dma semaphore(%run_scoped3A : memref<!tpu.dma_semaphore, #tpu.memory_space<semaphore_mem>>) src(%arg16 : memref<40x16xf32, #tpu.memory_space<vmem>>) dst(%dma_wait3A_154 : memref<10240x16xf32, #tpu.memory_space<vmem_shared>>)
        tpu.yield
      }) : () -> ()
      "tpu.region"() ({
        %run_scoped3A = tpu.sem_alloc : memref<!tpu.dma_semaphore, #tpu.memory_space<semaphore_mem>>
        %dma_start3A_149 = arith.constant 0 : i32
        %dma_start3A_150 = arith.constant 0 : i32
        %dma_start3A_151 = tpu.memref_slice %arg23[%dma_start3A_149, %dma_start3A_150] : memref<10240x128xf32, #tpu.memory_space<vmem_shared>> -> memref<10240x128xf32, #tpu.memory_space<vmem_shared>>
        tpu.enqueue_indirect_dma source(%arg15 : memref<40x128xf32, #tpu.memory_space<vmem>>) target(%dma_start3A_151 : memref<10240x128xf32, #tpu.memory_space<vmem_shared>>) offsets(%arg12 : memref<40xi32, #tpu.memory_space<vmem>>) semaphore(%run_scoped3A : memref<!tpu.dma_semaphore, #tpu.memory_space<semaphore_mem>>) {add = true}
        %dma_wait3A_152 = arith.constant 0 : i32
        %dma_wait3A_153 = arith.constant 0 : i32
        %dma_wait3A_154 = tpu.memref_slice %arg23[%dma_wait3A_152, %dma_wait3A_153] : memref<10240x128xf32, #tpu.memory_space<vmem_shared>> -> memref<10240x128xf32, #tpu.memory_space<vmem_shared>>
        tpu.wait_indirect_dma semaphore(%run_scoped3A : memref<!tpu.dma_semaphore, #tpu.memory_space<semaphore_mem>>) src(%arg15 : memref<40x128xf32, #tpu.memory_space<vmem>>) dst(%dma_wait3A_154 : memref<10240x128xf32, #tpu.memory_space<vmem_shared>>)
        tpu.yield
      }) : () -> ()
      %lt3A = arith.constant 124 : i32
      %lt3A_130 = arith.cmpi slt, %scan3A_99, %lt3A : i32
      %convert_element_type3A_131 = arith.extui %lt3A_130 : i1 to i32
      %cond3A_132 = arith.constant 0 : i32
      %cond3A_133 = arith.cmpi ne, %convert_element_type3A_131, %cond3A_132 : i32
      scf.if %cond3A_133 {
        %mul3A_149 = arith.constant 2 : i32
        %mul3A_150 = arith.muli %mul3A_149, %scan3A_99 : i32
        %add3A_151 = arith.constant 2 : i32
        %add3A_152 = arith.addi %mul3A_150, %add3A_151 : i32
        %mul3A_153 = arith.constant 40 : i32
        %mul3A_154 = arith.muli %add3A_152, %mul3A_153 : i32
        %add3A_155 = arith.addi %mul3A_74, %mul3A_154 : i32
        "tpu.region"() ({
          %run_scoped3A = tpu.sem_alloc : memref<!tpu.dma_semaphore, #tpu.memory_space<semaphore_mem>>
          %dma_start3A_165 = tpu.memref_slice %arg2[%add3A_155] : memref<320000xi32, #tpu.memory_space<hbm>> -> memref<40xi32, #tpu.memory_space<hbm>>
          %dma_start3A_166 = tpu.memref_slice %arg2[%add3A_155] : memref<320000xi32, #tpu.memory_space<hbm>> -> memref<40xi32, #tpu.memory_space<hbm>>
          tpu.enqueue_dma source(%dma_start3A_166 : memref<40xi32, #tpu.memory_space<hbm>>) target(%arg11 : memref<40xi32, #tpu.memory_space<vmem>>) target_semaphore(%run_scoped3A : memref<!tpu.dma_semaphore, #tpu.memory_space<semaphore_mem>>)
          %dma_wait3A_167 = tpu.memref_slice %arg2[%add3A_155] : memref<320000xi32, #tpu.memory_space<hbm>> -> memref<40xi32, #tpu.memory_space<hbm>>
          %dma_wait3A_168 = tpu.memref_slice %arg2[%add3A_155] : memref<320000xi32, #tpu.memory_space<hbm>> -> memref<40xi32, #tpu.memory_space<hbm>>
          tpu.wait_dma2 semaphore(%run_scoped3A : memref<!tpu.dma_semaphore, #tpu.memory_space<semaphore_mem>>) src(%dma_wait3A_168 : memref<40xi32, #tpu.memory_space<hbm>>) dst(%arg11 : memref<40xi32, #tpu.memory_space<vmem>>)
          tpu.yield
        }) : () -> ()
        "tpu.region"() ({
          %run_scoped3A = tpu.sem_alloc : memref<!tpu.dma_semaphore, #tpu.memory_space<semaphore_mem>>
          %dma_start3A_165 = tpu.memref_slice %arg3[%add3A_155] : memref<320000xi32, #tpu.memory_space<hbm>> -> memref<40xi32, #tpu.memory_space<hbm>>
          %dma_start3A_166 = tpu.memref_slice %arg3[%add3A_155] : memref<320000xi32, #tpu.memory_space<hbm>> -> memref<40xi32, #tpu.memory_space<hbm>>
          tpu.enqueue_dma source(%dma_start3A_166 : memref<40xi32, #tpu.memory_space<hbm>>) target(%arg12 : memref<40xi32, #tpu.memory_space<vmem>>) target_semaphore(%run_scoped3A : memref<!tpu.dma_semaphore, #tpu.memory_space<semaphore_mem>>)
          %dma_wait3A_167 = tpu.memref_slice %arg3[%add3A_155] : memref<320000xi32, #tpu.memory_space<hbm>> -> memref<40xi32, #tpu.memory_space<hbm>>
          %dma_wait3A_168 = tpu.memref_slice %arg3[%add3A_155] : memref<320000xi32, #tpu.memory_space<hbm>> -> memref<40xi32, #tpu.memory_space<hbm>>
          tpu.wait_dma2 semaphore(%run_scoped3A : memref<!tpu.dma_semaphore, #tpu.memory_space<semaphore_mem>>) src(%dma_wait3A_168 : memref<40xi32, #tpu.memory_space<hbm>>) dst(%arg12 : memref<40xi32, #tpu.memory_space<vmem>>)
          tpu.yield
        }) : () -> ()
        %dma_start3A_156 = arith.constant 0 : i32
        %dma_start3A_157 = arith.constant 0 : i32
        %dma_start3A_158 = tpu.memref_slice %arg4[%dma_start3A_156, %dma_start3A_157] : memref<10000x128xf32, #tpu.memory_space<hbm>> -> memref<10000x128xf32, #tpu.memory_space<hbm>>
        tpu.enqueue_indirect_dma source(%dma_start3A_158 : memref<10000x128xf32, #tpu.memory_space<hbm>>) target(%arg13 : memref<40x128xf32, #tpu.memory_space<vmem>>) offsets(%arg11 : memref<40xi32, #tpu.memory_space<vmem>>) semaphore(%arg25 : memref<!tpu.dma_semaphore, #tpu.memory_space<semaphore_mem>>)
        %dma_start3A_159 = arith.constant 0 : i32
        %dma_start3A_160 = arith.constant 0 : i32
        %dma_start3A_161 = tpu.memref_slice %arg5[%dma_start3A_159, %dma_start3A_160] : memref<10000x128xf32, #tpu.memory_space<hbm>> -> memref<10000x128xf32, #tpu.memory_space<hbm>>
        tpu.enqueue_indirect_dma source(%dma_start3A_161 : memref<10000x128xf32, #tpu.memory_space<hbm>>) target(%arg14 : memref<40x128xf32, #tpu.memory_space<vmem>>) offsets(%arg12 : memref<40xi32, #tpu.memory_space<vmem>>) semaphore(%arg26 : memref<!tpu.dma_semaphore, #tpu.memory_space<semaphore_mem>>)
        %dma_start3A_162 = arith.constant 0 : i32
        %dma_start3A_163 = arith.constant 0 : i32
        %dma_start3A_164 = tpu.memref_slice %arg6[%dma_start3A_162, %dma_start3A_163] : memref<10000x128xf32, #tpu.memory_space<hbm>> -> memref<10000x128xf32, #tpu.memory_space<hbm>>
        tpu.enqueue_indirect_dma source(%dma_start3A_164 : memref<10000x128xf32, #tpu.memory_space<hbm>>) target(%arg15 : memref<40x128xf32, #tpu.memory_space<vmem>>) offsets(%arg11 : memref<40xi32, #tpu.memory_space<vmem>>) semaphore(%arg27 : memref<!tpu.dma_semaphore, #tpu.memory_space<semaphore_mem>>)
      } else {
      }
      %dma_wait3A_134 = arith.constant 0 : i32
      %dma_wait3A_135 = arith.constant 0 : i32
      %dma_wait3A_136 = tpu.memref_slice %arg4[%dma_wait3A_134, %dma_wait3A_135] : memref<10000x128xf32, #tpu.memory_space<hbm>> -> memref<10000x128xf32, #tpu.memory_space<hbm>>
      tpu.wait_indirect_dma semaphore(%arg28 : memref<!tpu.dma_semaphore, #tpu.memory_space<semaphore_mem>>) src(%dma_wait3A_136 : memref<10000x128xf32, #tpu.memory_space<hbm>>) dst(%arg19 : memref<40x128xf32, #tpu.memory_space<vmem>>)
      %dma_wait3A_137 = arith.constant 0 : i32
      %dma_wait3A_138 = arith.constant 0 : i32
      %dma_wait3A_139 = tpu.memref_slice %arg5[%dma_wait3A_137, %dma_wait3A_138] : memref<10000x128xf32, #tpu.memory_space<hbm>> -> memref<10000x128xf32, #tpu.memory_space<hbm>>
      tpu.wait_indirect_dma semaphore(%arg29 : memref<!tpu.dma_semaphore, #tpu.memory_space<semaphore_mem>>) src(%dma_wait3A_139 : memref<10000x128xf32, #tpu.memory_space<hbm>>) dst(%arg20 : memref<40x128xf32, #tpu.memory_space<vmem>>)
      %dma_wait3A_140 = arith.constant 0 : i32
      %dma_wait3A_141 = arith.constant 0 : i32
      %dma_wait3A_142 = tpu.memref_slice %arg6[%dma_wait3A_140, %dma_wait3A_141] : memref<10000x128xf32, #tpu.memory_space<hbm>> -> memref<10000x128xf32, #tpu.memory_space<hbm>>
      tpu.wait_indirect_dma semaphore(%arg30 : memref<!tpu.dma_semaphore, #tpu.memory_space<semaphore_mem>>) src(%dma_wait3A_142 : memref<10000x128xf32, #tpu.memory_space<hbm>>) dst(%arg21 : memref<40x128xf32, #tpu.memory_space<vmem>>)
      %scan3A_143 = arith.constant 0 : i32
      %scan3A_144 = arith.constant 0 : i32
      %scan3A_145 = arith.constant 40 : i32
      %scan3A_146 = arith.addi %scan3A_144, %scan3A_145 : i32
      %scan3A_147 = arith.constant 1 : i32
      scf.for %scan3A_149 = %scan3A_144 to %scan3A_146 step %scan3A_147  : i32 {
        %get3A = arith.index_cast %scan3A_149 : i32 to index
        %get3A_150 = arith.constant 0 : index
        %get3A_151 = tpu.vector_load %arg19[%get3A, %get3A_150] {strides = array<i32>} : memref<40x128xf32, #tpu.memory_space<vmem>>, vector<16xf32>,
        %get3A_152 = arith.index_cast %scan3A_149 : i32 to index
        %get3A_153 = arith.constant 0 : index
        %get3A_154 = tpu.vector_load %arg20[%get3A_152, %get3A_153] {strides = array<i32>} : memref<40x128xf32, #tpu.memory_space<vmem>>, vector<16xf32>,
        %mul3A_155 = arith.mulf %get3A_151, %get3A_154 : vector<16xf32>
        %get3A_156 = arith.index_cast %scan3A_149 : i32 to index
        %get3A_157 = arith.constant 16 : index
        %get3A_158 = tpu.vector_load %arg19[%get3A_156, %get3A_157] {strides = array<i32>} : memref<40x128xf32, #tpu.memory_space<vmem>>, vector<16xf32>,
        %get3A_159 = arith.index_cast %scan3A_149 : i32 to index
        %get3A_160 = arith.constant 16 : index
        %get3A_161 = tpu.vector_load %arg20[%get3A_159, %get3A_160] {strides = array<i32>} : memref<40x128xf32, #tpu.memory_space<vmem>>, vector<16xf32>,
        %mul3A_162 = arith.mulf %get3A_158, %get3A_161 : vector<16xf32>
        %add3A_163 = arith.addf %mul3A_155, %mul3A_162 : vector<16xf32>
        %reduce_sum3A = arith.constant true
        %reduce_sum3A_164 = vector.broadcast %reduce_sum3A : i1 to vector<16xi1>
        %reduce_sum3A_165 = tpu.scan <sum>, %add3A_163 masked %reduce_sum3A_164 : vector<16xf32>, vector<16xi1> -> vector<16xf32>
        %reduce_sum3A_166 = vector.extract %reduce_sum3A_165[15] : f32 from vector<16xf32>
        %broadcast_in_dim3A_167 = vector.broadcast %reduce_sum3A_166 : f32 to vector<16xf32>
        %exp3A = math.exp %broadcast_in_dim3A_167 : vector<16xf32>
        %get3A_168 = arith.index_cast %scan3A_149 : i32 to index
        %get3A_169 = arith.constant 0 : index
        %get3A_170 = tpu.vector_load %arg21[%get3A_168, %get3A_169] {strides = array<i32>} : memref<40x128xf32, #tpu.memory_space<vmem>>, vector<16xf32>,
        %mul3A_171 = arith.mulf %get3A_170, %exp3A : vector<16xf32>
        %swap3A = arith.index_cast %scan3A_149 : i32 to index
        %swap3A_172 = arith.constant 0 : index
        %swap3A_173 = tpu.vector_load %arg21[%swap3A, %swap3A_172] {strides = array<i32>} : memref<40x128xf32, #tpu.memory_space<vmem>>, vector<16xf32>,
        tpu.vector_store %arg21[%swap3A, %swap3A_172], %mul3A_171 {strides = array<i32>} : memref<40x128xf32, #tpu.memory_space<vmem>>, vector<16xf32>,
        %get3A_174 = arith.index_cast %scan3A_149 : i32 to index
        %get3A_175 = arith.constant 16 : index
        %get3A_176 = tpu.vector_load %arg21[%get3A_174, %get3A_175] {strides = array<i32>} : memref<40x128xf32, #tpu.memory_space<vmem>>, vector<16xf32>,
        %mul3A_177 = arith.mulf %get3A_176, %exp3A : vector<16xf32>
        %swap3A_178 = arith.index_cast %scan3A_149 : i32 to index
        %swap3A_179 = arith.constant 16 : index
        %swap3A_180 = tpu.vector_load %arg21[%swap3A_178, %swap3A_179] {strides = array<i32>} : memref<40x128xf32, #tpu.memory_space<vmem>>, vector<16xf32>,
        tpu.vector_store %arg21[%swap3A_178, %swap3A_179], %mul3A_177 {strides = array<i32>} : memref<40x128xf32, #tpu.memory_space<vmem>>, vector<16xf32>,
        %eq3A_181 = arith.constant 0 : i32
        %eq3A_182 = vector.broadcast %eq3A_181 : i32 to vector<16xi32>
        %eq3A_183 = arith.cmpi eq, %iota3A, %eq3A_182 : vector<16xi32>
        %convert_element_type3A_184 = arith.extui %eq3A_183 : vector<16xi1> to vector<16xi32>
        %convert_element_type3A_185 = arith.sitofp %convert_element_type3A_184 : vector<16xi32> to vector<16xf32>
        %mul3A_186 = arith.mulf %exp3A, %convert_element_type3A_185 : vector<16xf32>
        %add3A_187 = arith.addf %broadcast_in_dim3A_1, %mul3A_186 : vector<16xf32>
        %get3A_188 = arith.index_cast %scan3A_149 : i32 to index
        %get3A_189 = arith.constant 32 : index
        %get3A_190 = tpu.vector_load %arg19[%get3A_188, %get3A_189] {strides = array<i32>} : memref<40x128xf32, #tpu.memory_space<vmem>>, vector<16xf32>,
        %get3A_191 = arith.index_cast %scan3A_149 : i32 to index
        %get3A_192 = arith.constant 32 : index
        %get3A_193 = tpu.vector_load %arg20[%get3A_191, %get3A_192] {strides = array<i32>} : memref<40x128xf32, #tpu.memory_space<vmem>>, vector<16xf32>,
        %mul3A_194 = arith.mulf %get3A_190, %get3A_193 : vector<16xf32>
        %get3A_195 = arith.index_cast %scan3A_149 : i32 to index
        %get3A_196 = arith.constant 48 : index
        %get3A_197 = tpu.vector_load %arg19[%get3A_195, %get3A_196] {strides = array<i32>} : memref<40x128xf32, #tpu.memory_space<vmem>>, vector<16xf32>,
        %get3A_198 = arith.index_cast %scan3A_149 : i32 to index
        %get3A_199 = arith.constant 48 : index
        %get3A_200 = tpu.vector_load %arg20[%get3A_198, %get3A_199] {strides = array<i32>} : memref<40x128xf32, #tpu.memory_space<vmem>>, vector<16xf32>,
        %mul3A_201 = arith.mulf %get3A_197, %get3A_200 : vector<16xf32>
        %add3A_202 = arith.addf %mul3A_194, %mul3A_201 : vector<16xf32>
        %reduce_sum3A_203 = arith.constant true
        %reduce_sum3A_204 = vector.broadcast %reduce_sum3A_203 : i1 to vector<16xi1>
        %reduce_sum3A_205 = tpu.scan <sum>, %add3A_202 masked %reduce_sum3A_204 : vector<16xf32>, vector<16xi1> -> vector<16xf32>
        %reduce_sum3A_206 = vector.extract %reduce_sum3A_205[15] : f32 from vector<16xf32>
        %broadcast_in_dim3A_207 = vector.broadcast %reduce_sum3A_206 : f32 to vector<16xf32>
        %exp3A_208 = math.exp %broadcast_in_dim3A_207 : vector<16xf32>
        %get3A_209 = arith.index_cast %scan3A_149 : i32 to index
        %get3A_210 = arith.constant 32 : index
        %get3A_211 = tpu.vector_load %arg21[%get3A_209, %get3A_210] {strides = array<i32>} : memref<40x128xf32, #tpu.memory_space<vmem>>, vector<16xf32>,
        %mul3A_212 = arith.mulf %get3A_211, %exp3A_208 : vector<16xf32>
        %swap3A_213 = arith.index_cast %scan3A_149 : i32 to index
        %swap3A_214 = arith.constant 32 : index
        %swap3A_215 = tpu.vector_load %arg21[%swap3A_213, %swap3A_214] {strides = array<i32>} : memref<40x128xf32, #tpu.memory_space<vmem>>, vector<16xf32>,
        tpu.vector_store %arg21[%swap3A_213, %swap3A_214], %mul3A_212 {strides = array<i32>} : memref<40x128xf32, #tpu.memory_space<vmem>>, vector<16xf32>,
        %get3A_216 = arith.index_cast %scan3A_149 : i32 to index
        %get3A_217 = arith.constant 48 : index
        %get3A_218 = tpu.vector_load %arg21[%get3A_216, %get3A_217] {strides = array<i32>} : memref<40x128xf32, #tpu.memory_space<vmem>>, vector<16xf32>,
        %mul3A_219 = arith.mulf %get3A_218, %exp3A_208 : vector<16xf32>
        %swap3A_220 = arith.index_cast %scan3A_149 : i32 to index
        %swap3A_221 = arith.constant 48 : index
        %swap3A_222 = tpu.vector_load %arg21[%swap3A_220, %swap3A_221] {strides = array<i32>} : memref<40x128xf32, #tpu.memory_space<vmem>>, vector<16xf32>,
        tpu.vector_store %arg21[%swap3A_220, %swap3A_221], %mul3A_219 {strides = array<i32>} : memref<40x128xf32, #tpu.memory_space<vmem>>, vector<16xf32>,
        %eq3A_223 = arith.constant 1 : i32
        %eq3A_224 = vector.broadcast %eq3A_223 : i32 to vector<16xi32>
        %eq3A_225 = arith.cmpi eq, %iota3A, %eq3A_224 : vector<16xi32>
        %convert_element_type3A_226 = arith.extui %eq3A_225 : vector<16xi1> to vector<16xi32>
        %convert_element_type3A_227 = arith.sitofp %convert_element_type3A_226 : vector<16xi32> to vector<16xf32>
        %mul3A_228 = arith.mulf %exp3A_208, %convert_element_type3A_227 : vector<16xf32>
        %add3A_229 = arith.addf %add3A_187, %mul3A_228 : vector<16xf32>
        %get3A_230 = arith.index_cast %scan3A_149 : i32 to index
        %get3A_231 = arith.constant 64 : index
        %get3A_232 = tpu.vector_load %arg19[%get3A_230, %get3A_231] {strides = array<i32>} : memref<40x128xf32, #tpu.memory_space<vmem>>, vector<16xf32>,
        %get3A_233 = arith.index_cast %scan3A_149 : i32 to index
        %get3A_234 = arith.constant 64 : index
        %get3A_235 = tpu.vector_load %arg20[%get3A_233, %get3A_234] {strides = array<i32>} : memref<40x128xf32, #tpu.memory_space<vmem>>, vector<16xf32>,
        %mul3A_236 = arith.mulf %get3A_232, %get3A_235 : vector<16xf32>
        %get3A_237 = arith.index_cast %scan3A_149 : i32 to index
        %get3A_238 = arith.constant 80 : index
        %get3A_239 = tpu.vector_load %arg19[%get3A_237, %get3A_238] {strides = array<i32>} : memref<40x128xf32, #tpu.memory_space<vmem>>, vector<16xf32>,
        %get3A_240 = arith.index_cast %scan3A_149 : i32 to index
        %get3A_241 = arith.constant 80 : index
        %get3A_242 = tpu.vector_load %arg20[%get3A_240, %get3A_241] {strides = array<i32>} : memref<40x128xf32, #tpu.memory_space<vmem>>, vector<16xf32>,
        %mul3A_243 = arith.mulf %get3A_239, %get3A_242 : vector<16xf32>
        %add3A_244 = arith.addf %mul3A_236, %mul3A_243 : vector<16xf32>
        %reduce_sum3A_245 = arith.constant true
        %reduce_sum3A_246 = vector.broadcast %reduce_sum3A_245 : i1 to vector<16xi1>
        %reduce_sum3A_247 = tpu.scan <sum>, %add3A_244 masked %reduce_sum3A_246 : vector<16xf32>, vector<16xi1> -> vector<16xf32>
        %reduce_sum3A_248 = vector.extract %reduce_sum3A_247[15] : f32 from vector<16xf32>
        %broadcast_in_dim3A_249 = vector.broadcast %reduce_sum3A_248 : f32 to vector<16xf32>
        %exp3A_250 = math.exp %broadcast_in_dim3A_249 : vector<16xf32>
        %get3A_251 = arith.index_cast %scan3A_149 : i32 to index
        %get3A_252 = arith.constant 64 : index
        %get3A_253 = tpu.vector_load %arg21[%get3A_251, %get3A_252] {strides = array<i32>} : memref<40x128xf32, #tpu.memory_space<vmem>>, vector<16xf32>,
        %mul3A_254 = arith.mulf %get3A_253, %exp3A_250 : vector<16xf32>
        %swap3A_255 = arith.index_cast %scan3A_149 : i32 to index
        %swap3A_256 = arith.constant 64 : index
        %swap3A_257 = tpu.vector_load %arg21[%swap3A_255, %swap3A_256] {strides = array<i32>} : memref<40x128xf32, #tpu.memory_space<vmem>>, vector<16xf32>,
        tpu.vector_store %arg21[%swap3A_255, %swap3A_256], %mul3A_254 {strides = array<i32>} : memref<40x128xf32, #tpu.memory_space<vmem>>, vector<16xf32>,
        %get3A_258 = arith.index_cast %scan3A_149 : i32 to index
        %get3A_259 = arith.constant 80 : index
        %get3A_260 = tpu.vector_load %arg21[%get3A_258, %get3A_259] {strides = array<i32>} : memref<40x128xf32, #tpu.memory_space<vmem>>, vector<16xf32>,
        %mul3A_261 = arith.mulf %get3A_260, %exp3A_250 : vector<16xf32>
        %swap3A_262 = arith.index_cast %scan3A_149 : i32 to index
        %swap3A_263 = arith.constant 80 : index
        %swap3A_264 = tpu.vector_load %arg21[%swap3A_262, %swap3A_263] {strides = array<i32>} : memref<40x128xf32, #tpu.memory_space<vmem>>, vector<16xf32>,
        tpu.vector_store %arg21[%swap3A_262, %swap3A_263], %mul3A_261 {strides = array<i32>} : memref<40x128xf32, #tpu.memory_space<vmem>>, vector<16xf32>,
        %eq3A_265 = arith.constant 2 : i32
        %eq3A_266 = vector.broadcast %eq3A_265 : i32 to vector<16xi32>
        %eq3A_267 = arith.cmpi eq, %iota3A, %eq3A_266 : vector<16xi32>
        %convert_element_type3A_268 = arith.extui %eq3A_267 : vector<16xi1> to vector<16xi32>
        %convert_element_type3A_269 = arith.sitofp %convert_element_type3A_268 : vector<16xi32> to vector<16xf32>
        %mul3A_270 = arith.mulf %exp3A_250, %convert_element_type3A_269 : vector<16xf32>
        %add3A_271 = arith.addf %add3A_229, %mul3A_270 : vector<16xf32>
        %get3A_272 = arith.index_cast %scan3A_149 : i32 to index
        %get3A_273 = arith.constant 96 : index
        %get3A_274 = tpu.vector_load %arg19[%get3A_272, %get3A_273] {strides = array<i32>} : memref<40x128xf32, #tpu.memory_space<vmem>>, vector<16xf32>,
        %get3A_275 = arith.index_cast %scan3A_149 : i32 to index
        %get3A_276 = arith.constant 96 : index
        %get3A_277 = tpu.vector_load %arg20[%get3A_275, %get3A_276] {strides = array<i32>} : memref<40x128xf32, #tpu.memory_space<vmem>>, vector<16xf32>,
        %mul3A_278 = arith.mulf %get3A_274, %get3A_277 : vector<16xf32>
        %get3A_279 = arith.index_cast %scan3A_149 : i32 to index
        %get3A_280 = arith.constant 112 : index
        %get3A_281 = tpu.vector_load %arg19[%get3A_279, %get3A_280] {strides = array<i32>} : memref<40x128xf32, #tpu.memory_space<vmem>>, vector<16xf32>,
        %get3A_282 = arith.index_cast %scan3A_149 : i32 to index
        %get3A_283 = arith.constant 112 : index
        %get3A_284 = tpu.vector_load %arg20[%get3A_282, %get3A_283] {strides = array<i32>} : memref<40x128xf32, #tpu.memory_space<vmem>>, vector<16xf32>,
        %mul3A_285 = arith.mulf %get3A_281, %get3A_284 : vector<16xf32>
        %add3A_286 = arith.addf %mul3A_278, %mul3A_285 : vector<16xf32>
        %reduce_sum3A_287 = arith.constant true
        %reduce_sum3A_288 = vector.broadcast %reduce_sum3A_287 : i1 to vector<16xi1>
        %reduce_sum3A_289 = tpu.scan <sum>, %add3A_286 masked %reduce_sum3A_288 : vector<16xf32>, vector<16xi1> -> vector<16xf32>
        %reduce_sum3A_290 = vector.extract %reduce_sum3A_289[15] : f32 from vector<16xf32>
        %broadcast_in_dim3A_291 = vector.broadcast %reduce_sum3A_290 : f32 to vector<16xf32>
        %exp3A_292 = math.exp %broadcast_in_dim3A_291 : vector<16xf32>
        %get3A_293 = arith.index_cast %scan3A_149 : i32 to index
        %get3A_294 = arith.constant 96 : index
        %get3A_295 = tpu.vector_load %arg21[%get3A_293, %get3A_294] {strides = array<i32>} : memref<40x128xf32, #tpu.memory_space<vmem>>, vector<16xf32>,
        %mul3A_296 = arith.mulf %get3A_295, %exp3A_292 : vector<16xf32>
        %swap3A_297 = arith.index_cast %scan3A_149 : i32 to index
        %swap3A_298 = arith.constant 96 : index
        %swap3A_299 = tpu.vector_load %arg21[%swap3A_297, %swap3A_298] {strides = array<i32>} : memref<40x128xf32, #tpu.memory_space<vmem>>, vector<16xf32>,
        tpu.vector_store %arg21[%swap3A_297, %swap3A_298], %mul3A_296 {strides = array<i32>} : memref<40x128xf32, #tpu.memory_space<vmem>>, vector<16xf32>,
        %get3A_300 = arith.index_cast %scan3A_149 : i32 to index
        %get3A_301 = arith.constant 112 : index
        %get3A_302 = tpu.vector_load %arg21[%get3A_300, %get3A_301] {strides = array<i32>} : memref<40x128xf32, #tpu.memory_space<vmem>>, vector<16xf32>,
        %mul3A_303 = arith.mulf %get3A_302, %exp3A_292 : vector<16xf32>
        %swap3A_304 = arith.index_cast %scan3A_149 : i32 to index
        %swap3A_305 = arith.constant 112 : index
        %swap3A_306 = tpu.vector_load %arg21[%swap3A_304, %swap3A_305] {strides = array<i32>} : memref<40x128xf32, #tpu.memory_space<vmem>>, vector<16xf32>,
        tpu.vector_store %arg21[%swap3A_304, %swap3A_305], %mul3A_303 {strides = array<i32>} : memref<40x128xf32, #tpu.memory_space<vmem>>, vector<16xf32>,
        %eq3A_307 = arith.constant 3 : i32
        %eq3A_308 = vector.broadcast %eq3A_307 : i32 to vector<16xi32>
        %eq3A_309 = arith.cmpi eq, %iota3A, %eq3A_308 : vector<16xi32>
        %convert_element_type3A_310 = arith.extui %eq3A_309 : vector<16xi1> to vector<16xi32>
        %convert_element_type3A_311 = arith.sitofp %convert_element_type3A_310 : vector<16xi32> to vector<16xf32>
        %mul3A_312 = arith.mulf %exp3A_292, %convert_element_type3A_311 : vector<16xf32>
        %add3A_313 = arith.addf %add3A_271, %mul3A_312 : vector<16xf32>
        %swap3A_314 = arith.index_cast %scan3A_149 : i32 to index
        %swap3A_315 = arith.constant 0 : index
        %swap3A_316 = tpu.vector_load %arg22[%swap3A_314, %swap3A_315] {strides = array<i32>} : memref<40x16xf32, #tpu.memory_space<vmem>>, vector<16xf32>,
        tpu.vector_store %arg22[%swap3A_314, %swap3A_315], %add3A_313 {strides = array<i32>} : memref<40x16xf32, #tpu.memory_space<vmem>>, vector<16xf32>,
      }
      %scan3A_148 = arith.constant 40 : i32
      "tpu.region"() ({
        %run_scoped3A = tpu.sem_alloc : memref<!tpu.dma_semaphore, #tpu.memory_space<semaphore_mem>>
        %dma_start3A_149 = arith.constant 0 : i32
        %dma_start3A_150 = arith.constant 0 : i32
        %dma_start3A_151 = tpu.memref_slice %arg24[%dma_start3A_149, %dma_start3A_150] : memref<10240x16xf32, #tpu.memory_space<vmem_shared>> -> memref<10240x16xf32, #tpu.memory_space<vmem_shared>>
        tpu.enqueue_indirect_dma source(%arg22 : memref<40x16xf32, #tpu.memory_space<vmem>>) target(%dma_start3A_151 : memref<10240x16xf32, #tpu.memory_space<vmem_shared>>) offsets(%arg18 : memref<40xi32, #tpu.memory_space<vmem>>) semaphore(%run_scoped3A : memref<!tpu.dma_semaphore, #tpu.memory_space<semaphore_mem>>) {add = true}
        %dma_wait3A_152 = arith.constant 0 : i32
        %dma_wait3A_153 = arith.constant 0 : i32
        %dma_wait3A_154 = tpu.memref_slice %arg24[%dma_wait3A_152, %dma_wait3A_153] : memref<10240x16xf32, #tpu.memory_space<vmem_shared>> -> memref<10240x16xf32, #tpu.memory_space<vmem_shared>>
        tpu.wait_indirect_dma semaphore(%run_scoped3A : memref<!tpu.dma_semaphore, #tpu.memory_space<semaphore_mem>>) src(%arg22 : memref<40x16xf32, #tpu.memory_space<vmem>>) dst(%dma_wait3A_154 : memref<10240x16xf32, #tpu.memory_space<vmem_shared>>)
        tpu.yield
      }) : () -> ()
      "tpu.region"() ({
        %run_scoped3A = tpu.sem_alloc : memref<!tpu.dma_semaphore, #tpu.memory_space<semaphore_mem>>
        %dma_start3A_149 = arith.constant 0 : i32
        %dma_start3A_150 = arith.constant 0 : i32
        %dma_start3A_151 = tpu.memref_slice %arg23[%dma_start3A_149, %dma_start3A_150] : memref<10240x128xf32, #tpu.memory_space<vmem_shared>> -> memref<10240x128xf32, #tpu.memory_space<vmem_shared>>
        tpu.enqueue_indirect_dma source(%arg21 : memref<40x128xf32, #tpu.memory_space<vmem>>) target(%dma_start3A_151 : memref<10240x128xf32, #tpu.memory_space<vmem_shared>>) offsets(%arg18 : memref<40xi32, #tpu.memory_space<vmem>>) semaphore(%run_scoped3A : memref<!tpu.dma_semaphore, #tpu.memory_space<semaphore_mem>>) {add = true}
        %dma_wait3A_152 = arith.constant 0 : i32
        %dma_wait3A_153 = arith.constant 0 : i32
        %dma_wait3A_154 = tpu.memref_slice %arg23[%dma_wait3A_152, %dma_wait3A_153] : memref<10240x128xf32, #tpu.memory_space<vmem_shared>> -> memref<10240x128xf32, #tpu.memory_space<vmem_shared>>
        tpu.wait_indirect_dma semaphore(%run_scoped3A : memref<!tpu.dma_semaphore, #tpu.memory_space<semaphore_mem>>) src(%arg21 : memref<40x128xf32, #tpu.memory_space<vmem>>) dst(%dma_wait3A_154 : memref<10240x128xf32, #tpu.memory_space<vmem_shared>>)
        tpu.yield
      }) : () -> ()
    }
    %scan3A_90 = arith.constant 125 : i32
    %barrier3A_91 = arith.constant 0 : index
    tpu.barrier barrier_id(%barrier3A_91)
    %eq3A = arith.constant 0 : i32
    %eq3A_92 = arith.cmpi eq, %arg0, %eq3A : i32
    %convert_element_type3A = arith.extui %eq3A_92 : i1 to i32
    %cond3A = arith.constant 0 : i32
    %cond3A_93 = arith.cmpi ne, %convert_element_type3A, %cond3A : i32
    scf.if %cond3A_93 {
      %add3A_99 = arith.constant 0 : i32
      %add3A_100 = arith.addi %mul3A_8, %add3A_99 : i32
      "tpu.region"() ({
        %run_scoped3A = tpu.sem_alloc : memref<!tpu.dma_semaphore, #tpu.memory_space<semaphore_mem>>
        %dma_start3A_131 = arith.constant 0 : i32
        %dma_start3A_132 = tpu.memref_slice %arg23[%add3A_100, %dma_start3A_131] : memref<10240x128xf32, #tpu.memory_space<vmem_shared>> -> memref<40x128xf32, #tpu.memory_space<vmem_shared>>
        %dma_start3A_133 = arith.constant 0 : i32
        %dma_start3A_134 = tpu.memref_slice %arg23[%add3A_100, %dma_start3A_133] : memref<10240x128xf32, #tpu.memory_space<vmem_shared>> -> memref<40x128xf32, #tpu.memory_space<vmem_shared>>
        tpu.enqueue_dma source(%dma_start3A_134 : memref<40x128xf32, #tpu.memory_space<vmem_shared>>) target(%arg15 : memref<40x128xf32, #tpu.memory_space<vmem>>) target_semaphore(%run_scoped3A : memref<!tpu.dma_semaphore, #tpu.memory_space<semaphore_mem>>)
        %dma_wait3A = arith.constant 0 : i32
        %dma_wait3A_135 = tpu.memref_slice %arg23[%add3A_100, %dma_wait3A] : memref<10240x128xf32, #tpu.memory_space<vmem_shared>> -> memref<40x128xf32, #tpu.memory_space<vmem_shared>>
        %dma_wait3A_136 = arith.constant 0 : i32
        %dma_wait3A_137 = tpu.memref_slice %arg23[%add3A_100, %dma_wait3A_136] : memref<10240x128xf32, #tpu.memory_space<vmem_shared>> -> memref<40x128xf32, #tpu.memory_space<vmem_shared>>
        tpu.wait_dma2 semaphore(%run_scoped3A : memref<!tpu.dma_semaphore, #tpu.memory_space<semaphore_mem>>) src(%dma_wait3A_137 : memref<40x128xf32, #tpu.memory_space<vmem_shared>>) dst(%arg15 : memref<40x128xf32, #tpu.memory_space<vmem>>)
        tpu.yield
      }) : () -> ()
      "tpu.region"() ({
        %run_scoped3A = tpu.sem_alloc : memref<!tpu.dma_semaphore, #tpu.memory_space<semaphore_mem>>
        %dma_start3A_131 = arith.constant 0 : i32
        %dma_start3A_132 = tpu.memref_slice %arg7[%add3A_100, %dma_start3A_131] : memref<10240x128xf32, #tpu.memory_space<hbm>> -> memref<40x128xf32, #tpu.memory_space<hbm>>
        %dma_start3A_133 = arith.constant 0 : i32
        %dma_start3A_134 = tpu.memref_slice %arg7[%add3A_100, %dma_start3A_133] : memref<10240x128xf32, #tpu.memory_space<hbm>> -> memref<40x128xf32, #tpu.memory_space<hbm>>
        tpu.enqueue_dma source(%arg15 : memref<40x128xf32, #tpu.memory_space<vmem>>) target(%dma_start3A_134 : memref<40x128xf32, #tpu.memory_space<hbm>>) target_semaphore(%run_scoped3A : memref<!tpu.dma_semaphore, #tpu.memory_space<semaphore_mem>>)
        %dma_wait3A = arith.constant 0 : i32
        %dma_wait3A_135 = tpu.memref_slice %arg7[%add3A_100, %dma_wait3A] : memref<10240x128xf32, #tpu.memory_space<hbm>> -> memref<40x128xf32, #tpu.memory_space<hbm>>
        %dma_wait3A_136 = arith.constant 0 : i32
        %dma_wait3A_137 = tpu.memref_slice %arg7[%add3A_100, %dma_wait3A_136] : memref<10240x128xf32, #tpu.memory_space<hbm>> -> memref<40x128xf32, #tpu.memory_space<hbm>>
        tpu.wait_dma2 semaphore(%run_scoped3A : memref<!tpu.dma_semaphore, #tpu.memory_space<semaphore_mem>>) src(%arg15 : memref<40x128xf32, #tpu.memory_space<vmem>>) dst(%dma_wait3A_137 : memref<40x128xf32, #tpu.memory_space<hbm>>)
        tpu.yield
      }) : () -> ()
      "tpu.region"() ({
        %run_scoped3A = tpu.sem_alloc : memref<!tpu.dma_semaphore, #tpu.memory_space<semaphore_mem>>
        %dma_start3A_131 = arith.constant 0 : i32
        %dma_start3A_132 = tpu.memref_slice %arg24[%add3A_100, %dma_start3A_131] : memref<10240x16xf32, #tpu.memory_space<vmem_shared>> -> memref<40x16xf32, #tpu.memory_space<vmem_shared>>
        %dma_start3A_133 = arith.constant 0 : i32
        %dma_start3A_134 = tpu.memref_slice %arg24[%add3A_100, %dma_start3A_133] : memref<10240x16xf32, #tpu.memory_space<vmem_shared>> -> memref<40x16xf32, #tpu.memory_space<vmem_shared>>
        tpu.enqueue_dma source(%dma_start3A_134 : memref<40x16xf32, #tpu.memory_space<vmem_shared>>) target(%arg16 : memref<40x16xf32, #tpu.memory_space<vmem>>) target_semaphore(%run_scoped3A : memref<!tpu.dma_semaphore, #tpu.memory_space<semaphore_mem>>)
        %dma_wait3A = arith.constant 0 : i32
        %dma_wait3A_135 = tpu.memref_slice %arg24[%add3A_100, %dma_wait3A] : memref<10240x16xf32, #tpu.memory_space<vmem_shared>> -> memref<40x16xf32, #tpu.memory_space<vmem_shared>>
        %dma_wait3A_136 = arith.constant 0 : i32
        %dma_wait3A_137 = tpu.memref_slice %arg24[%add3A_100, %dma_wait3A_136] : memref<10240x16xf32, #tpu.memory_space<vmem_shared>> -> memref<40x16xf32, #tpu.memory_space<vmem_shared>>
        tpu.wait_dma2 semaphore(%run_scoped3A : memref<!tpu.dma_semaphore, #tpu.memory_space<semaphore_mem>>) src(%dma_wait3A_137 : memref<40x16xf32, #tpu.memory_space<vmem_shared>>) dst(%arg16 : memref<40x16xf32, #tpu.memory_space<vmem>>)
        tpu.yield
      }) : () -> ()
      "tpu.region"() ({
        %run_scoped3A = tpu.sem_alloc : memref<!tpu.dma_semaphore, #tpu.memory_space<semaphore_mem>>
        %dma_start3A_131 = arith.constant 0 : i32
        %dma_start3A_132 = tpu.memref_slice %arg9[%add3A_100, %dma_start3A_131] : memref<10240x16xf32, #tpu.memory_space<hbm>> -> memref<40x16xf32, #tpu.memory_space<hbm>>
        %dma_start3A_133 = arith.constant 0 : i32
        %dma_start3A_134 = tpu.memref_slice %arg9[%add3A_100, %dma_start3A_133] : memref<10240x16xf32, #tpu.memory_space<hbm>> -> memref<40x16xf32, #tpu.memory_space<hbm>>
        tpu.enqueue_dma source(%arg16 : memref<40x16xf32, #tpu.memory_space<vmem>>) target(%dma_start3A_134 : memref<40x16xf32, #tpu.memory_space<hbm>>) target_semaphore(%run_scoped3A : memref<!tpu.dma_semaphore, #tpu.memory_space<semaphore_mem>>)
        %dma_wait3A = arith.constant 0 : i32
        %dma_wait3A_135 = tpu.memref_slice %arg9[%add3A_100, %dma_wait3A] : memref<10240x16xf32, #tpu.memory_space<hbm>> -> memref<40x16xf32, #tpu.memory_space<hbm>>
        %dma_wait3A_136 = arith.constant 0 : i32
        %dma_wait3A_137 = tpu.memref_slice %arg9[%add3A_100, %dma_wait3A_136] : memref<10240x16xf32, #tpu.memory_space<hbm>> -> memref<40x16xf32, #tpu.memory_space<hbm>>
        tpu.wait_dma2 semaphore(%run_scoped3A : memref<!tpu.dma_semaphore, #tpu.memory_space<semaphore_mem>>) src(%arg16 : memref<40x16xf32, #tpu.memory_space<vmem>>) dst(%dma_wait3A_137 : memref<40x16xf32, #tpu.memory_space<hbm>>)
        tpu.yield
      }) : () -> ()
      %add3A_101 = arith.constant 40 : i32
      %add3A_102 = arith.addi %mul3A_8, %add3A_101 : i32
      "tpu.region"() ({
        %run_scoped3A = tpu.sem_alloc : memref<!tpu.dma_semaphore, #tpu.memory_space<semaphore_mem>>
        %dma_start3A_131 = arith.constant 0 : i32
        %dma_start3A_132 = tpu.memref_slice %arg23[%add3A_102, %dma_start3A_131] : memref<10240x128xf32, #tpu.memory_space<vmem_shared>> -> memref<40x128xf32, #tpu.memory_space<vmem_shared>>
        %dma_start3A_133 = arith.constant 0 : i32
        %dma_start3A_134 = tpu.memref_slice %arg23[%add3A_102, %dma_start3A_133] : memref<10240x128xf32, #tpu.memory_space<vmem_shared>> -> memref<40x128xf32, #tpu.memory_space<vmem_shared>>
        tpu.enqueue_dma source(%dma_start3A_134 : memref<40x128xf32, #tpu.memory_space<vmem_shared>>) target(%arg15 : memref<40x128xf32, #tpu.memory_space<vmem>>) target_semaphore(%run_scoped3A : memref<!tpu.dma_semaphore, #tpu.memory_space<semaphore_mem>>)
        %dma_wait3A = arith.constant 0 : i32
        %dma_wait3A_135 = tpu.memref_slice %arg23[%add3A_102, %dma_wait3A] : memref<10240x128xf32, #tpu.memory_space<vmem_shared>> -> memref<40x128xf32, #tpu.memory_space<vmem_shared>>
        %dma_wait3A_136 = arith.constant 0 : i32
        %dma_wait3A_137 = tpu.memref_slice %arg23[%add3A_102, %dma_wait3A_136] : memref<10240x128xf32, #tpu.memory_space<vmem_shared>> -> memref<40x128xf32, #tpu.memory_space<vmem_shared>>
        tpu.wait_dma2 semaphore(%run_scoped3A : memref<!tpu.dma_semaphore, #tpu.memory_space<semaphore_mem>>) src(%dma_wait3A_137 : memref<40x128xf32, #tpu.memory_space<vmem_shared>>) dst(%arg15 : memref<40x128xf32, #tpu.memory_space<vmem>>)
        tpu.yield
      }) : () -> ()
      "tpu.region"() ({
        %run_scoped3A = tpu.sem_alloc : memref<!tpu.dma_semaphore, #tpu.memory_space<semaphore_mem>>
        %dma_start3A_131 = arith.constant 0 : i32
        %dma_start3A_132 = tpu.memref_slice %arg7[%add3A_102, %dma_start3A_131] : memref<10240x128xf32, #tpu.memory_space<hbm>> -> memref<40x128xf32, #tpu.memory_space<hbm>>
        %dma_start3A_133 = arith.constant 0 : i32
        %dma_start3A_134 = tpu.memref_slice %arg7[%add3A_102, %dma_start3A_133] : memref<10240x128xf32, #tpu.memory_space<hbm>> -> memref<40x128xf32, #tpu.memory_space<hbm>>
        tpu.enqueue_dma source(%arg15 : memref<40x128xf32, #tpu.memory_space<vmem>>) target(%dma_start3A_134 : memref<40x128xf32, #tpu.memory_space<hbm>>) target_semaphore(%run_scoped3A : memref<!tpu.dma_semaphore, #tpu.memory_space<semaphore_mem>>)
        %dma_wait3A = arith.constant 0 : i32
        %dma_wait3A_135 = tpu.memref_slice %arg7[%add3A_102, %dma_wait3A] : memref<10240x128xf32, #tpu.memory_space<hbm>> -> memref<40x128xf32, #tpu.memory_space<hbm>>
        %dma_wait3A_136 = arith.constant 0 : i32
        %dma_wait3A_137 = tpu.memref_slice %arg7[%add3A_102, %dma_wait3A_136] : memref<10240x128xf32, #tpu.memory_space<hbm>> -> memref<40x128xf32, #tpu.memory_space<hbm>>
        tpu.wait_dma2 semaphore(%run_scoped3A : memref<!tpu.dma_semaphore, #tpu.memory_space<semaphore_mem>>) src(%arg15 : memref<40x128xf32, #tpu.memory_space<vmem>>) dst(%dma_wait3A_137 : memref<40x128xf32, #tpu.memory_space<hbm>>)
        tpu.yield
      }) : () -> ()
      "tpu.region"() ({
        %run_scoped3A = tpu.sem_alloc : memref<!tpu.dma_semaphore, #tpu.memory_space<semaphore_mem>>
        %dma_start3A_131 = arith.constant 0 : i32
        %dma_start3A_132 = tpu.memref_slice %arg24[%add3A_102, %dma_start3A_131] : memref<10240x16xf32, #tpu.memory_space<vmem_shared>> -> memref<40x16xf32, #tpu.memory_space<vmem_shared>>
        %dma_start3A_133 = arith.constant 0 : i32
        %dma_start3A_134 = tpu.memref_slice %arg24[%add3A_102, %dma_start3A_133] : memref<10240x16xf32, #tpu.memory_space<vmem_shared>> -> memref<40x16xf32, #tpu.memory_space<vmem_shared>>
        tpu.enqueue_dma source(%dma_start3A_134 : memref<40x16xf32, #tpu.memory_space<vmem_shared>>) target(%arg16 : memref<40x16xf32, #tpu.memory_space<vmem>>) target_semaphore(%run_scoped3A : memref<!tpu.dma_semaphore, #tpu.memory_space<semaphore_mem>>)
        %dma_wait3A = arith.constant 0 : i32
        %dma_wait3A_135 = tpu.memref_slice %arg24[%add3A_102, %dma_wait3A] : memref<10240x16xf32, #tpu.memory_space<vmem_shared>> -> memref<40x16xf32, #tpu.memory_space<vmem_shared>>
        %dma_wait3A_136 = arith.constant 0 : i32
        %dma_wait3A_137 = tpu.memref_slice %arg24[%add3A_102, %dma_wait3A_136] : memref<10240x16xf32, #tpu.memory_space<vmem_shared>> -> memref<40x16xf32, #tpu.memory_space<vmem_shared>>
        tpu.wait_dma2 semaphore(%run_scoped3A : memref<!tpu.dma_semaphore, #tpu.memory_space<semaphore_mem>>) src(%dma_wait3A_137 : memref<40x16xf32, #tpu.memory_space<vmem_shared>>) dst(%arg16 : memref<40x16xf32, #tpu.memory_space<vmem>>)
        tpu.yield
      }) : () -> ()
      "tpu.region"() ({
        %run_scoped3A = tpu.sem_alloc : memref<!tpu.dma_semaphore, #tpu.memory_space<semaphore_mem>>
        %dma_start3A_131 = arith.constant 0 : i32
        %dma_start3A_132 = tpu.memref_slice %arg9[%add3A_102, %dma_start3A_131] : memref<10240x16xf32, #tpu.memory_space<hbm>> -> memref<40x16xf32, #tpu.memory_space<hbm>>
        %dma_start3A_133 = arith.constant 0 : i32
        %dma_start3A_134 = tpu.memref_slice %arg9[%add3A_102, %dma_start3A_133] : memref<10240x16xf32, #tpu.memory_space<hbm>> -> memref<40x16xf32, #tpu.memory_space<hbm>>
        tpu.enqueue_dma source(%arg16 : memref<40x16xf32, #tpu.memory_space<vmem>>) target(%dma_start3A_134 : memref<40x16xf32, #tpu.memory_space<hbm>>) target_semaphore(%run_scoped3A : memref<!tpu.dma_semaphore, #tpu.memory_space<semaphore_mem>>)
        %dma_wait3A = arith.constant 0 : i32
        %dma_wait3A_135 = tpu.memref_slice %arg9[%add3A_102, %dma_wait3A] : memref<10240x16xf32, #tpu.memory_space<hbm>> -> memref<40x16xf32, #tpu.memory_space<hbm>>
        %dma_wait3A_136 = arith.constant 0 : i32
        %dma_wait3A_137 = tpu.memref_slice %arg9[%add3A_102, %dma_wait3A_136] : memref<10240x16xf32, #tpu.memory_space<hbm>> -> memref<40x16xf32, #tpu.memory_space<hbm>>
        tpu.wait_dma2 semaphore(%run_scoped3A : memref<!tpu.dma_semaphore, #tpu.memory_space<semaphore_mem>>) src(%arg16 : memref<40x16xf32, #tpu.memory_space<vmem>>) dst(%dma_wait3A_137 : memref<40x16xf32, #tpu.memory_space<hbm>>)
        tpu.yield
      }) : () -> ()
      %add3A_103 = arith.constant 80 : i32
      %add3A_104 = arith.addi %mul3A_8, %add3A_103 : i32
      "tpu.region"() ({
        %run_scoped3A = tpu.sem_alloc : memref<!tpu.dma_semaphore, #tpu.memory_space<semaphore_mem>>
        %dma_start3A_131 = arith.constant 0 : i32
        %dma_start3A_132 = tpu.memref_slice %arg23[%add3A_104, %dma_start3A_131] : memref<10240x128xf32, #tpu.memory_space<vmem_shared>> -> memref<40x128xf32, #tpu.memory_space<vmem_shared>>
        %dma_start3A_133 = arith.constant 0 : i32
        %dma_start3A_134 = tpu.memref_slice %arg23[%add3A_104, %dma_start3A_133] : memref<10240x128xf32, #tpu.memory_space<vmem_shared>> -> memref<40x128xf32, #tpu.memory_space<vmem_shared>>
        tpu.enqueue_dma source(%dma_start3A_134 : memref<40x128xf32, #tpu.memory_space<vmem_shared>>) target(%arg15 : memref<40x128xf32, #tpu.memory_space<vmem>>) target_semaphore(%run_scoped3A : memref<!tpu.dma_semaphore, #tpu.memory_space<semaphore_mem>>)
        %dma_wait3A = arith.constant 0 : i32
        %dma_wait3A_135 = tpu.memref_slice %arg23[%add3A_104, %dma_wait3A] : memref<10240x128xf32, #tpu.memory_space<vmem_shared>> -> memref<40x128xf32, #tpu.memory_space<vmem_shared>>
        %dma_wait3A_136 = arith.constant 0 : i32
        %dma_wait3A_137 = tpu.memref_slice %arg23[%add3A_104, %dma_wait3A_136] : memref<10240x128xf32, #tpu.memory_space<vmem_shared>> -> memref<40x128xf32, #tpu.memory_space<vmem_shared>>
        tpu.wait_dma2 semaphore(%run_scoped3A : memref<!tpu.dma_semaphore, #tpu.memory_space<semaphore_mem>>) src(%dma_wait3A_137 : memref<40x128xf32, #tpu.memory_space<vmem_shared>>) dst(%arg15 : memref<40x128xf32, #tpu.memory_space<vmem>>)
        tpu.yield
      }) : () -> ()
      "tpu.region"() ({
        %run_scoped3A = tpu.sem_alloc : memref<!tpu.dma_semaphore, #tpu.memory_space<semaphore_mem>>
        %dma_start3A_131 = arith.constant 0 : i32
        %dma_start3A_132 = tpu.memref_slice %arg7[%add3A_104, %dma_start3A_131] : memref<10240x128xf32, #tpu.memory_space<hbm>> -> memref<40x128xf32, #tpu.memory_space<hbm>>
        %dma_start3A_133 = arith.constant 0 : i32
        %dma_start3A_134 = tpu.memref_slice %arg7[%add3A_104, %dma_start3A_133] : memref<10240x128xf32, #tpu.memory_space<hbm>> -> memref<40x128xf32, #tpu.memory_space<hbm>>
        tpu.enqueue_dma source(%arg15 : memref<40x128xf32, #tpu.memory_space<vmem>>) target(%dma_start3A_134 : memref<40x128xf32, #tpu.memory_space<hbm>>) target_semaphore(%run_scoped3A : memref<!tpu.dma_semaphore, #tpu.memory_space<semaphore_mem>>)
        %dma_wait3A = arith.constant 0 : i32
        %dma_wait3A_135 = tpu.memref_slice %arg7[%add3A_104, %dma_wait3A] : memref<10240x128xf32, #tpu.memory_space<hbm>> -> memref<40x128xf32, #tpu.memory_space<hbm>>
        %dma_wait3A_136 = arith.constant 0 : i32
        %dma_wait3A_137 = tpu.memref_slice %arg7[%add3A_104, %dma_wait3A_136] : memref<10240x128xf32, #tpu.memory_space<hbm>> -> memref<40x128xf32, #tpu.memory_space<hbm>>
        tpu.wait_dma2 semaphore(%run_scoped3A : memref<!tpu.dma_semaphore, #tpu.memory_space<semaphore_mem>>) src(%arg15 : memref<40x128xf32, #tpu.memory_space<vmem>>) dst(%dma_wait3A_137 : memref<40x128xf32, #tpu.memory_space<hbm>>)
        tpu.yield
      }) : () -> ()
      "tpu.region"() ({
        %run_scoped3A = tpu.sem_alloc : memref<!tpu.dma_semaphore, #tpu.memory_space<semaphore_mem>>
        %dma_start3A_131 = arith.constant 0 : i32
        %dma_start3A_132 = tpu.memref_slice %arg24[%add3A_104, %dma_start3A_131] : memref<10240x16xf32, #tpu.memory_space<vmem_shared>> -> memref<40x16xf32, #tpu.memory_space<vmem_shared>>
        %dma_start3A_133 = arith.constant 0 : i32
        %dma_start3A_134 = tpu.memref_slice %arg24[%add3A_104, %dma_start3A_133] : memref<10240x16xf32, #tpu.memory_space<vmem_shared>> -> memref<40x16xf32, #tpu.memory_space<vmem_shared>>
        tpu.enqueue_dma source(%dma_start3A_134 : memref<40x16xf32, #tpu.memory_space<vmem_shared>>) target(%arg16 : memref<40x16xf32, #tpu.memory_space<vmem>>) target_semaphore(%run_scoped3A : memref<!tpu.dma_semaphore, #tpu.memory_space<semaphore_mem>>)
        %dma_wait3A = arith.constant 0 : i32
        %dma_wait3A_135 = tpu.memref_slice %arg24[%add3A_104, %dma_wait3A] : memref<10240x16xf32, #tpu.memory_space<vmem_shared>> -> memref<40x16xf32, #tpu.memory_space<vmem_shared>>
        %dma_wait3A_136 = arith.constant 0 : i32
        %dma_wait3A_137 = tpu.memref_slice %arg24[%add3A_104, %dma_wait3A_136] : memref<10240x16xf32, #tpu.memory_space<vmem_shared>> -> memref<40x16xf32, #tpu.memory_space<vmem_shared>>
        tpu.wait_dma2 semaphore(%run_scoped3A : memref<!tpu.dma_semaphore, #tpu.memory_space<semaphore_mem>>) src(%dma_wait3A_137 : memref<40x16xf32, #tpu.memory_space<vmem_shared>>) dst(%arg16 : memref<40x16xf32, #tpu.memory_space<vmem>>)
        tpu.yield
      }) : () -> ()
      "tpu.region"() ({
        %run_scoped3A = tpu.sem_alloc : memref<!tpu.dma_semaphore, #tpu.memory_space<semaphore_mem>>
        %dma_start3A_131 = arith.constant 0 : i32
        %dma_start3A_132 = tpu.memref_slice %arg9[%add3A_104, %dma_start3A_131] : memref<10240x16xf32, #tpu.memory_space<hbm>> -> memref<40x16xf32, #tpu.memory_space<hbm>>
        %dma_start3A_133 = arith.constant 0 : i32
        %dma_start3A_134 = tpu.memref_slice %arg9[%add3A_104, %dma_start3A_133] : memref<10240x16xf32, #tpu.memory_space<hbm>> -> memref<40x16xf32, #tpu.memory_space<hbm>>
        tpu.enqueue_dma source(%arg16 : memref<40x16xf32, #tpu.memory_space<vmem>>) target(%dma_start3A_134 : memref<40x16xf32, #tpu.memory_space<hbm>>) target_semaphore(%run_scoped3A : memref<!tpu.dma_semaphore, #tpu.memory_space<semaphore_mem>>)
        %dma_wait3A = arith.constant 0 : i32
        %dma_wait3A_135 = tpu.memref_slice %arg9[%add3A_104, %dma_wait3A] : memref<10240x16xf32, #tpu.memory_space<hbm>> -> memref<40x16xf32, #tpu.memory_space<hbm>>
        %dma_wait3A_136 = arith.constant 0 : i32
        %dma_wait3A_137 = tpu.memref_slice %arg9[%add3A_104, %dma_wait3A_136] : memref<10240x16xf32, #tpu.memory_space<hbm>> -> memref<40x16xf32, #tpu.memory_space<hbm>>
        tpu.wait_dma2 semaphore(%run_scoped3A : memref<!tpu.dma_semaphore, #tpu.memory_space<semaphore_mem>>) src(%arg16 : memref<40x16xf32, #tpu.memory_space<vmem>>) dst(%dma_wait3A_137 : memref<40x16xf32, #tpu.memory_space<hbm>>)
        tpu.yield
      }) : () -> ()
      %add3A_105 = arith.constant 120 : i32
      %add3A_106 = arith.addi %mul3A_8, %add3A_105 : i32
      "tpu.region"() ({
        %run_scoped3A = tpu.sem_alloc : memref<!tpu.dma_semaphore, #tpu.memory_space<semaphore_mem>>
        %dma_start3A_131 = arith.constant 0 : i32
        %dma_start3A_132 = tpu.memref_slice %arg23[%add3A_106, %dma_start3A_131] : memref<10240x128xf32, #tpu.memory_space<vmem_shared>> -> memref<40x128xf32, #tpu.memory_space<vmem_shared>>
        %dma_start3A_133 = arith.constant 0 : i32
        %dma_start3A_134 = tpu.memref_slice %arg23[%add3A_106, %dma_start3A_133] : memref<10240x128xf32, #tpu.memory_space<vmem_shared>> -> memref<40x128xf32, #tpu.memory_space<vmem_shared>>
        tpu.enqueue_dma source(%dma_start3A_134 : memref<40x128xf32, #tpu.memory_space<vmem_shared>>) target(%arg15 : memref<40x128xf32, #tpu.memory_space<vmem>>) target_semaphore(%run_scoped3A : memref<!tpu.dma_semaphore, #tpu.memory_space<semaphore_mem>>)
        %dma_wait3A = arith.constant 0 : i32
        %dma_wait3A_135 = tpu.memref_slice %arg23[%add3A_106, %dma_wait3A] : memref<10240x128xf32, #tpu.memory_space<vmem_shared>> -> memref<40x128xf32, #tpu.memory_space<vmem_shared>>
        %dma_wait3A_136 = arith.constant 0 : i32
        %dma_wait3A_137 = tpu.memref_slice %arg23[%add3A_106, %dma_wait3A_136] : memref<10240x128xf32, #tpu.memory_space<vmem_shared>> -> memref<40x128xf32, #tpu.memory_space<vmem_shared>>
        tpu.wait_dma2 semaphore(%run_scoped3A : memref<!tpu.dma_semaphore, #tpu.memory_space<semaphore_mem>>) src(%dma_wait3A_137 : memref<40x128xf32, #tpu.memory_space<vmem_shared>>) dst(%arg15 : memref<40x128xf32, #tpu.memory_space<vmem>>)
        tpu.yield
      }) : () -> ()
      "tpu.region"() ({
        %run_scoped3A = tpu.sem_alloc : memref<!tpu.dma_semaphore, #tpu.memory_space<semaphore_mem>>
        %dma_start3A_131 = arith.constant 0 : i32
        %dma_start3A_132 = tpu.memref_slice %arg7[%add3A_106, %dma_start3A_131] : memref<10240x128xf32, #tpu.memory_space<hbm>> -> memref<40x128xf32, #tpu.memory_space<hbm>>
        %dma_start3A_133 = arith.constant 0 : i32
        %dma_start3A_134 = tpu.memref_slice %arg7[%add3A_106, %dma_start3A_133] : memref<10240x128xf32, #tpu.memory_space<hbm>> -> memref<40x128xf32, #tpu.memory_space<hbm>>
        tpu.enqueue_dma source(%arg15 : memref<40x128xf32, #tpu.memory_space<vmem>>) target(%dma_start3A_134 : memref<40x128xf32, #tpu.memory_space<hbm>>) target_semaphore(%run_scoped3A : memref<!tpu.dma_semaphore, #tpu.memory_space<semaphore_mem>>)
        %dma_wait3A = arith.constant 0 : i32
        %dma_wait3A_135 = tpu.memref_slice %arg7[%add3A_106, %dma_wait3A] : memref<10240x128xf32, #tpu.memory_space<hbm>> -> memref<40x128xf32, #tpu.memory_space<hbm>>
        %dma_wait3A_136 = arith.constant 0 : i32
        %dma_wait3A_137 = tpu.memref_slice %arg7[%add3A_106, %dma_wait3A_136] : memref<10240x128xf32, #tpu.memory_space<hbm>> -> memref<40x128xf32, #tpu.memory_space<hbm>>
        tpu.wait_dma2 semaphore(%run_scoped3A : memref<!tpu.dma_semaphore, #tpu.memory_space<semaphore_mem>>) src(%arg15 : memref<40x128xf32, #tpu.memory_space<vmem>>) dst(%dma_wait3A_137 : memref<40x128xf32, #tpu.memory_space<hbm>>)
        tpu.yield
      }) : () -> ()
      "tpu.region"() ({
        %run_scoped3A = tpu.sem_alloc : memref<!tpu.dma_semaphore, #tpu.memory_space<semaphore_mem>>
        %dma_start3A_131 = arith.constant 0 : i32
        %dma_start3A_132 = tpu.memref_slice %arg24[%add3A_106, %dma_start3A_131] : memref<10240x16xf32, #tpu.memory_space<vmem_shared>> -> memref<40x16xf32, #tpu.memory_space<vmem_shared>>
        %dma_start3A_133 = arith.constant 0 : i32
        %dma_start3A_134 = tpu.memref_slice %arg24[%add3A_106, %dma_start3A_133] : memref<10240x16xf32, #tpu.memory_space<vmem_shared>> -> memref<40x16xf32, #tpu.memory_space<vmem_shared>>
        tpu.enqueue_dma source(%dma_start3A_134 : memref<40x16xf32, #tpu.memory_space<vmem_shared>>) target(%arg16 : memref<40x16xf32, #tpu.memory_space<vmem>>) target_semaphore(%run_scoped3A : memref<!tpu.dma_semaphore, #tpu.memory_space<semaphore_mem>>)
        %dma_wait3A = arith.constant 0 : i32
        %dma_wait3A_135 = tpu.memref_slice %arg24[%add3A_106, %dma_wait3A] : memref<10240x16xf32, #tpu.memory_space<vmem_shared>> -> memref<40x16xf32, #tpu.memory_space<vmem_shared>>
        %dma_wait3A_136 = arith.constant 0 : i32
        %dma_wait3A_137 = tpu.memref_slice %arg24[%add3A_106, %dma_wait3A_136] : memref<10240x16xf32, #tpu.memory_space<vmem_shared>> -> memref<40x16xf32, #tpu.memory_space<vmem_shared>>
        tpu.wait_dma2 semaphore(%run_scoped3A : memref<!tpu.dma_semaphore, #tpu.memory_space<semaphore_mem>>) src(%dma_wait3A_137 : memref<40x16xf32, #tpu.memory_space<vmem_shared>>) dst(%arg16 : memref<40x16xf32, #tpu.memory_space<vmem>>)
        tpu.yield
      }) : () -> ()
      "tpu.region"() ({
        %run_scoped3A = tpu.sem_alloc : memref<!tpu.dma_semaphore, #tpu.memory_space<semaphore_mem>>
        %dma_start3A_131 = arith.constant 0 : i32
        %dma_start3A_132 = tpu.memref_slice %arg9[%add3A_106, %dma_start3A_131] : memref<10240x16xf32, #tpu.memory_space<hbm>> -> memref<40x16xf32, #tpu.memory_space<hbm>>
        %dma_start3A_133 = arith.constant 0 : i32
        %dma_start3A_134 = tpu.memref_slice %arg9[%add3A_106, %dma_start3A_133] : memref<10240x16xf32, #tpu.memory_space<hbm>> -> memref<40x16xf32, #tpu.memory_space<hbm>>
        tpu.enqueue_dma source(%arg16 : memref<40x16xf32, #tpu.memory_space<vmem>>) target(%dma_start3A_134 : memref<40x16xf32, #tpu.memory_space<hbm>>) target_semaphore(%run_scoped3A : memref<!tpu.dma_semaphore, #tpu.memory_space<semaphore_mem>>)
        %dma_wait3A = arith.constant 0 : i32
        %dma_wait3A_135 = tpu.memref_slice %arg9[%add3A_106, %dma_wait3A] : memref<10240x16xf32, #tpu.memory_space<hbm>> -> memref<40x16xf32, #tpu.memory_space<hbm>>
        %dma_wait3A_136 = arith.constant 0 : i32
        %dma_wait3A_137 = tpu.memref_slice %arg9[%add3A_106, %dma_wait3A_136] : memref<10240x16xf32, #tpu.memory_space<hbm>> -> memref<40x16xf32, #tpu.memory_space<hbm>>
        tpu.wait_dma2 semaphore(%run_scoped3A : memref<!tpu.dma_semaphore, #tpu.memory_space<semaphore_mem>>) src(%arg16 : memref<40x16xf32, #tpu.memory_space<vmem>>) dst(%dma_wait3A_137 : memref<40x16xf32, #tpu.memory_space<hbm>>)
        tpu.yield
      }) : () -> ()
      %add3A_107 = arith.constant 160 : i32
      %add3A_108 = arith.addi %mul3A_8, %add3A_107 : i32
      "tpu.region"() ({
        %run_scoped3A = tpu.sem_alloc : memref<!tpu.dma_semaphore, #tpu.memory_space<semaphore_mem>>
        %dma_start3A_131 = arith.constant 0 : i32
        %dma_start3A_132 = tpu.memref_slice %arg23[%add3A_108, %dma_start3A_131] : memref<10240x128xf32, #tpu.memory_space<vmem_shared>> -> memref<40x128xf32, #tpu.memory_space<vmem_shared>>
        %dma_start3A_133 = arith.constant 0 : i32
        %dma_start3A_134 = tpu.memref_slice %arg23[%add3A_108, %dma_start3A_133] : memref<10240x128xf32, #tpu.memory_space<vmem_shared>> -> memref<40x128xf32, #tpu.memory_space<vmem_shared>>
        tpu.enqueue_dma source(%dma_start3A_134 : memref<40x128xf32, #tpu.memory_space<vmem_shared>>) target(%arg15 : memref<40x128xf32, #tpu.memory_space<vmem>>) target_semaphore(%run_scoped3A : memref<!tpu.dma_semaphore, #tpu.memory_space<semaphore_mem>>)
        %dma_wait3A = arith.constant 0 : i32
        %dma_wait3A_135 = tpu.memref_slice %arg23[%add3A_108, %dma_wait3A] : memref<10240x128xf32, #tpu.memory_space<vmem_shared>> -> memref<40x128xf32, #tpu.memory_space<vmem_shared>>
        %dma_wait3A_136 = arith.constant 0 : i32
        %dma_wait3A_137 = tpu.memref_slice %arg23[%add3A_108, %dma_wait3A_136] : memref<10240x128xf32, #tpu.memory_space<vmem_shared>> -> memref<40x128xf32, #tpu.memory_space<vmem_shared>>
        tpu.wait_dma2 semaphore(%run_scoped3A : memref<!tpu.dma_semaphore, #tpu.memory_space<semaphore_mem>>) src(%dma_wait3A_137 : memref<40x128xf32, #tpu.memory_space<vmem_shared>>) dst(%arg15 : memref<40x128xf32, #tpu.memory_space<vmem>>)
        tpu.yield
      }) : () -> ()
      "tpu.region"() ({
        %run_scoped3A = tpu.sem_alloc : memref<!tpu.dma_semaphore, #tpu.memory_space<semaphore_mem>>
        %dma_start3A_131 = arith.constant 0 : i32
        %dma_start3A_132 = tpu.memref_slice %arg7[%add3A_108, %dma_start3A_131] : memref<10240x128xf32, #tpu.memory_space<hbm>> -> memref<40x128xf32, #tpu.memory_space<hbm>>
        %dma_start3A_133 = arith.constant 0 : i32
        %dma_start3A_134 = tpu.memref_slice %arg7[%add3A_108, %dma_start3A_133] : memref<10240x128xf32, #tpu.memory_space<hbm>> -> memref<40x128xf32, #tpu.memory_space<hbm>>
        tpu.enqueue_dma source(%arg15 : memref<40x128xf32, #tpu.memory_space<vmem>>) target(%dma_start3A_134 : memref<40x128xf32, #tpu.memory_space<hbm>>) target_semaphore(%run_scoped3A : memref<!tpu.dma_semaphore, #tpu.memory_space<semaphore_mem>>)
        %dma_wait3A = arith.constant 0 : i32
        %dma_wait3A_135 = tpu.memref_slice %arg7[%add3A_108, %dma_wait3A] : memref<10240x128xf32, #tpu.memory_space<hbm>> -> memref<40x128xf32, #tpu.memory_space<hbm>>
        %dma_wait3A_136 = arith.constant 0 : i32
        %dma_wait3A_137 = tpu.memref_slice %arg7[%add3A_108, %dma_wait3A_136] : memref<10240x128xf32, #tpu.memory_space<hbm>> -> memref<40x128xf32, #tpu.memory_space<hbm>>
        tpu.wait_dma2 semaphore(%run_scoped3A : memref<!tpu.dma_semaphore, #tpu.memory_space<semaphore_mem>>) src(%arg15 : memref<40x128xf32, #tpu.memory_space<vmem>>) dst(%dma_wait3A_137 : memref<40x128xf32, #tpu.memory_space<hbm>>)
        tpu.yield
      }) : () -> ()
      "tpu.region"() ({
        %run_scoped3A = tpu.sem_alloc : memref<!tpu.dma_semaphore, #tpu.memory_space<semaphore_mem>>
        %dma_start3A_131 = arith.constant 0 : i32
        %dma_start3A_132 = tpu.memref_slice %arg24[%add3A_108, %dma_start3A_131] : memref<10240x16xf32, #tpu.memory_space<vmem_shared>> -> memref<40x16xf32, #tpu.memory_space<vmem_shared>>
        %dma_start3A_133 = arith.constant 0 : i32
        %dma_start3A_134 = tpu.memref_slice %arg24[%add3A_108, %dma_start3A_133] : memref<10240x16xf32, #tpu.memory_space<vmem_shared>> -> memref<40x16xf32, #tpu.memory_space<vmem_shared>>
        tpu.enqueue_dma source(%dma_start3A_134 : memref<40x16xf32, #tpu.memory_space<vmem_shared>>) target(%arg16 : memref<40x16xf32, #tpu.memory_space<vmem>>) target_semaphore(%run_scoped3A : memref<!tpu.dma_semaphore, #tpu.memory_space<semaphore_mem>>)
        %dma_wait3A = arith.constant 0 : i32
        %dma_wait3A_135 = tpu.memref_slice %arg24[%add3A_108, %dma_wait3A] : memref<10240x16xf32, #tpu.memory_space<vmem_shared>> -> memref<40x16xf32, #tpu.memory_space<vmem_shared>>
        %dma_wait3A_136 = arith.constant 0 : i32
        %dma_wait3A_137 = tpu.memref_slice %arg24[%add3A_108, %dma_wait3A_136] : memref<10240x16xf32, #tpu.memory_space<vmem_shared>> -> memref<40x16xf32, #tpu.memory_space<vmem_shared>>
        tpu.wait_dma2 semaphore(%run_scoped3A : memref<!tpu.dma_semaphore, #tpu.memory_space<semaphore_mem>>) src(%dma_wait3A_137 : memref<40x16xf32, #tpu.memory_space<vmem_shared>>) dst(%arg16 : memref<40x16xf32, #tpu.memory_space<vmem>>)
        tpu.yield
      }) : () -> ()
      "tpu.region"() ({
        %run_scoped3A = tpu.sem_alloc : memref<!tpu.dma_semaphore, #tpu.memory_space<semaphore_mem>>
        %dma_start3A_131 = arith.constant 0 : i32
        %dma_start3A_132 = tpu.memref_slice %arg9[%add3A_108, %dma_start3A_131] : memref<10240x16xf32, #tpu.memory_space<hbm>> -> memref<40x16xf32, #tpu.memory_space<hbm>>
        %dma_start3A_133 = arith.constant 0 : i32
        %dma_start3A_134 = tpu.memref_slice %arg9[%add3A_108, %dma_start3A_133] : memref<10240x16xf32, #tpu.memory_space<hbm>> -> memref<40x16xf32, #tpu.memory_space<hbm>>
        tpu.enqueue_dma source(%arg16 : memref<40x16xf32, #tpu.memory_space<vmem>>) target(%dma_start3A_134 : memref<40x16xf32, #tpu.memory_space<hbm>>) target_semaphore(%run_scoped3A : memref<!tpu.dma_semaphore, #tpu.memory_space<semaphore_mem>>)
        %dma_wait3A = arith.constant 0 : i32
        %dma_wait3A_135 = tpu.memref_slice %arg9[%add3A_108, %dma_wait3A] : memref<10240x16xf32, #tpu.memory_space<hbm>> -> memref<40x16xf32, #tpu.memory_space<hbm>>
        %dma_wait3A_136 = arith.constant 0 : i32
        %dma_wait3A_137 = tpu.memref_slice %arg9[%add3A_108, %dma_wait3A_136] : memref<10240x16xf32, #tpu.memory_space<hbm>> -> memref<40x16xf32, #tpu.memory_space<hbm>>
        tpu.wait_dma2 semaphore(%run_scoped3A : memref<!tpu.dma_semaphore, #tpu.memory_space<semaphore_mem>>) src(%arg16 : memref<40x16xf32, #tpu.memory_space<vmem>>) dst(%dma_wait3A_137 : memref<40x16xf32, #tpu.memory_space<hbm>>)
        tpu.yield
      }) : () -> ()
      %add3A_109 = arith.constant 200 : i32
      %add3A_110 = arith.addi %mul3A_8, %add3A_109 : i32
      "tpu.region"() ({
        %run_scoped3A = tpu.sem_alloc : memref<!tpu.dma_semaphore, #tpu.memory_space<semaphore_mem>>
        %dma_start3A_131 = arith.constant 0 : i32
        %dma_start3A_132 = tpu.memref_slice %arg23[%add3A_110, %dma_start3A_131] : memref<10240x128xf32, #tpu.memory_space<vmem_shared>> -> memref<40x128xf32, #tpu.memory_space<vmem_shared>>
        %dma_start3A_133 = arith.constant 0 : i32
        %dma_start3A_134 = tpu.memref_slice %arg23[%add3A_110, %dma_start3A_133] : memref<10240x128xf32, #tpu.memory_space<vmem_shared>> -> memref<40x128xf32, #tpu.memory_space<vmem_shared>>
        tpu.enqueue_dma source(%dma_start3A_134 : memref<40x128xf32, #tpu.memory_space<vmem_shared>>) target(%arg15 : memref<40x128xf32, #tpu.memory_space<vmem>>) target_semaphore(%run_scoped3A : memref<!tpu.dma_semaphore, #tpu.memory_space<semaphore_mem>>)
        %dma_wait3A = arith.constant 0 : i32
        %dma_wait3A_135 = tpu.memref_slice %arg23[%add3A_110, %dma_wait3A] : memref<10240x128xf32, #tpu.memory_space<vmem_shared>> -> memref<40x128xf32, #tpu.memory_space<vmem_shared>>
        %dma_wait3A_136 = arith.constant 0 : i32
        %dma_wait3A_137 = tpu.memref_slice %arg23[%add3A_110, %dma_wait3A_136] : memref<10240x128xf32, #tpu.memory_space<vmem_shared>> -> memref<40x128xf32, #tpu.memory_space<vmem_shared>>
        tpu.wait_dma2 semaphore(%run_scoped3A : memref<!tpu.dma_semaphore, #tpu.memory_space<semaphore_mem>>) src(%dma_wait3A_137 : memref<40x128xf32, #tpu.memory_space<vmem_shared>>) dst(%arg15 : memref<40x128xf32, #tpu.memory_space<vmem>>)
        tpu.yield
      }) : () -> ()
      "tpu.region"() ({
        %run_scoped3A = tpu.sem_alloc : memref<!tpu.dma_semaphore, #tpu.memory_space<semaphore_mem>>
        %dma_start3A_131 = arith.constant 0 : i32
        %dma_start3A_132 = tpu.memref_slice %arg7[%add3A_110, %dma_start3A_131] : memref<10240x128xf32, #tpu.memory_space<hbm>> -> memref<40x128xf32, #tpu.memory_space<hbm>>
        %dma_start3A_133 = arith.constant 0 : i32
        %dma_start3A_134 = tpu.memref_slice %arg7[%add3A_110, %dma_start3A_133] : memref<10240x128xf32, #tpu.memory_space<hbm>> -> memref<40x128xf32, #tpu.memory_space<hbm>>
        tpu.enqueue_dma source(%arg15 : memref<40x128xf32, #tpu.memory_space<vmem>>) target(%dma_start3A_134 : memref<40x128xf32, #tpu.memory_space<hbm>>) target_semaphore(%run_scoped3A : memref<!tpu.dma_semaphore, #tpu.memory_space<semaphore_mem>>)
        %dma_wait3A = arith.constant 0 : i32
        %dma_wait3A_135 = tpu.memref_slice %arg7[%add3A_110, %dma_wait3A] : memref<10240x128xf32, #tpu.memory_space<hbm>> -> memref<40x128xf32, #tpu.memory_space<hbm>>
        %dma_wait3A_136 = arith.constant 0 : i32
        %dma_wait3A_137 = tpu.memref_slice %arg7[%add3A_110, %dma_wait3A_136] : memref<10240x128xf32, #tpu.memory_space<hbm>> -> memref<40x128xf32, #tpu.memory_space<hbm>>
        tpu.wait_dma2 semaphore(%run_scoped3A : memref<!tpu.dma_semaphore, #tpu.memory_space<semaphore_mem>>) src(%arg15 : memref<40x128xf32, #tpu.memory_space<vmem>>) dst(%dma_wait3A_137 : memref<40x128xf32, #tpu.memory_space<hbm>>)
        tpu.yield
      }) : () -> ()
      "tpu.region"() ({
        %run_scoped3A = tpu.sem_alloc : memref<!tpu.dma_semaphore, #tpu.memory_space<semaphore_mem>>
        %dma_start3A_131 = arith.constant 0 : i32
        %dma_start3A_132 = tpu.memref_slice %arg24[%add3A_110, %dma_start3A_131] : memref<10240x16xf32, #tpu.memory_space<vmem_shared>> -> memref<40x16xf32, #tpu.memory_space<vmem_shared>>
        %dma_start3A_133 = arith.constant 0 : i32
        %dma_start3A_134 = tpu.memref_slice %arg24[%add3A_110, %dma_start3A_133] : memref<10240x16xf32, #tpu.memory_space<vmem_shared>> -> memref<40x16xf32, #tpu.memory_space<vmem_shared>>
        tpu.enqueue_dma source(%dma_start3A_134 : memref<40x16xf32, #tpu.memory_space<vmem_shared>>) target(%arg16 : memref<40x16xf32, #tpu.memory_space<vmem>>) target_semaphore(%run_scoped3A : memref<!tpu.dma_semaphore, #tpu.memory_space<semaphore_mem>>)
        %dma_wait3A = arith.constant 0 : i32
        %dma_wait3A_135 = tpu.memref_slice %arg24[%add3A_110, %dma_wait3A] : memref<10240x16xf32, #tpu.memory_space<vmem_shared>> -> memref<40x16xf32, #tpu.memory_space<vmem_shared>>
        %dma_wait3A_136 = arith.constant 0 : i32
        %dma_wait3A_137 = tpu.memref_slice %arg24[%add3A_110, %dma_wait3A_136] : memref<10240x16xf32, #tpu.memory_space<vmem_shared>> -> memref<40x16xf32, #tpu.memory_space<vmem_shared>>
        tpu.wait_dma2 semaphore(%run_scoped3A : memref<!tpu.dma_semaphore, #tpu.memory_space<semaphore_mem>>) src(%dma_wait3A_137 : memref<40x16xf32, #tpu.memory_space<vmem_shared>>) dst(%arg16 : memref<40x16xf32, #tpu.memory_space<vmem>>)
        tpu.yield
      }) : () -> ()
      "tpu.region"() ({
        %run_scoped3A = tpu.sem_alloc : memref<!tpu.dma_semaphore, #tpu.memory_space<semaphore_mem>>
        %dma_start3A_131 = arith.constant 0 : i32
        %dma_start3A_132 = tpu.memref_slice %arg9[%add3A_110, %dma_start3A_131] : memref<10240x16xf32, #tpu.memory_space<hbm>> -> memref<40x16xf32, #tpu.memory_space<hbm>>
        %dma_start3A_133 = arith.constant 0 : i32
        %dma_start3A_134 = tpu.memref_slice %arg9[%add3A_110, %dma_start3A_133] : memref<10240x16xf32, #tpu.memory_space<hbm>> -> memref<40x16xf32, #tpu.memory_space<hbm>>
        tpu.enqueue_dma source(%arg16 : memref<40x16xf32, #tpu.memory_space<vmem>>) target(%dma_start3A_134 : memref<40x16xf32, #tpu.memory_space<hbm>>) target_semaphore(%run_scoped3A : memref<!tpu.dma_semaphore, #tpu.memory_space<semaphore_mem>>)
        %dma_wait3A = arith.constant 0 : i32
        %dma_wait3A_135 = tpu.memref_slice %arg9[%add3A_110, %dma_wait3A] : memref<10240x16xf32, #tpu.memory_space<hbm>> -> memref<40x16xf32, #tpu.memory_space<hbm>>
        %dma_wait3A_136 = arith.constant 0 : i32
        %dma_wait3A_137 = tpu.memref_slice %arg9[%add3A_110, %dma_wait3A_136] : memref<10240x16xf32, #tpu.memory_space<hbm>> -> memref<40x16xf32, #tpu.memory_space<hbm>>
        tpu.wait_dma2 semaphore(%run_scoped3A : memref<!tpu.dma_semaphore, #tpu.memory_space<semaphore_mem>>) src(%arg16 : memref<40x16xf32, #tpu.memory_space<vmem>>) dst(%dma_wait3A_137 : memref<40x16xf32, #tpu.memory_space<hbm>>)
        tpu.yield
      }) : () -> ()
      %add3A_111 = arith.constant 240 : i32
      %add3A_112 = arith.addi %mul3A_8, %add3A_111 : i32
      "tpu.region"() ({
        %run_scoped3A = tpu.sem_alloc : memref<!tpu.dma_semaphore, #tpu.memory_space<semaphore_mem>>
        %dma_start3A_131 = arith.constant 0 : i32
        %dma_start3A_132 = tpu.memref_slice %arg23[%add3A_112, %dma_start3A_131] : memref<10240x128xf32, #tpu.memory_space<vmem_shared>> -> memref<40x128xf32, #tpu.memory_space<vmem_shared>>
        %dma_start3A_133 = arith.constant 0 : i32
        %dma_start3A_134 = tpu.memref_slice %arg23[%add3A_112, %dma_start3A_133] : memref<10240x128xf32, #tpu.memory_space<vmem_shared>> -> memref<40x128xf32, #tpu.memory_space<vmem_shared>>
        tpu.enqueue_dma source(%dma_start3A_134 : memref<40x128xf32, #tpu.memory_space<vmem_shared>>) target(%arg15 : memref<40x128xf32, #tpu.memory_space<vmem>>) target_semaphore(%run_scoped3A : memref<!tpu.dma_semaphore, #tpu.memory_space<semaphore_mem>>)
        %dma_wait3A = arith.constant 0 : i32
        %dma_wait3A_135 = tpu.memref_slice %arg23[%add3A_112, %dma_wait3A] : memref<10240x128xf32, #tpu.memory_space<vmem_shared>> -> memref<40x128xf32, #tpu.memory_space<vmem_shared>>
        %dma_wait3A_136 = arith.constant 0 : i32
        %dma_wait3A_137 = tpu.memref_slice %arg23[%add3A_112, %dma_wait3A_136] : memref<10240x128xf32, #tpu.memory_space<vmem_shared>> -> memref<40x128xf32, #tpu.memory_space<vmem_shared>>
        tpu.wait_dma2 semaphore(%run_scoped3A : memref<!tpu.dma_semaphore, #tpu.memory_space<semaphore_mem>>) src(%dma_wait3A_137 : memref<40x128xf32, #tpu.memory_space<vmem_shared>>) dst(%arg15 : memref<40x128xf32, #tpu.memory_space<vmem>>)
        tpu.yield
      }) : () -> ()
      "tpu.region"() ({
        %run_scoped3A = tpu.sem_alloc : memref<!tpu.dma_semaphore, #tpu.memory_space<semaphore_mem>>
        %dma_start3A_131 = arith.constant 0 : i32
        %dma_start3A_132 = tpu.memref_slice %arg7[%add3A_112, %dma_start3A_131] : memref<10240x128xf32, #tpu.memory_space<hbm>> -> memref<40x128xf32, #tpu.memory_space<hbm>>
        %dma_start3A_133 = arith.constant 0 : i32
        %dma_start3A_134 = tpu.memref_slice %arg7[%add3A_112, %dma_start3A_133] : memref<10240x128xf32, #tpu.memory_space<hbm>> -> memref<40x128xf32, #tpu.memory_space<hbm>>
        tpu.enqueue_dma source(%arg15 : memref<40x128xf32, #tpu.memory_space<vmem>>) target(%dma_start3A_134 : memref<40x128xf32, #tpu.memory_space<hbm>>) target_semaphore(%run_scoped3A : memref<!tpu.dma_semaphore, #tpu.memory_space<semaphore_mem>>)
        %dma_wait3A = arith.constant 0 : i32
        %dma_wait3A_135 = tpu.memref_slice %arg7[%add3A_112, %dma_wait3A] : memref<10240x128xf32, #tpu.memory_space<hbm>> -> memref<40x128xf32, #tpu.memory_space<hbm>>
        %dma_wait3A_136 = arith.constant 0 : i32
        %dma_wait3A_137 = tpu.memref_slice %arg7[%add3A_112, %dma_wait3A_136] : memref<10240x128xf32, #tpu.memory_space<hbm>> -> memref<40x128xf32, #tpu.memory_space<hbm>>
        tpu.wait_dma2 semaphore(%run_scoped3A : memref<!tpu.dma_semaphore, #tpu.memory_space<semaphore_mem>>) src(%arg15 : memref<40x128xf32, #tpu.memory_space<vmem>>) dst(%dma_wait3A_137 : memref<40x128xf32, #tpu.memory_space<hbm>>)
        tpu.yield
      }) : () -> ()
      "tpu.region"() ({
        %run_scoped3A = tpu.sem_alloc : memref<!tpu.dma_semaphore, #tpu.memory_space<semaphore_mem>>
        %dma_start3A_131 = arith.constant 0 : i32
        %dma_start3A_132 = tpu.memref_slice %arg24[%add3A_112, %dma_start3A_131] : memref<10240x16xf32, #tpu.memory_space<vmem_shared>> -> memref<40x16xf32, #tpu.memory_space<vmem_shared>>
        %dma_start3A_133 = arith.constant 0 : i32
        %dma_start3A_134 = tpu.memref_slice %arg24[%add3A_112, %dma_start3A_133] : memref<10240x16xf32, #tpu.memory_space<vmem_shared>> -> memref<40x16xf32, #tpu.memory_space<vmem_shared>>
        tpu.enqueue_dma source(%dma_start3A_134 : memref<40x16xf32, #tpu.memory_space<vmem_shared>>) target(%arg16 : memref<40x16xf32, #tpu.memory_space<vmem>>) target_semaphore(%run_scoped3A : memref<!tpu.dma_semaphore, #tpu.memory_space<semaphore_mem>>)
        %dma_wait3A = arith.constant 0 : i32
        %dma_wait3A_135 = tpu.memref_slice %arg24[%add3A_112, %dma_wait3A] : memref<10240x16xf32, #tpu.memory_space<vmem_shared>> -> memref<40x16xf32, #tpu.memory_space<vmem_shared>>
        %dma_wait3A_136 = arith.constant 0 : i32
        %dma_wait3A_137 = tpu.memref_slice %arg24[%add3A_112, %dma_wait3A_136] : memref<10240x16xf32, #tpu.memory_space<vmem_shared>> -> memref<40x16xf32, #tpu.memory_space<vmem_shared>>
        tpu.wait_dma2 semaphore(%run_scoped3A : memref<!tpu.dma_semaphore, #tpu.memory_space<semaphore_mem>>) src(%dma_wait3A_137 : memref<40x16xf32, #tpu.memory_space<vmem_shared>>) dst(%arg16 : memref<40x16xf32, #tpu.memory_space<vmem>>)
        tpu.yield
      }) : () -> ()
      "tpu.region"() ({
        %run_scoped3A = tpu.sem_alloc : memref<!tpu.dma_semaphore, #tpu.memory_space<semaphore_mem>>
        %dma_start3A_131 = arith.constant 0 : i32
        %dma_start3A_132 = tpu.memref_slice %arg9[%add3A_112, %dma_start3A_131] : memref<10240x16xf32, #tpu.memory_space<hbm>> -> memref<40x16xf32, #tpu.memory_space<hbm>>
        %dma_start3A_133 = arith.constant 0 : i32
        %dma_start3A_134 = tpu.memref_slice %arg9[%add3A_112, %dma_start3A_133] : memref<10240x16xf32, #tpu.memory_space<hbm>> -> memref<40x16xf32, #tpu.memory_space<hbm>>
        tpu.enqueue_dma source(%arg16 : memref<40x16xf32, #tpu.memory_space<vmem>>) target(%dma_start3A_134 : memref<40x16xf32, #tpu.memory_space<hbm>>) target_semaphore(%run_scoped3A : memref<!tpu.dma_semaphore, #tpu.memory_space<semaphore_mem>>)
        %dma_wait3A = arith.constant 0 : i32
        %dma_wait3A_135 = tpu.memref_slice %arg9[%add3A_112, %dma_wait3A] : memref<10240x16xf32, #tpu.memory_space<hbm>> -> memref<40x16xf32, #tpu.memory_space<hbm>>
        %dma_wait3A_136 = arith.constant 0 : i32
        %dma_wait3A_137 = tpu.memref_slice %arg9[%add3A_112, %dma_wait3A_136] : memref<10240x16xf32, #tpu.memory_space<hbm>> -> memref<40x16xf32, #tpu.memory_space<hbm>>
        tpu.wait_dma2 semaphore(%run_scoped3A : memref<!tpu.dma_semaphore, #tpu.memory_space<semaphore_mem>>) src(%arg16 : memref<40x16xf32, #tpu.memory_space<vmem>>) dst(%dma_wait3A_137 : memref<40x16xf32, #tpu.memory_space<hbm>>)
        tpu.yield
      }) : () -> ()
      %add3A_113 = arith.constant 280 : i32
      %add3A_114 = arith.addi %mul3A_8, %add3A_113 : i32
      "tpu.region"() ({
        %run_scoped3A = tpu.sem_alloc : memref<!tpu.dma_semaphore, #tpu.memory_space<semaphore_mem>>
        %dma_start3A_131 = arith.constant 0 : i32
        %dma_start3A_132 = tpu.memref_slice %arg23[%add3A_114, %dma_start3A_131] : memref<10240x128xf32, #tpu.memory_space<vmem_shared>> -> memref<40x128xf32, #tpu.memory_space<vmem_shared>>
        %dma_start3A_133 = arith.constant 0 : i32
        %dma_start3A_134 = tpu.memref_slice %arg23[%add3A_114, %dma_start3A_133] : memref<10240x128xf32, #tpu.memory_space<vmem_shared>> -> memref<40x128xf32, #tpu.memory_space<vmem_shared>>
        tpu.enqueue_dma source(%dma_start3A_134 : memref<40x128xf32, #tpu.memory_space<vmem_shared>>) target(%arg15 : memref<40x128xf32, #tpu.memory_space<vmem>>) target_semaphore(%run_scoped3A : memref<!tpu.dma_semaphore, #tpu.memory_space<semaphore_mem>>)
        %dma_wait3A = arith.constant 0 : i32
        %dma_wait3A_135 = tpu.memref_slice %arg23[%add3A_114, %dma_wait3A] : memref<10240x128xf32, #tpu.memory_space<vmem_shared>> -> memref<40x128xf32, #tpu.memory_space<vmem_shared>>
        %dma_wait3A_136 = arith.constant 0 : i32
        %dma_wait3A_137 = tpu.memref_slice %arg23[%add3A_114, %dma_wait3A_136] : memref<10240x128xf32, #tpu.memory_space<vmem_shared>> -> memref<40x128xf32, #tpu.memory_space<vmem_shared>>
        tpu.wait_dma2 semaphore(%run_scoped3A : memref<!tpu.dma_semaphore, #tpu.memory_space<semaphore_mem>>) src(%dma_wait3A_137 : memref<40x128xf32, #tpu.memory_space<vmem_shared>>) dst(%arg15 : memref<40x128xf32, #tpu.memory_space<vmem>>)
        tpu.yield
      }) : () -> ()
      "tpu.region"() ({
        %run_scoped3A = tpu.sem_alloc : memref<!tpu.dma_semaphore, #tpu.memory_space<semaphore_mem>>
        %dma_start3A_131 = arith.constant 0 : i32
        %dma_start3A_132 = tpu.memref_slice %arg7[%add3A_114, %dma_start3A_131] : memref<10240x128xf32, #tpu.memory_space<hbm>> -> memref<40x128xf32, #tpu.memory_space<hbm>>
        %dma_start3A_133 = arith.constant 0 : i32
        %dma_start3A_134 = tpu.memref_slice %arg7[%add3A_114, %dma_start3A_133] : memref<10240x128xf32, #tpu.memory_space<hbm>> -> memref<40x128xf32, #tpu.memory_space<hbm>>
        tpu.enqueue_dma source(%arg15 : memref<40x128xf32, #tpu.memory_space<vmem>>) target(%dma_start3A_134 : memref<40x128xf32, #tpu.memory_space<hbm>>) target_semaphore(%run_scoped3A : memref<!tpu.dma_semaphore, #tpu.memory_space<semaphore_mem>>)
        %dma_wait3A = arith.constant 0 : i32
        %dma_wait3A_135 = tpu.memref_slice %arg7[%add3A_114, %dma_wait3A] : memref<10240x128xf32, #tpu.memory_space<hbm>> -> memref<40x128xf32, #tpu.memory_space<hbm>>
        %dma_wait3A_136 = arith.constant 0 : i32
        %dma_wait3A_137 = tpu.memref_slice %arg7[%add3A_114, %dma_wait3A_136] : memref<10240x128xf32, #tpu.memory_space<hbm>> -> memref<40x128xf32, #tpu.memory_space<hbm>>
        tpu.wait_dma2 semaphore(%run_scoped3A : memref<!tpu.dma_semaphore, #tpu.memory_space<semaphore_mem>>) src(%arg15 : memref<40x128xf32, #tpu.memory_space<vmem>>) dst(%dma_wait3A_137 : memref<40x128xf32, #tpu.memory_space<hbm>>)
        tpu.yield
      }) : () -> ()
      "tpu.region"() ({
        %run_scoped3A = tpu.sem_alloc : memref<!tpu.dma_semaphore, #tpu.memory_space<semaphore_mem>>
        %dma_start3A_131 = arith.constant 0 : i32
        %dma_start3A_132 = tpu.memref_slice %arg24[%add3A_114, %dma_start3A_131] : memref<10240x16xf32, #tpu.memory_space<vmem_shared>> -> memref<40x16xf32, #tpu.memory_space<vmem_shared>>
        %dma_start3A_133 = arith.constant 0 : i32
        %dma_start3A_134 = tpu.memref_slice %arg24[%add3A_114, %dma_start3A_133] : memref<10240x16xf32, #tpu.memory_space<vmem_shared>> -> memref<40x16xf32, #tpu.memory_space<vmem_shared>>
        tpu.enqueue_dma source(%dma_start3A_134 : memref<40x16xf32, #tpu.memory_space<vmem_shared>>) target(%arg16 : memref<40x16xf32, #tpu.memory_space<vmem>>) target_semaphore(%run_scoped3A : memref<!tpu.dma_semaphore, #tpu.memory_space<semaphore_mem>>)
        %dma_wait3A = arith.constant 0 : i32
        %dma_wait3A_135 = tpu.memref_slice %arg24[%add3A_114, %dma_wait3A] : memref<10240x16xf32, #tpu.memory_space<vmem_shared>> -> memref<40x16xf32, #tpu.memory_space<vmem_shared>>
        %dma_wait3A_136 = arith.constant 0 : i32
        %dma_wait3A_137 = tpu.memref_slice %arg24[%add3A_114, %dma_wait3A_136] : memref<10240x16xf32, #tpu.memory_space<vmem_shared>> -> memref<40x16xf32, #tpu.memory_space<vmem_shared>>
        tpu.wait_dma2 semaphore(%run_scoped3A : memref<!tpu.dma_semaphore, #tpu.memory_space<semaphore_mem>>) src(%dma_wait3A_137 : memref<40x16xf32, #tpu.memory_space<vmem_shared>>) dst(%arg16 : memref<40x16xf32, #tpu.memory_space<vmem>>)
        tpu.yield
      }) : () -> ()
      "tpu.region"() ({
        %run_scoped3A = tpu.sem_alloc : memref<!tpu.dma_semaphore, #tpu.memory_space<semaphore_mem>>
        %dma_start3A_131 = arith.constant 0 : i32
        %dma_start3A_132 = tpu.memref_slice %arg9[%add3A_114, %dma_start3A_131] : memref<10240x16xf32, #tpu.memory_space<hbm>> -> memref<40x16xf32, #tpu.memory_space<hbm>>
        %dma_start3A_133 = arith.constant 0 : i32
        %dma_start3A_134 = tpu.memref_slice %arg9[%add3A_114, %dma_start3A_133] : memref<10240x16xf32, #tpu.memory_space<hbm>> -> memref<40x16xf32, #tpu.memory_space<hbm>>
        tpu.enqueue_dma source(%arg16 : memref<40x16xf32, #tpu.memory_space<vmem>>) target(%dma_start3A_134 : memref<40x16xf32, #tpu.memory_space<hbm>>) target_semaphore(%run_scoped3A : memref<!tpu.dma_semaphore, #tpu.memory_space<semaphore_mem>>)
        %dma_wait3A = arith.constant 0 : i32
        %dma_wait3A_135 = tpu.memref_slice %arg9[%add3A_114, %dma_wait3A] : memref<10240x16xf32, #tpu.memory_space<hbm>> -> memref<40x16xf32, #tpu.memory_space<hbm>>
        %dma_wait3A_136 = arith.constant 0 : i32
        %dma_wait3A_137 = tpu.memref_slice %arg9[%add3A_114, %dma_wait3A_136] : memref<10240x16xf32, #tpu.memory_space<hbm>> -> memref<40x16xf32, #tpu.memory_space<hbm>>
        tpu.wait_dma2 semaphore(%run_scoped3A : memref<!tpu.dma_semaphore, #tpu.memory_space<semaphore_mem>>) src(%arg16 : memref<40x16xf32, #tpu.memory_space<vmem>>) dst(%dma_wait3A_137 : memref<40x16xf32, #tpu.memory_space<hbm>>)
        tpu.yield
      }) : () -> ()
      %add3A_115 = arith.constant 320 : i32
      %add3A_116 = arith.addi %mul3A_8, %add3A_115 : i32
      "tpu.region"() ({
        %run_scoped3A = tpu.sem_alloc : memref<!tpu.dma_semaphore, #tpu.memory_space<semaphore_mem>>
        %dma_start3A_131 = arith.constant 0 : i32
        %dma_start3A_132 = tpu.memref_slice %arg23[%add3A_116, %dma_start3A_131] : memref<10240x128xf32, #tpu.memory_space<vmem_shared>> -> memref<40x128xf32, #tpu.memory_space<vmem_shared>>
        %dma_start3A_133 = arith.constant 0 : i32
        %dma_start3A_134 = tpu.memref_slice %arg23[%add3A_116, %dma_start3A_133] : memref<10240x128xf32, #tpu.memory_space<vmem_shared>> -> memref<40x128xf32, #tpu.memory_space<vmem_shared>>
        tpu.enqueue_dma source(%dma_start3A_134 : memref<40x128xf32, #tpu.memory_space<vmem_shared>>) target(%arg15 : memref<40x128xf32, #tpu.memory_space<vmem>>) target_semaphore(%run_scoped3A : memref<!tpu.dma_semaphore, #tpu.memory_space<semaphore_mem>>)
        %dma_wait3A = arith.constant 0 : i32
        %dma_wait3A_135 = tpu.memref_slice %arg23[%add3A_116, %dma_wait3A] : memref<10240x128xf32, #tpu.memory_space<vmem_shared>> -> memref<40x128xf32, #tpu.memory_space<vmem_shared>>
        %dma_wait3A_136 = arith.constant 0 : i32
        %dma_wait3A_137 = tpu.memref_slice %arg23[%add3A_116, %dma_wait3A_136] : memref<10240x128xf32, #tpu.memory_space<vmem_shared>> -> memref<40x128xf32, #tpu.memory_space<vmem_shared>>
        tpu.wait_dma2 semaphore(%run_scoped3A : memref<!tpu.dma_semaphore, #tpu.memory_space<semaphore_mem>>) src(%dma_wait3A_137 : memref<40x128xf32, #tpu.memory_space<vmem_shared>>) dst(%arg15 : memref<40x128xf32, #tpu.memory_space<vmem>>)
        tpu.yield
      }) : () -> ()
      "tpu.region"() ({
        %run_scoped3A = tpu.sem_alloc : memref<!tpu.dma_semaphore, #tpu.memory_space<semaphore_mem>>
        %dma_start3A_131 = arith.constant 0 : i32
        %dma_start3A_132 = tpu.memref_slice %arg7[%add3A_116, %dma_start3A_131] : memref<10240x128xf32, #tpu.memory_space<hbm>> -> memref<40x128xf32, #tpu.memory_space<hbm>>
        %dma_start3A_133 = arith.constant 0 : i32
        %dma_start3A_134 = tpu.memref_slice %arg7[%add3A_116, %dma_start3A_133] : memref<10240x128xf32, #tpu.memory_space<hbm>> -> memref<40x128xf32, #tpu.memory_space<hbm>>
        tpu.enqueue_dma source(%arg15 : memref<40x128xf32, #tpu.memory_space<vmem>>) target(%dma_start3A_134 : memref<40x128xf32, #tpu.memory_space<hbm>>) target_semaphore(%run_scoped3A : memref<!tpu.dma_semaphore, #tpu.memory_space<semaphore_mem>>)
        %dma_wait3A = arith.constant 0 : i32
        %dma_wait3A_135 = tpu.memref_slice %arg7[%add3A_116, %dma_wait3A] : memref<10240x128xf32, #tpu.memory_space<hbm>> -> memref<40x128xf32, #tpu.memory_space<hbm>>
        %dma_wait3A_136 = arith.constant 0 : i32
        %dma_wait3A_137 = tpu.memref_slice %arg7[%add3A_116, %dma_wait3A_136] : memref<10240x128xf32, #tpu.memory_space<hbm>> -> memref<40x128xf32, #tpu.memory_space<hbm>>
        tpu.wait_dma2 semaphore(%run_scoped3A : memref<!tpu.dma_semaphore, #tpu.memory_space<semaphore_mem>>) src(%arg15 : memref<40x128xf32, #tpu.memory_space<vmem>>) dst(%dma_wait3A_137 : memref<40x128xf32, #tpu.memory_space<hbm>>)
        tpu.yield
      }) : () -> ()
      "tpu.region"() ({
        %run_scoped3A = tpu.sem_alloc : memref<!tpu.dma_semaphore, #tpu.memory_space<semaphore_mem>>
        %dma_start3A_131 = arith.constant 0 : i32
        %dma_start3A_132 = tpu.memref_slice %arg24[%add3A_116, %dma_start3A_131] : memref<10240x16xf32, #tpu.memory_space<vmem_shared>> -> memref<40x16xf32, #tpu.memory_space<vmem_shared>>
        %dma_start3A_133 = arith.constant 0 : i32
        %dma_start3A_134 = tpu.memref_slice %arg24[%add3A_116, %dma_start3A_133] : memref<10240x16xf32, #tpu.memory_space<vmem_shared>> -> memref<40x16xf32, #tpu.memory_space<vmem_shared>>
        tpu.enqueue_dma source(%dma_start3A_134 : memref<40x16xf32, #tpu.memory_space<vmem_shared>>) target(%arg16 : memref<40x16xf32, #tpu.memory_space<vmem>>) target_semaphore(%run_scoped3A : memref<!tpu.dma_semaphore, #tpu.memory_space<semaphore_mem>>)
        %dma_wait3A = arith.constant 0 : i32
        %dma_wait3A_135 = tpu.memref_slice %arg24[%add3A_116, %dma_wait3A] : memref<10240x16xf32, #tpu.memory_space<vmem_shared>> -> memref<40x16xf32, #tpu.memory_space<vmem_shared>>
        %dma_wait3A_136 = arith.constant 0 : i32
        %dma_wait3A_137 = tpu.memref_slice %arg24[%add3A_116, %dma_wait3A_136] : memref<10240x16xf32, #tpu.memory_space<vmem_shared>> -> memref<40x16xf32, #tpu.memory_space<vmem_shared>>
        tpu.wait_dma2 semaphore(%run_scoped3A : memref<!tpu.dma_semaphore, #tpu.memory_space<semaphore_mem>>) src(%dma_wait3A_137 : memref<40x16xf32, #tpu.memory_space<vmem_shared>>) dst(%arg16 : memref<40x16xf32, #tpu.memory_space<vmem>>)
        tpu.yield
      }) : () -> ()
      "tpu.region"() ({
        %run_scoped3A = tpu.sem_alloc : memref<!tpu.dma_semaphore, #tpu.memory_space<semaphore_mem>>
        %dma_start3A_131 = arith.constant 0 : i32
        %dma_start3A_132 = tpu.memref_slice %arg9[%add3A_116, %dma_start3A_131] : memref<10240x16xf32, #tpu.memory_space<hbm>> -> memref<40x16xf32, #tpu.memory_space<hbm>>
        %dma_start3A_133 = arith.constant 0 : i32
        %dma_start3A_134 = tpu.memref_slice %arg9[%add3A_116, %dma_start3A_133] : memref<10240x16xf32, #tpu.memory_space<hbm>> -> memref<40x16xf32, #tpu.memory_space<hbm>>
        tpu.enqueue_dma source(%arg16 : memref<40x16xf32, #tpu.memory_space<vmem>>) target(%dma_start3A_134 : memref<40x16xf32, #tpu.memory_space<hbm>>) target_semaphore(%run_scoped3A : memref<!tpu.dma_semaphore, #tpu.memory_space<semaphore_mem>>)
        %dma_wait3A = arith.constant 0 : i32
        %dma_wait3A_135 = tpu.memref_slice %arg9[%add3A_116, %dma_wait3A] : memref<10240x16xf32, #tpu.memory_space<hbm>> -> memref<40x16xf32, #tpu.memory_space<hbm>>
        %dma_wait3A_136 = arith.constant 0 : i32
        %dma_wait3A_137 = tpu.memref_slice %arg9[%add3A_116, %dma_wait3A_136] : memref<10240x16xf32, #tpu.memory_space<hbm>> -> memref<40x16xf32, #tpu.memory_space<hbm>>
        tpu.wait_dma2 semaphore(%run_scoped3A : memref<!tpu.dma_semaphore, #tpu.memory_space<semaphore_mem>>) src(%arg16 : memref<40x16xf32, #tpu.memory_space<vmem>>) dst(%dma_wait3A_137 : memref<40x16xf32, #tpu.memory_space<hbm>>)
        tpu.yield
      }) : () -> ()
      %add3A_117 = arith.constant 360 : i32
      %add3A_118 = arith.addi %mul3A_8, %add3A_117 : i32
      "tpu.region"() ({
        %run_scoped3A = tpu.sem_alloc : memref<!tpu.dma_semaphore, #tpu.memory_space<semaphore_mem>>
        %dma_start3A_131 = arith.constant 0 : i32
        %dma_start3A_132 = tpu.memref_slice %arg23[%add3A_118, %dma_start3A_131] : memref<10240x128xf32, #tpu.memory_space<vmem_shared>> -> memref<40x128xf32, #tpu.memory_space<vmem_shared>>
        %dma_start3A_133 = arith.constant 0 : i32
        %dma_start3A_134 = tpu.memref_slice %arg23[%add3A_118, %dma_start3A_133] : memref<10240x128xf32, #tpu.memory_space<vmem_shared>> -> memref<40x128xf32, #tpu.memory_space<vmem_shared>>
        tpu.enqueue_dma source(%dma_start3A_134 : memref<40x128xf32, #tpu.memory_space<vmem_shared>>) target(%arg15 : memref<40x128xf32, #tpu.memory_space<vmem>>) target_semaphore(%run_scoped3A : memref<!tpu.dma_semaphore, #tpu.memory_space<semaphore_mem>>)
        %dma_wait3A = arith.constant 0 : i32
        %dma_wait3A_135 = tpu.memref_slice %arg23[%add3A_118, %dma_wait3A] : memref<10240x128xf32, #tpu.memory_space<vmem_shared>> -> memref<40x128xf32, #tpu.memory_space<vmem_shared>>
        %dma_wait3A_136 = arith.constant 0 : i32
        %dma_wait3A_137 = tpu.memref_slice %arg23[%add3A_118, %dma_wait3A_136] : memref<10240x128xf32, #tpu.memory_space<vmem_shared>> -> memref<40x128xf32, #tpu.memory_space<vmem_shared>>
        tpu.wait_dma2 semaphore(%run_scoped3A : memref<!tpu.dma_semaphore, #tpu.memory_space<semaphore_mem>>) src(%dma_wait3A_137 : memref<40x128xf32, #tpu.memory_space<vmem_shared>>) dst(%arg15 : memref<40x128xf32, #tpu.memory_space<vmem>>)
        tpu.yield
      }) : () -> ()
      "tpu.region"() ({
        %run_scoped3A = tpu.sem_alloc : memref<!tpu.dma_semaphore, #tpu.memory_space<semaphore_mem>>
        %dma_start3A_131 = arith.constant 0 : i32
        %dma_start3A_132 = tpu.memref_slice %arg7[%add3A_118, %dma_start3A_131] : memref<10240x128xf32, #tpu.memory_space<hbm>> -> memref<40x128xf32, #tpu.memory_space<hbm>>
        %dma_start3A_133 = arith.constant 0 : i32
        %dma_start3A_134 = tpu.memref_slice %arg7[%add3A_118, %dma_start3A_133] : memref<10240x128xf32, #tpu.memory_space<hbm>> -> memref<40x128xf32, #tpu.memory_space<hbm>>
        tpu.enqueue_dma source(%arg15 : memref<40x128xf32, #tpu.memory_space<vmem>>) target(%dma_start3A_134 : memref<40x128xf32, #tpu.memory_space<hbm>>) target_semaphore(%run_scoped3A : memref<!tpu.dma_semaphore, #tpu.memory_space<semaphore_mem>>)
        %dma_wait3A = arith.constant 0 : i32
        %dma_wait3A_135 = tpu.memref_slice %arg7[%add3A_118, %dma_wait3A] : memref<10240x128xf32, #tpu.memory_space<hbm>> -> memref<40x128xf32, #tpu.memory_space<hbm>>
        %dma_wait3A_136 = arith.constant 0 : i32
        %dma_wait3A_137 = tpu.memref_slice %arg7[%add3A_118, %dma_wait3A_136] : memref<10240x128xf32, #tpu.memory_space<hbm>> -> memref<40x128xf32, #tpu.memory_space<hbm>>
        tpu.wait_dma2 semaphore(%run_scoped3A : memref<!tpu.dma_semaphore, #tpu.memory_space<semaphore_mem>>) src(%arg15 : memref<40x128xf32, #tpu.memory_space<vmem>>) dst(%dma_wait3A_137 : memref<40x128xf32, #tpu.memory_space<hbm>>)
        tpu.yield
      }) : () -> ()
      "tpu.region"() ({
        %run_scoped3A = tpu.sem_alloc : memref<!tpu.dma_semaphore, #tpu.memory_space<semaphore_mem>>
        %dma_start3A_131 = arith.constant 0 : i32
        %dma_start3A_132 = tpu.memref_slice %arg24[%add3A_118, %dma_start3A_131] : memref<10240x16xf32, #tpu.memory_space<vmem_shared>> -> memref<40x16xf32, #tpu.memory_space<vmem_shared>>
        %dma_start3A_133 = arith.constant 0 : i32
        %dma_start3A_134 = tpu.memref_slice %arg24[%add3A_118, %dma_start3A_133] : memref<10240x16xf32, #tpu.memory_space<vmem_shared>> -> memref<40x16xf32, #tpu.memory_space<vmem_shared>>
        tpu.enqueue_dma source(%dma_start3A_134 : memref<40x16xf32, #tpu.memory_space<vmem_shared>>) target(%arg16 : memref<40x16xf32, #tpu.memory_space<vmem>>) target_semaphore(%run_scoped3A : memref<!tpu.dma_semaphore, #tpu.memory_space<semaphore_mem>>)
        %dma_wait3A = arith.constant 0 : i32
        %dma_wait3A_135 = tpu.memref_slice %arg24[%add3A_118, %dma_wait3A] : memref<10240x16xf32, #tpu.memory_space<vmem_shared>> -> memref<40x16xf32, #tpu.memory_space<vmem_shared>>
        %dma_wait3A_136 = arith.constant 0 : i32
        %dma_wait3A_137 = tpu.memref_slice %arg24[%add3A_118, %dma_wait3A_136] : memref<10240x16xf32, #tpu.memory_space<vmem_shared>> -> memref<40x16xf32, #tpu.memory_space<vmem_shared>>
        tpu.wait_dma2 semaphore(%run_scoped3A : memref<!tpu.dma_semaphore, #tpu.memory_space<semaphore_mem>>) src(%dma_wait3A_137 : memref<40x16xf32, #tpu.memory_space<vmem_shared>>) dst(%arg16 : memref<40x16xf32, #tpu.memory_space<vmem>>)
        tpu.yield
      }) : () -> ()
      "tpu.region"() ({
        %run_scoped3A = tpu.sem_alloc : memref<!tpu.dma_semaphore, #tpu.memory_space<semaphore_mem>>
        %dma_start3A_131 = arith.constant 0 : i32
        %dma_start3A_132 = tpu.memref_slice %arg9[%add3A_118, %dma_start3A_131] : memref<10240x16xf32, #tpu.memory_space<hbm>> -> memref<40x16xf32, #tpu.memory_space<hbm>>
        %dma_start3A_133 = arith.constant 0 : i32
        %dma_start3A_134 = tpu.memref_slice %arg9[%add3A_118, %dma_start3A_133] : memref<10240x16xf32, #tpu.memory_space<hbm>> -> memref<40x16xf32, #tpu.memory_space<hbm>>
        tpu.enqueue_dma source(%arg16 : memref<40x16xf32, #tpu.memory_space<vmem>>) target(%dma_start3A_134 : memref<40x16xf32, #tpu.memory_space<hbm>>) target_semaphore(%run_scoped3A : memref<!tpu.dma_semaphore, #tpu.memory_space<semaphore_mem>>)
        %dma_wait3A = arith.constant 0 : i32
        %dma_wait3A_135 = tpu.memref_slice %arg9[%add3A_118, %dma_wait3A] : memref<10240x16xf32, #tpu.memory_space<hbm>> -> memref<40x16xf32, #tpu.memory_space<hbm>>
        %dma_wait3A_136 = arith.constant 0 : i32
        %dma_wait3A_137 = tpu.memref_slice %arg9[%add3A_118, %dma_wait3A_136] : memref<10240x16xf32, #tpu.memory_space<hbm>> -> memref<40x16xf32, #tpu.memory_space<hbm>>
        tpu.wait_dma2 semaphore(%run_scoped3A : memref<!tpu.dma_semaphore, #tpu.memory_space<semaphore_mem>>) src(%arg16 : memref<40x16xf32, #tpu.memory_space<vmem>>) dst(%dma_wait3A_137 : memref<40x16xf32, #tpu.memory_space<hbm>>)
        tpu.yield
      }) : () -> ()
      %add3A_119 = arith.constant 400 : i32
      %add3A_120 = arith.addi %mul3A_8, %add3A_119 : i32
      "tpu.region"() ({
        %run_scoped3A = tpu.sem_alloc : memref<!tpu.dma_semaphore, #tpu.memory_space<semaphore_mem>>
        %dma_start3A_131 = arith.constant 0 : i32
        %dma_start3A_132 = tpu.memref_slice %arg23[%add3A_120, %dma_start3A_131] : memref<10240x128xf32, #tpu.memory_space<vmem_shared>> -> memref<40x128xf32, #tpu.memory_space<vmem_shared>>
        %dma_start3A_133 = arith.constant 0 : i32
        %dma_start3A_134 = tpu.memref_slice %arg23[%add3A_120, %dma_start3A_133] : memref<10240x128xf32, #tpu.memory_space<vmem_shared>> -> memref<40x128xf32, #tpu.memory_space<vmem_shared>>
        tpu.enqueue_dma source(%dma_start3A_134 : memref<40x128xf32, #tpu.memory_space<vmem_shared>>) target(%arg15 : memref<40x128xf32, #tpu.memory_space<vmem>>) target_semaphore(%run_scoped3A : memref<!tpu.dma_semaphore, #tpu.memory_space<semaphore_mem>>)
        %dma_wait3A = arith.constant 0 : i32
        %dma_wait3A_135 = tpu.memref_slice %arg23[%add3A_120, %dma_wait3A] : memref<10240x128xf32, #tpu.memory_space<vmem_shared>> -> memref<40x128xf32, #tpu.memory_space<vmem_shared>>
        %dma_wait3A_136 = arith.constant 0 : i32
        %dma_wait3A_137 = tpu.memref_slice %arg23[%add3A_120, %dma_wait3A_136] : memref<10240x128xf32, #tpu.memory_space<vmem_shared>> -> memref<40x128xf32, #tpu.memory_space<vmem_shared>>
        tpu.wait_dma2 semaphore(%run_scoped3A : memref<!tpu.dma_semaphore, #tpu.memory_space<semaphore_mem>>) src(%dma_wait3A_137 : memref<40x128xf32, #tpu.memory_space<vmem_shared>>) dst(%arg15 : memref<40x128xf32, #tpu.memory_space<vmem>>)
        tpu.yield
      }) : () -> ()
      "tpu.region"() ({
        %run_scoped3A = tpu.sem_alloc : memref<!tpu.dma_semaphore, #tpu.memory_space<semaphore_mem>>
        %dma_start3A_131 = arith.constant 0 : i32
        %dma_start3A_132 = tpu.memref_slice %arg7[%add3A_120, %dma_start3A_131] : memref<10240x128xf32, #tpu.memory_space<hbm>> -> memref<40x128xf32, #tpu.memory_space<hbm>>
        %dma_start3A_133 = arith.constant 0 : i32
        %dma_start3A_134 = tpu.memref_slice %arg7[%add3A_120, %dma_start3A_133] : memref<10240x128xf32, #tpu.memory_space<hbm>> -> memref<40x128xf32, #tpu.memory_space<hbm>>
        tpu.enqueue_dma source(%arg15 : memref<40x128xf32, #tpu.memory_space<vmem>>) target(%dma_start3A_134 : memref<40x128xf32, #tpu.memory_space<hbm>>) target_semaphore(%run_scoped3A : memref<!tpu.dma_semaphore, #tpu.memory_space<semaphore_mem>>)
        %dma_wait3A = arith.constant 0 : i32
        %dma_wait3A_135 = tpu.memref_slice %arg7[%add3A_120, %dma_wait3A] : memref<10240x128xf32, #tpu.memory_space<hbm>> -> memref<40x128xf32, #tpu.memory_space<hbm>>
        %dma_wait3A_136 = arith.constant 0 : i32
        %dma_wait3A_137 = tpu.memref_slice %arg7[%add3A_120, %dma_wait3A_136] : memref<10240x128xf32, #tpu.memory_space<hbm>> -> memref<40x128xf32, #tpu.memory_space<hbm>>
        tpu.wait_dma2 semaphore(%run_scoped3A : memref<!tpu.dma_semaphore, #tpu.memory_space<semaphore_mem>>) src(%arg15 : memref<40x128xf32, #tpu.memory_space<vmem>>) dst(%dma_wait3A_137 : memref<40x128xf32, #tpu.memory_space<hbm>>)
        tpu.yield
      }) : () -> ()
      "tpu.region"() ({
        %run_scoped3A = tpu.sem_alloc : memref<!tpu.dma_semaphore, #tpu.memory_space<semaphore_mem>>
        %dma_start3A_131 = arith.constant 0 : i32
        %dma_start3A_132 = tpu.memref_slice %arg24[%add3A_120, %dma_start3A_131] : memref<10240x16xf32, #tpu.memory_space<vmem_shared>> -> memref<40x16xf32, #tpu.memory_space<vmem_shared>>
        %dma_start3A_133 = arith.constant 0 : i32
        %dma_start3A_134 = tpu.memref_slice %arg24[%add3A_120, %dma_start3A_133] : memref<10240x16xf32, #tpu.memory_space<vmem_shared>> -> memref<40x16xf32, #tpu.memory_space<vmem_shared>>
        tpu.enqueue_dma source(%dma_start3A_134 : memref<40x16xf32, #tpu.memory_space<vmem_shared>>) target(%arg16 : memref<40x16xf32, #tpu.memory_space<vmem>>) target_semaphore(%run_scoped3A : memref<!tpu.dma_semaphore, #tpu.memory_space<semaphore_mem>>)
        %dma_wait3A = arith.constant 0 : i32
        %dma_wait3A_135 = tpu.memref_slice %arg24[%add3A_120, %dma_wait3A] : memref<10240x16xf32, #tpu.memory_space<vmem_shared>> -> memref<40x16xf32, #tpu.memory_space<vmem_shared>>
        %dma_wait3A_136 = arith.constant 0 : i32
        %dma_wait3A_137 = tpu.memref_slice %arg24[%add3A_120, %dma_wait3A_136] : memref<10240x16xf32, #tpu.memory_space<vmem_shared>> -> memref<40x16xf32, #tpu.memory_space<vmem_shared>>
        tpu.wait_dma2 semaphore(%run_scoped3A : memref<!tpu.dma_semaphore, #tpu.memory_space<semaphore_mem>>) src(%dma_wait3A_137 : memref<40x16xf32, #tpu.memory_space<vmem_shared>>) dst(%arg16 : memref<40x16xf32, #tpu.memory_space<vmem>>)
        tpu.yield
      }) : () -> ()
      "tpu.region"() ({
        %run_scoped3A = tpu.sem_alloc : memref<!tpu.dma_semaphore, #tpu.memory_space<semaphore_mem>>
        %dma_start3A_131 = arith.constant 0 : i32
        %dma_start3A_132 = tpu.memref_slice %arg9[%add3A_120, %dma_start3A_131] : memref<10240x16xf32, #tpu.memory_space<hbm>> -> memref<40x16xf32, #tpu.memory_space<hbm>>
        %dma_start3A_133 = arith.constant 0 : i32
        %dma_start3A_134 = tpu.memref_slice %arg9[%add3A_120, %dma_start3A_133] : memref<10240x16xf32, #tpu.memory_space<hbm>> -> memref<40x16xf32, #tpu.memory_space<hbm>>
        tpu.enqueue_dma source(%arg16 : memref<40x16xf32, #tpu.memory_space<vmem>>) target(%dma_start3A_134 : memref<40x16xf32, #tpu.memory_space<hbm>>) target_semaphore(%run_scoped3A : memref<!tpu.dma_semaphore, #tpu.memory_space<semaphore_mem>>)
        %dma_wait3A = arith.constant 0 : i32
        %dma_wait3A_135 = tpu.memref_slice %arg9[%add3A_120, %dma_wait3A] : memref<10240x16xf32, #tpu.memory_space<hbm>> -> memref<40x16xf32, #tpu.memory_space<hbm>>
        %dma_wait3A_136 = arith.constant 0 : i32
        %dma_wait3A_137 = tpu.memref_slice %arg9[%add3A_120, %dma_wait3A_136] : memref<10240x16xf32, #tpu.memory_space<hbm>> -> memref<40x16xf32, #tpu.memory_space<hbm>>
        tpu.wait_dma2 semaphore(%run_scoped3A : memref<!tpu.dma_semaphore, #tpu.memory_space<semaphore_mem>>) src(%arg16 : memref<40x16xf32, #tpu.memory_space<vmem>>) dst(%dma_wait3A_137 : memref<40x16xf32, #tpu.memory_space<hbm>>)
        tpu.yield
      }) : () -> ()
      %add3A_121 = arith.constant 440 : i32
      %add3A_122 = arith.addi %mul3A_8, %add3A_121 : i32
      "tpu.region"() ({
        %run_scoped3A = tpu.sem_alloc : memref<!tpu.dma_semaphore, #tpu.memory_space<semaphore_mem>>
        %dma_start3A_131 = arith.constant 0 : i32
        %dma_start3A_132 = tpu.memref_slice %arg23[%add3A_122, %dma_start3A_131] : memref<10240x128xf32, #tpu.memory_space<vmem_shared>> -> memref<40x128xf32, #tpu.memory_space<vmem_shared>>
        %dma_start3A_133 = arith.constant 0 : i32
        %dma_start3A_134 = tpu.memref_slice %arg23[%add3A_122, %dma_start3A_133] : memref<10240x128xf32, #tpu.memory_space<vmem_shared>> -> memref<40x128xf32, #tpu.memory_space<vmem_shared>>
        tpu.enqueue_dma source(%dma_start3A_134 : memref<40x128xf32, #tpu.memory_space<vmem_shared>>) target(%arg15 : memref<40x128xf32, #tpu.memory_space<vmem>>) target_semaphore(%run_scoped3A : memref<!tpu.dma_semaphore, #tpu.memory_space<semaphore_mem>>)
        %dma_wait3A = arith.constant 0 : i32
        %dma_wait3A_135 = tpu.memref_slice %arg23[%add3A_122, %dma_wait3A] : memref<10240x128xf32, #tpu.memory_space<vmem_shared>> -> memref<40x128xf32, #tpu.memory_space<vmem_shared>>
        %dma_wait3A_136 = arith.constant 0 : i32
        %dma_wait3A_137 = tpu.memref_slice %arg23[%add3A_122, %dma_wait3A_136] : memref<10240x128xf32, #tpu.memory_space<vmem_shared>> -> memref<40x128xf32, #tpu.memory_space<vmem_shared>>
        tpu.wait_dma2 semaphore(%run_scoped3A : memref<!tpu.dma_semaphore, #tpu.memory_space<semaphore_mem>>) src(%dma_wait3A_137 : memref<40x128xf32, #tpu.memory_space<vmem_shared>>) dst(%arg15 : memref<40x128xf32, #tpu.memory_space<vmem>>)
        tpu.yield
      }) : () -> ()
      "tpu.region"() ({
        %run_scoped3A = tpu.sem_alloc : memref<!tpu.dma_semaphore, #tpu.memory_space<semaphore_mem>>
        %dma_start3A_131 = arith.constant 0 : i32
        %dma_start3A_132 = tpu.memref_slice %arg7[%add3A_122, %dma_start3A_131] : memref<10240x128xf32, #tpu.memory_space<hbm>> -> memref<40x128xf32, #tpu.memory_space<hbm>>
        %dma_start3A_133 = arith.constant 0 : i32
        %dma_start3A_134 = tpu.memref_slice %arg7[%add3A_122, %dma_start3A_133] : memref<10240x128xf32, #tpu.memory_space<hbm>> -> memref<40x128xf32, #tpu.memory_space<hbm>>
        tpu.enqueue_dma source(%arg15 : memref<40x128xf32, #tpu.memory_space<vmem>>) target(%dma_start3A_134 : memref<40x128xf32, #tpu.memory_space<hbm>>) target_semaphore(%run_scoped3A : memref<!tpu.dma_semaphore, #tpu.memory_space<semaphore_mem>>)
        %dma_wait3A = arith.constant 0 : i32
        %dma_wait3A_135 = tpu.memref_slice %arg7[%add3A_122, %dma_wait3A] : memref<10240x128xf32, #tpu.memory_space<hbm>> -> memref<40x128xf32, #tpu.memory_space<hbm>>
        %dma_wait3A_136 = arith.constant 0 : i32
        %dma_wait3A_137 = tpu.memref_slice %arg7[%add3A_122, %dma_wait3A_136] : memref<10240x128xf32, #tpu.memory_space<hbm>> -> memref<40x128xf32, #tpu.memory_space<hbm>>
        tpu.wait_dma2 semaphore(%run_scoped3A : memref<!tpu.dma_semaphore, #tpu.memory_space<semaphore_mem>>) src(%arg15 : memref<40x128xf32, #tpu.memory_space<vmem>>) dst(%dma_wait3A_137 : memref<40x128xf32, #tpu.memory_space<hbm>>)
        tpu.yield
      }) : () -> ()
      "tpu.region"() ({
        %run_scoped3A = tpu.sem_alloc : memref<!tpu.dma_semaphore, #tpu.memory_space<semaphore_mem>>
        %dma_start3A_131 = arith.constant 0 : i32
        %dma_start3A_132 = tpu.memref_slice %arg24[%add3A_122, %dma_start3A_131] : memref<10240x16xf32, #tpu.memory_space<vmem_shared>> -> memref<40x16xf32, #tpu.memory_space<vmem_shared>>
        %dma_start3A_133 = arith.constant 0 : i32
        %dma_start3A_134 = tpu.memref_slice %arg24[%add3A_122, %dma_start3A_133] : memref<10240x16xf32, #tpu.memory_space<vmem_shared>> -> memref<40x16xf32, #tpu.memory_space<vmem_shared>>
        tpu.enqueue_dma source(%dma_start3A_134 : memref<40x16xf32, #tpu.memory_space<vmem_shared>>) target(%arg16 : memref<40x16xf32, #tpu.memory_space<vmem>>) target_semaphore(%run_scoped3A : memref<!tpu.dma_semaphore, #tpu.memory_space<semaphore_mem>>)
        %dma_wait3A = arith.constant 0 : i32
        %dma_wait3A_135 = tpu.memref_slice %arg24[%add3A_122, %dma_wait3A] : memref<10240x16xf32, #tpu.memory_space<vmem_shared>> -> memref<40x16xf32, #tpu.memory_space<vmem_shared>>
        %dma_wait3A_136 = arith.constant 0 : i32
        %dma_wait3A_137 = tpu.memref_slice %arg24[%add3A_122, %dma_wait3A_136] : memref<10240x16xf32, #tpu.memory_space<vmem_shared>> -> memref<40x16xf32, #tpu.memory_space<vmem_shared>>
        tpu.wait_dma2 semaphore(%run_scoped3A : memref<!tpu.dma_semaphore, #tpu.memory_space<semaphore_mem>>) src(%dma_wait3A_137 : memref<40x16xf32, #tpu.memory_space<vmem_shared>>) dst(%arg16 : memref<40x16xf32, #tpu.memory_space<vmem>>)
        tpu.yield
      }) : () -> ()
      "tpu.region"() ({
        %run_scoped3A = tpu.sem_alloc : memref<!tpu.dma_semaphore, #tpu.memory_space<semaphore_mem>>
        %dma_start3A_131 = arith.constant 0 : i32
        %dma_start3A_132 = tpu.memref_slice %arg9[%add3A_122, %dma_start3A_131] : memref<10240x16xf32, #tpu.memory_space<hbm>> -> memref<40x16xf32, #tpu.memory_space<hbm>>
        %dma_start3A_133 = arith.constant 0 : i32
        %dma_start3A_134 = tpu.memref_slice %arg9[%add3A_122, %dma_start3A_133] : memref<10240x16xf32, #tpu.memory_space<hbm>> -> memref<40x16xf32, #tpu.memory_space<hbm>>
        tpu.enqueue_dma source(%arg16 : memref<40x16xf32, #tpu.memory_space<vmem>>) target(%dma_start3A_134 : memref<40x16xf32, #tpu.memory_space<hbm>>) target_semaphore(%run_scoped3A : memref<!tpu.dma_semaphore, #tpu.memory_space<semaphore_mem>>)
        %dma_wait3A = arith.constant 0 : i32
        %dma_wait3A_135 = tpu.memref_slice %arg9[%add3A_122, %dma_wait3A] : memref<10240x16xf32, #tpu.memory_space<hbm>> -> memref<40x16xf32, #tpu.memory_space<hbm>>
        %dma_wait3A_136 = arith.constant 0 : i32
        %dma_wait3A_137 = tpu.memref_slice %arg9[%add3A_122, %dma_wait3A_136] : memref<10240x16xf32, #tpu.memory_space<hbm>> -> memref<40x16xf32, #tpu.memory_space<hbm>>
        tpu.wait_dma2 semaphore(%run_scoped3A : memref<!tpu.dma_semaphore, #tpu.memory_space<semaphore_mem>>) src(%arg16 : memref<40x16xf32, #tpu.memory_space<vmem>>) dst(%dma_wait3A_137 : memref<40x16xf32, #tpu.memory_space<hbm>>)
        tpu.yield
      }) : () -> ()
      %add3A_123 = arith.constant 480 : i32
      %add3A_124 = arith.addi %mul3A_8, %add3A_123 : i32
      "tpu.region"() ({
        %run_scoped3A = tpu.sem_alloc : memref<!tpu.dma_semaphore, #tpu.memory_space<semaphore_mem>>
        %dma_start3A_131 = arith.constant 0 : i32
        %dma_start3A_132 = tpu.memref_slice %arg23[%add3A_124, %dma_start3A_131] : memref<10240x128xf32, #tpu.memory_space<vmem_shared>> -> memref<40x128xf32, #tpu.memory_space<vmem_shared>>
        %dma_start3A_133 = arith.constant 0 : i32
        %dma_start3A_134 = tpu.memref_slice %arg23[%add3A_124, %dma_start3A_133] : memref<10240x128xf32, #tpu.memory_space<vmem_shared>> -> memref<40x128xf32, #tpu.memory_space<vmem_shared>>
        tpu.enqueue_dma source(%dma_start3A_134 : memref<40x128xf32, #tpu.memory_space<vmem_shared>>) target(%arg15 : memref<40x128xf32, #tpu.memory_space<vmem>>) target_semaphore(%run_scoped3A : memref<!tpu.dma_semaphore, #tpu.memory_space<semaphore_mem>>)
        %dma_wait3A = arith.constant 0 : i32
        %dma_wait3A_135 = tpu.memref_slice %arg23[%add3A_124, %dma_wait3A] : memref<10240x128xf32, #tpu.memory_space<vmem_shared>> -> memref<40x128xf32, #tpu.memory_space<vmem_shared>>
        %dma_wait3A_136 = arith.constant 0 : i32
        %dma_wait3A_137 = tpu.memref_slice %arg23[%add3A_124, %dma_wait3A_136] : memref<10240x128xf32, #tpu.memory_space<vmem_shared>> -> memref<40x128xf32, #tpu.memory_space<vmem_shared>>
        tpu.wait_dma2 semaphore(%run_scoped3A : memref<!tpu.dma_semaphore, #tpu.memory_space<semaphore_mem>>) src(%dma_wait3A_137 : memref<40x128xf32, #tpu.memory_space<vmem_shared>>) dst(%arg15 : memref<40x128xf32, #tpu.memory_space<vmem>>)
        tpu.yield
      }) : () -> ()
      "tpu.region"() ({
        %run_scoped3A = tpu.sem_alloc : memref<!tpu.dma_semaphore, #tpu.memory_space<semaphore_mem>>
        %dma_start3A_131 = arith.constant 0 : i32
        %dma_start3A_132 = tpu.memref_slice %arg7[%add3A_124, %dma_start3A_131] : memref<10240x128xf32, #tpu.memory_space<hbm>> -> memref<40x128xf32, #tpu.memory_space<hbm>>
        %dma_start3A_133 = arith.constant 0 : i32
        %dma_start3A_134 = tpu.memref_slice %arg7[%add3A_124, %dma_start3A_133] : memref<10240x128xf32, #tpu.memory_space<hbm>> -> memref<40x128xf32, #tpu.memory_space<hbm>>
        tpu.enqueue_dma source(%arg15 : memref<40x128xf32, #tpu.memory_space<vmem>>) target(%dma_start3A_134 : memref<40x128xf32, #tpu.memory_space<hbm>>) target_semaphore(%run_scoped3A : memref<!tpu.dma_semaphore, #tpu.memory_space<semaphore_mem>>)
        %dma_wait3A = arith.constant 0 : i32
        %dma_wait3A_135 = tpu.memref_slice %arg7[%add3A_124, %dma_wait3A] : memref<10240x128xf32, #tpu.memory_space<hbm>> -> memref<40x128xf32, #tpu.memory_space<hbm>>
        %dma_wait3A_136 = arith.constant 0 : i32
        %dma_wait3A_137 = tpu.memref_slice %arg7[%add3A_124, %dma_wait3A_136] : memref<10240x128xf32, #tpu.memory_space<hbm>> -> memref<40x128xf32, #tpu.memory_space<hbm>>
        tpu.wait_dma2 semaphore(%run_scoped3A : memref<!tpu.dma_semaphore, #tpu.memory_space<semaphore_mem>>) src(%arg15 : memref<40x128xf32, #tpu.memory_space<vmem>>) dst(%dma_wait3A_137 : memref<40x128xf32, #tpu.memory_space<hbm>>)
        tpu.yield
      }) : () -> ()
      "tpu.region"() ({
        %run_scoped3A = tpu.sem_alloc : memref<!tpu.dma_semaphore, #tpu.memory_space<semaphore_mem>>
        %dma_start3A_131 = arith.constant 0 : i32
        %dma_start3A_132 = tpu.memref_slice %arg24[%add3A_124, %dma_start3A_131] : memref<10240x16xf32, #tpu.memory_space<vmem_shared>> -> memref<40x16xf32, #tpu.memory_space<vmem_shared>>
        %dma_start3A_133 = arith.constant 0 : i32
        %dma_start3A_134 = tpu.memref_slice %arg24[%add3A_124, %dma_start3A_133] : memref<10240x16xf32, #tpu.memory_space<vmem_shared>> -> memref<40x16xf32, #tpu.memory_space<vmem_shared>>
        tpu.enqueue_dma source(%dma_start3A_134 : memref<40x16xf32, #tpu.memory_space<vmem_shared>>) target(%arg16 : memref<40x16xf32, #tpu.memory_space<vmem>>) target_semaphore(%run_scoped3A : memref<!tpu.dma_semaphore, #tpu.memory_space<semaphore_mem>>)
        %dma_wait3A = arith.constant 0 : i32
        %dma_wait3A_135 = tpu.memref_slice %arg24[%add3A_124, %dma_wait3A] : memref<10240x16xf32, #tpu.memory_space<vmem_shared>> -> memref<40x16xf32, #tpu.memory_space<vmem_shared>>
        %dma_wait3A_136 = arith.constant 0 : i32
        %dma_wait3A_137 = tpu.memref_slice %arg24[%add3A_124, %dma_wait3A_136] : memref<10240x16xf32, #tpu.memory_space<vmem_shared>> -> memref<40x16xf32, #tpu.memory_space<vmem_shared>>
        tpu.wait_dma2 semaphore(%run_scoped3A : memref<!tpu.dma_semaphore, #tpu.memory_space<semaphore_mem>>) src(%dma_wait3A_137 : memref<40x16xf32, #tpu.memory_space<vmem_shared>>) dst(%arg16 : memref<40x16xf32, #tpu.memory_space<vmem>>)
        tpu.yield
      }) : () -> ()
      "tpu.region"() ({
        %run_scoped3A = tpu.sem_alloc : memref<!tpu.dma_semaphore, #tpu.memory_space<semaphore_mem>>
        %dma_start3A_131 = arith.constant 0 : i32
        %dma_start3A_132 = tpu.memref_slice %arg9[%add3A_124, %dma_start3A_131] : memref<10240x16xf32, #tpu.memory_space<hbm>> -> memref<40x16xf32, #tpu.memory_space<hbm>>
        %dma_start3A_133 = arith.constant 0 : i32
        %dma_start3A_134 = tpu.memref_slice %arg9[%add3A_124, %dma_start3A_133] : memref<10240x16xf32, #tpu.memory_space<hbm>> -> memref<40x16xf32, #tpu.memory_space<hbm>>
        tpu.enqueue_dma source(%arg16 : memref<40x16xf32, #tpu.memory_space<vmem>>) target(%dma_start3A_134 : memref<40x16xf32, #tpu.memory_space<hbm>>) target_semaphore(%run_scoped3A : memref<!tpu.dma_semaphore, #tpu.memory_space<semaphore_mem>>)
        %dma_wait3A = arith.constant 0 : i32
        %dma_wait3A_135 = tpu.memref_slice %arg9[%add3A_124, %dma_wait3A] : memref<10240x16xf32, #tpu.memory_space<hbm>> -> memref<40x16xf32, #tpu.memory_space<hbm>>
        %dma_wait3A_136 = arith.constant 0 : i32
        %dma_wait3A_137 = tpu.memref_slice %arg9[%add3A_124, %dma_wait3A_136] : memref<10240x16xf32, #tpu.memory_space<hbm>> -> memref<40x16xf32, #tpu.memory_space<hbm>>
        tpu.wait_dma2 semaphore(%run_scoped3A : memref<!tpu.dma_semaphore, #tpu.memory_space<semaphore_mem>>) src(%arg16 : memref<40x16xf32, #tpu.memory_space<vmem>>) dst(%dma_wait3A_137 : memref<40x16xf32, #tpu.memory_space<hbm>>)
        tpu.yield
      }) : () -> ()
      %add3A_125 = arith.constant 520 : i32
      %add3A_126 = arith.addi %mul3A_8, %add3A_125 : i32
      "tpu.region"() ({
        %run_scoped3A = tpu.sem_alloc : memref<!tpu.dma_semaphore, #tpu.memory_space<semaphore_mem>>
        %dma_start3A_131 = arith.constant 0 : i32
        %dma_start3A_132 = tpu.memref_slice %arg23[%add3A_126, %dma_start3A_131] : memref<10240x128xf32, #tpu.memory_space<vmem_shared>> -> memref<40x128xf32, #tpu.memory_space<vmem_shared>>
        %dma_start3A_133 = arith.constant 0 : i32
        %dma_start3A_134 = tpu.memref_slice %arg23[%add3A_126, %dma_start3A_133] : memref<10240x128xf32, #tpu.memory_space<vmem_shared>> -> memref<40x128xf32, #tpu.memory_space<vmem_shared>>
        tpu.enqueue_dma source(%dma_start3A_134 : memref<40x128xf32, #tpu.memory_space<vmem_shared>>) target(%arg15 : memref<40x128xf32, #tpu.memory_space<vmem>>) target_semaphore(%run_scoped3A : memref<!tpu.dma_semaphore, #tpu.memory_space<semaphore_mem>>)
        %dma_wait3A = arith.constant 0 : i32
        %dma_wait3A_135 = tpu.memref_slice %arg23[%add3A_126, %dma_wait3A] : memref<10240x128xf32, #tpu.memory_space<vmem_shared>> -> memref<40x128xf32, #tpu.memory_space<vmem_shared>>
        %dma_wait3A_136 = arith.constant 0 : i32
        %dma_wait3A_137 = tpu.memref_slice %arg23[%add3A_126, %dma_wait3A_136] : memref<10240x128xf32, #tpu.memory_space<vmem_shared>> -> memref<40x128xf32, #tpu.memory_space<vmem_shared>>
        tpu.wait_dma2 semaphore(%run_scoped3A : memref<!tpu.dma_semaphore, #tpu.memory_space<semaphore_mem>>) src(%dma_wait3A_137 : memref<40x128xf32, #tpu.memory_space<vmem_shared>>) dst(%arg15 : memref<40x128xf32, #tpu.memory_space<vmem>>)
        tpu.yield
      }) : () -> ()
      "tpu.region"() ({
        %run_scoped3A = tpu.sem_alloc : memref<!tpu.dma_semaphore, #tpu.memory_space<semaphore_mem>>
        %dma_start3A_131 = arith.constant 0 : i32
        %dma_start3A_132 = tpu.memref_slice %arg7[%add3A_126, %dma_start3A_131] : memref<10240x128xf32, #tpu.memory_space<hbm>> -> memref<40x128xf32, #tpu.memory_space<hbm>>
        %dma_start3A_133 = arith.constant 0 : i32
        %dma_start3A_134 = tpu.memref_slice %arg7[%add3A_126, %dma_start3A_133] : memref<10240x128xf32, #tpu.memory_space<hbm>> -> memref<40x128xf32, #tpu.memory_space<hbm>>
        tpu.enqueue_dma source(%arg15 : memref<40x128xf32, #tpu.memory_space<vmem>>) target(%dma_start3A_134 : memref<40x128xf32, #tpu.memory_space<hbm>>) target_semaphore(%run_scoped3A : memref<!tpu.dma_semaphore, #tpu.memory_space<semaphore_mem>>)
        %dma_wait3A = arith.constant 0 : i32
        %dma_wait3A_135 = tpu.memref_slice %arg7[%add3A_126, %dma_wait3A] : memref<10240x128xf32, #tpu.memory_space<hbm>> -> memref<40x128xf32, #tpu.memory_space<hbm>>
        %dma_wait3A_136 = arith.constant 0 : i32
        %dma_wait3A_137 = tpu.memref_slice %arg7[%add3A_126, %dma_wait3A_136] : memref<10240x128xf32, #tpu.memory_space<hbm>> -> memref<40x128xf32, #tpu.memory_space<hbm>>
        tpu.wait_dma2 semaphore(%run_scoped3A : memref<!tpu.dma_semaphore, #tpu.memory_space<semaphore_mem>>) src(%arg15 : memref<40x128xf32, #tpu.memory_space<vmem>>) dst(%dma_wait3A_137 : memref<40x128xf32, #tpu.memory_space<hbm>>)
        tpu.yield
      }) : () -> ()
      "tpu.region"() ({
        %run_scoped3A = tpu.sem_alloc : memref<!tpu.dma_semaphore, #tpu.memory_space<semaphore_mem>>
        %dma_start3A_131 = arith.constant 0 : i32
        %dma_start3A_132 = tpu.memref_slice %arg24[%add3A_126, %dma_start3A_131] : memref<10240x16xf32, #tpu.memory_space<vmem_shared>> -> memref<40x16xf32, #tpu.memory_space<vmem_shared>>
        %dma_start3A_133 = arith.constant 0 : i32
        %dma_start3A_134 = tpu.memref_slice %arg24[%add3A_126, %dma_start3A_133] : memref<10240x16xf32, #tpu.memory_space<vmem_shared>> -> memref<40x16xf32, #tpu.memory_space<vmem_shared>>
        tpu.enqueue_dma source(%dma_start3A_134 : memref<40x16xf32, #tpu.memory_space<vmem_shared>>) target(%arg16 : memref<40x16xf32, #tpu.memory_space<vmem>>) target_semaphore(%run_scoped3A : memref<!tpu.dma_semaphore, #tpu.memory_space<semaphore_mem>>)
        %dma_wait3A = arith.constant 0 : i32
        %dma_wait3A_135 = tpu.memref_slice %arg24[%add3A_126, %dma_wait3A] : memref<10240x16xf32, #tpu.memory_space<vmem_shared>> -> memref<40x16xf32, #tpu.memory_space<vmem_shared>>
        %dma_wait3A_136 = arith.constant 0 : i32
        %dma_wait3A_137 = tpu.memref_slice %arg24[%add3A_126, %dma_wait3A_136] : memref<10240x16xf32, #tpu.memory_space<vmem_shared>> -> memref<40x16xf32, #tpu.memory_space<vmem_shared>>
        tpu.wait_dma2 semaphore(%run_scoped3A : memref<!tpu.dma_semaphore, #tpu.memory_space<semaphore_mem>>) src(%dma_wait3A_137 : memref<40x16xf32, #tpu.memory_space<vmem_shared>>) dst(%arg16 : memref<40x16xf32, #tpu.memory_space<vmem>>)
        tpu.yield
      }) : () -> ()
      "tpu.region"() ({
        %run_scoped3A = tpu.sem_alloc : memref<!tpu.dma_semaphore, #tpu.memory_space<semaphore_mem>>
        %dma_start3A_131 = arith.constant 0 : i32
        %dma_start3A_132 = tpu.memref_slice %arg9[%add3A_126, %dma_start3A_131] : memref<10240x16xf32, #tpu.memory_space<hbm>> -> memref<40x16xf32, #tpu.memory_space<hbm>>
        %dma_start3A_133 = arith.constant 0 : i32
        %dma_start3A_134 = tpu.memref_slice %arg9[%add3A_126, %dma_start3A_133] : memref<10240x16xf32, #tpu.memory_space<hbm>> -> memref<40x16xf32, #tpu.memory_space<hbm>>
        tpu.enqueue_dma source(%arg16 : memref<40x16xf32, #tpu.memory_space<vmem>>) target(%dma_start3A_134 : memref<40x16xf32, #tpu.memory_space<hbm>>) target_semaphore(%run_scoped3A : memref<!tpu.dma_semaphore, #tpu.memory_space<semaphore_mem>>)
        %dma_wait3A = arith.constant 0 : i32
        %dma_wait3A_135 = tpu.memref_slice %arg9[%add3A_126, %dma_wait3A] : memref<10240x16xf32, #tpu.memory_space<hbm>> -> memref<40x16xf32, #tpu.memory_space<hbm>>
        %dma_wait3A_136 = arith.constant 0 : i32
        %dma_wait3A_137 = tpu.memref_slice %arg9[%add3A_126, %dma_wait3A_136] : memref<10240x16xf32, #tpu.memory_space<hbm>> -> memref<40x16xf32, #tpu.memory_space<hbm>>
        tpu.wait_dma2 semaphore(%run_scoped3A : memref<!tpu.dma_semaphore, #tpu.memory_space<semaphore_mem>>) src(%arg16 : memref<40x16xf32, #tpu.memory_space<vmem>>) dst(%dma_wait3A_137 : memref<40x16xf32, #tpu.memory_space<hbm>>)
        tpu.yield
      }) : () -> ()
      %add3A_127 = arith.constant 560 : i32
      %add3A_128 = arith.addi %mul3A_8, %add3A_127 : i32
      "tpu.region"() ({
        %run_scoped3A = tpu.sem_alloc : memref<!tpu.dma_semaphore, #tpu.memory_space<semaphore_mem>>
        %dma_start3A_131 = arith.constant 0 : i32
        %dma_start3A_132 = tpu.memref_slice %arg23[%add3A_128, %dma_start3A_131] : memref<10240x128xf32, #tpu.memory_space<vmem_shared>> -> memref<40x128xf32, #tpu.memory_space<vmem_shared>>
        %dma_start3A_133 = arith.constant 0 : i32
        %dma_start3A_134 = tpu.memref_slice %arg23[%add3A_128, %dma_start3A_133] : memref<10240x128xf32, #tpu.memory_space<vmem_shared>> -> memref<40x128xf32, #tpu.memory_space<vmem_shared>>
        tpu.enqueue_dma source(%dma_start3A_134 : memref<40x128xf32, #tpu.memory_space<vmem_shared>>) target(%arg15 : memref<40x128xf32, #tpu.memory_space<vmem>>) target_semaphore(%run_scoped3A : memref<!tpu.dma_semaphore, #tpu.memory_space<semaphore_mem>>)
        %dma_wait3A = arith.constant 0 : i32
        %dma_wait3A_135 = tpu.memref_slice %arg23[%add3A_128, %dma_wait3A] : memref<10240x128xf32, #tpu.memory_space<vmem_shared>> -> memref<40x128xf32, #tpu.memory_space<vmem_shared>>
        %dma_wait3A_136 = arith.constant 0 : i32
        %dma_wait3A_137 = tpu.memref_slice %arg23[%add3A_128, %dma_wait3A_136] : memref<10240x128xf32, #tpu.memory_space<vmem_shared>> -> memref<40x128xf32, #tpu.memory_space<vmem_shared>>
        tpu.wait_dma2 semaphore(%run_scoped3A : memref<!tpu.dma_semaphore, #tpu.memory_space<semaphore_mem>>) src(%dma_wait3A_137 : memref<40x128xf32, #tpu.memory_space<vmem_shared>>) dst(%arg15 : memref<40x128xf32, #tpu.memory_space<vmem>>)
        tpu.yield
      }) : () -> ()
      "tpu.region"() ({
        %run_scoped3A = tpu.sem_alloc : memref<!tpu.dma_semaphore, #tpu.memory_space<semaphore_mem>>
        %dma_start3A_131 = arith.constant 0 : i32
        %dma_start3A_132 = tpu.memref_slice %arg7[%add3A_128, %dma_start3A_131] : memref<10240x128xf32, #tpu.memory_space<hbm>> -> memref<40x128xf32, #tpu.memory_space<hbm>>
        %dma_start3A_133 = arith.constant 0 : i32
        %dma_start3A_134 = tpu.memref_slice %arg7[%add3A_128, %dma_start3A_133] : memref<10240x128xf32, #tpu.memory_space<hbm>> -> memref<40x128xf32, #tpu.memory_space<hbm>>
        tpu.enqueue_dma source(%arg15 : memref<40x128xf32, #tpu.memory_space<vmem>>) target(%dma_start3A_134 : memref<40x128xf32, #tpu.memory_space<hbm>>) target_semaphore(%run_scoped3A : memref<!tpu.dma_semaphore, #tpu.memory_space<semaphore_mem>>)
        %dma_wait3A = arith.constant 0 : i32
        %dma_wait3A_135 = tpu.memref_slice %arg7[%add3A_128, %dma_wait3A] : memref<10240x128xf32, #tpu.memory_space<hbm>> -> memref<40x128xf32, #tpu.memory_space<hbm>>
        %dma_wait3A_136 = arith.constant 0 : i32
        %dma_wait3A_137 = tpu.memref_slice %arg7[%add3A_128, %dma_wait3A_136] : memref<10240x128xf32, #tpu.memory_space<hbm>> -> memref<40x128xf32, #tpu.memory_space<hbm>>
        tpu.wait_dma2 semaphore(%run_scoped3A : memref<!tpu.dma_semaphore, #tpu.memory_space<semaphore_mem>>) src(%arg15 : memref<40x128xf32, #tpu.memory_space<vmem>>) dst(%dma_wait3A_137 : memref<40x128xf32, #tpu.memory_space<hbm>>)
        tpu.yield
      }) : () -> ()
      "tpu.region"() ({
        %run_scoped3A = tpu.sem_alloc : memref<!tpu.dma_semaphore, #tpu.memory_space<semaphore_mem>>
        %dma_start3A_131 = arith.constant 0 : i32
        %dma_start3A_132 = tpu.memref_slice %arg24[%add3A_128, %dma_start3A_131] : memref<10240x16xf32, #tpu.memory_space<vmem_shared>> -> memref<40x16xf32, #tpu.memory_space<vmem_shared>>
        %dma_start3A_133 = arith.constant 0 : i32
        %dma_start3A_134 = tpu.memref_slice %arg24[%add3A_128, %dma_start3A_133] : memref<10240x16xf32, #tpu.memory_space<vmem_shared>> -> memref<40x16xf32, #tpu.memory_space<vmem_shared>>
        tpu.enqueue_dma source(%dma_start3A_134 : memref<40x16xf32, #tpu.memory_space<vmem_shared>>) target(%arg16 : memref<40x16xf32, #tpu.memory_space<vmem>>) target_semaphore(%run_scoped3A : memref<!tpu.dma_semaphore, #tpu.memory_space<semaphore_mem>>)
        %dma_wait3A = arith.constant 0 : i32
        %dma_wait3A_135 = tpu.memref_slice %arg24[%add3A_128, %dma_wait3A] : memref<10240x16xf32, #tpu.memory_space<vmem_shared>> -> memref<40x16xf32, #tpu.memory_space<vmem_shared>>
        %dma_wait3A_136 = arith.constant 0 : i32
        %dma_wait3A_137 = tpu.memref_slice %arg24[%add3A_128, %dma_wait3A_136] : memref<10240x16xf32, #tpu.memory_space<vmem_shared>> -> memref<40x16xf32, #tpu.memory_space<vmem_shared>>
        tpu.wait_dma2 semaphore(%run_scoped3A : memref<!tpu.dma_semaphore, #tpu.memory_space<semaphore_mem>>) src(%dma_wait3A_137 : memref<40x16xf32, #tpu.memory_space<vmem_shared>>) dst(%arg16 : memref<40x16xf32, #tpu.memory_space<vmem>>)
        tpu.yield
      }) : () -> ()
      "tpu.region"() ({
        %run_scoped3A = tpu.sem_alloc : memref<!tpu.dma_semaphore, #tpu.memory_space<semaphore_mem>>
        %dma_start3A_131 = arith.constant 0 : i32
        %dma_start3A_132 = tpu.memref_slice %arg9[%add3A_128, %dma_start3A_131] : memref<10240x16xf32, #tpu.memory_space<hbm>> -> memref<40x16xf32, #tpu.memory_space<hbm>>
        %dma_start3A_133 = arith.constant 0 : i32
        %dma_start3A_134 = tpu.memref_slice %arg9[%add3A_128, %dma_start3A_133] : memref<10240x16xf32, #tpu.memory_space<hbm>> -> memref<40x16xf32, #tpu.memory_space<hbm>>
        tpu.enqueue_dma source(%arg16 : memref<40x16xf32, #tpu.memory_space<vmem>>) target(%dma_start3A_134 : memref<40x16xf32, #tpu.memory_space<hbm>>) target_semaphore(%run_scoped3A : memref<!tpu.dma_semaphore, #tpu.memory_space<semaphore_mem>>)
        %dma_wait3A = arith.constant 0 : i32
        %dma_wait3A_135 = tpu.memref_slice %arg9[%add3A_128, %dma_wait3A] : memref<10240x16xf32, #tpu.memory_space<hbm>> -> memref<40x16xf32, #tpu.memory_space<hbm>>
        %dma_wait3A_136 = arith.constant 0 : i32
        %dma_wait3A_137 = tpu.memref_slice %arg9[%add3A_128, %dma_wait3A_136] : memref<10240x16xf32, #tpu.memory_space<hbm>> -> memref<40x16xf32, #tpu.memory_space<hbm>>
        tpu.wait_dma2 semaphore(%run_scoped3A : memref<!tpu.dma_semaphore, #tpu.memory_space<semaphore_mem>>) src(%arg16 : memref<40x16xf32, #tpu.memory_space<vmem>>) dst(%dma_wait3A_137 : memref<40x16xf32, #tpu.memory_space<hbm>>)
        tpu.yield
      }) : () -> ()
      %add3A_129 = arith.constant 600 : i32
      %add3A_130 = arith.addi %mul3A_8, %add3A_129 : i32
      "tpu.region"() ({
        %run_scoped3A = tpu.sem_alloc : memref<!tpu.dma_semaphore, #tpu.memory_space<semaphore_mem>>
        %dma_start3A_131 = arith.constant 0 : i32
        %dma_start3A_132 = tpu.memref_slice %arg23[%add3A_130, %dma_start3A_131] : memref<10240x128xf32, #tpu.memory_space<vmem_shared>> -> memref<40x128xf32, #tpu.memory_space<vmem_shared>>
        %dma_start3A_133 = arith.constant 0 : i32
        %dma_start3A_134 = tpu.memref_slice %arg23[%add3A_130, %dma_start3A_133] : memref<10240x128xf32, #tpu.memory_space<vmem_shared>> -> memref<40x128xf32, #tpu.memory_space<vmem_shared>>
        tpu.enqueue_dma source(%dma_start3A_134 : memref<40x128xf32, #tpu.memory_space<vmem_shared>>) target(%arg15 : memref<40x128xf32, #tpu.memory_space<vmem>>) target_semaphore(%run_scoped3A : memref<!tpu.dma_semaphore, #tpu.memory_space<semaphore_mem>>)
        %dma_wait3A = arith.constant 0 : i32
        %dma_wait3A_135 = tpu.memref_slice %arg23[%add3A_130, %dma_wait3A] : memref<10240x128xf32, #tpu.memory_space<vmem_shared>> -> memref<40x128xf32, #tpu.memory_space<vmem_shared>>
        %dma_wait3A_136 = arith.constant 0 : i32
        %dma_wait3A_137 = tpu.memref_slice %arg23[%add3A_130, %dma_wait3A_136] : memref<10240x128xf32, #tpu.memory_space<vmem_shared>> -> memref<40x128xf32, #tpu.memory_space<vmem_shared>>
        tpu.wait_dma2 semaphore(%run_scoped3A : memref<!tpu.dma_semaphore, #tpu.memory_space<semaphore_mem>>) src(%dma_wait3A_137 : memref<40x128xf32, #tpu.memory_space<vmem_shared>>) dst(%arg15 : memref<40x128xf32, #tpu.memory_space<vmem>>)
        tpu.yield
      }) : () -> ()
      "tpu.region"() ({
        %run_scoped3A = tpu.sem_alloc : memref<!tpu.dma_semaphore, #tpu.memory_space<semaphore_mem>>
        %dma_start3A_131 = arith.constant 0 : i32
        %dma_start3A_132 = tpu.memref_slice %arg7[%add3A_130, %dma_start3A_131] : memref<10240x128xf32, #tpu.memory_space<hbm>> -> memref<40x128xf32, #tpu.memory_space<hbm>>
        %dma_start3A_133 = arith.constant 0 : i32
        %dma_start3A_134 = tpu.memref_slice %arg7[%add3A_130, %dma_start3A_133] : memref<10240x128xf32, #tpu.memory_space<hbm>> -> memref<40x128xf32, #tpu.memory_space<hbm>>
        tpu.enqueue_dma source(%arg15 : memref<40x128xf32, #tpu.memory_space<vmem>>) target(%dma_start3A_134 : memref<40x128xf32, #tpu.memory_space<hbm>>) target_semaphore(%run_scoped3A : memref<!tpu.dma_semaphore, #tpu.memory_space<semaphore_mem>>)
        %dma_wait3A = arith.constant 0 : i32
        %dma_wait3A_135 = tpu.memref_slice %arg7[%add3A_130, %dma_wait3A] : memref<10240x128xf32, #tpu.memory_space<hbm>> -> memref<40x128xf32, #tpu.memory_space<hbm>>
        %dma_wait3A_136 = arith.constant 0 : i32
        %dma_wait3A_137 = tpu.memref_slice %arg7[%add3A_130, %dma_wait3A_136] : memref<10240x128xf32, #tpu.memory_space<hbm>> -> memref<40x128xf32, #tpu.memory_space<hbm>>
        tpu.wait_dma2 semaphore(%run_scoped3A : memref<!tpu.dma_semaphore, #tpu.memory_space<semaphore_mem>>) src(%arg15 : memref<40x128xf32, #tpu.memory_space<vmem>>) dst(%dma_wait3A_137 : memref<40x128xf32, #tpu.memory_space<hbm>>)
        tpu.yield
      }) : () -> ()
      "tpu.region"() ({
        %run_scoped3A = tpu.sem_alloc : memref<!tpu.dma_semaphore, #tpu.memory_space<semaphore_mem>>
        %dma_start3A_131 = arith.constant 0 : i32
        %dma_start3A_132 = tpu.memref_slice %arg24[%add3A_130, %dma_start3A_131] : memref<10240x16xf32, #tpu.memory_space<vmem_shared>> -> memref<40x16xf32, #tpu.memory_space<vmem_shared>>
        %dma_start3A_133 = arith.constant 0 : i32
        %dma_start3A_134 = tpu.memref_slice %arg24[%add3A_130, %dma_start3A_133] : memref<10240x16xf32, #tpu.memory_space<vmem_shared>> -> memref<40x16xf32, #tpu.memory_space<vmem_shared>>
        tpu.enqueue_dma source(%dma_start3A_134 : memref<40x16xf32, #tpu.memory_space<vmem_shared>>) target(%arg16 : memref<40x16xf32, #tpu.memory_space<vmem>>) target_semaphore(%run_scoped3A : memref<!tpu.dma_semaphore, #tpu.memory_space<semaphore_mem>>)
        %dma_wait3A = arith.constant 0 : i32
        %dma_wait3A_135 = tpu.memref_slice %arg24[%add3A_130, %dma_wait3A] : memref<10240x16xf32, #tpu.memory_space<vmem_shared>> -> memref<40x16xf32, #tpu.memory_space<vmem_shared>>
        %dma_wait3A_136 = arith.constant 0 : i32
        %dma_wait3A_137 = tpu.memref_slice %arg24[%add3A_130, %dma_wait3A_136] : memref<10240x16xf32, #tpu.memory_space<vmem_shared>> -> memref<40x16xf32, #tpu.memory_space<vmem_shared>>
        tpu.wait_dma2 semaphore(%run_scoped3A : memref<!tpu.dma_semaphore, #tpu.memory_space<semaphore_mem>>) src(%dma_wait3A_137 : memref<40x16xf32, #tpu.memory_space<vmem_shared>>) dst(%arg16 : memref<40x16xf32, #tpu.memory_space<vmem>>)
        tpu.yield
      }) : () -> ()
      "tpu.region"() ({
        %run_scoped3A = tpu.sem_alloc : memref<!tpu.dma_semaphore, #tpu.memory_space<semaphore_mem>>
        %dma_start3A_131 = arith.constant 0 : i32
        %dma_start3A_132 = tpu.memref_slice %arg9[%add3A_130, %dma_start3A_131] : memref<10240x16xf32, #tpu.memory_space<hbm>> -> memref<40x16xf32, #tpu.memory_space<hbm>>
        %dma_start3A_133 = arith.constant 0 : i32
        %dma_start3A_134 = tpu.memref_slice %arg9[%add3A_130, %dma_start3A_133] : memref<10240x16xf32, #tpu.memory_space<hbm>> -> memref<40x16xf32, #tpu.memory_space<hbm>>
        tpu.enqueue_dma source(%arg16 : memref<40x16xf32, #tpu.memory_space<vmem>>) target(%dma_start3A_134 : memref<40x16xf32, #tpu.memory_space<hbm>>) target_semaphore(%run_scoped3A : memref<!tpu.dma_semaphore, #tpu.memory_space<semaphore_mem>>)
        %dma_wait3A = arith.constant 0 : i32
        %dma_wait3A_135 = tpu.memref_slice %arg9[%add3A_130, %dma_wait3A] : memref<10240x16xf32, #tpu.memory_space<hbm>> -> memref<40x16xf32, #tpu.memory_space<hbm>>
        %dma_wait3A_136 = arith.constant 0 : i32
        %dma_wait3A_137 = tpu.memref_slice %arg9[%add3A_130, %dma_wait3A_136] : memref<10240x16xf32, #tpu.memory_space<hbm>> -> memref<40x16xf32, #tpu.memory_space<hbm>>
        tpu.wait_dma2 semaphore(%run_scoped3A : memref<!tpu.dma_semaphore, #tpu.memory_space<semaphore_mem>>) src(%arg16 : memref<40x16xf32, #tpu.memory_space<vmem>>) dst(%dma_wait3A_137 : memref<40x16xf32, #tpu.memory_space<hbm>>)
        tpu.yield
      }) : () -> ()
    } else {
    }
    %eq3A_94 = arith.constant 1 : i32
    %eq3A_95 = arith.cmpi eq, %arg0, %eq3A_94 : i32
    %convert_element_type3A_96 = arith.extui %eq3A_95 : i1 to i32
    %cond3A_97 = arith.constant 0 : i32
    %cond3A_98 = arith.cmpi ne, %convert_element_type3A_96, %cond3A_97 : i32
    scf.if %cond3A_98 {
      %add3A_99 = arith.constant 0 : i32
      %add3A_100 = arith.addi %mul3A_8, %add3A_99 : i32
      "tpu.region"() ({
        %run_scoped3A = tpu.sem_alloc : memref<!tpu.dma_semaphore, #tpu.memory_space<semaphore_mem>>
        %dma_start3A_131 = arith.constant 0 : i32
        %dma_start3A_132 = tpu.memref_slice %arg23[%add3A_100, %dma_start3A_131] : memref<10240x128xf32, #tpu.memory_space<vmem_shared>> -> memref<40x128xf32, #tpu.memory_space<vmem_shared>>
        %dma_start3A_133 = arith.constant 0 : i32
        %dma_start3A_134 = tpu.memref_slice %arg23[%add3A_100, %dma_start3A_133] : memref<10240x128xf32, #tpu.memory_space<vmem_shared>> -> memref<40x128xf32, #tpu.memory_space<vmem_shared>>
        tpu.enqueue_dma source(%dma_start3A_134 : memref<40x128xf32, #tpu.memory_space<vmem_shared>>) target(%arg15 : memref<40x128xf32, #tpu.memory_space<vmem>>) target_semaphore(%run_scoped3A : memref<!tpu.dma_semaphore, #tpu.memory_space<semaphore_mem>>)
        %dma_wait3A = arith.constant 0 : i32
        %dma_wait3A_135 = tpu.memref_slice %arg23[%add3A_100, %dma_wait3A] : memref<10240x128xf32, #tpu.memory_space<vmem_shared>> -> memref<40x128xf32, #tpu.memory_space<vmem_shared>>
        %dma_wait3A_136 = arith.constant 0 : i32
        %dma_wait3A_137 = tpu.memref_slice %arg23[%add3A_100, %dma_wait3A_136] : memref<10240x128xf32, #tpu.memory_space<vmem_shared>> -> memref<40x128xf32, #tpu.memory_space<vmem_shared>>
        tpu.wait_dma2 semaphore(%run_scoped3A : memref<!tpu.dma_semaphore, #tpu.memory_space<semaphore_mem>>) src(%dma_wait3A_137 : memref<40x128xf32, #tpu.memory_space<vmem_shared>>) dst(%arg15 : memref<40x128xf32, #tpu.memory_space<vmem>>)
        tpu.yield
      }) : () -> ()
      "tpu.region"() ({
        %run_scoped3A = tpu.sem_alloc : memref<!tpu.dma_semaphore, #tpu.memory_space<semaphore_mem>>
        %dma_start3A_131 = arith.constant 0 : i32
        %dma_start3A_132 = tpu.memref_slice %arg8[%add3A_100, %dma_start3A_131] : memref<10240x128xf32, #tpu.memory_space<hbm>> -> memref<40x128xf32, #tpu.memory_space<hbm>>
        %dma_start3A_133 = arith.constant 0 : i32
        %dma_start3A_134 = tpu.memref_slice %arg8[%add3A_100, %dma_start3A_133] : memref<10240x128xf32, #tpu.memory_space<hbm>> -> memref<40x128xf32, #tpu.memory_space<hbm>>
        tpu.enqueue_dma source(%arg15 : memref<40x128xf32, #tpu.memory_space<vmem>>) target(%dma_start3A_134 : memref<40x128xf32, #tpu.memory_space<hbm>>) target_semaphore(%run_scoped3A : memref<!tpu.dma_semaphore, #tpu.memory_space<semaphore_mem>>)
        %dma_wait3A = arith.constant 0 : i32
        %dma_wait3A_135 = tpu.memref_slice %arg8[%add3A_100, %dma_wait3A] : memref<10240x128xf32, #tpu.memory_space<hbm>> -> memref<40x128xf32, #tpu.memory_space<hbm>>
        %dma_wait3A_136 = arith.constant 0 : i32
        %dma_wait3A_137 = tpu.memref_slice %arg8[%add3A_100, %dma_wait3A_136] : memref<10240x128xf32, #tpu.memory_space<hbm>> -> memref<40x128xf32, #tpu.memory_space<hbm>>
        tpu.wait_dma2 semaphore(%run_scoped3A : memref<!tpu.dma_semaphore, #tpu.memory_space<semaphore_mem>>) src(%arg15 : memref<40x128xf32, #tpu.memory_space<vmem>>) dst(%dma_wait3A_137 : memref<40x128xf32, #tpu.memory_space<hbm>>)
        tpu.yield
      }) : () -> ()
      "tpu.region"() ({
        %run_scoped3A = tpu.sem_alloc : memref<!tpu.dma_semaphore, #tpu.memory_space<semaphore_mem>>
        %dma_start3A_131 = arith.constant 0 : i32
        %dma_start3A_132 = tpu.memref_slice %arg24[%add3A_100, %dma_start3A_131] : memref<10240x16xf32, #tpu.memory_space<vmem_shared>> -> memref<40x16xf32, #tpu.memory_space<vmem_shared>>
        %dma_start3A_133 = arith.constant 0 : i32
        %dma_start3A_134 = tpu.memref_slice %arg24[%add3A_100, %dma_start3A_133] : memref<10240x16xf32, #tpu.memory_space<vmem_shared>> -> memref<40x16xf32, #tpu.memory_space<vmem_shared>>
        tpu.enqueue_dma source(%dma_start3A_134 : memref<40x16xf32, #tpu.memory_space<vmem_shared>>) target(%arg16 : memref<40x16xf32, #tpu.memory_space<vmem>>) target_semaphore(%run_scoped3A : memref<!tpu.dma_semaphore, #tpu.memory_space<semaphore_mem>>)
        %dma_wait3A = arith.constant 0 : i32
        %dma_wait3A_135 = tpu.memref_slice %arg24[%add3A_100, %dma_wait3A] : memref<10240x16xf32, #tpu.memory_space<vmem_shared>> -> memref<40x16xf32, #tpu.memory_space<vmem_shared>>
        %dma_wait3A_136 = arith.constant 0 : i32
        %dma_wait3A_137 = tpu.memref_slice %arg24[%add3A_100, %dma_wait3A_136] : memref<10240x16xf32, #tpu.memory_space<vmem_shared>> -> memref<40x16xf32, #tpu.memory_space<vmem_shared>>
        tpu.wait_dma2 semaphore(%run_scoped3A : memref<!tpu.dma_semaphore, #tpu.memory_space<semaphore_mem>>) src(%dma_wait3A_137 : memref<40x16xf32, #tpu.memory_space<vmem_shared>>) dst(%arg16 : memref<40x16xf32, #tpu.memory_space<vmem>>)
        tpu.yield
      }) : () -> ()
      "tpu.region"() ({
        %run_scoped3A = tpu.sem_alloc : memref<!tpu.dma_semaphore, #tpu.memory_space<semaphore_mem>>
        %dma_start3A_131 = arith.constant 0 : i32
        %dma_start3A_132 = tpu.memref_slice %arg10[%add3A_100, %dma_start3A_131] : memref<10240x16xf32, #tpu.memory_space<hbm>> -> memref<40x16xf32, #tpu.memory_space<hbm>>
        %dma_start3A_133 = arith.constant 0 : i32
        %dma_start3A_134 = tpu.memref_slice %arg10[%add3A_100, %dma_start3A_133] : memref<10240x16xf32, #tpu.memory_space<hbm>> -> memref<40x16xf32, #tpu.memory_space<hbm>>
        tpu.enqueue_dma source(%arg16 : memref<40x16xf32, #tpu.memory_space<vmem>>) target(%dma_start3A_134 : memref<40x16xf32, #tpu.memory_space<hbm>>) target_semaphore(%run_scoped3A : memref<!tpu.dma_semaphore, #tpu.memory_space<semaphore_mem>>)
        %dma_wait3A = arith.constant 0 : i32
        %dma_wait3A_135 = tpu.memref_slice %arg10[%add3A_100, %dma_wait3A] : memref<10240x16xf32, #tpu.memory_space<hbm>> -> memref<40x16xf32, #tpu.memory_space<hbm>>
        %dma_wait3A_136 = arith.constant 0 : i32
        %dma_wait3A_137 = tpu.memref_slice %arg10[%add3A_100, %dma_wait3A_136] : memref<10240x16xf32, #tpu.memory_space<hbm>> -> memref<40x16xf32, #tpu.memory_space<hbm>>
        tpu.wait_dma2 semaphore(%run_scoped3A : memref<!tpu.dma_semaphore, #tpu.memory_space<semaphore_mem>>) src(%arg16 : memref<40x16xf32, #tpu.memory_space<vmem>>) dst(%dma_wait3A_137 : memref<40x16xf32, #tpu.memory_space<hbm>>)
        tpu.yield
      }) : () -> ()
      %add3A_101 = arith.constant 40 : i32
      %add3A_102 = arith.addi %mul3A_8, %add3A_101 : i32
      "tpu.region"() ({
        %run_scoped3A = tpu.sem_alloc : memref<!tpu.dma_semaphore, #tpu.memory_space<semaphore_mem>>
        %dma_start3A_131 = arith.constant 0 : i32
        %dma_start3A_132 = tpu.memref_slice %arg23[%add3A_102, %dma_start3A_131] : memref<10240x128xf32, #tpu.memory_space<vmem_shared>> -> memref<40x128xf32, #tpu.memory_space<vmem_shared>>
        %dma_start3A_133 = arith.constant 0 : i32
        %dma_start3A_134 = tpu.memref_slice %arg23[%add3A_102, %dma_start3A_133] : memref<10240x128xf32, #tpu.memory_space<vmem_shared>> -> memref<40x128xf32, #tpu.memory_space<vmem_shared>>
        tpu.enqueue_dma source(%dma_start3A_134 : memref<40x128xf32, #tpu.memory_space<vmem_shared>>) target(%arg15 : memref<40x128xf32, #tpu.memory_space<vmem>>) target_semaphore(%run_scoped3A : memref<!tpu.dma_semaphore, #tpu.memory_space<semaphore_mem>>)
        %dma_wait3A = arith.constant 0 : i32
        %dma_wait3A_135 = tpu.memref_slice %arg23[%add3A_102, %dma_wait3A] : memref<10240x128xf32, #tpu.memory_space<vmem_shared>> -> memref<40x128xf32, #tpu.memory_space<vmem_shared>>
        %dma_wait3A_136 = arith.constant 0 : i32
        %dma_wait3A_137 = tpu.memref_slice %arg23[%add3A_102, %dma_wait3A_136] : memref<10240x128xf32, #tpu.memory_space<vmem_shared>> -> memref<40x128xf32, #tpu.memory_space<vmem_shared>>
        tpu.wait_dma2 semaphore(%run_scoped3A : memref<!tpu.dma_semaphore, #tpu.memory_space<semaphore_mem>>) src(%dma_wait3A_137 : memref<40x128xf32, #tpu.memory_space<vmem_shared>>) dst(%arg15 : memref<40x128xf32, #tpu.memory_space<vmem>>)
        tpu.yield
      }) : () -> ()
      "tpu.region"() ({
        %run_scoped3A = tpu.sem_alloc : memref<!tpu.dma_semaphore, #tpu.memory_space<semaphore_mem>>
        %dma_start3A_131 = arith.constant 0 : i32
        %dma_start3A_132 = tpu.memref_slice %arg8[%add3A_102, %dma_start3A_131] : memref<10240x128xf32, #tpu.memory_space<hbm>> -> memref<40x128xf32, #tpu.memory_space<hbm>>
        %dma_start3A_133 = arith.constant 0 : i32
        %dma_start3A_134 = tpu.memref_slice %arg8[%add3A_102, %dma_start3A_133] : memref<10240x128xf32, #tpu.memory_space<hbm>> -> memref<40x128xf32, #tpu.memory_space<hbm>>
        tpu.enqueue_dma source(%arg15 : memref<40x128xf32, #tpu.memory_space<vmem>>) target(%dma_start3A_134 : memref<40x128xf32, #tpu.memory_space<hbm>>) target_semaphore(%run_scoped3A : memref<!tpu.dma_semaphore, #tpu.memory_space<semaphore_mem>>)
        %dma_wait3A = arith.constant 0 : i32
        %dma_wait3A_135 = tpu.memref_slice %arg8[%add3A_102, %dma_wait3A] : memref<10240x128xf32, #tpu.memory_space<hbm>> -> memref<40x128xf32, #tpu.memory_space<hbm>>
        %dma_wait3A_136 = arith.constant 0 : i32
        %dma_wait3A_137 = tpu.memref_slice %arg8[%add3A_102, %dma_wait3A_136] : memref<10240x128xf32, #tpu.memory_space<hbm>> -> memref<40x128xf32, #tpu.memory_space<hbm>>
        tpu.wait_dma2 semaphore(%run_scoped3A : memref<!tpu.dma_semaphore, #tpu.memory_space<semaphore_mem>>) src(%arg15 : memref<40x128xf32, #tpu.memory_space<vmem>>) dst(%dma_wait3A_137 : memref<40x128xf32, #tpu.memory_space<hbm>>)
        tpu.yield
      }) : () -> ()
      "tpu.region"() ({
        %run_scoped3A = tpu.sem_alloc : memref<!tpu.dma_semaphore, #tpu.memory_space<semaphore_mem>>
        %dma_start3A_131 = arith.constant 0 : i32
        %dma_start3A_132 = tpu.memref_slice %arg24[%add3A_102, %dma_start3A_131] : memref<10240x16xf32, #tpu.memory_space<vmem_shared>> -> memref<40x16xf32, #tpu.memory_space<vmem_shared>>
        %dma_start3A_133 = arith.constant 0 : i32
        %dma_start3A_134 = tpu.memref_slice %arg24[%add3A_102, %dma_start3A_133] : memref<10240x16xf32, #tpu.memory_space<vmem_shared>> -> memref<40x16xf32, #tpu.memory_space<vmem_shared>>
        tpu.enqueue_dma source(%dma_start3A_134 : memref<40x16xf32, #tpu.memory_space<vmem_shared>>) target(%arg16 : memref<40x16xf32, #tpu.memory_space<vmem>>) target_semaphore(%run_scoped3A : memref<!tpu.dma_semaphore, #tpu.memory_space<semaphore_mem>>)
        %dma_wait3A = arith.constant 0 : i32
        %dma_wait3A_135 = tpu.memref_slice %arg24[%add3A_102, %dma_wait3A] : memref<10240x16xf32, #tpu.memory_space<vmem_shared>> -> memref<40x16xf32, #tpu.memory_space<vmem_shared>>
        %dma_wait3A_136 = arith.constant 0 : i32
        %dma_wait3A_137 = tpu.memref_slice %arg24[%add3A_102, %dma_wait3A_136] : memref<10240x16xf32, #tpu.memory_space<vmem_shared>> -> memref<40x16xf32, #tpu.memory_space<vmem_shared>>
        tpu.wait_dma2 semaphore(%run_scoped3A : memref<!tpu.dma_semaphore, #tpu.memory_space<semaphore_mem>>) src(%dma_wait3A_137 : memref<40x16xf32, #tpu.memory_space<vmem_shared>>) dst(%arg16 : memref<40x16xf32, #tpu.memory_space<vmem>>)
        tpu.yield
      }) : () -> ()
      "tpu.region"() ({
        %run_scoped3A = tpu.sem_alloc : memref<!tpu.dma_semaphore, #tpu.memory_space<semaphore_mem>>
        %dma_start3A_131 = arith.constant 0 : i32
        %dma_start3A_132 = tpu.memref_slice %arg10[%add3A_102, %dma_start3A_131] : memref<10240x16xf32, #tpu.memory_space<hbm>> -> memref<40x16xf32, #tpu.memory_space<hbm>>
        %dma_start3A_133 = arith.constant 0 : i32
        %dma_start3A_134 = tpu.memref_slice %arg10[%add3A_102, %dma_start3A_133] : memref<10240x16xf32, #tpu.memory_space<hbm>> -> memref<40x16xf32, #tpu.memory_space<hbm>>
        tpu.enqueue_dma source(%arg16 : memref<40x16xf32, #tpu.memory_space<vmem>>) target(%dma_start3A_134 : memref<40x16xf32, #tpu.memory_space<hbm>>) target_semaphore(%run_scoped3A : memref<!tpu.dma_semaphore, #tpu.memory_space<semaphore_mem>>)
        %dma_wait3A = arith.constant 0 : i32
        %dma_wait3A_135 = tpu.memref_slice %arg10[%add3A_102, %dma_wait3A] : memref<10240x16xf32, #tpu.memory_space<hbm>> -> memref<40x16xf32, #tpu.memory_space<hbm>>
        %dma_wait3A_136 = arith.constant 0 : i32
        %dma_wait3A_137 = tpu.memref_slice %arg10[%add3A_102, %dma_wait3A_136] : memref<10240x16xf32, #tpu.memory_space<hbm>> -> memref<40x16xf32, #tpu.memory_space<hbm>>
        tpu.wait_dma2 semaphore(%run_scoped3A : memref<!tpu.dma_semaphore, #tpu.memory_space<semaphore_mem>>) src(%arg16 : memref<40x16xf32, #tpu.memory_space<vmem>>) dst(%dma_wait3A_137 : memref<40x16xf32, #tpu.memory_space<hbm>>)
        tpu.yield
      }) : () -> ()
      %add3A_103 = arith.constant 80 : i32
      %add3A_104 = arith.addi %mul3A_8, %add3A_103 : i32
      "tpu.region"() ({
        %run_scoped3A = tpu.sem_alloc : memref<!tpu.dma_semaphore, #tpu.memory_space<semaphore_mem>>
        %dma_start3A_131 = arith.constant 0 : i32
        %dma_start3A_132 = tpu.memref_slice %arg23[%add3A_104, %dma_start3A_131] : memref<10240x128xf32, #tpu.memory_space<vmem_shared>> -> memref<40x128xf32, #tpu.memory_space<vmem_shared>>
        %dma_start3A_133 = arith.constant 0 : i32
        %dma_start3A_134 = tpu.memref_slice %arg23[%add3A_104, %dma_start3A_133] : memref<10240x128xf32, #tpu.memory_space<vmem_shared>> -> memref<40x128xf32, #tpu.memory_space<vmem_shared>>
        tpu.enqueue_dma source(%dma_start3A_134 : memref<40x128xf32, #tpu.memory_space<vmem_shared>>) target(%arg15 : memref<40x128xf32, #tpu.memory_space<vmem>>) target_semaphore(%run_scoped3A : memref<!tpu.dma_semaphore, #tpu.memory_space<semaphore_mem>>)
        %dma_wait3A = arith.constant 0 : i32
        %dma_wait3A_135 = tpu.memref_slice %arg23[%add3A_104, %dma_wait3A] : memref<10240x128xf32, #tpu.memory_space<vmem_shared>> -> memref<40x128xf32, #tpu.memory_space<vmem_shared>>
        %dma_wait3A_136 = arith.constant 0 : i32
        %dma_wait3A_137 = tpu.memref_slice %arg23[%add3A_104, %dma_wait3A_136] : memref<10240x128xf32, #tpu.memory_space<vmem_shared>> -> memref<40x128xf32, #tpu.memory_space<vmem_shared>>
        tpu.wait_dma2 semaphore(%run_scoped3A : memref<!tpu.dma_semaphore, #tpu.memory_space<semaphore_mem>>) src(%dma_wait3A_137 : memref<40x128xf32, #tpu.memory_space<vmem_shared>>) dst(%arg15 : memref<40x128xf32, #tpu.memory_space<vmem>>)
        tpu.yield
      }) : () -> ()
      "tpu.region"() ({
        %run_scoped3A = tpu.sem_alloc : memref<!tpu.dma_semaphore, #tpu.memory_space<semaphore_mem>>
        %dma_start3A_131 = arith.constant 0 : i32
        %dma_start3A_132 = tpu.memref_slice %arg8[%add3A_104, %dma_start3A_131] : memref<10240x128xf32, #tpu.memory_space<hbm>> -> memref<40x128xf32, #tpu.memory_space<hbm>>
        %dma_start3A_133 = arith.constant 0 : i32
        %dma_start3A_134 = tpu.memref_slice %arg8[%add3A_104, %dma_start3A_133] : memref<10240x128xf32, #tpu.memory_space<hbm>> -> memref<40x128xf32, #tpu.memory_space<hbm>>
        tpu.enqueue_dma source(%arg15 : memref<40x128xf32, #tpu.memory_space<vmem>>) target(%dma_start3A_134 : memref<40x128xf32, #tpu.memory_space<hbm>>) target_semaphore(%run_scoped3A : memref<!tpu.dma_semaphore, #tpu.memory_space<semaphore_mem>>)
        %dma_wait3A = arith.constant 0 : i32
        %dma_wait3A_135 = tpu.memref_slice %arg8[%add3A_104, %dma_wait3A] : memref<10240x128xf32, #tpu.memory_space<hbm>> -> memref<40x128xf32, #tpu.memory_space<hbm>>
        %dma_wait3A_136 = arith.constant 0 : i32
        %dma_wait3A_137 = tpu.memref_slice %arg8[%add3A_104, %dma_wait3A_136] : memref<10240x128xf32, #tpu.memory_space<hbm>> -> memref<40x128xf32, #tpu.memory_space<hbm>>
        tpu.wait_dma2 semaphore(%run_scoped3A : memref<!tpu.dma_semaphore, #tpu.memory_space<semaphore_mem>>) src(%arg15 : memref<40x128xf32, #tpu.memory_space<vmem>>) dst(%dma_wait3A_137 : memref<40x128xf32, #tpu.memory_space<hbm>>)
        tpu.yield
      }) : () -> ()
      "tpu.region"() ({
        %run_scoped3A = tpu.sem_alloc : memref<!tpu.dma_semaphore, #tpu.memory_space<semaphore_mem>>
        %dma_start3A_131 = arith.constant 0 : i32
        %dma_start3A_132 = tpu.memref_slice %arg24[%add3A_104, %dma_start3A_131] : memref<10240x16xf32, #tpu.memory_space<vmem_shared>> -> memref<40x16xf32, #tpu.memory_space<vmem_shared>>
        %dma_start3A_133 = arith.constant 0 : i32
        %dma_start3A_134 = tpu.memref_slice %arg24[%add3A_104, %dma_start3A_133] : memref<10240x16xf32, #tpu.memory_space<vmem_shared>> -> memref<40x16xf32, #tpu.memory_space<vmem_shared>>
        tpu.enqueue_dma source(%dma_start3A_134 : memref<40x16xf32, #tpu.memory_space<vmem_shared>>) target(%arg16 : memref<40x16xf32, #tpu.memory_space<vmem>>) target_semaphore(%run_scoped3A : memref<!tpu.dma_semaphore, #tpu.memory_space<semaphore_mem>>)
        %dma_wait3A = arith.constant 0 : i32
        %dma_wait3A_135 = tpu.memref_slice %arg24[%add3A_104, %dma_wait3A] : memref<10240x16xf32, #tpu.memory_space<vmem_shared>> -> memref<40x16xf32, #tpu.memory_space<vmem_shared>>
        %dma_wait3A_136 = arith.constant 0 : i32
        %dma_wait3A_137 = tpu.memref_slice %arg24[%add3A_104, %dma_wait3A_136] : memref<10240x16xf32, #tpu.memory_space<vmem_shared>> -> memref<40x16xf32, #tpu.memory_space<vmem_shared>>
        tpu.wait_dma2 semaphore(%run_scoped3A : memref<!tpu.dma_semaphore, #tpu.memory_space<semaphore_mem>>) src(%dma_wait3A_137 : memref<40x16xf32, #tpu.memory_space<vmem_shared>>) dst(%arg16 : memref<40x16xf32, #tpu.memory_space<vmem>>)
        tpu.yield
      }) : () -> ()
      "tpu.region"() ({
        %run_scoped3A = tpu.sem_alloc : memref<!tpu.dma_semaphore, #tpu.memory_space<semaphore_mem>>
        %dma_start3A_131 = arith.constant 0 : i32
        %dma_start3A_132 = tpu.memref_slice %arg10[%add3A_104, %dma_start3A_131] : memref<10240x16xf32, #tpu.memory_space<hbm>> -> memref<40x16xf32, #tpu.memory_space<hbm>>
        %dma_start3A_133 = arith.constant 0 : i32
        %dma_start3A_134 = tpu.memref_slice %arg10[%add3A_104, %dma_start3A_133] : memref<10240x16xf32, #tpu.memory_space<hbm>> -> memref<40x16xf32, #tpu.memory_space<hbm>>
        tpu.enqueue_dma source(%arg16 : memref<40x16xf32, #tpu.memory_space<vmem>>) target(%dma_start3A_134 : memref<40x16xf32, #tpu.memory_space<hbm>>) target_semaphore(%run_scoped3A : memref<!tpu.dma_semaphore, #tpu.memory_space<semaphore_mem>>)
        %dma_wait3A = arith.constant 0 : i32
        %dma_wait3A_135 = tpu.memref_slice %arg10[%add3A_104, %dma_wait3A] : memref<10240x16xf32, #tpu.memory_space<hbm>> -> memref<40x16xf32, #tpu.memory_space<hbm>>
        %dma_wait3A_136 = arith.constant 0 : i32
        %dma_wait3A_137 = tpu.memref_slice %arg10[%add3A_104, %dma_wait3A_136] : memref<10240x16xf32, #tpu.memory_space<hbm>> -> memref<40x16xf32, #tpu.memory_space<hbm>>
        tpu.wait_dma2 semaphore(%run_scoped3A : memref<!tpu.dma_semaphore, #tpu.memory_space<semaphore_mem>>) src(%arg16 : memref<40x16xf32, #tpu.memory_space<vmem>>) dst(%dma_wait3A_137 : memref<40x16xf32, #tpu.memory_space<hbm>>)
        tpu.yield
      }) : () -> ()
      %add3A_105 = arith.constant 120 : i32
      %add3A_106 = arith.addi %mul3A_8, %add3A_105 : i32
      "tpu.region"() ({
        %run_scoped3A = tpu.sem_alloc : memref<!tpu.dma_semaphore, #tpu.memory_space<semaphore_mem>>
        %dma_start3A_131 = arith.constant 0 : i32
        %dma_start3A_132 = tpu.memref_slice %arg23[%add3A_106, %dma_start3A_131] : memref<10240x128xf32, #tpu.memory_space<vmem_shared>> -> memref<40x128xf32, #tpu.memory_space<vmem_shared>>
        %dma_start3A_133 = arith.constant 0 : i32
        %dma_start3A_134 = tpu.memref_slice %arg23[%add3A_106, %dma_start3A_133] : memref<10240x128xf32, #tpu.memory_space<vmem_shared>> -> memref<40x128xf32, #tpu.memory_space<vmem_shared>>
        tpu.enqueue_dma source(%dma_start3A_134 : memref<40x128xf32, #tpu.memory_space<vmem_shared>>) target(%arg15 : memref<40x128xf32, #tpu.memory_space<vmem>>) target_semaphore(%run_scoped3A : memref<!tpu.dma_semaphore, #tpu.memory_space<semaphore_mem>>)
        %dma_wait3A = arith.constant 0 : i32
        %dma_wait3A_135 = tpu.memref_slice %arg23[%add3A_106, %dma_wait3A] : memref<10240x128xf32, #tpu.memory_space<vmem_shared>> -> memref<40x128xf32, #tpu.memory_space<vmem_shared>>
        %dma_wait3A_136 = arith.constant 0 : i32
        %dma_wait3A_137 = tpu.memref_slice %arg23[%add3A_106, %dma_wait3A_136] : memref<10240x128xf32, #tpu.memory_space<vmem_shared>> -> memref<40x128xf32, #tpu.memory_space<vmem_shared>>
        tpu.wait_dma2 semaphore(%run_scoped3A : memref<!tpu.dma_semaphore, #tpu.memory_space<semaphore_mem>>) src(%dma_wait3A_137 : memref<40x128xf32, #tpu.memory_space<vmem_shared>>) dst(%arg15 : memref<40x128xf32, #tpu.memory_space<vmem>>)
        tpu.yield
      }) : () -> ()
      "tpu.region"() ({
        %run_scoped3A = tpu.sem_alloc : memref<!tpu.dma_semaphore, #tpu.memory_space<semaphore_mem>>
        %dma_start3A_131 = arith.constant 0 : i32
        %dma_start3A_132 = tpu.memref_slice %arg8[%add3A_106, %dma_start3A_131] : memref<10240x128xf32, #tpu.memory_space<hbm>> -> memref<40x128xf32, #tpu.memory_space<hbm>>
        %dma_start3A_133 = arith.constant 0 : i32
        %dma_start3A_134 = tpu.memref_slice %arg8[%add3A_106, %dma_start3A_133] : memref<10240x128xf32, #tpu.memory_space<hbm>> -> memref<40x128xf32, #tpu.memory_space<hbm>>
        tpu.enqueue_dma source(%arg15 : memref<40x128xf32, #tpu.memory_space<vmem>>) target(%dma_start3A_134 : memref<40x128xf32, #tpu.memory_space<hbm>>) target_semaphore(%run_scoped3A : memref<!tpu.dma_semaphore, #tpu.memory_space<semaphore_mem>>)
        %dma_wait3A = arith.constant 0 : i32
        %dma_wait3A_135 = tpu.memref_slice %arg8[%add3A_106, %dma_wait3A] : memref<10240x128xf32, #tpu.memory_space<hbm>> -> memref<40x128xf32, #tpu.memory_space<hbm>>
        %dma_wait3A_136 = arith.constant 0 : i32
        %dma_wait3A_137 = tpu.memref_slice %arg8[%add3A_106, %dma_wait3A_136] : memref<10240x128xf32, #tpu.memory_space<hbm>> -> memref<40x128xf32, #tpu.memory_space<hbm>>
        tpu.wait_dma2 semaphore(%run_scoped3A : memref<!tpu.dma_semaphore, #tpu.memory_space<semaphore_mem>>) src(%arg15 : memref<40x128xf32, #tpu.memory_space<vmem>>) dst(%dma_wait3A_137 : memref<40x128xf32, #tpu.memory_space<hbm>>)
        tpu.yield
      }) : () -> ()
      "tpu.region"() ({
        %run_scoped3A = tpu.sem_alloc : memref<!tpu.dma_semaphore, #tpu.memory_space<semaphore_mem>>
        %dma_start3A_131 = arith.constant 0 : i32
        %dma_start3A_132 = tpu.memref_slice %arg24[%add3A_106, %dma_start3A_131] : memref<10240x16xf32, #tpu.memory_space<vmem_shared>> -> memref<40x16xf32, #tpu.memory_space<vmem_shared>>
        %dma_start3A_133 = arith.constant 0 : i32
        %dma_start3A_134 = tpu.memref_slice %arg24[%add3A_106, %dma_start3A_133] : memref<10240x16xf32, #tpu.memory_space<vmem_shared>> -> memref<40x16xf32, #tpu.memory_space<vmem_shared>>
        tpu.enqueue_dma source(%dma_start3A_134 : memref<40x16xf32, #tpu.memory_space<vmem_shared>>) target(%arg16 : memref<40x16xf32, #tpu.memory_space<vmem>>) target_semaphore(%run_scoped3A : memref<!tpu.dma_semaphore, #tpu.memory_space<semaphore_mem>>)
        %dma_wait3A = arith.constant 0 : i32
        %dma_wait3A_135 = tpu.memref_slice %arg24[%add3A_106, %dma_wait3A] : memref<10240x16xf32, #tpu.memory_space<vmem_shared>> -> memref<40x16xf32, #tpu.memory_space<vmem_shared>>
        %dma_wait3A_136 = arith.constant 0 : i32
        %dma_wait3A_137 = tpu.memref_slice %arg24[%add3A_106, %dma_wait3A_136] : memref<10240x16xf32, #tpu.memory_space<vmem_shared>> -> memref<40x16xf32, #tpu.memory_space<vmem_shared>>
        tpu.wait_dma2 semaphore(%run_scoped3A : memref<!tpu.dma_semaphore, #tpu.memory_space<semaphore_mem>>) src(%dma_wait3A_137 : memref<40x16xf32, #tpu.memory_space<vmem_shared>>) dst(%arg16 : memref<40x16xf32, #tpu.memory_space<vmem>>)
        tpu.yield
      }) : () -> ()
      "tpu.region"() ({
        %run_scoped3A = tpu.sem_alloc : memref<!tpu.dma_semaphore, #tpu.memory_space<semaphore_mem>>
        %dma_start3A_131 = arith.constant 0 : i32
        %dma_start3A_132 = tpu.memref_slice %arg10[%add3A_106, %dma_start3A_131] : memref<10240x16xf32, #tpu.memory_space<hbm>> -> memref<40x16xf32, #tpu.memory_space<hbm>>
        %dma_start3A_133 = arith.constant 0 : i32
        %dma_start3A_134 = tpu.memref_slice %arg10[%add3A_106, %dma_start3A_133] : memref<10240x16xf32, #tpu.memory_space<hbm>> -> memref<40x16xf32, #tpu.memory_space<hbm>>
        tpu.enqueue_dma source(%arg16 : memref<40x16xf32, #tpu.memory_space<vmem>>) target(%dma_start3A_134 : memref<40x16xf32, #tpu.memory_space<hbm>>) target_semaphore(%run_scoped3A : memref<!tpu.dma_semaphore, #tpu.memory_space<semaphore_mem>>)
        %dma_wait3A = arith.constant 0 : i32
        %dma_wait3A_135 = tpu.memref_slice %arg10[%add3A_106, %dma_wait3A] : memref<10240x16xf32, #tpu.memory_space<hbm>> -> memref<40x16xf32, #tpu.memory_space<hbm>>
        %dma_wait3A_136 = arith.constant 0 : i32
        %dma_wait3A_137 = tpu.memref_slice %arg10[%add3A_106, %dma_wait3A_136] : memref<10240x16xf32, #tpu.memory_space<hbm>> -> memref<40x16xf32, #tpu.memory_space<hbm>>
        tpu.wait_dma2 semaphore(%run_scoped3A : memref<!tpu.dma_semaphore, #tpu.memory_space<semaphore_mem>>) src(%arg16 : memref<40x16xf32, #tpu.memory_space<vmem>>) dst(%dma_wait3A_137 : memref<40x16xf32, #tpu.memory_space<hbm>>)
        tpu.yield
      }) : () -> ()
      %add3A_107 = arith.constant 160 : i32
      %add3A_108 = arith.addi %mul3A_8, %add3A_107 : i32
      "tpu.region"() ({
        %run_scoped3A = tpu.sem_alloc : memref<!tpu.dma_semaphore, #tpu.memory_space<semaphore_mem>>
        %dma_start3A_131 = arith.constant 0 : i32
        %dma_start3A_132 = tpu.memref_slice %arg23[%add3A_108, %dma_start3A_131] : memref<10240x128xf32, #tpu.memory_space<vmem_shared>> -> memref<40x128xf32, #tpu.memory_space<vmem_shared>>
        %dma_start3A_133 = arith.constant 0 : i32
        %dma_start3A_134 = tpu.memref_slice %arg23[%add3A_108, %dma_start3A_133] : memref<10240x128xf32, #tpu.memory_space<vmem_shared>> -> memref<40x128xf32, #tpu.memory_space<vmem_shared>>
        tpu.enqueue_dma source(%dma_start3A_134 : memref<40x128xf32, #tpu.memory_space<vmem_shared>>) target(%arg15 : memref<40x128xf32, #tpu.memory_space<vmem>>) target_semaphore(%run_scoped3A : memref<!tpu.dma_semaphore, #tpu.memory_space<semaphore_mem>>)
        %dma_wait3A = arith.constant 0 : i32
        %dma_wait3A_135 = tpu.memref_slice %arg23[%add3A_108, %dma_wait3A] : memref<10240x128xf32, #tpu.memory_space<vmem_shared>> -> memref<40x128xf32, #tpu.memory_space<vmem_shared>>
        %dma_wait3A_136 = arith.constant 0 : i32
        %dma_wait3A_137 = tpu.memref_slice %arg23[%add3A_108, %dma_wait3A_136] : memref<10240x128xf32, #tpu.memory_space<vmem_shared>> -> memref<40x128xf32, #tpu.memory_space<vmem_shared>>
        tpu.wait_dma2 semaphore(%run_scoped3A : memref<!tpu.dma_semaphore, #tpu.memory_space<semaphore_mem>>) src(%dma_wait3A_137 : memref<40x128xf32, #tpu.memory_space<vmem_shared>>) dst(%arg15 : memref<40x128xf32, #tpu.memory_space<vmem>>)
        tpu.yield
      }) : () -> ()
      "tpu.region"() ({
        %run_scoped3A = tpu.sem_alloc : memref<!tpu.dma_semaphore, #tpu.memory_space<semaphore_mem>>
        %dma_start3A_131 = arith.constant 0 : i32
        %dma_start3A_132 = tpu.memref_slice %arg8[%add3A_108, %dma_start3A_131] : memref<10240x128xf32, #tpu.memory_space<hbm>> -> memref<40x128xf32, #tpu.memory_space<hbm>>
        %dma_start3A_133 = arith.constant 0 : i32
        %dma_start3A_134 = tpu.memref_slice %arg8[%add3A_108, %dma_start3A_133] : memref<10240x128xf32, #tpu.memory_space<hbm>> -> memref<40x128xf32, #tpu.memory_space<hbm>>
        tpu.enqueue_dma source(%arg15 : memref<40x128xf32, #tpu.memory_space<vmem>>) target(%dma_start3A_134 : memref<40x128xf32, #tpu.memory_space<hbm>>) target_semaphore(%run_scoped3A : memref<!tpu.dma_semaphore, #tpu.memory_space<semaphore_mem>>)
        %dma_wait3A = arith.constant 0 : i32
        %dma_wait3A_135 = tpu.memref_slice %arg8[%add3A_108, %dma_wait3A] : memref<10240x128xf32, #tpu.memory_space<hbm>> -> memref<40x128xf32, #tpu.memory_space<hbm>>
        %dma_wait3A_136 = arith.constant 0 : i32
        %dma_wait3A_137 = tpu.memref_slice %arg8[%add3A_108, %dma_wait3A_136] : memref<10240x128xf32, #tpu.memory_space<hbm>> -> memref<40x128xf32, #tpu.memory_space<hbm>>
        tpu.wait_dma2 semaphore(%run_scoped3A : memref<!tpu.dma_semaphore, #tpu.memory_space<semaphore_mem>>) src(%arg15 : memref<40x128xf32, #tpu.memory_space<vmem>>) dst(%dma_wait3A_137 : memref<40x128xf32, #tpu.memory_space<hbm>>)
        tpu.yield
      }) : () -> ()
      "tpu.region"() ({
        %run_scoped3A = tpu.sem_alloc : memref<!tpu.dma_semaphore, #tpu.memory_space<semaphore_mem>>
        %dma_start3A_131 = arith.constant 0 : i32
        %dma_start3A_132 = tpu.memref_slice %arg24[%add3A_108, %dma_start3A_131] : memref<10240x16xf32, #tpu.memory_space<vmem_shared>> -> memref<40x16xf32, #tpu.memory_space<vmem_shared>>
        %dma_start3A_133 = arith.constant 0 : i32
        %dma_start3A_134 = tpu.memref_slice %arg24[%add3A_108, %dma_start3A_133] : memref<10240x16xf32, #tpu.memory_space<vmem_shared>> -> memref<40x16xf32, #tpu.memory_space<vmem_shared>>
        tpu.enqueue_dma source(%dma_start3A_134 : memref<40x16xf32, #tpu.memory_space<vmem_shared>>) target(%arg16 : memref<40x16xf32, #tpu.memory_space<vmem>>) target_semaphore(%run_scoped3A : memref<!tpu.dma_semaphore, #tpu.memory_space<semaphore_mem>>)
        %dma_wait3A = arith.constant 0 : i32
        %dma_wait3A_135 = tpu.memref_slice %arg24[%add3A_108, %dma_wait3A] : memref<10240x16xf32, #tpu.memory_space<vmem_shared>> -> memref<40x16xf32, #tpu.memory_space<vmem_shared>>
        %dma_wait3A_136 = arith.constant 0 : i32
        %dma_wait3A_137 = tpu.memref_slice %arg24[%add3A_108, %dma_wait3A_136] : memref<10240x16xf32, #tpu.memory_space<vmem_shared>> -> memref<40x16xf32, #tpu.memory_space<vmem_shared>>
        tpu.wait_dma2 semaphore(%run_scoped3A : memref<!tpu.dma_semaphore, #tpu.memory_space<semaphore_mem>>) src(%dma_wait3A_137 : memref<40x16xf32, #tpu.memory_space<vmem_shared>>) dst(%arg16 : memref<40x16xf32, #tpu.memory_space<vmem>>)
        tpu.yield
      }) : () -> ()
      "tpu.region"() ({
        %run_scoped3A = tpu.sem_alloc : memref<!tpu.dma_semaphore, #tpu.memory_space<semaphore_mem>>
        %dma_start3A_131 = arith.constant 0 : i32
        %dma_start3A_132 = tpu.memref_slice %arg10[%add3A_108, %dma_start3A_131] : memref<10240x16xf32, #tpu.memory_space<hbm>> -> memref<40x16xf32, #tpu.memory_space<hbm>>
        %dma_start3A_133 = arith.constant 0 : i32
        %dma_start3A_134 = tpu.memref_slice %arg10[%add3A_108, %dma_start3A_133] : memref<10240x16xf32, #tpu.memory_space<hbm>> -> memref<40x16xf32, #tpu.memory_space<hbm>>
        tpu.enqueue_dma source(%arg16 : memref<40x16xf32, #tpu.memory_space<vmem>>) target(%dma_start3A_134 : memref<40x16xf32, #tpu.memory_space<hbm>>) target_semaphore(%run_scoped3A : memref<!tpu.dma_semaphore, #tpu.memory_space<semaphore_mem>>)
        %dma_wait3A = arith.constant 0 : i32
        %dma_wait3A_135 = tpu.memref_slice %arg10[%add3A_108, %dma_wait3A] : memref<10240x16xf32, #tpu.memory_space<hbm>> -> memref<40x16xf32, #tpu.memory_space<hbm>>
        %dma_wait3A_136 = arith.constant 0 : i32
        %dma_wait3A_137 = tpu.memref_slice %arg10[%add3A_108, %dma_wait3A_136] : memref<10240x16xf32, #tpu.memory_space<hbm>> -> memref<40x16xf32, #tpu.memory_space<hbm>>
        tpu.wait_dma2 semaphore(%run_scoped3A : memref<!tpu.dma_semaphore, #tpu.memory_space<semaphore_mem>>) src(%arg16 : memref<40x16xf32, #tpu.memory_space<vmem>>) dst(%dma_wait3A_137 : memref<40x16xf32, #tpu.memory_space<hbm>>)
        tpu.yield
      }) : () -> ()
      %add3A_109 = arith.constant 200 : i32
      %add3A_110 = arith.addi %mul3A_8, %add3A_109 : i32
      "tpu.region"() ({
        %run_scoped3A = tpu.sem_alloc : memref<!tpu.dma_semaphore, #tpu.memory_space<semaphore_mem>>
        %dma_start3A_131 = arith.constant 0 : i32
        %dma_start3A_132 = tpu.memref_slice %arg23[%add3A_110, %dma_start3A_131] : memref<10240x128xf32, #tpu.memory_space<vmem_shared>> -> memref<40x128xf32, #tpu.memory_space<vmem_shared>>
        %dma_start3A_133 = arith.constant 0 : i32
        %dma_start3A_134 = tpu.memref_slice %arg23[%add3A_110, %dma_start3A_133] : memref<10240x128xf32, #tpu.memory_space<vmem_shared>> -> memref<40x128xf32, #tpu.memory_space<vmem_shared>>
        tpu.enqueue_dma source(%dma_start3A_134 : memref<40x128xf32, #tpu.memory_space<vmem_shared>>) target(%arg15 : memref<40x128xf32, #tpu.memory_space<vmem>>) target_semaphore(%run_scoped3A : memref<!tpu.dma_semaphore, #tpu.memory_space<semaphore_mem>>)
        %dma_wait3A = arith.constant 0 : i32
        %dma_wait3A_135 = tpu.memref_slice %arg23[%add3A_110, %dma_wait3A] : memref<10240x128xf32, #tpu.memory_space<vmem_shared>> -> memref<40x128xf32, #tpu.memory_space<vmem_shared>>
        %dma_wait3A_136 = arith.constant 0 : i32
        %dma_wait3A_137 = tpu.memref_slice %arg23[%add3A_110, %dma_wait3A_136] : memref<10240x128xf32, #tpu.memory_space<vmem_shared>> -> memref<40x128xf32, #tpu.memory_space<vmem_shared>>
        tpu.wait_dma2 semaphore(%run_scoped3A : memref<!tpu.dma_semaphore, #tpu.memory_space<semaphore_mem>>) src(%dma_wait3A_137 : memref<40x128xf32, #tpu.memory_space<vmem_shared>>) dst(%arg15 : memref<40x128xf32, #tpu.memory_space<vmem>>)
        tpu.yield
      }) : () -> ()
      "tpu.region"() ({
        %run_scoped3A = tpu.sem_alloc : memref<!tpu.dma_semaphore, #tpu.memory_space<semaphore_mem>>
        %dma_start3A_131 = arith.constant 0 : i32
        %dma_start3A_132 = tpu.memref_slice %arg8[%add3A_110, %dma_start3A_131] : memref<10240x128xf32, #tpu.memory_space<hbm>> -> memref<40x128xf32, #tpu.memory_space<hbm>>
        %dma_start3A_133 = arith.constant 0 : i32
        %dma_start3A_134 = tpu.memref_slice %arg8[%add3A_110, %dma_start3A_133] : memref<10240x128xf32, #tpu.memory_space<hbm>> -> memref<40x128xf32, #tpu.memory_space<hbm>>
        tpu.enqueue_dma source(%arg15 : memref<40x128xf32, #tpu.memory_space<vmem>>) target(%dma_start3A_134 : memref<40x128xf32, #tpu.memory_space<hbm>>) target_semaphore(%run_scoped3A : memref<!tpu.dma_semaphore, #tpu.memory_space<semaphore_mem>>)
        %dma_wait3A = arith.constant 0 : i32
        %dma_wait3A_135 = tpu.memref_slice %arg8[%add3A_110, %dma_wait3A] : memref<10240x128xf32, #tpu.memory_space<hbm>> -> memref<40x128xf32, #tpu.memory_space<hbm>>
        %dma_wait3A_136 = arith.constant 0 : i32
        %dma_wait3A_137 = tpu.memref_slice %arg8[%add3A_110, %dma_wait3A_136] : memref<10240x128xf32, #tpu.memory_space<hbm>> -> memref<40x128xf32, #tpu.memory_space<hbm>>
        tpu.wait_dma2 semaphore(%run_scoped3A : memref<!tpu.dma_semaphore, #tpu.memory_space<semaphore_mem>>) src(%arg15 : memref<40x128xf32, #tpu.memory_space<vmem>>) dst(%dma_wait3A_137 : memref<40x128xf32, #tpu.memory_space<hbm>>)
        tpu.yield
      }) : () -> ()
      "tpu.region"() ({
        %run_scoped3A = tpu.sem_alloc : memref<!tpu.dma_semaphore, #tpu.memory_space<semaphore_mem>>
        %dma_start3A_131 = arith.constant 0 : i32
        %dma_start3A_132 = tpu.memref_slice %arg24[%add3A_110, %dma_start3A_131] : memref<10240x16xf32, #tpu.memory_space<vmem_shared>> -> memref<40x16xf32, #tpu.memory_space<vmem_shared>>
        %dma_start3A_133 = arith.constant 0 : i32
        %dma_start3A_134 = tpu.memref_slice %arg24[%add3A_110, %dma_start3A_133] : memref<10240x16xf32, #tpu.memory_space<vmem_shared>> -> memref<40x16xf32, #tpu.memory_space<vmem_shared>>
        tpu.enqueue_dma source(%dma_start3A_134 : memref<40x16xf32, #tpu.memory_space<vmem_shared>>) target(%arg16 : memref<40x16xf32, #tpu.memory_space<vmem>>) target_semaphore(%run_scoped3A : memref<!tpu.dma_semaphore, #tpu.memory_space<semaphore_mem>>)
        %dma_wait3A = arith.constant 0 : i32
        %dma_wait3A_135 = tpu.memref_slice %arg24[%add3A_110, %dma_wait3A] : memref<10240x16xf32, #tpu.memory_space<vmem_shared>> -> memref<40x16xf32, #tpu.memory_space<vmem_shared>>
        %dma_wait3A_136 = arith.constant 0 : i32
        %dma_wait3A_137 = tpu.memref_slice %arg24[%add3A_110, %dma_wait3A_136] : memref<10240x16xf32, #tpu.memory_space<vmem_shared>> -> memref<40x16xf32, #tpu.memory_space<vmem_shared>>
        tpu.wait_dma2 semaphore(%run_scoped3A : memref<!tpu.dma_semaphore, #tpu.memory_space<semaphore_mem>>) src(%dma_wait3A_137 : memref<40x16xf32, #tpu.memory_space<vmem_shared>>) dst(%arg16 : memref<40x16xf32, #tpu.memory_space<vmem>>)
        tpu.yield
      }) : () -> ()
      "tpu.region"() ({
        %run_scoped3A = tpu.sem_alloc : memref<!tpu.dma_semaphore, #tpu.memory_space<semaphore_mem>>
        %dma_start3A_131 = arith.constant 0 : i32
        %dma_start3A_132 = tpu.memref_slice %arg10[%add3A_110, %dma_start3A_131] : memref<10240x16xf32, #tpu.memory_space<hbm>> -> memref<40x16xf32, #tpu.memory_space<hbm>>
        %dma_start3A_133 = arith.constant 0 : i32
        %dma_start3A_134 = tpu.memref_slice %arg10[%add3A_110, %dma_start3A_133] : memref<10240x16xf32, #tpu.memory_space<hbm>> -> memref<40x16xf32, #tpu.memory_space<hbm>>
        tpu.enqueue_dma source(%arg16 : memref<40x16xf32, #tpu.memory_space<vmem>>) target(%dma_start3A_134 : memref<40x16xf32, #tpu.memory_space<hbm>>) target_semaphore(%run_scoped3A : memref<!tpu.dma_semaphore, #tpu.memory_space<semaphore_mem>>)
        %dma_wait3A = arith.constant 0 : i32
        %dma_wait3A_135 = tpu.memref_slice %arg10[%add3A_110, %dma_wait3A] : memref<10240x16xf32, #tpu.memory_space<hbm>> -> memref<40x16xf32, #tpu.memory_space<hbm>>
        %dma_wait3A_136 = arith.constant 0 : i32
        %dma_wait3A_137 = tpu.memref_slice %arg10[%add3A_110, %dma_wait3A_136] : memref<10240x16xf32, #tpu.memory_space<hbm>> -> memref<40x16xf32, #tpu.memory_space<hbm>>
        tpu.wait_dma2 semaphore(%run_scoped3A : memref<!tpu.dma_semaphore, #tpu.memory_space<semaphore_mem>>) src(%arg16 : memref<40x16xf32, #tpu.memory_space<vmem>>) dst(%dma_wait3A_137 : memref<40x16xf32, #tpu.memory_space<hbm>>)
        tpu.yield
      }) : () -> ()
      %add3A_111 = arith.constant 240 : i32
      %add3A_112 = arith.addi %mul3A_8, %add3A_111 : i32
      "tpu.region"() ({
        %run_scoped3A = tpu.sem_alloc : memref<!tpu.dma_semaphore, #tpu.memory_space<semaphore_mem>>
        %dma_start3A_131 = arith.constant 0 : i32
        %dma_start3A_132 = tpu.memref_slice %arg23[%add3A_112, %dma_start3A_131] : memref<10240x128xf32, #tpu.memory_space<vmem_shared>> -> memref<40x128xf32, #tpu.memory_space<vmem_shared>>
        %dma_start3A_133 = arith.constant 0 : i32
        %dma_start3A_134 = tpu.memref_slice %arg23[%add3A_112, %dma_start3A_133] : memref<10240x128xf32, #tpu.memory_space<vmem_shared>> -> memref<40x128xf32, #tpu.memory_space<vmem_shared>>
        tpu.enqueue_dma source(%dma_start3A_134 : memref<40x128xf32, #tpu.memory_space<vmem_shared>>) target(%arg15 : memref<40x128xf32, #tpu.memory_space<vmem>>) target_semaphore(%run_scoped3A : memref<!tpu.dma_semaphore, #tpu.memory_space<semaphore_mem>>)
        %dma_wait3A = arith.constant 0 : i32
        %dma_wait3A_135 = tpu.memref_slice %arg23[%add3A_112, %dma_wait3A] : memref<10240x128xf32, #tpu.memory_space<vmem_shared>> -> memref<40x128xf32, #tpu.memory_space<vmem_shared>>
        %dma_wait3A_136 = arith.constant 0 : i32
        %dma_wait3A_137 = tpu.memref_slice %arg23[%add3A_112, %dma_wait3A_136] : memref<10240x128xf32, #tpu.memory_space<vmem_shared>> -> memref<40x128xf32, #tpu.memory_space<vmem_shared>>
        tpu.wait_dma2 semaphore(%run_scoped3A : memref<!tpu.dma_semaphore, #tpu.memory_space<semaphore_mem>>) src(%dma_wait3A_137 : memref<40x128xf32, #tpu.memory_space<vmem_shared>>) dst(%arg15 : memref<40x128xf32, #tpu.memory_space<vmem>>)
        tpu.yield
      }) : () -> ()
      "tpu.region"() ({
        %run_scoped3A = tpu.sem_alloc : memref<!tpu.dma_semaphore, #tpu.memory_space<semaphore_mem>>
        %dma_start3A_131 = arith.constant 0 : i32
        %dma_start3A_132 = tpu.memref_slice %arg8[%add3A_112, %dma_start3A_131] : memref<10240x128xf32, #tpu.memory_space<hbm>> -> memref<40x128xf32, #tpu.memory_space<hbm>>
        %dma_start3A_133 = arith.constant 0 : i32
        %dma_start3A_134 = tpu.memref_slice %arg8[%add3A_112, %dma_start3A_133] : memref<10240x128xf32, #tpu.memory_space<hbm>> -> memref<40x128xf32, #tpu.memory_space<hbm>>
        tpu.enqueue_dma source(%arg15 : memref<40x128xf32, #tpu.memory_space<vmem>>) target(%dma_start3A_134 : memref<40x128xf32, #tpu.memory_space<hbm>>) target_semaphore(%run_scoped3A : memref<!tpu.dma_semaphore, #tpu.memory_space<semaphore_mem>>)
        %dma_wait3A = arith.constant 0 : i32
        %dma_wait3A_135 = tpu.memref_slice %arg8[%add3A_112, %dma_wait3A] : memref<10240x128xf32, #tpu.memory_space<hbm>> -> memref<40x128xf32, #tpu.memory_space<hbm>>
        %dma_wait3A_136 = arith.constant 0 : i32
        %dma_wait3A_137 = tpu.memref_slice %arg8[%add3A_112, %dma_wait3A_136] : memref<10240x128xf32, #tpu.memory_space<hbm>> -> memref<40x128xf32, #tpu.memory_space<hbm>>
        tpu.wait_dma2 semaphore(%run_scoped3A : memref<!tpu.dma_semaphore, #tpu.memory_space<semaphore_mem>>) src(%arg15 : memref<40x128xf32, #tpu.memory_space<vmem>>) dst(%dma_wait3A_137 : memref<40x128xf32, #tpu.memory_space<hbm>>)
        tpu.yield
      }) : () -> ()
      "tpu.region"() ({
        %run_scoped3A = tpu.sem_alloc : memref<!tpu.dma_semaphore, #tpu.memory_space<semaphore_mem>>
        %dma_start3A_131 = arith.constant 0 : i32
        %dma_start3A_132 = tpu.memref_slice %arg24[%add3A_112, %dma_start3A_131] : memref<10240x16xf32, #tpu.memory_space<vmem_shared>> -> memref<40x16xf32, #tpu.memory_space<vmem_shared>>
        %dma_start3A_133 = arith.constant 0 : i32
        %dma_start3A_134 = tpu.memref_slice %arg24[%add3A_112, %dma_start3A_133] : memref<10240x16xf32, #tpu.memory_space<vmem_shared>> -> memref<40x16xf32, #tpu.memory_space<vmem_shared>>
        tpu.enqueue_dma source(%dma_start3A_134 : memref<40x16xf32, #tpu.memory_space<vmem_shared>>) target(%arg16 : memref<40x16xf32, #tpu.memory_space<vmem>>) target_semaphore(%run_scoped3A : memref<!tpu.dma_semaphore, #tpu.memory_space<semaphore_mem>>)
        %dma_wait3A = arith.constant 0 : i32
        %dma_wait3A_135 = tpu.memref_slice %arg24[%add3A_112, %dma_wait3A] : memref<10240x16xf32, #tpu.memory_space<vmem_shared>> -> memref<40x16xf32, #tpu.memory_space<vmem_shared>>
        %dma_wait3A_136 = arith.constant 0 : i32
        %dma_wait3A_137 = tpu.memref_slice %arg24[%add3A_112, %dma_wait3A_136] : memref<10240x16xf32, #tpu.memory_space<vmem_shared>> -> memref<40x16xf32, #tpu.memory_space<vmem_shared>>
        tpu.wait_dma2 semaphore(%run_scoped3A : memref<!tpu.dma_semaphore, #tpu.memory_space<semaphore_mem>>) src(%dma_wait3A_137 : memref<40x16xf32, #tpu.memory_space<vmem_shared>>) dst(%arg16 : memref<40x16xf32, #tpu.memory_space<vmem>>)
        tpu.yield
      }) : () -> ()
      "tpu.region"() ({
        %run_scoped3A = tpu.sem_alloc : memref<!tpu.dma_semaphore, #tpu.memory_space<semaphore_mem>>
        %dma_start3A_131 = arith.constant 0 : i32
        %dma_start3A_132 = tpu.memref_slice %arg10[%add3A_112, %dma_start3A_131] : memref<10240x16xf32, #tpu.memory_space<hbm>> -> memref<40x16xf32, #tpu.memory_space<hbm>>
        %dma_start3A_133 = arith.constant 0 : i32
        %dma_start3A_134 = tpu.memref_slice %arg10[%add3A_112, %dma_start3A_133] : memref<10240x16xf32, #tpu.memory_space<hbm>> -> memref<40x16xf32, #tpu.memory_space<hbm>>
        tpu.enqueue_dma source(%arg16 : memref<40x16xf32, #tpu.memory_space<vmem>>) target(%dma_start3A_134 : memref<40x16xf32, #tpu.memory_space<hbm>>) target_semaphore(%run_scoped3A : memref<!tpu.dma_semaphore, #tpu.memory_space<semaphore_mem>>)
        %dma_wait3A = arith.constant 0 : i32
        %dma_wait3A_135 = tpu.memref_slice %arg10[%add3A_112, %dma_wait3A] : memref<10240x16xf32, #tpu.memory_space<hbm>> -> memref<40x16xf32, #tpu.memory_space<hbm>>
        %dma_wait3A_136 = arith.constant 0 : i32
        %dma_wait3A_137 = tpu.memref_slice %arg10[%add3A_112, %dma_wait3A_136] : memref<10240x16xf32, #tpu.memory_space<hbm>> -> memref<40x16xf32, #tpu.memory_space<hbm>>
        tpu.wait_dma2 semaphore(%run_scoped3A : memref<!tpu.dma_semaphore, #tpu.memory_space<semaphore_mem>>) src(%arg16 : memref<40x16xf32, #tpu.memory_space<vmem>>) dst(%dma_wait3A_137 : memref<40x16xf32, #tpu.memory_space<hbm>>)
        tpu.yield
      }) : () -> ()
      %add3A_113 = arith.constant 280 : i32
      %add3A_114 = arith.addi %mul3A_8, %add3A_113 : i32
      "tpu.region"() ({
        %run_scoped3A = tpu.sem_alloc : memref<!tpu.dma_semaphore, #tpu.memory_space<semaphore_mem>>
        %dma_start3A_131 = arith.constant 0 : i32
        %dma_start3A_132 = tpu.memref_slice %arg23[%add3A_114, %dma_start3A_131] : memref<10240x128xf32, #tpu.memory_space<vmem_shared>> -> memref<40x128xf32, #tpu.memory_space<vmem_shared>>
        %dma_start3A_133 = arith.constant 0 : i32
        %dma_start3A_134 = tpu.memref_slice %arg23[%add3A_114, %dma_start3A_133] : memref<10240x128xf32, #tpu.memory_space<vmem_shared>> -> memref<40x128xf32, #tpu.memory_space<vmem_shared>>
        tpu.enqueue_dma source(%dma_start3A_134 : memref<40x128xf32, #tpu.memory_space<vmem_shared>>) target(%arg15 : memref<40x128xf32, #tpu.memory_space<vmem>>) target_semaphore(%run_scoped3A : memref<!tpu.dma_semaphore, #tpu.memory_space<semaphore_mem>>)
        %dma_wait3A = arith.constant 0 : i32
        %dma_wait3A_135 = tpu.memref_slice %arg23[%add3A_114, %dma_wait3A] : memref<10240x128xf32, #tpu.memory_space<vmem_shared>> -> memref<40x128xf32, #tpu.memory_space<vmem_shared>>
        %dma_wait3A_136 = arith.constant 0 : i32
        %dma_wait3A_137 = tpu.memref_slice %arg23[%add3A_114, %dma_wait3A_136] : memref<10240x128xf32, #tpu.memory_space<vmem_shared>> -> memref<40x128xf32, #tpu.memory_space<vmem_shared>>
        tpu.wait_dma2 semaphore(%run_scoped3A : memref<!tpu.dma_semaphore, #tpu.memory_space<semaphore_mem>>) src(%dma_wait3A_137 : memref<40x128xf32, #tpu.memory_space<vmem_shared>>) dst(%arg15 : memref<40x128xf32, #tpu.memory_space<vmem>>)
        tpu.yield
      }) : () -> ()
      "tpu.region"() ({
        %run_scoped3A = tpu.sem_alloc : memref<!tpu.dma_semaphore, #tpu.memory_space<semaphore_mem>>
        %dma_start3A_131 = arith.constant 0 : i32
        %dma_start3A_132 = tpu.memref_slice %arg8[%add3A_114, %dma_start3A_131] : memref<10240x128xf32, #tpu.memory_space<hbm>> -> memref<40x128xf32, #tpu.memory_space<hbm>>
        %dma_start3A_133 = arith.constant 0 : i32
        %dma_start3A_134 = tpu.memref_slice %arg8[%add3A_114, %dma_start3A_133] : memref<10240x128xf32, #tpu.memory_space<hbm>> -> memref<40x128xf32, #tpu.memory_space<hbm>>
        tpu.enqueue_dma source(%arg15 : memref<40x128xf32, #tpu.memory_space<vmem>>) target(%dma_start3A_134 : memref<40x128xf32, #tpu.memory_space<hbm>>) target_semaphore(%run_scoped3A : memref<!tpu.dma_semaphore, #tpu.memory_space<semaphore_mem>>)
        %dma_wait3A = arith.constant 0 : i32
        %dma_wait3A_135 = tpu.memref_slice %arg8[%add3A_114, %dma_wait3A] : memref<10240x128xf32, #tpu.memory_space<hbm>> -> memref<40x128xf32, #tpu.memory_space<hbm>>
        %dma_wait3A_136 = arith.constant 0 : i32
        %dma_wait3A_137 = tpu.memref_slice %arg8[%add3A_114, %dma_wait3A_136] : memref<10240x128xf32, #tpu.memory_space<hbm>> -> memref<40x128xf32, #tpu.memory_space<hbm>>
        tpu.wait_dma2 semaphore(%run_scoped3A : memref<!tpu.dma_semaphore, #tpu.memory_space<semaphore_mem>>) src(%arg15 : memref<40x128xf32, #tpu.memory_space<vmem>>) dst(%dma_wait3A_137 : memref<40x128xf32, #tpu.memory_space<hbm>>)
        tpu.yield
      }) : () -> ()
      "tpu.region"() ({
        %run_scoped3A = tpu.sem_alloc : memref<!tpu.dma_semaphore, #tpu.memory_space<semaphore_mem>>
        %dma_start3A_131 = arith.constant 0 : i32
        %dma_start3A_132 = tpu.memref_slice %arg24[%add3A_114, %dma_start3A_131] : memref<10240x16xf32, #tpu.memory_space<vmem_shared>> -> memref<40x16xf32, #tpu.memory_space<vmem_shared>>
        %dma_start3A_133 = arith.constant 0 : i32
        %dma_start3A_134 = tpu.memref_slice %arg24[%add3A_114, %dma_start3A_133] : memref<10240x16xf32, #tpu.memory_space<vmem_shared>> -> memref<40x16xf32, #tpu.memory_space<vmem_shared>>
        tpu.enqueue_dma source(%dma_start3A_134 : memref<40x16xf32, #tpu.memory_space<vmem_shared>>) target(%arg16 : memref<40x16xf32, #tpu.memory_space<vmem>>) target_semaphore(%run_scoped3A : memref<!tpu.dma_semaphore, #tpu.memory_space<semaphore_mem>>)
        %dma_wait3A = arith.constant 0 : i32
        %dma_wait3A_135 = tpu.memref_slice %arg24[%add3A_114, %dma_wait3A] : memref<10240x16xf32, #tpu.memory_space<vmem_shared>> -> memref<40x16xf32, #tpu.memory_space<vmem_shared>>
        %dma_wait3A_136 = arith.constant 0 : i32
        %dma_wait3A_137 = tpu.memref_slice %arg24[%add3A_114, %dma_wait3A_136] : memref<10240x16xf32, #tpu.memory_space<vmem_shared>> -> memref<40x16xf32, #tpu.memory_space<vmem_shared>>
        tpu.wait_dma2 semaphore(%run_scoped3A : memref<!tpu.dma_semaphore, #tpu.memory_space<semaphore_mem>>) src(%dma_wait3A_137 : memref<40x16xf32, #tpu.memory_space<vmem_shared>>) dst(%arg16 : memref<40x16xf32, #tpu.memory_space<vmem>>)
        tpu.yield
      }) : () -> ()
      "tpu.region"() ({
        %run_scoped3A = tpu.sem_alloc : memref<!tpu.dma_semaphore, #tpu.memory_space<semaphore_mem>>
        %dma_start3A_131 = arith.constant 0 : i32
        %dma_start3A_132 = tpu.memref_slice %arg10[%add3A_114, %dma_start3A_131] : memref<10240x16xf32, #tpu.memory_space<hbm>> -> memref<40x16xf32, #tpu.memory_space<hbm>>
        %dma_start3A_133 = arith.constant 0 : i32
        %dma_start3A_134 = tpu.memref_slice %arg10[%add3A_114, %dma_start3A_133] : memref<10240x16xf32, #tpu.memory_space<hbm>> -> memref<40x16xf32, #tpu.memory_space<hbm>>
        tpu.enqueue_dma source(%arg16 : memref<40x16xf32, #tpu.memory_space<vmem>>) target(%dma_start3A_134 : memref<40x16xf32, #tpu.memory_space<hbm>>) target_semaphore(%run_scoped3A : memref<!tpu.dma_semaphore, #tpu.memory_space<semaphore_mem>>)
        %dma_wait3A = arith.constant 0 : i32
        %dma_wait3A_135 = tpu.memref_slice %arg10[%add3A_114, %dma_wait3A] : memref<10240x16xf32, #tpu.memory_space<hbm>> -> memref<40x16xf32, #tpu.memory_space<hbm>>
        %dma_wait3A_136 = arith.constant 0 : i32
        %dma_wait3A_137 = tpu.memref_slice %arg10[%add3A_114, %dma_wait3A_136] : memref<10240x16xf32, #tpu.memory_space<hbm>> -> memref<40x16xf32, #tpu.memory_space<hbm>>
        tpu.wait_dma2 semaphore(%run_scoped3A : memref<!tpu.dma_semaphore, #tpu.memory_space<semaphore_mem>>) src(%arg16 : memref<40x16xf32, #tpu.memory_space<vmem>>) dst(%dma_wait3A_137 : memref<40x16xf32, #tpu.memory_space<hbm>>)
        tpu.yield
      }) : () -> ()
      %add3A_115 = arith.constant 320 : i32
      %add3A_116 = arith.addi %mul3A_8, %add3A_115 : i32
      "tpu.region"() ({
        %run_scoped3A = tpu.sem_alloc : memref<!tpu.dma_semaphore, #tpu.memory_space<semaphore_mem>>
        %dma_start3A_131 = arith.constant 0 : i32
        %dma_start3A_132 = tpu.memref_slice %arg23[%add3A_116, %dma_start3A_131] : memref<10240x128xf32, #tpu.memory_space<vmem_shared>> -> memref<40x128xf32, #tpu.memory_space<vmem_shared>>
        %dma_start3A_133 = arith.constant 0 : i32
        %dma_start3A_134 = tpu.memref_slice %arg23[%add3A_116, %dma_start3A_133] : memref<10240x128xf32, #tpu.memory_space<vmem_shared>> -> memref<40x128xf32, #tpu.memory_space<vmem_shared>>
        tpu.enqueue_dma source(%dma_start3A_134 : memref<40x128xf32, #tpu.memory_space<vmem_shared>>) target(%arg15 : memref<40x128xf32, #tpu.memory_space<vmem>>) target_semaphore(%run_scoped3A : memref<!tpu.dma_semaphore, #tpu.memory_space<semaphore_mem>>)
        %dma_wait3A = arith.constant 0 : i32
        %dma_wait3A_135 = tpu.memref_slice %arg23[%add3A_116, %dma_wait3A] : memref<10240x128xf32, #tpu.memory_space<vmem_shared>> -> memref<40x128xf32, #tpu.memory_space<vmem_shared>>
        %dma_wait3A_136 = arith.constant 0 : i32
        %dma_wait3A_137 = tpu.memref_slice %arg23[%add3A_116, %dma_wait3A_136] : memref<10240x128xf32, #tpu.memory_space<vmem_shared>> -> memref<40x128xf32, #tpu.memory_space<vmem_shared>>
        tpu.wait_dma2 semaphore(%run_scoped3A : memref<!tpu.dma_semaphore, #tpu.memory_space<semaphore_mem>>) src(%dma_wait3A_137 : memref<40x128xf32, #tpu.memory_space<vmem_shared>>) dst(%arg15 : memref<40x128xf32, #tpu.memory_space<vmem>>)
        tpu.yield
      }) : () -> ()
      "tpu.region"() ({
        %run_scoped3A = tpu.sem_alloc : memref<!tpu.dma_semaphore, #tpu.memory_space<semaphore_mem>>
        %dma_start3A_131 = arith.constant 0 : i32
        %dma_start3A_132 = tpu.memref_slice %arg8[%add3A_116, %dma_start3A_131] : memref<10240x128xf32, #tpu.memory_space<hbm>> -> memref<40x128xf32, #tpu.memory_space<hbm>>
        %dma_start3A_133 = arith.constant 0 : i32
        %dma_start3A_134 = tpu.memref_slice %arg8[%add3A_116, %dma_start3A_133] : memref<10240x128xf32, #tpu.memory_space<hbm>> -> memref<40x128xf32, #tpu.memory_space<hbm>>
        tpu.enqueue_dma source(%arg15 : memref<40x128xf32, #tpu.memory_space<vmem>>) target(%dma_start3A_134 : memref<40x128xf32, #tpu.memory_space<hbm>>) target_semaphore(%run_scoped3A : memref<!tpu.dma_semaphore, #tpu.memory_space<semaphore_mem>>)
        %dma_wait3A = arith.constant 0 : i32
        %dma_wait3A_135 = tpu.memref_slice %arg8[%add3A_116, %dma_wait3A] : memref<10240x128xf32, #tpu.memory_space<hbm>> -> memref<40x128xf32, #tpu.memory_space<hbm>>
        %dma_wait3A_136 = arith.constant 0 : i32
        %dma_wait3A_137 = tpu.memref_slice %arg8[%add3A_116, %dma_wait3A_136] : memref<10240x128xf32, #tpu.memory_space<hbm>> -> memref<40x128xf32, #tpu.memory_space<hbm>>
        tpu.wait_dma2 semaphore(%run_scoped3A : memref<!tpu.dma_semaphore, #tpu.memory_space<semaphore_mem>>) src(%arg15 : memref<40x128xf32, #tpu.memory_space<vmem>>) dst(%dma_wait3A_137 : memref<40x128xf32, #tpu.memory_space<hbm>>)
        tpu.yield
      }) : () -> ()
      "tpu.region"() ({
        %run_scoped3A = tpu.sem_alloc : memref<!tpu.dma_semaphore, #tpu.memory_space<semaphore_mem>>
        %dma_start3A_131 = arith.constant 0 : i32
        %dma_start3A_132 = tpu.memref_slice %arg24[%add3A_116, %dma_start3A_131] : memref<10240x16xf32, #tpu.memory_space<vmem_shared>> -> memref<40x16xf32, #tpu.memory_space<vmem_shared>>
        %dma_start3A_133 = arith.constant 0 : i32
        %dma_start3A_134 = tpu.memref_slice %arg24[%add3A_116, %dma_start3A_133] : memref<10240x16xf32, #tpu.memory_space<vmem_shared>> -> memref<40x16xf32, #tpu.memory_space<vmem_shared>>
        tpu.enqueue_dma source(%dma_start3A_134 : memref<40x16xf32, #tpu.memory_space<vmem_shared>>) target(%arg16 : memref<40x16xf32, #tpu.memory_space<vmem>>) target_semaphore(%run_scoped3A : memref<!tpu.dma_semaphore, #tpu.memory_space<semaphore_mem>>)
        %dma_wait3A = arith.constant 0 : i32
        %dma_wait3A_135 = tpu.memref_slice %arg24[%add3A_116, %dma_wait3A] : memref<10240x16xf32, #tpu.memory_space<vmem_shared>> -> memref<40x16xf32, #tpu.memory_space<vmem_shared>>
        %dma_wait3A_136 = arith.constant 0 : i32
        %dma_wait3A_137 = tpu.memref_slice %arg24[%add3A_116, %dma_wait3A_136] : memref<10240x16xf32, #tpu.memory_space<vmem_shared>> -> memref<40x16xf32, #tpu.memory_space<vmem_shared>>
        tpu.wait_dma2 semaphore(%run_scoped3A : memref<!tpu.dma_semaphore, #tpu.memory_space<semaphore_mem>>) src(%dma_wait3A_137 : memref<40x16xf32, #tpu.memory_space<vmem_shared>>) dst(%arg16 : memref<40x16xf32, #tpu.memory_space<vmem>>)
        tpu.yield
      }) : () -> ()
      "tpu.region"() ({
        %run_scoped3A = tpu.sem_alloc : memref<!tpu.dma_semaphore, #tpu.memory_space<semaphore_mem>>
        %dma_start3A_131 = arith.constant 0 : i32
        %dma_start3A_132 = tpu.memref_slice %arg10[%add3A_116, %dma_start3A_131] : memref<10240x16xf32, #tpu.memory_space<hbm>> -> memref<40x16xf32, #tpu.memory_space<hbm>>
        %dma_start3A_133 = arith.constant 0 : i32
        %dma_start3A_134 = tpu.memref_slice %arg10[%add3A_116, %dma_start3A_133] : memref<10240x16xf32, #tpu.memory_space<hbm>> -> memref<40x16xf32, #tpu.memory_space<hbm>>
        tpu.enqueue_dma source(%arg16 : memref<40x16xf32, #tpu.memory_space<vmem>>) target(%dma_start3A_134 : memref<40x16xf32, #tpu.memory_space<hbm>>) target_semaphore(%run_scoped3A : memref<!tpu.dma_semaphore, #tpu.memory_space<semaphore_mem>>)
        %dma_wait3A = arith.constant 0 : i32
        %dma_wait3A_135 = tpu.memref_slice %arg10[%add3A_116, %dma_wait3A] : memref<10240x16xf32, #tpu.memory_space<hbm>> -> memref<40x16xf32, #tpu.memory_space<hbm>>
        %dma_wait3A_136 = arith.constant 0 : i32
        %dma_wait3A_137 = tpu.memref_slice %arg10[%add3A_116, %dma_wait3A_136] : memref<10240x16xf32, #tpu.memory_space<hbm>> -> memref<40x16xf32, #tpu.memory_space<hbm>>
        tpu.wait_dma2 semaphore(%run_scoped3A : memref<!tpu.dma_semaphore, #tpu.memory_space<semaphore_mem>>) src(%arg16 : memref<40x16xf32, #tpu.memory_space<vmem>>) dst(%dma_wait3A_137 : memref<40x16xf32, #tpu.memory_space<hbm>>)
        tpu.yield
      }) : () -> ()
      %add3A_117 = arith.constant 360 : i32
      %add3A_118 = arith.addi %mul3A_8, %add3A_117 : i32
      "tpu.region"() ({
        %run_scoped3A = tpu.sem_alloc : memref<!tpu.dma_semaphore, #tpu.memory_space<semaphore_mem>>
        %dma_start3A_131 = arith.constant 0 : i32
        %dma_start3A_132 = tpu.memref_slice %arg23[%add3A_118, %dma_start3A_131] : memref<10240x128xf32, #tpu.memory_space<vmem_shared>> -> memref<40x128xf32, #tpu.memory_space<vmem_shared>>
        %dma_start3A_133 = arith.constant 0 : i32
        %dma_start3A_134 = tpu.memref_slice %arg23[%add3A_118, %dma_start3A_133] : memref<10240x128xf32, #tpu.memory_space<vmem_shared>> -> memref<40x128xf32, #tpu.memory_space<vmem_shared>>
        tpu.enqueue_dma source(%dma_start3A_134 : memref<40x128xf32, #tpu.memory_space<vmem_shared>>) target(%arg15 : memref<40x128xf32, #tpu.memory_space<vmem>>) target_semaphore(%run_scoped3A : memref<!tpu.dma_semaphore, #tpu.memory_space<semaphore_mem>>)
        %dma_wait3A = arith.constant 0 : i32
        %dma_wait3A_135 = tpu.memref_slice %arg23[%add3A_118, %dma_wait3A] : memref<10240x128xf32, #tpu.memory_space<vmem_shared>> -> memref<40x128xf32, #tpu.memory_space<vmem_shared>>
        %dma_wait3A_136 = arith.constant 0 : i32
        %dma_wait3A_137 = tpu.memref_slice %arg23[%add3A_118, %dma_wait3A_136] : memref<10240x128xf32, #tpu.memory_space<vmem_shared>> -> memref<40x128xf32, #tpu.memory_space<vmem_shared>>
        tpu.wait_dma2 semaphore(%run_scoped3A : memref<!tpu.dma_semaphore, #tpu.memory_space<semaphore_mem>>) src(%dma_wait3A_137 : memref<40x128xf32, #tpu.memory_space<vmem_shared>>) dst(%arg15 : memref<40x128xf32, #tpu.memory_space<vmem>>)
        tpu.yield
      }) : () -> ()
      "tpu.region"() ({
        %run_scoped3A = tpu.sem_alloc : memref<!tpu.dma_semaphore, #tpu.memory_space<semaphore_mem>>
        %dma_start3A_131 = arith.constant 0 : i32
        %dma_start3A_132 = tpu.memref_slice %arg8[%add3A_118, %dma_start3A_131] : memref<10240x128xf32, #tpu.memory_space<hbm>> -> memref<40x128xf32, #tpu.memory_space<hbm>>
        %dma_start3A_133 = arith.constant 0 : i32
        %dma_start3A_134 = tpu.memref_slice %arg8[%add3A_118, %dma_start3A_133] : memref<10240x128xf32, #tpu.memory_space<hbm>> -> memref<40x128xf32, #tpu.memory_space<hbm>>
        tpu.enqueue_dma source(%arg15 : memref<40x128xf32, #tpu.memory_space<vmem>>) target(%dma_start3A_134 : memref<40x128xf32, #tpu.memory_space<hbm>>) target_semaphore(%run_scoped3A : memref<!tpu.dma_semaphore, #tpu.memory_space<semaphore_mem>>)
        %dma_wait3A = arith.constant 0 : i32
        %dma_wait3A_135 = tpu.memref_slice %arg8[%add3A_118, %dma_wait3A] : memref<10240x128xf32, #tpu.memory_space<hbm>> -> memref<40x128xf32, #tpu.memory_space<hbm>>
        %dma_wait3A_136 = arith.constant 0 : i32
        %dma_wait3A_137 = tpu.memref_slice %arg8[%add3A_118, %dma_wait3A_136] : memref<10240x128xf32, #tpu.memory_space<hbm>> -> memref<40x128xf32, #tpu.memory_space<hbm>>
        tpu.wait_dma2 semaphore(%run_scoped3A : memref<!tpu.dma_semaphore, #tpu.memory_space<semaphore_mem>>) src(%arg15 : memref<40x128xf32, #tpu.memory_space<vmem>>) dst(%dma_wait3A_137 : memref<40x128xf32, #tpu.memory_space<hbm>>)
        tpu.yield
      }) : () -> ()
      "tpu.region"() ({
        %run_scoped3A = tpu.sem_alloc : memref<!tpu.dma_semaphore, #tpu.memory_space<semaphore_mem>>
        %dma_start3A_131 = arith.constant 0 : i32
        %dma_start3A_132 = tpu.memref_slice %arg24[%add3A_118, %dma_start3A_131] : memref<10240x16xf32, #tpu.memory_space<vmem_shared>> -> memref<40x16xf32, #tpu.memory_space<vmem_shared>>
        %dma_start3A_133 = arith.constant 0 : i32
        %dma_start3A_134 = tpu.memref_slice %arg24[%add3A_118, %dma_start3A_133] : memref<10240x16xf32, #tpu.memory_space<vmem_shared>> -> memref<40x16xf32, #tpu.memory_space<vmem_shared>>
        tpu.enqueue_dma source(%dma_start3A_134 : memref<40x16xf32, #tpu.memory_space<vmem_shared>>) target(%arg16 : memref<40x16xf32, #tpu.memory_space<vmem>>) target_semaphore(%run_scoped3A : memref<!tpu.dma_semaphore, #tpu.memory_space<semaphore_mem>>)
        %dma_wait3A = arith.constant 0 : i32
        %dma_wait3A_135 = tpu.memref_slice %arg24[%add3A_118, %dma_wait3A] : memref<10240x16xf32, #tpu.memory_space<vmem_shared>> -> memref<40x16xf32, #tpu.memory_space<vmem_shared>>
        %dma_wait3A_136 = arith.constant 0 : i32
        %dma_wait3A_137 = tpu.memref_slice %arg24[%add3A_118, %dma_wait3A_136] : memref<10240x16xf32, #tpu.memory_space<vmem_shared>> -> memref<40x16xf32, #tpu.memory_space<vmem_shared>>
        tpu.wait_dma2 semaphore(%run_scoped3A : memref<!tpu.dma_semaphore, #tpu.memory_space<semaphore_mem>>) src(%dma_wait3A_137 : memref<40x16xf32, #tpu.memory_space<vmem_shared>>) dst(%arg16 : memref<40x16xf32, #tpu.memory_space<vmem>>)
        tpu.yield
      }) : () -> ()
      "tpu.region"() ({
        %run_scoped3A = tpu.sem_alloc : memref<!tpu.dma_semaphore, #tpu.memory_space<semaphore_mem>>
        %dma_start3A_131 = arith.constant 0 : i32
        %dma_start3A_132 = tpu.memref_slice %arg10[%add3A_118, %dma_start3A_131] : memref<10240x16xf32, #tpu.memory_space<hbm>> -> memref<40x16xf32, #tpu.memory_space<hbm>>
        %dma_start3A_133 = arith.constant 0 : i32
        %dma_start3A_134 = tpu.memref_slice %arg10[%add3A_118, %dma_start3A_133] : memref<10240x16xf32, #tpu.memory_space<hbm>> -> memref<40x16xf32, #tpu.memory_space<hbm>>
        tpu.enqueue_dma source(%arg16 : memref<40x16xf32, #tpu.memory_space<vmem>>) target(%dma_start3A_134 : memref<40x16xf32, #tpu.memory_space<hbm>>) target_semaphore(%run_scoped3A : memref<!tpu.dma_semaphore, #tpu.memory_space<semaphore_mem>>)
        %dma_wait3A = arith.constant 0 : i32
        %dma_wait3A_135 = tpu.memref_slice %arg10[%add3A_118, %dma_wait3A] : memref<10240x16xf32, #tpu.memory_space<hbm>> -> memref<40x16xf32, #tpu.memory_space<hbm>>
        %dma_wait3A_136 = arith.constant 0 : i32
        %dma_wait3A_137 = tpu.memref_slice %arg10[%add3A_118, %dma_wait3A_136] : memref<10240x16xf32, #tpu.memory_space<hbm>> -> memref<40x16xf32, #tpu.memory_space<hbm>>
        tpu.wait_dma2 semaphore(%run_scoped3A : memref<!tpu.dma_semaphore, #tpu.memory_space<semaphore_mem>>) src(%arg16 : memref<40x16xf32, #tpu.memory_space<vmem>>) dst(%dma_wait3A_137 : memref<40x16xf32, #tpu.memory_space<hbm>>)
        tpu.yield
      }) : () -> ()
      %add3A_119 = arith.constant 400 : i32
      %add3A_120 = arith.addi %mul3A_8, %add3A_119 : i32
      "tpu.region"() ({
        %run_scoped3A = tpu.sem_alloc : memref<!tpu.dma_semaphore, #tpu.memory_space<semaphore_mem>>
        %dma_start3A_131 = arith.constant 0 : i32
        %dma_start3A_132 = tpu.memref_slice %arg23[%add3A_120, %dma_start3A_131] : memref<10240x128xf32, #tpu.memory_space<vmem_shared>> -> memref<40x128xf32, #tpu.memory_space<vmem_shared>>
        %dma_start3A_133 = arith.constant 0 : i32
        %dma_start3A_134 = tpu.memref_slice %arg23[%add3A_120, %dma_start3A_133] : memref<10240x128xf32, #tpu.memory_space<vmem_shared>> -> memref<40x128xf32, #tpu.memory_space<vmem_shared>>
        tpu.enqueue_dma source(%dma_start3A_134 : memref<40x128xf32, #tpu.memory_space<vmem_shared>>) target(%arg15 : memref<40x128xf32, #tpu.memory_space<vmem>>) target_semaphore(%run_scoped3A : memref<!tpu.dma_semaphore, #tpu.memory_space<semaphore_mem>>)
        %dma_wait3A = arith.constant 0 : i32
        %dma_wait3A_135 = tpu.memref_slice %arg23[%add3A_120, %dma_wait3A] : memref<10240x128xf32, #tpu.memory_space<vmem_shared>> -> memref<40x128xf32, #tpu.memory_space<vmem_shared>>
        %dma_wait3A_136 = arith.constant 0 : i32
        %dma_wait3A_137 = tpu.memref_slice %arg23[%add3A_120, %dma_wait3A_136] : memref<10240x128xf32, #tpu.memory_space<vmem_shared>> -> memref<40x128xf32, #tpu.memory_space<vmem_shared>>
        tpu.wait_dma2 semaphore(%run_scoped3A : memref<!tpu.dma_semaphore, #tpu.memory_space<semaphore_mem>>) src(%dma_wait3A_137 : memref<40x128xf32, #tpu.memory_space<vmem_shared>>) dst(%arg15 : memref<40x128xf32, #tpu.memory_space<vmem>>)
        tpu.yield
      }) : () -> ()
      "tpu.region"() ({
        %run_scoped3A = tpu.sem_alloc : memref<!tpu.dma_semaphore, #tpu.memory_space<semaphore_mem>>
        %dma_start3A_131 = arith.constant 0 : i32
        %dma_start3A_132 = tpu.memref_slice %arg8[%add3A_120, %dma_start3A_131] : memref<10240x128xf32, #tpu.memory_space<hbm>> -> memref<40x128xf32, #tpu.memory_space<hbm>>
        %dma_start3A_133 = arith.constant 0 : i32
        %dma_start3A_134 = tpu.memref_slice %arg8[%add3A_120, %dma_start3A_133] : memref<10240x128xf32, #tpu.memory_space<hbm>> -> memref<40x128xf32, #tpu.memory_space<hbm>>
        tpu.enqueue_dma source(%arg15 : memref<40x128xf32, #tpu.memory_space<vmem>>) target(%dma_start3A_134 : memref<40x128xf32, #tpu.memory_space<hbm>>) target_semaphore(%run_scoped3A : memref<!tpu.dma_semaphore, #tpu.memory_space<semaphore_mem>>)
        %dma_wait3A = arith.constant 0 : i32
        %dma_wait3A_135 = tpu.memref_slice %arg8[%add3A_120, %dma_wait3A] : memref<10240x128xf32, #tpu.memory_space<hbm>> -> memref<40x128xf32, #tpu.memory_space<hbm>>
        %dma_wait3A_136 = arith.constant 0 : i32
        %dma_wait3A_137 = tpu.memref_slice %arg8[%add3A_120, %dma_wait3A_136] : memref<10240x128xf32, #tpu.memory_space<hbm>> -> memref<40x128xf32, #tpu.memory_space<hbm>>
        tpu.wait_dma2 semaphore(%run_scoped3A : memref<!tpu.dma_semaphore, #tpu.memory_space<semaphore_mem>>) src(%arg15 : memref<40x128xf32, #tpu.memory_space<vmem>>) dst(%dma_wait3A_137 : memref<40x128xf32, #tpu.memory_space<hbm>>)
        tpu.yield
      }) : () -> ()
      "tpu.region"() ({
        %run_scoped3A = tpu.sem_alloc : memref<!tpu.dma_semaphore, #tpu.memory_space<semaphore_mem>>
        %dma_start3A_131 = arith.constant 0 : i32
        %dma_start3A_132 = tpu.memref_slice %arg24[%add3A_120, %dma_start3A_131] : memref<10240x16xf32, #tpu.memory_space<vmem_shared>> -> memref<40x16xf32, #tpu.memory_space<vmem_shared>>
        %dma_start3A_133 = arith.constant 0 : i32
        %dma_start3A_134 = tpu.memref_slice %arg24[%add3A_120, %dma_start3A_133] : memref<10240x16xf32, #tpu.memory_space<vmem_shared>> -> memref<40x16xf32, #tpu.memory_space<vmem_shared>>
        tpu.enqueue_dma source(%dma_start3A_134 : memref<40x16xf32, #tpu.memory_space<vmem_shared>>) target(%arg16 : memref<40x16xf32, #tpu.memory_space<vmem>>) target_semaphore(%run_scoped3A : memref<!tpu.dma_semaphore, #tpu.memory_space<semaphore_mem>>)
        %dma_wait3A = arith.constant 0 : i32
        %dma_wait3A_135 = tpu.memref_slice %arg24[%add3A_120, %dma_wait3A] : memref<10240x16xf32, #tpu.memory_space<vmem_shared>> -> memref<40x16xf32, #tpu.memory_space<vmem_shared>>
        %dma_wait3A_136 = arith.constant 0 : i32
        %dma_wait3A_137 = tpu.memref_slice %arg24[%add3A_120, %dma_wait3A_136] : memref<10240x16xf32, #tpu.memory_space<vmem_shared>> -> memref<40x16xf32, #tpu.memory_space<vmem_shared>>
        tpu.wait_dma2 semaphore(%run_scoped3A : memref<!tpu.dma_semaphore, #tpu.memory_space<semaphore_mem>>) src(%dma_wait3A_137 : memref<40x16xf32, #tpu.memory_space<vmem_shared>>) dst(%arg16 : memref<40x16xf32, #tpu.memory_space<vmem>>)
        tpu.yield
      }) : () -> ()
      "tpu.region"() ({
        %run_scoped3A = tpu.sem_alloc : memref<!tpu.dma_semaphore, #tpu.memory_space<semaphore_mem>>
        %dma_start3A_131 = arith.constant 0 : i32
        %dma_start3A_132 = tpu.memref_slice %arg10[%add3A_120, %dma_start3A_131] : memref<10240x16xf32, #tpu.memory_space<hbm>> -> memref<40x16xf32, #tpu.memory_space<hbm>>
        %dma_start3A_133 = arith.constant 0 : i32
        %dma_start3A_134 = tpu.memref_slice %arg10[%add3A_120, %dma_start3A_133] : memref<10240x16xf32, #tpu.memory_space<hbm>> -> memref<40x16xf32, #tpu.memory_space<hbm>>
        tpu.enqueue_dma source(%arg16 : memref<40x16xf32, #tpu.memory_space<vmem>>) target(%dma_start3A_134 : memref<40x16xf32, #tpu.memory_space<hbm>>) target_semaphore(%run_scoped3A : memref<!tpu.dma_semaphore, #tpu.memory_space<semaphore_mem>>)
        %dma_wait3A = arith.constant 0 : i32
        %dma_wait3A_135 = tpu.memref_slice %arg10[%add3A_120, %dma_wait3A] : memref<10240x16xf32, #tpu.memory_space<hbm>> -> memref<40x16xf32, #tpu.memory_space<hbm>>
        %dma_wait3A_136 = arith.constant 0 : i32
        %dma_wait3A_137 = tpu.memref_slice %arg10[%add3A_120, %dma_wait3A_136] : memref<10240x16xf32, #tpu.memory_space<hbm>> -> memref<40x16xf32, #tpu.memory_space<hbm>>
        tpu.wait_dma2 semaphore(%run_scoped3A : memref<!tpu.dma_semaphore, #tpu.memory_space<semaphore_mem>>) src(%arg16 : memref<40x16xf32, #tpu.memory_space<vmem>>) dst(%dma_wait3A_137 : memref<40x16xf32, #tpu.memory_space<hbm>>)
        tpu.yield
      }) : () -> ()
      %add3A_121 = arith.constant 440 : i32
      %add3A_122 = arith.addi %mul3A_8, %add3A_121 : i32
      "tpu.region"() ({
        %run_scoped3A = tpu.sem_alloc : memref<!tpu.dma_semaphore, #tpu.memory_space<semaphore_mem>>
        %dma_start3A_131 = arith.constant 0 : i32
        %dma_start3A_132 = tpu.memref_slice %arg23[%add3A_122, %dma_start3A_131] : memref<10240x128xf32, #tpu.memory_space<vmem_shared>> -> memref<40x128xf32, #tpu.memory_space<vmem_shared>>
        %dma_start3A_133 = arith.constant 0 : i32
        %dma_start3A_134 = tpu.memref_slice %arg23[%add3A_122, %dma_start3A_133] : memref<10240x128xf32, #tpu.memory_space<vmem_shared>> -> memref<40x128xf32, #tpu.memory_space<vmem_shared>>
        tpu.enqueue_dma source(%dma_start3A_134 : memref<40x128xf32, #tpu.memory_space<vmem_shared>>) target(%arg15 : memref<40x128xf32, #tpu.memory_space<vmem>>) target_semaphore(%run_scoped3A : memref<!tpu.dma_semaphore, #tpu.memory_space<semaphore_mem>>)
        %dma_wait3A = arith.constant 0 : i32
        %dma_wait3A_135 = tpu.memref_slice %arg23[%add3A_122, %dma_wait3A] : memref<10240x128xf32, #tpu.memory_space<vmem_shared>> -> memref<40x128xf32, #tpu.memory_space<vmem_shared>>
        %dma_wait3A_136 = arith.constant 0 : i32
        %dma_wait3A_137 = tpu.memref_slice %arg23[%add3A_122, %dma_wait3A_136] : memref<10240x128xf32, #tpu.memory_space<vmem_shared>> -> memref<40x128xf32, #tpu.memory_space<vmem_shared>>
        tpu.wait_dma2 semaphore(%run_scoped3A : memref<!tpu.dma_semaphore, #tpu.memory_space<semaphore_mem>>) src(%dma_wait3A_137 : memref<40x128xf32, #tpu.memory_space<vmem_shared>>) dst(%arg15 : memref<40x128xf32, #tpu.memory_space<vmem>>)
        tpu.yield
      }) : () -> ()
      "tpu.region"() ({
        %run_scoped3A = tpu.sem_alloc : memref<!tpu.dma_semaphore, #tpu.memory_space<semaphore_mem>>
        %dma_start3A_131 = arith.constant 0 : i32
        %dma_start3A_132 = tpu.memref_slice %arg8[%add3A_122, %dma_start3A_131] : memref<10240x128xf32, #tpu.memory_space<hbm>> -> memref<40x128xf32, #tpu.memory_space<hbm>>
        %dma_start3A_133 = arith.constant 0 : i32
        %dma_start3A_134 = tpu.memref_slice %arg8[%add3A_122, %dma_start3A_133] : memref<10240x128xf32, #tpu.memory_space<hbm>> -> memref<40x128xf32, #tpu.memory_space<hbm>>
        tpu.enqueue_dma source(%arg15 : memref<40x128xf32, #tpu.memory_space<vmem>>) target(%dma_start3A_134 : memref<40x128xf32, #tpu.memory_space<hbm>>) target_semaphore(%run_scoped3A : memref<!tpu.dma_semaphore, #tpu.memory_space<semaphore_mem>>)
        %dma_wait3A = arith.constant 0 : i32
        %dma_wait3A_135 = tpu.memref_slice %arg8[%add3A_122, %dma_wait3A] : memref<10240x128xf32, #tpu.memory_space<hbm>> -> memref<40x128xf32, #tpu.memory_space<hbm>>
        %dma_wait3A_136 = arith.constant 0 : i32
        %dma_wait3A_137 = tpu.memref_slice %arg8[%add3A_122, %dma_wait3A_136] : memref<10240x128xf32, #tpu.memory_space<hbm>> -> memref<40x128xf32, #tpu.memory_space<hbm>>
        tpu.wait_dma2 semaphore(%run_scoped3A : memref<!tpu.dma_semaphore, #tpu.memory_space<semaphore_mem>>) src(%arg15 : memref<40x128xf32, #tpu.memory_space<vmem>>) dst(%dma_wait3A_137 : memref<40x128xf32, #tpu.memory_space<hbm>>)
        tpu.yield
      }) : () -> ()
      "tpu.region"() ({
        %run_scoped3A = tpu.sem_alloc : memref<!tpu.dma_semaphore, #tpu.memory_space<semaphore_mem>>
        %dma_start3A_131 = arith.constant 0 : i32
        %dma_start3A_132 = tpu.memref_slice %arg24[%add3A_122, %dma_start3A_131] : memref<10240x16xf32, #tpu.memory_space<vmem_shared>> -> memref<40x16xf32, #tpu.memory_space<vmem_shared>>
        %dma_start3A_133 = arith.constant 0 : i32
        %dma_start3A_134 = tpu.memref_slice %arg24[%add3A_122, %dma_start3A_133] : memref<10240x16xf32, #tpu.memory_space<vmem_shared>> -> memref<40x16xf32, #tpu.memory_space<vmem_shared>>
        tpu.enqueue_dma source(%dma_start3A_134 : memref<40x16xf32, #tpu.memory_space<vmem_shared>>) target(%arg16 : memref<40x16xf32, #tpu.memory_space<vmem>>) target_semaphore(%run_scoped3A : memref<!tpu.dma_semaphore, #tpu.memory_space<semaphore_mem>>)
        %dma_wait3A = arith.constant 0 : i32
        %dma_wait3A_135 = tpu.memref_slice %arg24[%add3A_122, %dma_wait3A] : memref<10240x16xf32, #tpu.memory_space<vmem_shared>> -> memref<40x16xf32, #tpu.memory_space<vmem_shared>>
        %dma_wait3A_136 = arith.constant 0 : i32
        %dma_wait3A_137 = tpu.memref_slice %arg24[%add3A_122, %dma_wait3A_136] : memref<10240x16xf32, #tpu.memory_space<vmem_shared>> -> memref<40x16xf32, #tpu.memory_space<vmem_shared>>
        tpu.wait_dma2 semaphore(%run_scoped3A : memref<!tpu.dma_semaphore, #tpu.memory_space<semaphore_mem>>) src(%dma_wait3A_137 : memref<40x16xf32, #tpu.memory_space<vmem_shared>>) dst(%arg16 : memref<40x16xf32, #tpu.memory_space<vmem>>)
        tpu.yield
      }) : () -> ()
      "tpu.region"() ({
        %run_scoped3A = tpu.sem_alloc : memref<!tpu.dma_semaphore, #tpu.memory_space<semaphore_mem>>
        %dma_start3A_131 = arith.constant 0 : i32
        %dma_start3A_132 = tpu.memref_slice %arg10[%add3A_122, %dma_start3A_131] : memref<10240x16xf32, #tpu.memory_space<hbm>> -> memref<40x16xf32, #tpu.memory_space<hbm>>
        %dma_start3A_133 = arith.constant 0 : i32
        %dma_start3A_134 = tpu.memref_slice %arg10[%add3A_122, %dma_start3A_133] : memref<10240x16xf32, #tpu.memory_space<hbm>> -> memref<40x16xf32, #tpu.memory_space<hbm>>
        tpu.enqueue_dma source(%arg16 : memref<40x16xf32, #tpu.memory_space<vmem>>) target(%dma_start3A_134 : memref<40x16xf32, #tpu.memory_space<hbm>>) target_semaphore(%run_scoped3A : memref<!tpu.dma_semaphore, #tpu.memory_space<semaphore_mem>>)
        %dma_wait3A = arith.constant 0 : i32
        %dma_wait3A_135 = tpu.memref_slice %arg10[%add3A_122, %dma_wait3A] : memref<10240x16xf32, #tpu.memory_space<hbm>> -> memref<40x16xf32, #tpu.memory_space<hbm>>
        %dma_wait3A_136 = arith.constant 0 : i32
        %dma_wait3A_137 = tpu.memref_slice %arg10[%add3A_122, %dma_wait3A_136] : memref<10240x16xf32, #tpu.memory_space<hbm>> -> memref<40x16xf32, #tpu.memory_space<hbm>>
        tpu.wait_dma2 semaphore(%run_scoped3A : memref<!tpu.dma_semaphore, #tpu.memory_space<semaphore_mem>>) src(%arg16 : memref<40x16xf32, #tpu.memory_space<vmem>>) dst(%dma_wait3A_137 : memref<40x16xf32, #tpu.memory_space<hbm>>)
        tpu.yield
      }) : () -> ()
      %add3A_123 = arith.constant 480 : i32
      %add3A_124 = arith.addi %mul3A_8, %add3A_123 : i32
      "tpu.region"() ({
        %run_scoped3A = tpu.sem_alloc : memref<!tpu.dma_semaphore, #tpu.memory_space<semaphore_mem>>
        %dma_start3A_131 = arith.constant 0 : i32
        %dma_start3A_132 = tpu.memref_slice %arg23[%add3A_124, %dma_start3A_131] : memref<10240x128xf32, #tpu.memory_space<vmem_shared>> -> memref<40x128xf32, #tpu.memory_space<vmem_shared>>
        %dma_start3A_133 = arith.constant 0 : i32
        %dma_start3A_134 = tpu.memref_slice %arg23[%add3A_124, %dma_start3A_133] : memref<10240x128xf32, #tpu.memory_space<vmem_shared>> -> memref<40x128xf32, #tpu.memory_space<vmem_shared>>
        tpu.enqueue_dma source(%dma_start3A_134 : memref<40x128xf32, #tpu.memory_space<vmem_shared>>) target(%arg15 : memref<40x128xf32, #tpu.memory_space<vmem>>) target_semaphore(%run_scoped3A : memref<!tpu.dma_semaphore, #tpu.memory_space<semaphore_mem>>)
        %dma_wait3A = arith.constant 0 : i32
        %dma_wait3A_135 = tpu.memref_slice %arg23[%add3A_124, %dma_wait3A] : memref<10240x128xf32, #tpu.memory_space<vmem_shared>> -> memref<40x128xf32, #tpu.memory_space<vmem_shared>>
        %dma_wait3A_136 = arith.constant 0 : i32
        %dma_wait3A_137 = tpu.memref_slice %arg23[%add3A_124, %dma_wait3A_136] : memref<10240x128xf32, #tpu.memory_space<vmem_shared>> -> memref<40x128xf32, #tpu.memory_space<vmem_shared>>
        tpu.wait_dma2 semaphore(%run_scoped3A : memref<!tpu.dma_semaphore, #tpu.memory_space<semaphore_mem>>) src(%dma_wait3A_137 : memref<40x128xf32, #tpu.memory_space<vmem_shared>>) dst(%arg15 : memref<40x128xf32, #tpu.memory_space<vmem>>)
        tpu.yield
      }) : () -> ()
      "tpu.region"() ({
        %run_scoped3A = tpu.sem_alloc : memref<!tpu.dma_semaphore, #tpu.memory_space<semaphore_mem>>
        %dma_start3A_131 = arith.constant 0 : i32
        %dma_start3A_132 = tpu.memref_slice %arg8[%add3A_124, %dma_start3A_131] : memref<10240x128xf32, #tpu.memory_space<hbm>> -> memref<40x128xf32, #tpu.memory_space<hbm>>
        %dma_start3A_133 = arith.constant 0 : i32
        %dma_start3A_134 = tpu.memref_slice %arg8[%add3A_124, %dma_start3A_133] : memref<10240x128xf32, #tpu.memory_space<hbm>> -> memref<40x128xf32, #tpu.memory_space<hbm>>
        tpu.enqueue_dma source(%arg15 : memref<40x128xf32, #tpu.memory_space<vmem>>) target(%dma_start3A_134 : memref<40x128xf32, #tpu.memory_space<hbm>>) target_semaphore(%run_scoped3A : memref<!tpu.dma_semaphore, #tpu.memory_space<semaphore_mem>>)
        %dma_wait3A = arith.constant 0 : i32
        %dma_wait3A_135 = tpu.memref_slice %arg8[%add3A_124, %dma_wait3A] : memref<10240x128xf32, #tpu.memory_space<hbm>> -> memref<40x128xf32, #tpu.memory_space<hbm>>
        %dma_wait3A_136 = arith.constant 0 : i32
        %dma_wait3A_137 = tpu.memref_slice %arg8[%add3A_124, %dma_wait3A_136] : memref<10240x128xf32, #tpu.memory_space<hbm>> -> memref<40x128xf32, #tpu.memory_space<hbm>>
        tpu.wait_dma2 semaphore(%run_scoped3A : memref<!tpu.dma_semaphore, #tpu.memory_space<semaphore_mem>>) src(%arg15 : memref<40x128xf32, #tpu.memory_space<vmem>>) dst(%dma_wait3A_137 : memref<40x128xf32, #tpu.memory_space<hbm>>)
        tpu.yield
      }) : () -> ()
      "tpu.region"() ({
        %run_scoped3A = tpu.sem_alloc : memref<!tpu.dma_semaphore, #tpu.memory_space<semaphore_mem>>
        %dma_start3A_131 = arith.constant 0 : i32
        %dma_start3A_132 = tpu.memref_slice %arg24[%add3A_124, %dma_start3A_131] : memref<10240x16xf32, #tpu.memory_space<vmem_shared>> -> memref<40x16xf32, #tpu.memory_space<vmem_shared>>
        %dma_start3A_133 = arith.constant 0 : i32
        %dma_start3A_134 = tpu.memref_slice %arg24[%add3A_124, %dma_start3A_133] : memref<10240x16xf32, #tpu.memory_space<vmem_shared>> -> memref<40x16xf32, #tpu.memory_space<vmem_shared>>
        tpu.enqueue_dma source(%dma_start3A_134 : memref<40x16xf32, #tpu.memory_space<vmem_shared>>) target(%arg16 : memref<40x16xf32, #tpu.memory_space<vmem>>) target_semaphore(%run_scoped3A : memref<!tpu.dma_semaphore, #tpu.memory_space<semaphore_mem>>)
        %dma_wait3A = arith.constant 0 : i32
        %dma_wait3A_135 = tpu.memref_slice %arg24[%add3A_124, %dma_wait3A] : memref<10240x16xf32, #tpu.memory_space<vmem_shared>> -> memref<40x16xf32, #tpu.memory_space<vmem_shared>>
        %dma_wait3A_136 = arith.constant 0 : i32
        %dma_wait3A_137 = tpu.memref_slice %arg24[%add3A_124, %dma_wait3A_136] : memref<10240x16xf32, #tpu.memory_space<vmem_shared>> -> memref<40x16xf32, #tpu.memory_space<vmem_shared>>
        tpu.wait_dma2 semaphore(%run_scoped3A : memref<!tpu.dma_semaphore, #tpu.memory_space<semaphore_mem>>) src(%dma_wait3A_137 : memref<40x16xf32, #tpu.memory_space<vmem_shared>>) dst(%arg16 : memref<40x16xf32, #tpu.memory_space<vmem>>)
        tpu.yield
      }) : () -> ()
      "tpu.region"() ({
        %run_scoped3A = tpu.sem_alloc : memref<!tpu.dma_semaphore, #tpu.memory_space<semaphore_mem>>
        %dma_start3A_131 = arith.constant 0 : i32
        %dma_start3A_132 = tpu.memref_slice %arg10[%add3A_124, %dma_start3A_131] : memref<10240x16xf32, #tpu.memory_space<hbm>> -> memref<40x16xf32, #tpu.memory_space<hbm>>
        %dma_start3A_133 = arith.constant 0 : i32
        %dma_start3A_134 = tpu.memref_slice %arg10[%add3A_124, %dma_start3A_133] : memref<10240x16xf32, #tpu.memory_space<hbm>> -> memref<40x16xf32, #tpu.memory_space<hbm>>
        tpu.enqueue_dma source(%arg16 : memref<40x16xf32, #tpu.memory_space<vmem>>) target(%dma_start3A_134 : memref<40x16xf32, #tpu.memory_space<hbm>>) target_semaphore(%run_scoped3A : memref<!tpu.dma_semaphore, #tpu.memory_space<semaphore_mem>>)
        %dma_wait3A = arith.constant 0 : i32
        %dma_wait3A_135 = tpu.memref_slice %arg10[%add3A_124, %dma_wait3A] : memref<10240x16xf32, #tpu.memory_space<hbm>> -> memref<40x16xf32, #tpu.memory_space<hbm>>
        %dma_wait3A_136 = arith.constant 0 : i32
        %dma_wait3A_137 = tpu.memref_slice %arg10[%add3A_124, %dma_wait3A_136] : memref<10240x16xf32, #tpu.memory_space<hbm>> -> memref<40x16xf32, #tpu.memory_space<hbm>>
        tpu.wait_dma2 semaphore(%run_scoped3A : memref<!tpu.dma_semaphore, #tpu.memory_space<semaphore_mem>>) src(%arg16 : memref<40x16xf32, #tpu.memory_space<vmem>>) dst(%dma_wait3A_137 : memref<40x16xf32, #tpu.memory_space<hbm>>)
        tpu.yield
      }) : () -> ()
      %add3A_125 = arith.constant 520 : i32
      %add3A_126 = arith.addi %mul3A_8, %add3A_125 : i32
      "tpu.region"() ({
        %run_scoped3A = tpu.sem_alloc : memref<!tpu.dma_semaphore, #tpu.memory_space<semaphore_mem>>
        %dma_start3A_131 = arith.constant 0 : i32
        %dma_start3A_132 = tpu.memref_slice %arg23[%add3A_126, %dma_start3A_131] : memref<10240x128xf32, #tpu.memory_space<vmem_shared>> -> memref<40x128xf32, #tpu.memory_space<vmem_shared>>
        %dma_start3A_133 = arith.constant 0 : i32
        %dma_start3A_134 = tpu.memref_slice %arg23[%add3A_126, %dma_start3A_133] : memref<10240x128xf32, #tpu.memory_space<vmem_shared>> -> memref<40x128xf32, #tpu.memory_space<vmem_shared>>
        tpu.enqueue_dma source(%dma_start3A_134 : memref<40x128xf32, #tpu.memory_space<vmem_shared>>) target(%arg15 : memref<40x128xf32, #tpu.memory_space<vmem>>) target_semaphore(%run_scoped3A : memref<!tpu.dma_semaphore, #tpu.memory_space<semaphore_mem>>)
        %dma_wait3A = arith.constant 0 : i32
        %dma_wait3A_135 = tpu.memref_slice %arg23[%add3A_126, %dma_wait3A] : memref<10240x128xf32, #tpu.memory_space<vmem_shared>> -> memref<40x128xf32, #tpu.memory_space<vmem_shared>>
        %dma_wait3A_136 = arith.constant 0 : i32
        %dma_wait3A_137 = tpu.memref_slice %arg23[%add3A_126, %dma_wait3A_136] : memref<10240x128xf32, #tpu.memory_space<vmem_shared>> -> memref<40x128xf32, #tpu.memory_space<vmem_shared>>
        tpu.wait_dma2 semaphore(%run_scoped3A : memref<!tpu.dma_semaphore, #tpu.memory_space<semaphore_mem>>) src(%dma_wait3A_137 : memref<40x128xf32, #tpu.memory_space<vmem_shared>>) dst(%arg15 : memref<40x128xf32, #tpu.memory_space<vmem>>)
        tpu.yield
      }) : () -> ()
      "tpu.region"() ({
        %run_scoped3A = tpu.sem_alloc : memref<!tpu.dma_semaphore, #tpu.memory_space<semaphore_mem>>
        %dma_start3A_131 = arith.constant 0 : i32
        %dma_start3A_132 = tpu.memref_slice %arg8[%add3A_126, %dma_start3A_131] : memref<10240x128xf32, #tpu.memory_space<hbm>> -> memref<40x128xf32, #tpu.memory_space<hbm>>
        %dma_start3A_133 = arith.constant 0 : i32
        %dma_start3A_134 = tpu.memref_slice %arg8[%add3A_126, %dma_start3A_133] : memref<10240x128xf32, #tpu.memory_space<hbm>> -> memref<40x128xf32, #tpu.memory_space<hbm>>
        tpu.enqueue_dma source(%arg15 : memref<40x128xf32, #tpu.memory_space<vmem>>) target(%dma_start3A_134 : memref<40x128xf32, #tpu.memory_space<hbm>>) target_semaphore(%run_scoped3A : memref<!tpu.dma_semaphore, #tpu.memory_space<semaphore_mem>>)
        %dma_wait3A = arith.constant 0 : i32
        %dma_wait3A_135 = tpu.memref_slice %arg8[%add3A_126, %dma_wait3A] : memref<10240x128xf32, #tpu.memory_space<hbm>> -> memref<40x128xf32, #tpu.memory_space<hbm>>
        %dma_wait3A_136 = arith.constant 0 : i32
        %dma_wait3A_137 = tpu.memref_slice %arg8[%add3A_126, %dma_wait3A_136] : memref<10240x128xf32, #tpu.memory_space<hbm>> -> memref<40x128xf32, #tpu.memory_space<hbm>>
        tpu.wait_dma2 semaphore(%run_scoped3A : memref<!tpu.dma_semaphore, #tpu.memory_space<semaphore_mem>>) src(%arg15 : memref<40x128xf32, #tpu.memory_space<vmem>>) dst(%dma_wait3A_137 : memref<40x128xf32, #tpu.memory_space<hbm>>)
        tpu.yield
      }) : () -> ()
      "tpu.region"() ({
        %run_scoped3A = tpu.sem_alloc : memref<!tpu.dma_semaphore, #tpu.memory_space<semaphore_mem>>
        %dma_start3A_131 = arith.constant 0 : i32
        %dma_start3A_132 = tpu.memref_slice %arg24[%add3A_126, %dma_start3A_131] : memref<10240x16xf32, #tpu.memory_space<vmem_shared>> -> memref<40x16xf32, #tpu.memory_space<vmem_shared>>
        %dma_start3A_133 = arith.constant 0 : i32
        %dma_start3A_134 = tpu.memref_slice %arg24[%add3A_126, %dma_start3A_133] : memref<10240x16xf32, #tpu.memory_space<vmem_shared>> -> memref<40x16xf32, #tpu.memory_space<vmem_shared>>
        tpu.enqueue_dma source(%dma_start3A_134 : memref<40x16xf32, #tpu.memory_space<vmem_shared>>) target(%arg16 : memref<40x16xf32, #tpu.memory_space<vmem>>) target_semaphore(%run_scoped3A : memref<!tpu.dma_semaphore, #tpu.memory_space<semaphore_mem>>)
        %dma_wait3A = arith.constant 0 : i32
        %dma_wait3A_135 = tpu.memref_slice %arg24[%add3A_126, %dma_wait3A] : memref<10240x16xf32, #tpu.memory_space<vmem_shared>> -> memref<40x16xf32, #tpu.memory_space<vmem_shared>>
        %dma_wait3A_136 = arith.constant 0 : i32
        %dma_wait3A_137 = tpu.memref_slice %arg24[%add3A_126, %dma_wait3A_136] : memref<10240x16xf32, #tpu.memory_space<vmem_shared>> -> memref<40x16xf32, #tpu.memory_space<vmem_shared>>
        tpu.wait_dma2 semaphore(%run_scoped3A : memref<!tpu.dma_semaphore, #tpu.memory_space<semaphore_mem>>) src(%dma_wait3A_137 : memref<40x16xf32, #tpu.memory_space<vmem_shared>>) dst(%arg16 : memref<40x16xf32, #tpu.memory_space<vmem>>)
        tpu.yield
      }) : () -> ()
      "tpu.region"() ({
        %run_scoped3A = tpu.sem_alloc : memref<!tpu.dma_semaphore, #tpu.memory_space<semaphore_mem>>
        %dma_start3A_131 = arith.constant 0 : i32
        %dma_start3A_132 = tpu.memref_slice %arg10[%add3A_126, %dma_start3A_131] : memref<10240x16xf32, #tpu.memory_space<hbm>> -> memref<40x16xf32, #tpu.memory_space<hbm>>
        %dma_start3A_133 = arith.constant 0 : i32
        %dma_start3A_134 = tpu.memref_slice %arg10[%add3A_126, %dma_start3A_133] : memref<10240x16xf32, #tpu.memory_space<hbm>> -> memref<40x16xf32, #tpu.memory_space<hbm>>
        tpu.enqueue_dma source(%arg16 : memref<40x16xf32, #tpu.memory_space<vmem>>) target(%dma_start3A_134 : memref<40x16xf32, #tpu.memory_space<hbm>>) target_semaphore(%run_scoped3A : memref<!tpu.dma_semaphore, #tpu.memory_space<semaphore_mem>>)
        %dma_wait3A = arith.constant 0 : i32
        %dma_wait3A_135 = tpu.memref_slice %arg10[%add3A_126, %dma_wait3A] : memref<10240x16xf32, #tpu.memory_space<hbm>> -> memref<40x16xf32, #tpu.memory_space<hbm>>
        %dma_wait3A_136 = arith.constant 0 : i32
        %dma_wait3A_137 = tpu.memref_slice %arg10[%add3A_126, %dma_wait3A_136] : memref<10240x16xf32, #tpu.memory_space<hbm>> -> memref<40x16xf32, #tpu.memory_space<hbm>>
        tpu.wait_dma2 semaphore(%run_scoped3A : memref<!tpu.dma_semaphore, #tpu.memory_space<semaphore_mem>>) src(%arg16 : memref<40x16xf32, #tpu.memory_space<vmem>>) dst(%dma_wait3A_137 : memref<40x16xf32, #tpu.memory_space<hbm>>)
        tpu.yield
      }) : () -> ()
      %add3A_127 = arith.constant 560 : i32
      %add3A_128 = arith.addi %mul3A_8, %add3A_127 : i32
      "tpu.region"() ({
        %run_scoped3A = tpu.sem_alloc : memref<!tpu.dma_semaphore, #tpu.memory_space<semaphore_mem>>
        %dma_start3A_131 = arith.constant 0 : i32
        %dma_start3A_132 = tpu.memref_slice %arg23[%add3A_128, %dma_start3A_131] : memref<10240x128xf32, #tpu.memory_space<vmem_shared>> -> memref<40x128xf32, #tpu.memory_space<vmem_shared>>
        %dma_start3A_133 = arith.constant 0 : i32
        %dma_start3A_134 = tpu.memref_slice %arg23[%add3A_128, %dma_start3A_133] : memref<10240x128xf32, #tpu.memory_space<vmem_shared>> -> memref<40x128xf32, #tpu.memory_space<vmem_shared>>
        tpu.enqueue_dma source(%dma_start3A_134 : memref<40x128xf32, #tpu.memory_space<vmem_shared>>) target(%arg15 : memref<40x128xf32, #tpu.memory_space<vmem>>) target_semaphore(%run_scoped3A : memref<!tpu.dma_semaphore, #tpu.memory_space<semaphore_mem>>)
        %dma_wait3A = arith.constant 0 : i32
        %dma_wait3A_135 = tpu.memref_slice %arg23[%add3A_128, %dma_wait3A] : memref<10240x128xf32, #tpu.memory_space<vmem_shared>> -> memref<40x128xf32, #tpu.memory_space<vmem_shared>>
        %dma_wait3A_136 = arith.constant 0 : i32
        %dma_wait3A_137 = tpu.memref_slice %arg23[%add3A_128, %dma_wait3A_136] : memref<10240x128xf32, #tpu.memory_space<vmem_shared>> -> memref<40x128xf32, #tpu.memory_space<vmem_shared>>
        tpu.wait_dma2 semaphore(%run_scoped3A : memref<!tpu.dma_semaphore, #tpu.memory_space<semaphore_mem>>) src(%dma_wait3A_137 : memref<40x128xf32, #tpu.memory_space<vmem_shared>>) dst(%arg15 : memref<40x128xf32, #tpu.memory_space<vmem>>)
        tpu.yield
      }) : () -> ()
      "tpu.region"() ({
        %run_scoped3A = tpu.sem_alloc : memref<!tpu.dma_semaphore, #tpu.memory_space<semaphore_mem>>
        %dma_start3A_131 = arith.constant 0 : i32
        %dma_start3A_132 = tpu.memref_slice %arg8[%add3A_128, %dma_start3A_131] : memref<10240x128xf32, #tpu.memory_space<hbm>> -> memref<40x128xf32, #tpu.memory_space<hbm>>
        %dma_start3A_133 = arith.constant 0 : i32
        %dma_start3A_134 = tpu.memref_slice %arg8[%add3A_128, %dma_start3A_133] : memref<10240x128xf32, #tpu.memory_space<hbm>> -> memref<40x128xf32, #tpu.memory_space<hbm>>
        tpu.enqueue_dma source(%arg15 : memref<40x128xf32, #tpu.memory_space<vmem>>) target(%dma_start3A_134 : memref<40x128xf32, #tpu.memory_space<hbm>>) target_semaphore(%run_scoped3A : memref<!tpu.dma_semaphore, #tpu.memory_space<semaphore_mem>>)
        %dma_wait3A = arith.constant 0 : i32
        %dma_wait3A_135 = tpu.memref_slice %arg8[%add3A_128, %dma_wait3A] : memref<10240x128xf32, #tpu.memory_space<hbm>> -> memref<40x128xf32, #tpu.memory_space<hbm>>
        %dma_wait3A_136 = arith.constant 0 : i32
        %dma_wait3A_137 = tpu.memref_slice %arg8[%add3A_128, %dma_wait3A_136] : memref<10240x128xf32, #tpu.memory_space<hbm>> -> memref<40x128xf32, #tpu.memory_space<hbm>>
        tpu.wait_dma2 semaphore(%run_scoped3A : memref<!tpu.dma_semaphore, #tpu.memory_space<semaphore_mem>>) src(%arg15 : memref<40x128xf32, #tpu.memory_space<vmem>>) dst(%dma_wait3A_137 : memref<40x128xf32, #tpu.memory_space<hbm>>)
        tpu.yield
      }) : () -> ()
      "tpu.region"() ({
        %run_scoped3A = tpu.sem_alloc : memref<!tpu.dma_semaphore, #tpu.memory_space<semaphore_mem>>
        %dma_start3A_131 = arith.constant 0 : i32
        %dma_start3A_132 = tpu.memref_slice %arg24[%add3A_128, %dma_start3A_131] : memref<10240x16xf32, #tpu.memory_space<vmem_shared>> -> memref<40x16xf32, #tpu.memory_space<vmem_shared>>
        %dma_start3A_133 = arith.constant 0 : i32
        %dma_start3A_134 = tpu.memref_slice %arg24[%add3A_128, %dma_start3A_133] : memref<10240x16xf32, #tpu.memory_space<vmem_shared>> -> memref<40x16xf32, #tpu.memory_space<vmem_shared>>
        tpu.enqueue_dma source(%dma_start3A_134 : memref<40x16xf32, #tpu.memory_space<vmem_shared>>) target(%arg16 : memref<40x16xf32, #tpu.memory_space<vmem>>) target_semaphore(%run_scoped3A : memref<!tpu.dma_semaphore, #tpu.memory_space<semaphore_mem>>)
        %dma_wait3A = arith.constant 0 : i32
        %dma_wait3A_135 = tpu.memref_slice %arg24[%add3A_128, %dma_wait3A] : memref<10240x16xf32, #tpu.memory_space<vmem_shared>> -> memref<40x16xf32, #tpu.memory_space<vmem_shared>>
        %dma_wait3A_136 = arith.constant 0 : i32
        %dma_wait3A_137 = tpu.memref_slice %arg24[%add3A_128, %dma_wait3A_136] : memref<10240x16xf32, #tpu.memory_space<vmem_shared>> -> memref<40x16xf32, #tpu.memory_space<vmem_shared>>
        tpu.wait_dma2 semaphore(%run_scoped3A : memref<!tpu.dma_semaphore, #tpu.memory_space<semaphore_mem>>) src(%dma_wait3A_137 : memref<40x16xf32, #tpu.memory_space<vmem_shared>>) dst(%arg16 : memref<40x16xf32, #tpu.memory_space<vmem>>)
        tpu.yield
      }) : () -> ()
      "tpu.region"() ({
        %run_scoped3A = tpu.sem_alloc : memref<!tpu.dma_semaphore, #tpu.memory_space<semaphore_mem>>
        %dma_start3A_131 = arith.constant 0 : i32
        %dma_start3A_132 = tpu.memref_slice %arg10[%add3A_128, %dma_start3A_131] : memref<10240x16xf32, #tpu.memory_space<hbm>> -> memref<40x16xf32, #tpu.memory_space<hbm>>
        %dma_start3A_133 = arith.constant 0 : i32
        %dma_start3A_134 = tpu.memref_slice %arg10[%add3A_128, %dma_start3A_133] : memref<10240x16xf32, #tpu.memory_space<hbm>> -> memref<40x16xf32, #tpu.memory_space<hbm>>
        tpu.enqueue_dma source(%arg16 : memref<40x16xf32, #tpu.memory_space<vmem>>) target(%dma_start3A_134 : memref<40x16xf32, #tpu.memory_space<hbm>>) target_semaphore(%run_scoped3A : memref<!tpu.dma_semaphore, #tpu.memory_space<semaphore_mem>>)
        %dma_wait3A = arith.constant 0 : i32
        %dma_wait3A_135 = tpu.memref_slice %arg10[%add3A_128, %dma_wait3A] : memref<10240x16xf32, #tpu.memory_space<hbm>> -> memref<40x16xf32, #tpu.memory_space<hbm>>
        %dma_wait3A_136 = arith.constant 0 : i32
        %dma_wait3A_137 = tpu.memref_slice %arg10[%add3A_128, %dma_wait3A_136] : memref<10240x16xf32, #tpu.memory_space<hbm>> -> memref<40x16xf32, #tpu.memory_space<hbm>>
        tpu.wait_dma2 semaphore(%run_scoped3A : memref<!tpu.dma_semaphore, #tpu.memory_space<semaphore_mem>>) src(%arg16 : memref<40x16xf32, #tpu.memory_space<vmem>>) dst(%dma_wait3A_137 : memref<40x16xf32, #tpu.memory_space<hbm>>)
        tpu.yield
      }) : () -> ()
      %add3A_129 = arith.constant 600 : i32
      %add3A_130 = arith.addi %mul3A_8, %add3A_129 : i32
      "tpu.region"() ({
        %run_scoped3A = tpu.sem_alloc : memref<!tpu.dma_semaphore, #tpu.memory_space<semaphore_mem>>
        %dma_start3A_131 = arith.constant 0 : i32
        %dma_start3A_132 = tpu.memref_slice %arg23[%add3A_130, %dma_start3A_131] : memref<10240x128xf32, #tpu.memory_space<vmem_shared>> -> memref<40x128xf32, #tpu.memory_space<vmem_shared>>
        %dma_start3A_133 = arith.constant 0 : i32
        %dma_start3A_134 = tpu.memref_slice %arg23[%add3A_130, %dma_start3A_133] : memref<10240x128xf32, #tpu.memory_space<vmem_shared>> -> memref<40x128xf32, #tpu.memory_space<vmem_shared>>
        tpu.enqueue_dma source(%dma_start3A_134 : memref<40x128xf32, #tpu.memory_space<vmem_shared>>) target(%arg15 : memref<40x128xf32, #tpu.memory_space<vmem>>) target_semaphore(%run_scoped3A : memref<!tpu.dma_semaphore, #tpu.memory_space<semaphore_mem>>)
        %dma_wait3A = arith.constant 0 : i32
        %dma_wait3A_135 = tpu.memref_slice %arg23[%add3A_130, %dma_wait3A] : memref<10240x128xf32, #tpu.memory_space<vmem_shared>> -> memref<40x128xf32, #tpu.memory_space<vmem_shared>>
        %dma_wait3A_136 = arith.constant 0 : i32
        %dma_wait3A_137 = tpu.memref_slice %arg23[%add3A_130, %dma_wait3A_136] : memref<10240x128xf32, #tpu.memory_space<vmem_shared>> -> memref<40x128xf32, #tpu.memory_space<vmem_shared>>
        tpu.wait_dma2 semaphore(%run_scoped3A : memref<!tpu.dma_semaphore, #tpu.memory_space<semaphore_mem>>) src(%dma_wait3A_137 : memref<40x128xf32, #tpu.memory_space<vmem_shared>>) dst(%arg15 : memref<40x128xf32, #tpu.memory_space<vmem>>)
        tpu.yield
      }) : () -> ()
      "tpu.region"() ({
        %run_scoped3A = tpu.sem_alloc : memref<!tpu.dma_semaphore, #tpu.memory_space<semaphore_mem>>
        %dma_start3A_131 = arith.constant 0 : i32
        %dma_start3A_132 = tpu.memref_slice %arg8[%add3A_130, %dma_start3A_131] : memref<10240x128xf32, #tpu.memory_space<hbm>> -> memref<40x128xf32, #tpu.memory_space<hbm>>
        %dma_start3A_133 = arith.constant 0 : i32
        %dma_start3A_134 = tpu.memref_slice %arg8[%add3A_130, %dma_start3A_133] : memref<10240x128xf32, #tpu.memory_space<hbm>> -> memref<40x128xf32, #tpu.memory_space<hbm>>
        tpu.enqueue_dma source(%arg15 : memref<40x128xf32, #tpu.memory_space<vmem>>) target(%dma_start3A_134 : memref<40x128xf32, #tpu.memory_space<hbm>>) target_semaphore(%run_scoped3A : memref<!tpu.dma_semaphore, #tpu.memory_space<semaphore_mem>>)
        %dma_wait3A = arith.constant 0 : i32
        %dma_wait3A_135 = tpu.memref_slice %arg8[%add3A_130, %dma_wait3A] : memref<10240x128xf32, #tpu.memory_space<hbm>> -> memref<40x128xf32, #tpu.memory_space<hbm>>
        %dma_wait3A_136 = arith.constant 0 : i32
        %dma_wait3A_137 = tpu.memref_slice %arg8[%add3A_130, %dma_wait3A_136] : memref<10240x128xf32, #tpu.memory_space<hbm>> -> memref<40x128xf32, #tpu.memory_space<hbm>>
        tpu.wait_dma2 semaphore(%run_scoped3A : memref<!tpu.dma_semaphore, #tpu.memory_space<semaphore_mem>>) src(%arg15 : memref<40x128xf32, #tpu.memory_space<vmem>>) dst(%dma_wait3A_137 : memref<40x128xf32, #tpu.memory_space<hbm>>)
        tpu.yield
      }) : () -> ()
      "tpu.region"() ({
        %run_scoped3A = tpu.sem_alloc : memref<!tpu.dma_semaphore, #tpu.memory_space<semaphore_mem>>
        %dma_start3A_131 = arith.constant 0 : i32
        %dma_start3A_132 = tpu.memref_slice %arg24[%add3A_130, %dma_start3A_131] : memref<10240x16xf32, #tpu.memory_space<vmem_shared>> -> memref<40x16xf32, #tpu.memory_space<vmem_shared>>
        %dma_start3A_133 = arith.constant 0 : i32
        %dma_start3A_134 = tpu.memref_slice %arg24[%add3A_130, %dma_start3A_133] : memref<10240x16xf32, #tpu.memory_space<vmem_shared>> -> memref<40x16xf32, #tpu.memory_space<vmem_shared>>
        tpu.enqueue_dma source(%dma_start3A_134 : memref<40x16xf32, #tpu.memory_space<vmem_shared>>) target(%arg16 : memref<40x16xf32, #tpu.memory_space<vmem>>) target_semaphore(%run_scoped3A : memref<!tpu.dma_semaphore, #tpu.memory_space<semaphore_mem>>)
        %dma_wait3A = arith.constant 0 : i32
        %dma_wait3A_135 = tpu.memref_slice %arg24[%add3A_130, %dma_wait3A] : memref<10240x16xf32, #tpu.memory_space<vmem_shared>> -> memref<40x16xf32, #tpu.memory_space<vmem_shared>>
        %dma_wait3A_136 = arith.constant 0 : i32
        %dma_wait3A_137 = tpu.memref_slice %arg24[%add3A_130, %dma_wait3A_136] : memref<10240x16xf32, #tpu.memory_space<vmem_shared>> -> memref<40x16xf32, #tpu.memory_space<vmem_shared>>
        tpu.wait_dma2 semaphore(%run_scoped3A : memref<!tpu.dma_semaphore, #tpu.memory_space<semaphore_mem>>) src(%dma_wait3A_137 : memref<40x16xf32, #tpu.memory_space<vmem_shared>>) dst(%arg16 : memref<40x16xf32, #tpu.memory_space<vmem>>)
        tpu.yield
      }) : () -> ()
      "tpu.region"() ({
        %run_scoped3A = tpu.sem_alloc : memref<!tpu.dma_semaphore, #tpu.memory_space<semaphore_mem>>
        %dma_start3A_131 = arith.constant 0 : i32
        %dma_start3A_132 = tpu.memref_slice %arg10[%add3A_130, %dma_start3A_131] : memref<10240x16xf32, #tpu.memory_space<hbm>> -> memref<40x16xf32, #tpu.memory_space<hbm>>
        %dma_start3A_133 = arith.constant 0 : i32
        %dma_start3A_134 = tpu.memref_slice %arg10[%add3A_130, %dma_start3A_133] : memref<10240x16xf32, #tpu.memory_space<hbm>> -> memref<40x16xf32, #tpu.memory_space<hbm>>
        tpu.enqueue_dma source(%arg16 : memref<40x16xf32, #tpu.memory_space<vmem>>) target(%dma_start3A_134 : memref<40x16xf32, #tpu.memory_space<hbm>>) target_semaphore(%run_scoped3A : memref<!tpu.dma_semaphore, #tpu.memory_space<semaphore_mem>>)
        %dma_wait3A = arith.constant 0 : i32
        %dma_wait3A_135 = tpu.memref_slice %arg10[%add3A_130, %dma_wait3A] : memref<10240x16xf32, #tpu.memory_space<hbm>> -> memref<40x16xf32, #tpu.memory_space<hbm>>
        %dma_wait3A_136 = arith.constant 0 : i32
        %dma_wait3A_137 = tpu.memref_slice %arg10[%add3A_130, %dma_wait3A_136] : memref<10240x16xf32, #tpu.memory_space<hbm>> -> memref<40x16xf32, #tpu.memory_space<hbm>>
        tpu.wait_dma2 semaphore(%run_scoped3A : memref<!tpu.dma_semaphore, #tpu.memory_space<semaphore_mem>>) src(%arg16 : memref<40x16xf32, #tpu.memory_space<vmem>>) dst(%dma_wait3A_137 : memref<40x16xf32, #tpu.memory_space<hbm>>)
        tpu.yield
      }) : () -> ()
    } else {
    }
    return
  }
}

module attributes {stable_mosaic.version = 14 : i64} {
  func.func @_proj_body(%arg0: i32, %arg1: memref<2000x128xf32, #tpu.memory_space<vmem>>, %arg2: memref<128x128xf32, #tpu.memory_space<vmem>>, %arg3: memref<128xf32, #tpu.memory_space<vmem>>, %arg4: memref<128x128xf32, #tpu.memory_space<vmem>>, %arg5: memref<128xf32, #tpu.memory_space<vmem>>, %arg6: memref<128x128xf32, #tpu.memory_space<vmem>>, %arg7: memref<128xf32, #tpu.memory_space<vmem>>, %arg8: memref<128x128xf32, #tpu.memory_space<vmem>>, %arg9: memref<128xf32, #tpu.memory_space<vmem>>, %arg10: memref<2000x128xf32, #tpu.memory_space<vmem>>, %arg11: memref<2000x128xf32, #tpu.memory_space<vmem>>, %arg12: memref<2000x128xf32, #tpu.memory_space<vmem>>, %arg13: memref<2000x128xf32, #tpu.memory_space<vmem>>) attributes {dimension_semantics = [#tpu.dimension_semantics<arbitrary>], iteration_bounds = array<i64: 5>, scalar_prefetch = 0 : i64, scratch_operands = 0 : i64, tpu.core_type = #tpu.core_type<tc>, window_params = [{transform_indices = @transform_0, window_bounds = array<i64: 2000, 128>}, {pipeline_mode = #tpu.pipeline_mode<synchronous>, transform_indices = @transform_1, window_bounds = array<i64: 128, 128>}, {pipeline_mode = #tpu.pipeline_mode<synchronous>, transform_indices = @transform_2, window_bounds = array<i64: 128>}, {pipeline_mode = #tpu.pipeline_mode<synchronous>, transform_indices = @transform_3, window_bounds = array<i64: 128, 128>}, {pipeline_mode = #tpu.pipeline_mode<synchronous>, transform_indices = @transform_4, window_bounds = array<i64: 128>}, {pipeline_mode = #tpu.pipeline_mode<synchronous>, transform_indices = @transform_5, window_bounds = array<i64: 128, 128>}, {pipeline_mode = #tpu.pipeline_mode<synchronous>, transform_indices = @transform_6, window_bounds = array<i64: 128>}, {pipeline_mode = #tpu.pipeline_mode<synchronous>, transform_indices = @transform_7, window_bounds = array<i64: 128, 128>}, {pipeline_mode = #tpu.pipeline_mode<synchronous>, transform_indices = @transform_8, window_bounds = array<i64: 128>}, {transform_indices = @transform_9, window_bounds = array<i64: 2000, 128>}, {transform_indices = @transform_10, window_bounds = array<i64: 2000, 128>}, {transform_indices = @transform_11, window_bounds = array<i64: 2000, 128>}, {transform_indices = @transform_12, window_bounds = array<i64: 2000, 128>}]} {
    %get3A = arith.constant 0 : index
    %get3A_0 = arith.constant 0 : index
    %get3A_1 = vector.load %arg1[%get3A, %get3A_0] : memref<2000x128xf32, #tpu.memory_space<vmem>>, vector<2000x128xf32>
    %get3A_2 = arith.constant 0 : index
    %get3A_3 = arith.constant 0 : index
    %get3A_4 = vector.load %arg2[%get3A_2, %get3A_3] : memref<128x128xf32, #tpu.memory_space<vmem>>, vector<128x128xf32>
    %dot_general3A = arith.constant dense<0.000000e+00> : vector<2000x128xf32>
    %dot_general3A_5 = tpu.matmul %get3A_1, %get3A_4, %dot_general3A {dimension_numbers = #tpu.dot_dimension_numbers<[1], [0], [0], [1], [0, 0, 1, 1], [], []>, transpose_lhs_hint = false} : vector<2000x128xf32>, vector<128x128xf32>, vector<2000x128xf32> -> vector<2000x128xf32>
    %get3A_6 = arith.constant 0 : index
    %get3A_7 = vector.load %arg3[%get3A_6] : memref<128xf32, #tpu.memory_space<vmem>>, vector<128xf32>
    %broadcast_in_dim3A = vector.shape_cast %get3A_7 : vector<128xf32> to vector<1x128xf32>
    %add3A = vector.broadcast %broadcast_in_dim3A : vector<1x128xf32> to vector<2000x128xf32>
    %add3A_8 = arith.addf %dot_general3A_5, %add3A : vector<2000x128xf32>
    %mul3A = arith.constant 0.176776692 : f32
    %mul3A_9 = vector.broadcast %mul3A : f32 to vector<2000x128xf32>
    %mul3A_10 = arith.mulf %add3A_8, %mul3A_9 : vector<2000x128xf32>
    %swap3A = arith.constant 0 : index
    %swap3A_11 = arith.constant 0 : index
    %swap3A_12 = vector.load %arg10[%swap3A, %swap3A_11] : memref<2000x128xf32, #tpu.memory_space<vmem>>, vector<2000x128xf32>
    tpu.vector_store %arg10[%swap3A, %swap3A_11], %mul3A_10 {strides = array<i32>} : memref<2000x128xf32, #tpu.memory_space<vmem>>, vector<2000x128xf32>,
    %get3A_13 = arith.constant 0 : index
    %get3A_14 = arith.constant 0 : index
    %get3A_15 = vector.load %arg4[%get3A_13, %get3A_14] : memref<128x128xf32, #tpu.memory_space<vmem>>, vector<128x128xf32>
    %dot_general3A_16 = arith.constant dense<0.000000e+00> : vector<2000x128xf32>
    %dot_general3A_17 = tpu.matmul %get3A_1, %get3A_15, %dot_general3A_16 {dimension_numbers = #tpu.dot_dimension_numbers<[1], [0], [0], [1], [0, 0, 1, 1], [], []>, transpose_lhs_hint = false} : vector<2000x128xf32>, vector<128x128xf32>, vector<2000x128xf32> -> vector<2000x128xf32>
    %get3A_18 = arith.constant 0 : index
    %get3A_19 = vector.load %arg5[%get3A_18] : memref<128xf32, #tpu.memory_space<vmem>>, vector<128xf32>
    %broadcast_in_dim3A_20 = vector.shape_cast %get3A_19 : vector<128xf32> to vector<1x128xf32>
    %add3A_21 = vector.broadcast %broadcast_in_dim3A_20 : vector<1x128xf32> to vector<2000x128xf32>
    %add3A_22 = arith.addf %dot_general3A_17, %add3A_21 : vector<2000x128xf32>
    %swap3A_23 = arith.constant 0 : index
    %swap3A_24 = arith.constant 0 : index
    %swap3A_25 = vector.load %arg11[%swap3A_23, %swap3A_24] : memref<2000x128xf32, #tpu.memory_space<vmem>>, vector<2000x128xf32>
    tpu.vector_store %arg11[%swap3A_23, %swap3A_24], %add3A_22 {strides = array<i32>} : memref<2000x128xf32, #tpu.memory_space<vmem>>, vector<2000x128xf32>,
    %get3A_26 = arith.constant 0 : index
    %get3A_27 = arith.constant 0 : index
    %get3A_28 = vector.load %arg6[%get3A_26, %get3A_27] : memref<128x128xf32, #tpu.memory_space<vmem>>, vector<128x128xf32>
    %dot_general3A_29 = arith.constant dense<0.000000e+00> : vector<2000x128xf32>
    %dot_general3A_30 = tpu.matmul %get3A_1, %get3A_28, %dot_general3A_29 {dimension_numbers = #tpu.dot_dimension_numbers<[1], [0], [0], [1], [0, 0, 1, 1], [], []>, transpose_lhs_hint = false} : vector<2000x128xf32>, vector<128x128xf32>, vector<2000x128xf32> -> vector<2000x128xf32>
    %get3A_31 = arith.constant 0 : index
    %get3A_32 = vector.load %arg7[%get3A_31] : memref<128xf32, #tpu.memory_space<vmem>>, vector<128xf32>
    %broadcast_in_dim3A_33 = vector.shape_cast %get3A_32 : vector<128xf32> to vector<1x128xf32>
    %add3A_34 = vector.broadcast %broadcast_in_dim3A_33 : vector<1x128xf32> to vector<2000x128xf32>
    %add3A_35 = arith.addf %dot_general3A_30, %add3A_34 : vector<2000x128xf32>
    %swap3A_36 = arith.constant 0 : index
    %swap3A_37 = arith.constant 0 : index
    %swap3A_38 = vector.load %arg12[%swap3A_36, %swap3A_37] : memref<2000x128xf32, #tpu.memory_space<vmem>>, vector<2000x128xf32>
    tpu.vector_store %arg12[%swap3A_36, %swap3A_37], %add3A_35 {strides = array<i32>} : memref<2000x128xf32, #tpu.memory_space<vmem>>, vector<2000x128xf32>,
    %get3A_39 = arith.constant 0 : index
    %get3A_40 = arith.constant 0 : index
    %get3A_41 = vector.load %arg8[%get3A_39, %get3A_40] : memref<128x128xf32, #tpu.memory_space<vmem>>, vector<128x128xf32>
    %dot_general3A_42 = arith.constant dense<0.000000e+00> : vector<2000x128xf32>
    %dot_general3A_43 = tpu.matmul %get3A_1, %get3A_41, %dot_general3A_42 {dimension_numbers = #tpu.dot_dimension_numbers<[1], [0], [0], [1], [0, 0, 1, 1], [], []>, transpose_lhs_hint = false} : vector<2000x128xf32>, vector<128x128xf32>, vector<2000x128xf32> -> vector<2000x128xf32>
    %get3A_44 = arith.constant 0 : index
    %get3A_45 = vector.load %arg9[%get3A_44] : memref<128xf32, #tpu.memory_space<vmem>>, vector<128xf32>
    %broadcast_in_dim3A_46 = vector.shape_cast %get3A_45 : vector<128xf32> to vector<1x128xf32>
    %add3A_47 = vector.broadcast %broadcast_in_dim3A_46 : vector<1x128xf32> to vector<2000x128xf32>
    %add3A_48 = arith.addf %dot_general3A_43, %add3A_47 : vector<2000x128xf32>
    %swap3A_49 = arith.constant 0 : index
    %swap3A_50 = arith.constant 0 : index
    %swap3A_51 = vector.load %arg13[%swap3A_49, %swap3A_50] : memref<2000x128xf32, #tpu.memory_space<vmem>>, vector<2000x128xf32>
    tpu.vector_store %arg13[%swap3A_49, %swap3A_50], %add3A_48 {strides = array<i32>} : memref<2000x128xf32, #tpu.memory_space<vmem>>, vector<2000x128xf32>,
    return
  }
  func.func @transform_0(%arg0: i32) -> (i32, i32) {
    %c0_i32 = arith.constant 0 : i32
    %c0_i32_0 = arith.constant 0 : i32
    return %arg0, %c0_i32 : i32, i32
  }
  func.func @transform_1(%arg0: i32) -> (i32, i32) {
    %c0_i32 = arith.constant 0 : i32
    %c0_i32_0 = arith.constant 0 : i32
    %c0_i32_1 = arith.constant 0 : i32
    return %c0_i32, %c0_i32_0 : i32, i32
  }
  func.func @transform_2(%arg0: i32) -> i32 {
    %c0_i32 = arith.constant 0 : i32
    %c0_i32_0 = arith.constant 0 : i32
    return %c0_i32 : i32
  }
  func.func @transform_3(%arg0: i32) -> (i32, i32) {
    %c0_i32 = arith.constant 0 : i32
    %c0_i32_0 = arith.constant 0 : i32
    %c0_i32_1 = arith.constant 0 : i32
    return %c0_i32, %c0_i32_0 : i32, i32
  }
  func.func @transform_4(%arg0: i32) -> i32 {
    %c0_i32 = arith.constant 0 : i32
    %c0_i32_0 = arith.constant 0 : i32
    return %c0_i32 : i32
  }
  func.func @transform_5(%arg0: i32) -> (i32, i32) {
    %c0_i32 = arith.constant 0 : i32
    %c0_i32_0 = arith.constant 0 : i32
    %c0_i32_1 = arith.constant 0 : i32
    return %c0_i32, %c0_i32_0 : i32, i32
  }
  func.func @transform_6(%arg0: i32) -> i32 {
    %c0_i32 = arith.constant 0 : i32
    %c0_i32_0 = arith.constant 0 : i32
    return %c0_i32 : i32
  }
  func.func @transform_7(%arg0: i32) -> (i32, i32) {
    %c0_i32 = arith.constant 0 : i32
    %c0_i32_0 = arith.constant 0 : i32
    %c0_i32_1 = arith.constant 0 : i32
    return %c0_i32, %c0_i32_0 : i32, i32
  }
  func.func @transform_8(%arg0: i32) -> i32 {
    %c0_i32 = arith.constant 0 : i32
    %c0_i32_0 = arith.constant 0 : i32
    return %c0_i32 : i32
  }
  func.func @transform_9(%arg0: i32) -> (i32, i32) {
    %c0_i32 = arith.constant 0 : i32
    %c0_i32_0 = arith.constant 0 : i32
    return %arg0, %c0_i32 : i32, i32
  }
  func.func @transform_10(%arg0: i32) -> (i32, i32) {
    %c0_i32 = arith.constant 0 : i32
    %c0_i32_0 = arith.constant 0 : i32
    return %arg0, %c0_i32 : i32, i32
  }
  func.func @transform_11(%arg0: i32) -> (i32, i32) {
    %c0_i32 = arith.constant 0 : i32
    %c0_i32_0 = arith.constant 0 : i32
    return %arg0, %c0_i32 : i32, i32
  }
  func.func @transform_12(%arg0: i32) -> (i32, i32) {
    %c0_i32 = arith.constant 0 : i32
    %c0_i32_0 = arith.constant 0 : i32
    return %arg0, %c0_i32 : i32, i32
  }
}

module attributes {stable_mosaic.version = 14 : i64} {
  func.func @_final_body(%arg0: i32, %arg1: memref<2000x128xf32, #tpu.memory_space<vmem>>, %arg2: memref<2000x128xf32, #tpu.memory_space<vmem>>, %arg3: memref<2000x128xf32, #tpu.memory_space<vmem>>, %arg4: memref<2000x16xf32, #tpu.memory_space<vmem>>, %arg5: memref<2000x16xf32, #tpu.memory_space<vmem>>, %arg6: memref<3x128xf32, #tpu.memory_space<vmem>>, %arg7: memref<1x1xf32, #tpu.memory_space<vmem>>, %arg8: memref<128xf32, #tpu.memory_space<vmem>>, %arg9: memref<128xf32, #tpu.memory_space<vmem>>, %arg10: memref<1x1xf32, #tpu.memory_space<vmem>>, %arg11: memref<2000x128xf32, #tpu.memory_space<vmem>>) attributes {dimension_semantics = [#tpu.dimension_semantics<arbitrary>], iteration_bounds = array<i64: 5>, scalar_prefetch = 0 : i64, scratch_operands = 0 : i64, tpu.core_type = #tpu.core_type<tc>, window_params = [{transform_indices = @transform_0, window_bounds = array<i64: 2000, 128>}, {transform_indices = @transform_1, window_bounds = array<i64: 2000, 128>}, {transform_indices = @transform_2, window_bounds = array<i64: 2000, 128>}, {transform_indices = @transform_3, window_bounds = array<i64: 2000, 16>}, {transform_indices = @transform_4, window_bounds = array<i64: 2000, 16>}, {pipeline_mode = #tpu.pipeline_mode<synchronous>, transform_indices = @transform_5, window_bounds = array<i64: 3, 128>}, {pipeline_mode = #tpu.pipeline_mode<synchronous>, transform_indices = @transform_6, window_bounds = array<i64: 1, 1>}, {pipeline_mode = #tpu.pipeline_mode<synchronous>, transform_indices = @transform_7, window_bounds = array<i64: 128>}, {pipeline_mode = #tpu.pipeline_mode<synchronous>, transform_indices = @transform_8, window_bounds = array<i64: 128>}, {pipeline_mode = #tpu.pipeline_mode<synchronous>, transform_indices = @transform_9, window_bounds = array<i64: 1, 1>}, {transform_indices = @transform_10, window_bounds = array<i64: 2000, 128>}]} {
    %get3A = arith.constant 0 : index
    %get3A_0 = arith.constant 0 : index
    %get3A_1 = vector.load %arg1[%get3A, %get3A_0] : memref<2000x128xf32, #tpu.memory_space<vmem>>, vector<2000x128xf32>
    %get3A_2 = arith.constant 0 : index
    %get3A_3 = arith.constant 0 : index
    %get3A_4 = vector.load %arg2[%get3A_2, %get3A_3] : memref<2000x128xf32, #tpu.memory_space<vmem>>, vector<2000x128xf32>
    %get3A_5 = arith.constant 0 : index
    %get3A_6 = arith.constant 0 : index
    %get3A_7 = vector.load %arg3[%get3A_5, %get3A_6] : memref<2000x128xf32, #tpu.memory_space<vmem>>, vector<2000x128xf32>
    %add3A = arith.addf %get3A_4, %get3A_7 : vector<2000x128xf32>
    %get3A_8 = arith.constant 0 : index
    %get3A_9 = arith.constant 0 : index
    %get3A_10 = vector.load %arg4[%get3A_8, %get3A_9] : memref<2000x16xf32, #tpu.memory_space<vmem>>, vector<2000x16xf32>
    %get3A_11 = arith.constant 0 : index
    %get3A_12 = arith.constant 0 : index
    %get3A_13 = vector.load %arg5[%get3A_11, %get3A_12] : memref<2000x16xf32, #tpu.memory_space<vmem>>, vector<2000x16xf32>
    %add3A_14 = arith.addf %get3A_10, %get3A_13 : vector<2000x16xf32>
    %iota3A = tpu.iota {dimensions = array<i32: 0>} : vector<16x128xi32>
    %iota3A_15 = tpu.iota {dimensions = array<i32: 1>} : vector<16x128xi32>
    %jit3A = arith.constant 32 : i32
    %div3A = vector.broadcast %jit3A : i32 to vector<16x128xi32>
    %div3A_16 = arith.divsi %iota3A_15, %div3A : vector<16x128xi32>
    %sign3A = arith.constant 0 : i32
    %sign3A_17 = vector.broadcast %sign3A : i32 to vector<16x128xi32>
    %sign3A_18 = arith.cmpi sgt, %iota3A_15, %sign3A_17 : vector<16x128xi32>
    %sign3A_19 = arith.extui %sign3A_18 : vector<16x128xi1> to vector<16x128xi32>
    %sign3A_20 = arith.constant 0 : i32
    %sign3A_21 = vector.broadcast %sign3A_20 : i32 to vector<16x128xi32>
    %sign3A_22 = arith.cmpi slt, %iota3A_15, %sign3A_21 : vector<16x128xi32>
    %sign3A_23 = arith.extui %sign3A_22 : vector<16x128xi1> to vector<16x128xi32>
    %sign3A_24 = arith.subi %sign3A_19, %sign3A_23 : vector<16x128xi32>
    %sign3A_25 = arith.constant 0 : i32
    %sign3A_26 = arith.cmpi sgt, %jit3A, %sign3A_25 : i32
    %sign3A_27 = arith.extui %sign3A_26 : i1 to i32
    %sign3A_28 = arith.constant 0 : i32
    %sign3A_29 = arith.cmpi slt, %jit3A, %sign3A_28 : i32
    %sign3A_30 = arith.extui %sign3A_29 : i1 to i32
    %sign3A_31 = arith.subi %sign3A_27, %sign3A_30 : i32
    %ne3A = vector.broadcast %sign3A_31 : i32 to vector<16x128xi32>
    %ne3A_32 = arith.cmpi ne, %sign3A_24, %ne3A : vector<16x128xi32>
    %rem3A = vector.broadcast %jit3A : i32 to vector<16x128xi32>
    %rem3A_33 = arith.remsi %iota3A_15, %rem3A : vector<16x128xi32>
    %ne3A_34 = arith.constant 0 : i32
    %ne3A_35 = vector.broadcast %ne3A_34 : i32 to vector<16x128xi32>
    %ne3A_36 = arith.cmpi ne, %rem3A_33, %ne3A_35 : vector<16x128xi32>
    %and3A = arith.andi %ne3A_32, %ne3A_36 : vector<16x128xi1>
    %sub3A = arith.constant 1 : i32
    %sub3A_37 = vector.broadcast %sub3A : i32 to vector<16x128xi32>
    %sub3A_38 = arith.subi %div3A_16, %sub3A_37 : vector<16x128xi32>
    %select_n3A = arith.select %and3A, %sub3A_38, %div3A_16 : vector<16x128xi1>, vector<16x128xi32>
    %eq3A = arith.cmpi eq, %iota3A, %select_n3A : vector<16x128xi32>
    %convert_element_type3A = arith.extui %eq3A : vector<16x128xi1> to vector<16x128xi32>
    %convert_element_type3A_39 = arith.sitofp %convert_element_type3A : vector<16x128xi32> to vector<16x128xf32>
    %dot_general3A = arith.constant dense<0.000000e+00> : vector<2000x128xf32>
    %dot_general3A_40 = tpu.matmul %add3A_14, %convert_element_type3A_39, %dot_general3A {dimension_numbers = #tpu.dot_dimension_numbers<[1], [0], [0], [1], [0, 0, 1, 1], [], []>, transpose_lhs_hint = false} : vector<2000x16xf32>, vector<16x128xf32>, vector<2000x128xf32> -> vector<2000x128xf32>
    %max3A = arith.constant 1.000000e-30 : f32
    %max3A_41 = vector.broadcast %max3A : f32 to vector<2000x128xf32>
    %max3A_42 = arith.maximumf %dot_general3A_40, %max3A_41 : vector<2000x128xf32>
    %div3A_43 = arith.divf %add3A, %max3A_42 : vector<2000x128xf32>
    %get3A_44 = arith.constant 0 : index
    %get3A_45 = arith.constant 0 : index
    %get3A_46 = vector.load %arg6[%get3A_44, %get3A_45] : memref<3x128xf32, #tpu.memory_space<vmem>>, vector<3x128xf32>
    %slice3A = vector.extract_strided_slice %get3A_46 {offsets = [0, 0], sizes = [1, 128], strides = [1, 1]} : vector<3x128xf32> to vector<1x128xf32>
    %slice3A_47 = vector.extract_strided_slice %get3A_46 {offsets = [2, 0], sizes = [1, 128], strides = [1, 1]} : vector<3x128xf32> to vector<1x128xf32>
    %add3A_48 = arith.addf %slice3A, %slice3A_47 : vector<1x128xf32>
    %slice3A_49 = vector.extract_strided_slice %get3A_46 {offsets = [1, 0], sizes = [1, 128], strides = [1, 1]} : vector<3x128xf32> to vector<1x128xf32>
    %slice3A_50 = vector.extract_strided_slice %get3A_46 {offsets = [2, 0], sizes = [1, 128], strides = [1, 1]} : vector<3x128xf32> to vector<1x128xf32>
    %sub3A_51 = arith.subf %slice3A_49, %slice3A_50 : vector<1x128xf32>
    %mul3A = vector.broadcast %add3A_48 : vector<1x128xf32> to vector<2000x128xf32>
    %mul3A_52 = arith.mulf %get3A_1, %mul3A : vector<2000x128xf32>
    %mul3A_53 = vector.broadcast %sub3A_51 : vector<1x128xf32> to vector<2000x128xf32>
    %mul3A_54 = arith.mulf %div3A_43, %mul3A_53 : vector<2000x128xf32>
    %add3A_55 = arith.addf %mul3A_52, %mul3A_54 : vector<2000x128xf32>
    %reduce_sum3A = arith.constant dense<0.000000e+00> : vector<2000xf32>
    %reduce_sum3A_56 = vector.multi_reduction <add>, %add3A_55, %reduce_sum3A [1] : vector<2000x128xf32> to vector<2000xf32>
    %broadcast_in_dim3A = vector.shape_cast %reduce_sum3A_56 : vector<2000xf32> to vector<2000x1xf32>
    %get3A_57 = arith.constant 0 : index
    %get3A_58 = arith.constant 0 : index
    %get3A_59 = vector.load %arg7[%get3A_57, %get3A_58] : memref<1x1xf32, #tpu.memory_space<vmem>>, vector<1x1xf32>
    %add3A_60 = vector.broadcast %get3A_59 : vector<1x1xf32> to vector<2000x1xf32>
    %add3A_61 = arith.addf %broadcast_in_dim3A, %add3A_60 : vector<2000x1xf32>
    %logistic3A = arith.negf %add3A_61 : vector<2000x1xf32>
    %logistic3A_62 = math.exp %logistic3A : vector<2000x1xf32>
    %logistic3A_63 = arith.constant 1.000000e+00 : f32
    %logistic3A_64 = vector.broadcast %logistic3A_63 : f32 to vector<2000x1xf32>
    %logistic3A_65 = arith.addf %logistic3A_64, %logistic3A_62 : vector<2000x1xf32>
    %logistic3A_66 = arith.divf %logistic3A_64, %logistic3A_65 : vector<2000x1xf32>
    %mul3A_67 = vector.broadcast %logistic3A_66 : vector<2000x1xf32> to vector<2000x128xf32>
    %mul3A_68 = arith.mulf %mul3A_67, %get3A_1 : vector<2000x128xf32>
    %sub3A_69 = arith.constant 1.000000e+00 : f32
    %sub3A_70 = vector.broadcast %sub3A_69 : f32 to vector<2000x1xf32>
    %sub3A_71 = arith.subf %sub3A_70, %logistic3A_66 : vector<2000x1xf32>
    %mul3A_72 = vector.broadcast %sub3A_71 : vector<2000x1xf32> to vector<2000x128xf32>
    %mul3A_73 = arith.mulf %mul3A_72, %div3A_43 : vector<2000x128xf32>
    %add3A_74 = arith.addf %mul3A_68, %mul3A_73 : vector<2000x128xf32>
    %reduce_sum3A_75 = arith.constant dense<0.000000e+00> : vector<2000xf32>
    %reduce_sum3A_76 = vector.multi_reduction <add>, %add3A_74, %reduce_sum3A_75 [1] : vector<2000x128xf32> to vector<2000xf32>
    %broadcast_in_dim3A_77 = vector.shape_cast %reduce_sum3A_76 : vector<2000xf32> to vector<2000x1xf32>
    %div3A_78 = arith.constant 1.280000e+02 : f32
    %div3A_79 = vector.broadcast %div3A_78 : f32 to vector<2000x1xf32>
    %div3A_80 = arith.divf %broadcast_in_dim3A_77, %div3A_79 : vector<2000x1xf32>
    %sub3A_81 = vector.broadcast %div3A_80 : vector<2000x1xf32> to vector<2000x128xf32>
    %sub3A_82 = arith.subf %add3A_74, %sub3A_81 : vector<2000x128xf32>
    %mul3A_83 = arith.mulf %sub3A_82, %sub3A_82 : vector<2000x128xf32>
    %reduce_sum3A_84 = arith.constant dense<0.000000e+00> : vector<2000xf32>
    %reduce_sum3A_85 = vector.multi_reduction <add>, %mul3A_83, %reduce_sum3A_84 [1] : vector<2000x128xf32> to vector<2000xf32>
    %broadcast_in_dim3A_86 = vector.shape_cast %reduce_sum3A_85 : vector<2000xf32> to vector<2000x1xf32>
    %div3A_87 = arith.constant 1.280000e+02 : f32
    %div3A_88 = vector.broadcast %div3A_87 : f32 to vector<2000x1xf32>
    %div3A_89 = arith.divf %broadcast_in_dim3A_86, %div3A_88 : vector<2000x1xf32>
    %add3A_90 = arith.constant 9.99999974E-6 : f32
    %add3A_91 = vector.broadcast %add3A_90 : f32 to vector<2000x1xf32>
    %add3A_92 = arith.addf %div3A_89, %add3A_91 : vector<2000x1xf32>
    %rsqrt3A = math.rsqrt %add3A_92 : vector<2000x1xf32>
    %mul3A_93 = vector.broadcast %rsqrt3A : vector<2000x1xf32> to vector<2000x128xf32>
    %mul3A_94 = arith.mulf %sub3A_82, %mul3A_93 : vector<2000x128xf32>
    %get3A_95 = arith.constant 0 : index
    %get3A_96 = vector.load %arg8[%get3A_95] : memref<128xf32, #tpu.memory_space<vmem>>, vector<128xf32>
    %broadcast_in_dim3A_97 = vector.shape_cast %get3A_96 : vector<128xf32> to vector<1x128xf32>
    %mul3A_98 = vector.broadcast %broadcast_in_dim3A_97 : vector<1x128xf32> to vector<2000x128xf32>
    %mul3A_99 = arith.mulf %mul3A_94, %mul3A_98 : vector<2000x128xf32>
    %get3A_100 = arith.constant 0 : index
    %get3A_101 = vector.load %arg9[%get3A_100] : memref<128xf32, #tpu.memory_space<vmem>>, vector<128xf32>
    %broadcast_in_dim3A_102 = vector.shape_cast %get3A_101 : vector<128xf32> to vector<1x128xf32>
    %add3A_103 = vector.broadcast %broadcast_in_dim3A_102 : vector<1x128xf32> to vector<2000x128xf32>
    %add3A_104 = arith.addf %mul3A_99, %add3A_103 : vector<2000x128xf32>
    %ge3A = arith.constant 0.000000e+00 : f32
    %ge3A_105 = vector.broadcast %ge3A : f32 to vector<2000x128xf32>
    %ge3A_106 = arith.cmpf oge, %add3A_104, %ge3A_105 : vector<2000x128xf32>
    %get3A_107 = arith.constant 0 : index
    %get3A_108 = arith.constant 0 : index
    %get3A_109 = vector.load %arg10[%get3A_107, %get3A_108] : memref<1x1xf32, #tpu.memory_space<vmem>>, vector<1x1xf32>
    %mul3A_110 = vector.broadcast %get3A_109 : vector<1x1xf32> to vector<2000x128xf32>
    %mul3A_111 = arith.mulf %mul3A_110, %add3A_104 : vector<2000x128xf32>
    %select_n3A_112 = arith.select %ge3A_106, %add3A_104, %mul3A_111 : vector<2000x128xi1>, vector<2000x128xf32>
    %swap3A = arith.constant 0 : index
    %swap3A_113 = arith.constant 0 : index
    %swap3A_114 = vector.load %arg11[%swap3A, %swap3A_113] : memref<2000x128xf32, #tpu.memory_space<vmem>>, vector<2000x128xf32>
    tpu.vector_store %arg11[%swap3A, %swap3A_113], %select_n3A_112 {strides = array<i32>} : memref<2000x128xf32, #tpu.memory_space<vmem>>, vector<2000x128xf32>,
    return
  }
  func.func @transform_0(%arg0: i32) -> (i32, i32) {
    %c0_i32 = arith.constant 0 : i32
    %c0_i32_0 = arith.constant 0 : i32
    return %arg0, %c0_i32 : i32, i32
  }
  func.func @transform_1(%arg0: i32) -> (i32, i32) {
    %c0_i32 = arith.constant 0 : i32
    %c0_i32_0 = arith.constant 0 : i32
    return %arg0, %c0_i32 : i32, i32
  }
  func.func @transform_2(%arg0: i32) -> (i32, i32) {
    %c0_i32 = arith.constant 0 : i32
    %c0_i32_0 = arith.constant 0 : i32
    return %arg0, %c0_i32 : i32, i32
  }
  func.func @transform_3(%arg0: i32) -> (i32, i32) {
    %c0_i32 = arith.constant 0 : i32
    %c0_i32_0 = arith.constant 0 : i32
    return %arg0, %c0_i32 : i32, i32
  }
  func.func @transform_4(%arg0: i32) -> (i32, i32) {
    %c0_i32 = arith.constant 0 : i32
    %c0_i32_0 = arith.constant 0 : i32
    return %arg0, %c0_i32 : i32, i32
  }
  func.func @transform_5(%arg0: i32) -> (i32, i32) {
    %c0_i32 = arith.constant 0 : i32
    %c0_i32_0 = arith.constant 0 : i32
    %c0_i32_1 = arith.constant 0 : i32
    return %c0_i32, %c0_i32_0 : i32, i32
  }
  func.func @transform_6(%arg0: i32) -> (i32, i32) {
    %c0_i32 = arith.constant 0 : i32
    %c0_i32_0 = arith.constant 0 : i32
    %c0_i32_1 = arith.constant 0 : i32
    return %c0_i32, %c0_i32_0 : i32, i32
  }
  func.func @transform_7(%arg0: i32) -> i32 {
    %c0_i32 = arith.constant 0 : i32
    %c0_i32_0 = arith.constant 0 : i32
    return %c0_i32 : i32
  }
  func.func @transform_8(%arg0: i32) -> i32 {
    %c0_i32 = arith.constant 0 : i32
    %c0_i32_0 = arith.constant 0 : i32
    return %c0_i32 : i32
  }
  func.func @transform_9(%arg0: i32) -> (i32, i32) {
    %c0_i32 = arith.constant 0 : i32
    %c0_i32_0 = arith.constant 0 : i32
    %c0_i32_1 = arith.constant 0 : i32
    return %c0_i32, %c0_i32_0 : i32, i32
  }
  func.func @transform_10(%arg0: i32) -> (i32, i32) {
    %c0_i32 = arith.constant 0 : i32
    %c0_i32_0 = arith.constant 0 : i32
    return %arg0, %c0_i32 : i32, i32
  }
}

</mosaic_0001>

<sc_bundles>
// kernel: kernel.5.cloned.1.call-start
scs
__scs_entry_jumppad:
0x0: {  	(pc) =	sbr.rel $0x88, $3  }
0x1: {  	(tag) =	ssettag $0x0;
	lr =	simm.s32 $0x1  }
0x2: {  	[smem:$0x3F92] =	sst lr;
	_ =	strace $0xD0000000  }
0x3: {  	_ = 	snop  }
0x4: {  	_ = 	snop  }
0x5: {  	_ = 	snop  }
0x6: {  	_ = 	snop  }
0x7: {  	_ = 	snop  }
__scs_overlays_trampoline_lowered:
0x8: {  	[smem:$0x3FA1] =	sst s0  }
0x9: {  	[smem:$0x3FA2] =	sst s1  }
0xa: {  	[smem:$0x3FA3] =	sst s2  }
0xb: {  	[smem:$0x3FA4] =	sst s3  }
0xc: {  	[smem:$0x3FA5] =	sst s4  }
0xd: {  	[smem:$0x3FA6] =	sst s5  }
0xe: {  	[smem:$0x3FA7] =	sst s6  }
0xf: {  	[smem:$0x3FA8] =	sst s7  }
0x10: {  	[smem:$0x3FA9] =	sst s8  }
0x11: {  	[smem:$0x3FAA] =	sst s9;
	s0 =	simm.s32 @!p0 $0x0  }
0x12: {  	s1 =	sld [smem:$0x3F90];
	s0 =	simm.s32 @p0 $0x1  }
0x13: {  	[smem:$0x3FAB] =	sst s0;
	s0 =	simm.s32 @!p1 $0x0  }
0x14: {  	s2 =	sld [smem:$0x3F8F];
	s0 =	simm.s32 @p1 $0x1  }
0x15: {  	[smem:$0x3FAC] =	sst s0;
	s0 =	simm.s32 @!p2 $0x0  }
0x16: {  	s3 =	sld [smem:$0x3FDB];
	s0 =	simm.s32 @p2 $0x1  }
0x17: {  	s4 =	simm.s32 $0x1BF5;
	[smem:$0x3FAE] =	sst s0  }
0x18: {  	s0 =	sld [smem:$0x3F91];
	_ =	swait.ge [sflag:s4], $0x0  }
0x19: {  	s7 =	sld [smem:$0x3F92]  }
0x1a: {  	s8 =	sadd.s32 $0xFFFFE003, lr  }
0x1b: {  	s9 =	sadd.s32 $0xFFFFFEF7, lr;
	s5 =	simm.s32 $0xFFFFFFFF;
	p2 =	slt.u32 s8, $0xFFFFF086  }
0x1c: {  	p1 =	slt.u32 s9, $0xF7A;
	s5 =	simm.s32 @!p2 $0x0  }
0x1d: {  	s5 =	simm.s32 @p1 $0x1;
	p0 =	seq.s32 s7, s2  }
0x1e: {  	s7 =	smul.u32 @!p0 $0xF7A, s2;
	p2 =	seq.s32 @!p0 s5, $0x0  }
0x1f: {  	s9 =	smul.u32 $0xF7A, s1;
	s8 =	simm.s32 @!p0 $0x1BF5;
	p2 =	por !p2, p0  }
0x20: {  	[sflag:s8] =	ssyncset.s32 @!p0 $0xFFFFF086;
	s6 =	sadd.s32 @!p0 s3, s7;
	s7 =	simm.s32 @!p0 $0x108  }
0x21: {  	s3 =	sadd.s32 s3, s9;
	s6 =	sadd.s32 @!p0 $0x88, s6;
	s7 =	simm.s32 @p2 $0x1082  }
0x22: {  	[simem:s7], [sflag:s8] =	dma.local @!p0 [hbm:s6], $0xF7A  }
0x23: {  	s9 =	sor.u32 $0xD0000000, s2;
	s6 =	simm.s32 $0x108;
	_ =	swait.ge @!p0 [sflag:s8], $0x0  }
0x24: {  	s3 =	sadd.s32 $0x88, s3;
	s6 =	simm.s32 @!p1 $0x1082;
	[sflag:s4] =	ssyncset.s32 $0xFFFFF086  }
0x25: {  	[simem:s6], [sflag:s4] =	dma.local [hbm:s3], $0xF7A  }
0x26: {  	[smem:$0x3F92] =	sst s1;
	(tag) =	ssettag s2;
	_ =	strace s9  }
0x27: {  	s1 =	sld [smem:$0x3FA2]  }
0x28: {  	s2 =	sld [smem:$0x3FA3]  }
0x29: {  	s4 =	sld [smem:$0x3FA5]  }
0x2a: {  	p0 =	seq.s32 s5, $0x0;
	s5 =	sld [smem:$0x3FA6]  }
0x2b: {  	s6 =	sld [smem:$0x3FA7]  }
0x2c: {  	s7 =	sld [smem:$0x3FA8]  }
0x2d: {  	s3 =	simm.s32 $0x108;
	s8 =	sld [smem:$0x3FA9]  }
0x2e: {  	s3 =	simm.s32 @!p0 $0x1082;
	s9 =	sld [smem:$0x3FAA]  }
0x2f: {  	lr =	sadd.s32 s0, s3;
	s0 =	sld [smem:$0x3FA1]  }
0x30: {  	s3 =	sld [smem:$0x3FA4]  }
0x31: {  	[smem:$0x3FAD] =	sst s10  }
0x32: {  	s10 =	sld [smem:$0x3FAB];
	_ =	sdelay $0x3  }
0x33: {  	p0 =	seq.s32 s10, $0x1;
	s10 =	sld [smem:$0x3FAD];
	_ =	sdelay $0x3  }
0x34: {  	[smem:$0x3FAD] =	sst s10  }
0x35: {  	s10 =	sld [smem:$0x3FAC];
	_ =	sdelay $0x3  }
0x36: {  	p1 =	seq.s32 s10, $0x1;
	s10 =	sld [smem:$0x3FAD];
	_ =	sdelay $0x3  }
0x37: {  	[smem:$0x3FAD] =	sst s10  }
0x38: {  	s10 =	sld [smem:$0x3FAE]  }
0x39: {  	_ = 	snop;
	(pc) =	sbr.ind lr, $3  }
0x3a: {  	_ = 	snop  }
0x3b: {  	_ = 	snop  }
0x3c: {  	p2 =	seq.s32 s10, $0x1;
	s10 =	sld [smem:$0x3FAD]  }
0x3d: {  	_ =	shalt  }
0x3e: {  	_ =	shalt  }
0x3f: {  	_ =	shalt  }
0x40: {  	_ =	shalt  }
0x41: {  	_ =	shalt  }
0x42: {  	_ =	shalt  }
0x43: {  	_ =	shalt  }
0x44: {  	_ =	shalt  }
0x45: {  	_ =	shalt  }
0x46: {  	_ =	shalt  }
0x47: {  	_ =	shalt  }
0x48: {  	_ =	shalt  }
0x49: {  	_ =	shalt  }
0x4a: {  	_ =	shalt  }
0x4b: {  	_ =	shalt  }
0x4c: {  	_ =	shalt  }
0x4d: {  	_ =	shalt  }
0x4e: {  	_ =	shalt  }
0x4f: {  	_ =	shalt  }
0x50: {  	_ =	shalt  }
0x51: {  	_ =	shalt  }
0x52: {  	_ =	shalt  }
0x53: {  	_ =	shalt  }
0x54: {  	_ =	shalt  }
0x55: {  	_ =	shalt  }
0x56: {  	_ =	shalt  }
0x57: {  	_ =	shalt  }
0x58: {  	_ =	shalt  }
0x59: {  	_ =	shalt  }
0x5a: {  	_ =	shalt  }
0x5b: {  	_ =	shalt  }
0x5c: {  	_ =	shalt  }
0x5d: {  	_ =	shalt  }
0x5e: {  	_ =	shalt  }
0x5f: {  	_ =	shalt  }
0x60: {  	_ =	shalt  }
0x61: {  	_ =	shalt  }
0x62: {  	_ =	shalt  }
0x63: {  	_ =	shalt  }
0x64: {  	_ =	shalt  }
0x65: {  	_ =	shalt  }
0x66: {  	_ =	shalt  }
0x67: {  	_ =	shalt  }
0x68: {  	_ =	shalt  }
0x69: {  	_ =	shalt  }
0x6a: {  	_ =	shalt  }
0x6b: {  	_ =	shalt  }
0x6c: {  	_ =	shalt  }
0x6d: {  	_ =	shalt  }
0x6e: {  	_ =	shalt  }
0x6f: {  	_ =	shalt  }
0x70: {  	_ =	shalt  }
0x71: {  	_ =	shalt  }
0x72: {  	_ =	shalt  }
0x73: {  	_ =	shalt  }
0x74: {  	_ =	shalt  }
0x75: {  	_ =	shalt  }
0x76: {  	_ =	shalt  }
0x77: {  	_ =	shalt  }
0x78: {  	_ =	shalt  }
0x79: {  	_ =	shalt  }
0x7a: {  	_ =	shalt  }
0x7b: {  	_ =	shalt  }
0x7c: {  	_ =	shalt  }
0x7d: {  	_ =	shalt  }
0x7e: {  	_ =	shalt  }
0x7f: {  	_ =	shalt  }
0x80: {  	_ =	shalt  }
0x81: {  	_ =	shalt  }
0x82: {  	_ =	shalt  }
0x83: {  	_ =	shalt  }
0x84: {  	_ =	shalt  }
0x85: {  	_ =	shalt  }
0x86: {  	_ =	shalt  }
0x87: {  	_ =	shalt  }
.Lfunc_end0:
.L_simem_size_0:
called_computation_lowered:
.L_overlay_start_0:
0x88: {  	s2 =	sld [smem:$0x3FD9]  }
0x89: {  	s3 =	sld [smem:$0x3FFE];
	_ =	sdelay $0x1  }
0x8a: {  	s1 =	srdreg.scid  }
0x8b: {  	s0 =	sand.u32 $0x1, s1  }
0x8c: {  	s17 =	sshll.u32 s0, $0xA;
	s2 =	sadd.s32 s3, s2  }
0x8d: {  	s2 =	sadd.s32 s2, s17  }
0x8e: {  	[smem:$0x3FB9] =	sst s2  }
0x8f: {  	_ = 	snop  }
0x90: {  	s2 =	sld [smem:$0x3FD0];
	(tm) =	ssettm $0x1  }
0x91: {  	s18 =	sld [smem:$0x3FFB];
	_ =	sdelay $0x3  }
0x92: {  	_ =	strace s18  }
0x93: {  	s3 =	sld [smem:$0x3FFC];
	_ =	sdelay $0x3  }
0x94: {  	_ =	strace s3  }
0x95: {  	s3 =	sld [smem:$0x3FFD];
	_ =	sdelay $0x3  }
0x96: {  	_ =	strace s3  }
0x97: {  	_ =	strace $0x8FFFFFFF  }
0x98: {  	s19 =	sld [smem:$0x3FDB];
	_ =	sdelay $0x1  }
0x99: {  	s4 =	simm.s32 $_scs_section_size  }
0x9a: {  	s5 =	simm.s32 $_size__tile_overlayer_lowered;
	s6 =	simm.s32 $_tile_overlayer_lowered  }
0x9b: {  	s22 =	simm.s32 $0x1BFF;
	s21 =	sshll.u32 s6, $0x1;
	s3 =	sadd.s32 s4, s19  }
0x9c: {  	s7 =	simm.s32 $0x0;
	s20 =	sshll.u32 s5, $0x1;
	s5 =	sadd.s32 s21, s3  }
0x9d: {  	[timem:s7], [sflag:s22] =	dma.local [hbm:s5], s20  }
0x9e: {  	_ =	swait.ge [sflag:s22], s20  }
0x9f: {  	s4 =	ssub.s32 $0x0, s20;
	[sflag:s22] =	ssyncset.done $0x0  }
0xa0: {  	[sflag:s22] =	ssyncadd.s32 s4;
	_ =	sdelay $0x1  }
0xa1: {  	s23 =	simm.s32 $0x1B8B  }
0xa2: {  	_ =	swait.ge [sflag:s23], $0x1  }
0xa3: {  	[sflag:s23] =	ssyncset.done $0x0  }
0xa4: {  	s25 =	simm.s32 $0x1B8E;
	s24 =	sld [smem:$0x3FFE];
	[sflag:s23] =	ssyncadd.s32 $0xFFFFFFFF  }
0xa5: {  	s26 =	simm.s32 $execute0_lowered;
	[smem:$0x3FD2] =	sst s25  }
0xa6: {  	s5 =	sshll.u32 s26, $0x1;
	_ =	strace $0x80000046;
	[dreg:$0x1] =	wrdreg $0xFFFFFFFF  }
0xa7: {  	s28 =	simm.s32 $_size_execute0_lowered;
	s3 =	sadd.s32 s3, s5;
	[dreg:$0x0] =	wrdreg $0x0  }
0xa8: {  	s5 =	sshll.u32 s28, $0x1;
	[dreg:$0x2] =	wrdreg s3  }
0xa9: {  	[dreg:$0x3] =	wrdreg s5  }
0xaa: {  	[dreg:$0x4] =	wrdreg $0xC0  }
0xab: {  	_ =	task [dreg:s7], $0x5FFFF  }
0xac: {  	[dreg:$0x1] =	wrdreg $0xFFFFFFFF  }
0xad: {  	[dreg:$0x0] =	wrdreg $0x60  }
0xae: {  	[dreg:$0x2] =	wrdreg s24  }
0xaf: {  	[dreg:$0x3] =	wrdreg s2  }
0xb0: {  	[dreg:$0x4] =	wrdreg $0x7DA00  }
0xb1: {  	[dreg:$0x5] =	wrdreg $0x1BDA00  }
0xb2: {  	[dreg:$0x6] =	wrdreg $0x9  }
0xb3: {  	_ =	task.clear_ibuf [dreg:s7], $0x7FFFF;
	_ =	strace $0x90000046  }
0xb4: {  	s29 =	simm.s32 $0x9;
	_ =	strace $0x80000048  }
0xb5: {  	_ =	swait.ge [sflag:s29], $0x1  }
0xb6: {  	[sflag:s29] =	ssyncadd.s32 $0xFFFFFFFF  }
0xb7: {  	_ =	strace $0x90000048  }
0xb8: {  	_ =	sfence  }
0xb9: {  	s30 =	sld [smem:$0x0];
	_ =	sdelay $0x2  }
0xba: {  	s31 =	sshll.u32 s1, $0xD;
	s1 =	sshrl.u32 s1, $0x2  }
0xbb: {  	s3 =	sand.u32 $0x4000, s31;
	s1 =	sadd.s32 s1, s30  }
0xbc: {  	s0 =	sor.u32 s3, s0;
	s1 =	sshll.u32 s1, $0x11  }
0xbd: {  	s0 =	sor.u32 s1, s0  }
0xbe: {  	s0 =	sadd.s32 $0x8F2B, s0  }
0xbf: {  	[sflag:s0] =	ssyncadd.remote.s32 $0x1  }
0xc0: {  	_ =	sfence.sel $0xFFFF  }
0xc1: {  	[dreg:$0x0] =	wrdreg $0xFFFFFFFF;
	(pc) =	sbr.abs _section_cstart, $3  }
0xc2: {  	[dreg:$0x1] =	wrdreg $0xFFFFFFFF  }
0xc3: {  	_ =	task.clear_ibuf [dreg:s7], $0x2FFFF;
	_ =	strace $0x9FFFFFFF  }
0xc4: {  	(tm) =	ssettm $0x7FFFFFFF  }
0xc5: {  	_ =	shalt  }
tec
execute0_lowered:
.L_overlay_start_1:
0x0: {  	(tag) =	ssettag $0x1  }
0x1: {  	s12 =	rddreg [dreg:$0x0];
	s1 =	simm.s32 $0x0;
	s0 =	srdreg.scid  }
0x2: {  	s28 =	stileid.u32;
	[smem:$0x7FF] =	sst s1;
	s20 =	sand.u32 $0x1, s0  }
0x3: {  	s0 =	sadd.s32 $0x6DE00, s12;
	s14 =	sadd.s32 $0x95E00, s12;
	s17 =	smul.u32 $0x280, s28  }
0x4: {  	s22 =	sadd.s32 $0x63E00, s12;
	s19 =	sadd.s32 $0x68E00, s12;
	s21 =	ssub.s32 $0x2, s20  }
0x5: {  	s26 =	smul.u32 $0x2800, s28;
	p0 =	seq.s32 s20, $0x1;
	s2 =	sshrl.u32 s21, $0x1  }
0x6: {  	s18 =	sor.u32 $0x50, s17;
	s16 =	sor.u32 $0x78, s17;
	s15 =	sadd.s32 $0xA0, s17  }
0x7: {  	s13 =	sadd.s32 $0xC8, s17;
	s11 =	sadd.s32 $0xF0, s17;
	s10 =	sadd.s32 $0x118, s17  }
0x8: {  	s9 =	sadd.s32 $0x140, s17;
	s8 =	sadd.s32 $0x168, s17;
	s7 =	sadd.s32 $0x190, s17  }
0x9: {  	s6 =	sadd.s32 $0x1B8, s17;
	s5 =	sadd.s32 $0x1E0, s17;
	s4 =	sadd.s32 $0x208, s17  }
0xa: {  	s3 =	sadd.s32 $0x230, s17;
	s23 =	sshrl.u32 s26, $0x3;
	s0 =	smov.u32 @p0 s14  }
0xb: {  	s22 =	smov.u32 @p0 s19;
	s1 =	ssub.s32 s21, s2;
	s21 =	sor.u32 $0x28, s17  }
0xc: {  	s2 =	sadd.s32 $0x258, s17;
	s25 =	sshll.u32 s18, $0x1;
	s17 =	sadd.s32 s22, s23  }
0xd: {  	s24 =	sshll.u32 s21, $0x1;
	[dreg:$0x5] =	wrdreg s17;
	s23 =	sadd.s32 s22, s25  }
0xe: {  	s25 =	sshll.u32 s15, $0x1;
	s14 =	sadd.s32 s22, s24;
	[dreg:$0x7] =	wrdreg s23  }
0xf: {  	s24 =	sshll.u32 s16, $0x1;
	s19 =	sadd.s32 s22, s25;
	[dreg:$0x6] =	wrdreg s14  }
0x10: {  	s25 =	sshll.u32 s10, $0x1;
	s14 =	sadd.s32 s22, s24;
	[dreg:$0x9] =	wrdreg s19  }
0x11: {  	s23 =	sshll.u32 s13, $0x1;
	s19 =	sadd.s32 s22, s25;
	[dreg:$0x8] =	wrdreg s14  }
0x12: {  	s25 =	sshll.u32 s7, $0x1;
	s14 =	sadd.s32 s22, s23;
	[dreg:$0xc] =	wrdreg s19  }
0x13: {  	s24 =	sshll.u32 s11, $0x1;
	s17 =	sadd.s32 s22, s25;
	[dreg:$0xa] =	wrdreg s14  }
0x14: {  	s23 =	sshll.u32 s9, $0x1;
	s14 =	sadd.s32 s22, s24;
	[dreg:$0xf] =	wrdreg s17  }
0x15: {  	s24 =	sshll.u32 s8, $0x1;
	[dreg:$0xb] =	wrdreg s14;
	s14 =	sadd.s32 s22, s23  }
0x16: {  	s23 =	sshll.u32 s5, $0x1;
	[dreg:$0xd] =	wrdreg s14;
	s14 =	sadd.s32 s22, s24  }
0x17: {  	s17 =	sadd.s32 s22, s23;
	[dreg:$0xe] =	wrdreg s14  }
0x18: {  	s19 =	sshll.u32 s6, $0x1;
	[dreg:$0x11] =	wrdreg s17  }
0x19: {  	s14 =	sadd.s32 s22, s19;
	s17 =	rddreg [dreg:$0x2]  }
0x1a: {  	s20 =	sshll.u32 s20, $0x4;
	s24 =	sshll.u32 s4, $0x1;
	[dreg:$0x10] =	wrdreg s14  }
0x1b: {  	s23 =	sshll.u32 s3, $0x1;
	s19 =	sadd.s32 s22, s24;
	s14 =	rddreg [dreg:$0x1]  }
0x1c: {  	s25 =	sshll.u32 s2, $0x1;
	s23 =	sadd.s32 s22, s23;
	[dreg:$0x12] =	wrdreg s19  }
0x1d: {  	s22 =	sadd.s32 s22, s25;
	s24 =	sadd.s32 $0x15A00, s12;
	[dreg:$0x13] =	wrdreg s23  }
0x1e: {  	s25 =	sadd.s32 $0x3CC00, s12;
	[dreg:$0x14] =	wrdreg s22;
	s22 =	sadd.s32 $0xBC00, s12  }
0x1f: {  	s23 =	sadd.s32 $0x1E00, s12;
	s12 =	sor.u32 s28, s20;
	s20 =	sshll.u32 s21, $0x7  }
0x20: {  	s19 =	rddreg [dreg:$0x3];
	_ =	strace $0x80000047;
	s20 =	sadd.s32 s20, s17  }
0x21: {  	s31 =	sadd.s32 s26, s19;
	s26 =	sshll.u32 s18, $0x7;
	[dreg:$0x16] =	wrdreg s20  }
0x22: {  	s20 =	sadd.s32 s26, s17;
	s26 =	sshll.u32 s16, $0x7;
	[dreg:$0x15] =	wrdreg s31  }
0x23: {  	[dreg:$0x17] =	wrdreg s20;
	s20 =	sadd.s32 s26, s17;
	s26 =	sshll.u32 s15, $0x7  }
0x24: {  	[dreg:$0x18] =	wrdreg s20;
	s20 =	sadd.s32 s26, s17;
	s26 =	sshll.u32 s13, $0x7  }
0x25: {  	[dreg:$0x19] =	wrdreg s20;
	s20 =	sadd.s32 s26, s17;
	s26 =	sshll.u32 s11, $0x7  }
0x26: {  	[dreg:$0x1a] =	wrdreg s20;
	s20 =	sadd.s32 s26, s17;
	s26 =	sshll.u32 s10, $0x7  }
0x27: {  	[dreg:$0x1b] =	wrdreg s20;
	s20 =	sadd.s32 s26, s17;
	s26 =	sshll.u32 s9, $0x7  }
0x28: {  	[dreg:$0x1c] =	wrdreg s20;
	s20 =	sadd.s32 s26, s17;
	s26 =	sshll.u32 s8, $0x7  }
0x29: {  	[dreg:$0x1d] =	wrdreg s20;
	s20 =	sadd.s32 s26, s17;
	s26 =	sshll.u32 s7, $0x7  }
0x2a: {  	[dreg:$0x1e] =	wrdreg s20;
	s20 =	sadd.s32 s26, s17;
	s26 =	sshll.u32 s6, $0x7  }
0x2b: {  	[dreg:$0x1f] =	wrdreg s20;
	s20 =	sadd.s32 s26, s17;
	s26 =	sshll.u32 s5, $0x7  }
0x2c: {  	[smem:$0x7D6] =	sst s20;
	s20 =	sadd.s32 s26, s17;
	s26 =	sshll.u32 s4, $0x7  }
0x2d: {  	[smem:$0x7D7] =	sst s20;
	s20 =	sadd.s32 s26, s17  }
0x2e: {  	s26 =	sshll.u32 s3, $0x7;
	[smem:$0x7D8] =	sst s20  }
0x2f: {  	s20 =	smul.u32 $0x14000, s28;
	s28 =	sshll.u32 s2, $0x7;
	s26 =	sadd.s32 s26, s17  }
0x30: {  	[smem:$0x7D9] =	sst s26;
	s26 =	sadd.s32 s28, s17  }
0x31: {  	[smem:$0x7DA] =	sst s26;
	s26 =	sadd.s32 s20, s17;
	s20 =	sshrl.u32 s20, $0x3  }
0x32: {  	s21 =	sshll.u32 s21, $0x4;
	[smem:$0x7DB] =	sst s26;
	s20 =	sadd.s32 s0, s20  }
0x33: {  	s26 =	sadd.s32 s21, s19;
	[smem:$0x7DC] =	sst s20  }
0x34: {  	s18 =	sshll.u32 s18, $0x4;
	[smem:$0x7DD] =	sst s26;
	s26 =	sadd.s32 s0, s21  }
0x35: {  	s21 =	sadd.s32 s18, s19;
	[smem:$0x7DE] =	sst s26  }
0x36: {  	s9 =	sshll.u32 s9, $0x4;
	s18 =	sadd.s32 s0, s18;
	[smem:$0x7DF] =	sst s21  }
0x37: {  	s16 =	sshll.u32 s16, $0x4;
	s20 =	sadd.s32 s9, s19;
	[smem:$0x7E0] =	sst s18  }
0x38: {  	s13 =	sshll.u32 s13, $0x4;
	s9 =	sadd.s32 s0, s9;
	[smem:$0x7E8] =	sst s20  }
0x39: {  	s18 =	sadd.s32 s16, s19;
	s16 =	sadd.s32 s0, s16;
	[smem:$0x7E9] =	sst s9  }
0x3a: {  	s26 =	sadd.s32 s13, s19;
	[smem:$0x7E1] =	sst s16  }
0x3b: {  	s8 =	sshll.u32 s8, $0x4;
	s13 =	sadd.s32 s0, s13;
	[smem:$0x7E3] =	sst s26  }
0x3c: {  	s21 =	sadd.s32 s8, s19;
	[smem:$0x7E4] =	sst s13  }
0x3d: {  	s6 =	sshll.u32 s6, $0x4;
	s8 =	sadd.s32 s0, s8;
	[smem:$0x7EA] =	sst s21  }
0x3e: {  	s12 =	smul.u32 $0x2710, s12;
	s9 =	sadd.s32 s6, s19;
	[smem:$0x7EB] =	sst s8  }
0x3f: {  	s15 =	sshll.u32 s15, $0x4;
	s6 =	sadd.s32 s0, s6;
	[smem:$0x7EE] =	sst s9  }
0x40: {  	s11 =	sshll.u32 s11, $0x4;
	s7 =	sshll.u32 s7, $0x4;
	[smem:$0x7EF] =	sst s6  }
0x41: {  	s16 =	sadd.s32 s15, s19;
	s15 =	sadd.s32 s0, s15;
	[smem:$0x7FA] =	sst s18  }
0x42: {  	s13 =	sadd.s32 s11, s19;
	s11 =	sadd.s32 s0, s11;
	[smem:$0x7E2] =	sst s15  }
0x43: {  	s26 =	sadd.s32 s7, s19;
	[smem:$0x7E5] =	sst s11  }
0x44: {  	s20 =	sshrl.u32 s12, $0x3;
	s7 =	sadd.s32 s0, s7;
	[smem:$0x7EC] =	sst s26  }
0x45: {  	s29 =	simm.s32 $0x6;
	s21 =	sadd.s32 s22, s20;
	[smem:$0x7ED] =	sst s7  }
0x46: {  	s30 =	simm.s32 $0x7B20;
	s10 =	sshll.u32 s10, $0x4;
	[smem:$0x7F7] =	sst s21  }
0x47: {  	s5 =	sshll.u32 s5, $0x4;
	s4 =	sshll.u32 s4, $0x4;
	[smem:$0x7FB] =	sst s16  }
0x48: {  	s3 =	sshll.u32 s3, $0x4;
	s15 =	sadd.s32 s10, s19;
	[smem:$0x7FC] =	sst s13  }
0x49: {  	s2 =	sshll.u32 s2, $0x4;
	s10 =	sadd.s32 s0, s10;
	[smem:$0x7E6] =	sst s15  }
0x4a: {  	s28 =	simm.s32 $0x5;
	s11 =	sadd.s32 s4, s19;
	[smem:$0x7E7] =	sst s10  }
0x4b: {  	s6 =	simm.s32 $0x2850;
	s4 =	sadd.s32 s0, s4;
	[smem:$0x7F2] =	sst s11  }
0x4c: {  	s8 =	simm.s32 $0x3C50;
	s26 =	smax.u32 s1, $0x1;
	[smem:$0x7F3] =	sst s4  }
0x4d: {  	s9 =	simm.s32 $0x28;
	s10 =	sadd.s32 s5, s19;
	[smem:$0x7F9] =	sst s26  }
0x4e: {  	s7 =	simm.s32 $0x7;
	s5 =	sadd.s32 s0, s5;
	[smem:$0x7F0] =	sst s10  }
0x4f: {  	s21 =	simm.s32 $0x6720;
	s15 =	sadd.s32 s3, s19;
	[smem:$0x7F1] =	sst s5  }
0x50: {  	s1 =	simm.s32 $0x0;
	s3 =	sadd.s32 s0, s3;
	[smem:$0x7F4] =	sst s15  }
0x51: {  	s0 =	sadd.s32 s0, s2;
	s4 =	sadd.s32 $0x28, s12;
	[smem:$0x7F5] =	sst s3  }
0x52: {  	s11 =	simm.s32 $0x3EF8;
	s26 =	simm.s32 $0x4;
	[smem:$0x7F6] =	sst s0  }
0x53: {  	v0 =	vimm.f32 $0.0e+00;
	vm0 =	vcmask $0x300;
	vm15 =	vcmask $0x704;
	s3 =	sadd.s32 s2, s19;
	s0 =	sadd.s32 s23, s20;
	s5 =	sadd.s32 $0x50, s12  }
0x54: {  	vm1 =	vcmask $0xB08;
	vm2 =	vcmask $0xF0C;
	v1 =	vsel vm0, $0x3F800000, v0;
	s10 =	simm.s32 $0x3ED0;
	s15 =	simm.s32 $0x1;
	[smem:$0x7F8] =	sst s0  }
0x55: {  	v2 =	vsel vm15, $0x3F800000, v0;
	v3 =	vsel vm1, $0x3F800000, v0;
	v4 =	vsel vm2, $0x3F800000, v0;
	s12 =	simm.s32 $0x2;
	s20 =	simm.s32 $0x3;
	[smem:$0x7FD] =	sst s3  }
.LBB2_1:
0x56: {  	s0 =	simm.s32 $0x2890  }
0x57: {  	[tilespmem:s0+$0xFFFFFFD0] =	vst v0  }
0x58: {  	[tilespmem:s0+$0xFFFFFFE0] =	vst v0  }
0x59: {  	[tilespmem:s0+$0xFFFFFFF0] =	vst v0  }
0x5a: {  	[tilespmem:s0+$0x0] =	vst v0  }
0x5b: {  	[tilespmem:s0+$0x10] =	vst v0  }
0x5c: {  	[tilespmem:s0+$0x20] =	vst v0  }
0x5d: {  	[tilespmem:s0+$0x30] =	vst v0  }
0x5e: {  	[smem:$0x7D5] =	sst s1;
	s2 =	simm.s32 $0x0;
	s1 =	simm.s32 $0x40;
	[tilespmem:s0+$0xFFFFFFC0] =	vst v0  }
.LBB2_2:
0x5f: {  	p0 =	sne.s32 s1, $0x9C0;
	[tilespmem:s2+$0x3C50] =	vst v0;
	s0 =	sadd.s32 $0x80, s0  }
0x60: {  	[tilespmem:s0+$0xFFFFFFD0] =	vst v0  }
0x61: {  	[tilespmem:s0+$0xFFFFFFE0] =	vst v0  }
0x62: {  	[tilespmem:s0+$0xFFFFFFF0] =	vst v0  }
.Ltmp0:
0x63: {  	[tilespmem:s0+$0x0] =	vst v0;
	(pc) =	sbr.rel @p0 .LBB2_2-.Ltmp0, $4  }
0x64: {  	[tilespmem:s0+$0x10] =	vst v0  }
0x65: {  	[tilespmem:s0+$0x20] =	vst v0  }
0x66: {  	[tilespmem:s0+$0x30] =	vst v0  }
0x67: {  	s2 =	sshra.s32 s1, $0x2;
	s1 =	sadd.s32 $0x40, s1;
	[tilespmem:s0+$0xFFFFFFC0] =	vst v0  }
0x68: {  	s0 =	sld [smem:$0x7DB];
	_ =	sdelay $0x1  }
0x69: {  	[tilespmem:s2+$0x3C50] =	vst v0  }
0x6a: {  	[spmem:s0] =	stream.linear.scatter [tilespmem:s6], [sflag:$0x7], $0x1400, $0x38;
	[tilespmem:$0x1E5A0] =	vst v63  }
0x6b: {  	_ =	swait.ge [sflag:s7], $0x1400  }
0x6c: {  	[sflag:s7] =	ssyncset.done $0x0  }
0x6d: {  	[sflag:s7] =	ssyncadd.s32 $0xFFFFEC00  }
0x6e: {  	[spmem:s31] =	stream.linear.scatter [tilespmem:s8], [sflag:$0x7], $0x280, $0x38;
	[tilespmem:$0x1E5A0] =	vst v63  }
0x6f: {  	_ =	swait.ge [sflag:s7], $0x280  }
0x70: {  	[sflag:s7] =	ssyncset.done $0x0  }
0x71: {  	s1 =	rddreg [dreg:$0x16];
	[sflag:s7] =	ssyncadd.s32 $0xFFFFFD80  }
0x72: {  	[spmem:s1] =	stream.linear.scatter [tilespmem:s6], [sflag:$0x7], $0x1400, $0x38;
	[tilespmem:$0x1E5A0] =	vst v63  }
0x73: {  	_ =	swait.ge [sflag:s7], $0x1400  }
0x74: {  	s2 =	sld [smem:$0x7DD]  }
0x75: {  	[sflag:s7] =	ssyncset.done $0x0  }
0x76: {  	[sflag:s7] =	ssyncadd.s32 $0xFFFFEC00  }
0x77: {  	[spmem:s2] =	stream.linear.scatter [tilespmem:s8], [sflag:$0x7], $0x280, $0x38;
	[tilespmem:$0x1E5A0] =	vst v63  }
0x78: {  	_ =	swait.ge [sflag:s7], $0x280  }
0x79: {  	[sflag:s7] =	ssyncset.done $0x0  }
0x7a: {  	s31 =	rddreg [dreg:$0x17];
	[sflag:s7] =	ssyncadd.s32 $0xFFFFFD80  }
0x7b: {  	[spmem:s31] =	stream.linear.scatter [tilespmem:s6], [sflag:$0x7], $0x1400, $0x38;
	[tilespmem:$0x1E5A0] =	vst v63  }
0x7c: {  	_ =	swait.ge [sflag:s7], $0x1400  }
0x7d: {  	s1 =	sld [smem:$0x7DF]  }
0x7e: {  	[sflag:s7] =	ssyncset.done $0x0  }
0x7f: {  	[sflag:s7] =	ssyncadd.s32 $0xFFFFEC00  }
0x80: {  	[spmem:s1] =	stream.linear.scatter [tilespmem:s8], [sflag:$0x7], $0x280, $0x38;
	[tilespmem:$0x1E5A0] =	vst v63  }
0x81: {  	_ =	swait.ge [sflag:s7], $0x280  }
0x82: {  	[sflag:s7] =	ssyncset.done $0x0  }
0x83: {  	s2 =	rddreg [dreg:$0x18];
	[sflag:s7] =	ssyncadd.s32 $0xFFFFFD80  }
0x84: {  	[spmem:s2] =	stream.linear.scatter [tilespmem:s6], [sflag:$0x7], $0x1400, $0x38;
	[tilespmem:$0x1E5A0] =	vst v63  }
0x85: {  	_ =	swait.ge [sflag:s7], $0x1400  }
0x86: {  	[sflag:s7] =	ssyncset.done $0x0  }
0x87: {  	[sflag:s7] =	ssyncadd.s32 $0xFFFFEC00  }
0x88: {  	[spmem:s18] =	stream.linear.scatter [tilespmem:s8], [sflag:$0x7], $0x280, $0x38;
	[tilespmem:$0x1E5A0] =	vst v63  }
0x89: {  	_ =	swait.ge [sflag:s7], $0x280  }
0x8a: {  	[sflag:s7] =	ssyncset.done $0x0  }
0x8b: {  	s18 =	rddreg [dreg:$0x19];
	[sflag:s7] =	ssyncadd.s32 $0xFFFFFD80  }
0x8c: {  	[spmem:s18] =	stream.linear.scatter [tilespmem:s6], [sflag:$0x7], $0x1400, $0x38;
	[tilespmem:$0x1E5A0] =	vst v63  }
0x8d: {  	_ =	swait.ge [sflag:s7], $0x1400  }
0x8e: {  	[sflag:s7] =	ssyncset.done $0x0  }
0x8f: {  	[sflag:s7] =	ssyncadd.s32 $0xFFFFEC00  }
0x90: {  	[spmem:s16] =	stream.linear.scatter [tilespmem:s8], [sflag:$0x7], $0x280, $0x38;
	[tilespmem:$0x1E5A0] =	vst v63  }
0x91: {  	_ =	swait.ge [sflag:s7], $0x280  }
0x92: {  	[sflag:s7] =	ssyncset.done $0x0  }
0x93: {  	s31 =	rddreg [dreg:$0x1a];
	[sflag:s7] =	ssyncadd.s32 $0xFFFFFD80  }
0x94: {  	[spmem:s31] =	stream.linear.scatter [tilespmem:s6], [sflag:$0x7], $0x1400, $0x38;
	[tilespmem:$0x1E5A0] =	vst v63  }
0x95: {  	_ =	swait.ge [sflag:s7], $0x1400  }
0x96: {  	s1 =	sld [smem:$0x7E3]  }
0x97: {  	[sflag:s7] =	ssyncset.done $0x0  }
0x98: {  	[sflag:s7] =	ssyncadd.s32 $0xFFFFEC00  }
0x99: {  	[spmem:s1] =	stream.linear.scatter [tilespmem:s8], [sflag:$0x7], $0x280, $0x38;
	[tilespmem:$0x1E5A0] =	vst v63  }
0x9a: {  	_ =	swait.ge [sflag:s7], $0x280  }
0x9b: {  	[sflag:s7] =	ssyncset.done $0x0  }
0x9c: {  	s2 =	rddreg [dreg:$0x1b];
	[sflag:s7] =	ssyncadd.s32 $0xFFFFFD80  }
0x9d: {  	[spmem:s2] =	stream.linear.scatter [tilespmem:s6], [sflag:$0x7], $0x1400, $0x38;
	[tilespmem:$0x1E5A0] =	vst v63  }
0x9e: {  	_ =	swait.ge [sflag:s7], $0x1400  }
0x9f: {  	[sflag:s7] =	ssyncset.done $0x0  }
0xa0: {  	[sflag:s7] =	ssyncadd.s32 $0xFFFFEC00  }
0xa1: {  	[spmem:s13] =	stream.linear.scatter [tilespmem:s8], [sflag:$0x7], $0x280, $0x38;
	[tilespmem:$0x1E5A0] =	vst v63  }
0xa2: {  	_ =	swait.ge [sflag:s7], $0x280  }
0xa3: {  	[sflag:s7] =	ssyncset.done $0x0  }
0xa4: {  	s16 =	rddreg [dreg:$0x1c];
	[sflag:s7] =	ssyncadd.s32 $0xFFFFFD80  }
0xa5: {  	[spmem:s16] =	stream.linear.scatter [tilespmem:s6], [sflag:$0x7], $0x1400, $0x38;
	[tilespmem:$0x1E5A0] =	vst v63  }
0xa6: {  	_ =	swait.ge [sflag:s7], $0x1400  }
0xa7: {  	s18 =	sld [smem:$0x7E6]  }
0xa8: {  	[sflag:s7] =	ssyncset.done $0x0  }
0xa9: {  	[sflag:s7] =	ssyncadd.s32 $0xFFFFEC00  }
0xaa: {  	[spmem:s18] =	stream.linear.scatter [tilespmem:s8], [sflag:$0x7], $0x280, $0x38;
	[tilespmem:$0x1E5A0] =	vst v63  }
0xab: {  	_ =	swait.ge [sflag:s7], $0x280  }
0xac: {  	[sflag:s7] =	ssyncset.done $0x0  }
0xad: {  	s31 =	rddreg [dreg:$0x1d];
	[sflag:s7] =	ssyncadd.s32 $0xFFFFFD80  }
0xae: {  	[spmem:s31] =	stream.linear.scatter [tilespmem:s6], [sflag:$0x7], $0x1400, $0x38;
	[tilespmem:$0x1E5A0] =	vst v63  }
0xaf: {  	_ =	swait.ge [sflag:s7], $0x1400  }
0xb0: {  	s1 =	sld [smem:$0x7E8]  }
0xb1: {  	[sflag:s7] =	ssyncset.done $0x0  }
0xb2: {  	[sflag:s7] =	ssyncadd.s32 $0xFFFFEC00  }
0xb3: {  	[spmem:s1] =	stream.linear.scatter [tilespmem:s8], [sflag:$0x7], $0x280, $0x38;
	[tilespmem:$0x1E5A0] =	vst v63  }
0xb4: {  	_ =	swait.ge [sflag:s7], $0x280  }
0xb5: {  	[sflag:s7] =	ssyncset.done $0x0  }
0xb6: {  	s2 =	rddreg [dreg:$0x1e];
	[sflag:s7] =	ssyncadd.s32 $0xFFFFFD80  }
0xb7: {  	[spmem:s2] =	stream.linear.scatter [tilespmem:s6], [sflag:$0x7], $0x1400, $0x38;
	[tilespmem:$0x1E5A0] =	vst v63  }
0xb8: {  	_ =	swait.ge [sflag:s7], $0x1400  }
0xb9: {  	s13 =	sld [smem:$0x7EA]  }
0xba: {  	[sflag:s7] =	ssyncset.done $0x0  }
0xbb: {  	[sflag:s7] =	ssyncadd.s32 $0xFFFFEC00  }
0xbc: {  	[spmem:s13] =	stream.linear.scatter [tilespmem:s8], [sflag:$0x7], $0x280, $0x38;
	[tilespmem:$0x1E5A0] =	vst v63  }
0xbd: {  	_ =	swait.ge [sflag:s7], $0x280  }
0xbe: {  	[sflag:s7] =	ssyncset.done $0x0  }
0xbf: {  	s16 =	rddreg [dreg:$0x1f];
	[sflag:s7] =	ssyncadd.s32 $0xFFFFFD80  }
0xc0: {  	[spmem:s16] =	stream.linear.scatter [tilespmem:s6], [sflag:$0x7], $0x1400, $0x38;
	[tilespmem:$0x1E5A0] =	vst v63  }
0xc1: {  	_ =	swait.ge [sflag:s7], $0x1400  }
0xc2: {  	s18 =	sld [smem:$0x7EC]  }
0xc3: {  	[sflag:s7] =	ssyncset.done $0x0  }
0xc4: {  	[sflag:s7] =	ssyncadd.s32 $0xFFFFEC00  }
0xc5: {  	[spmem:s18] =	stream.linear.scatter [tilespmem:s8], [sflag:$0x7], $0x280, $0x38;
	[tilespmem:$0x1E5A0] =	vst v63  }
0xc6: {  	_ =	swait.ge [sflag:s7], $0x280  }
0xc7: {  	s31 =	sld [smem:$0x7D6]  }
0xc8: {  	[sflag:s7] =	ssyncset.done $0x0  }
0xc9: {  	[sflag:s7] =	ssyncadd.s32 $0xFFFFFD80  }
0xca: {  	[spmem:s31] =	stream.linear.scatter [tilespmem:s6], [sflag:$0x7], $0x1400, $0x38;
	[tilespmem:$0x1E5A0] =	vst v63  }
0xcb: {  	_ =	swait.ge [sflag:s7], $0x1400  }
0xcc: {  	s1 =	sld [smem:$0x7EE]  }
0xcd: {  	[sflag:s7] =	ssyncset.done $0x0  }
0xce: {  	[sflag:s7] =	ssyncadd.s32 $0xFFFFEC00  }
0xcf: {  	[spmem:s1] =	stream.linear.scatter [tilespmem:s8], [sflag:$0x7], $0x280, $0x38;
	[tilespmem:$0x1E5A0] =	vst v63  }
0xd0: {  	_ =	swait.ge [sflag:s7], $0x280  }
0xd1: {  	s2 =	sld [smem:$0x7D7]  }
0xd2: {  	[sflag:s7] =	ssyncset.done $0x0  }
0xd3: {  	[sflag:s7] =	ssyncadd.s32 $0xFFFFFD80  }
0xd4: {  	[spmem:s2] =	stream.linear.scatter [tilespmem:s6], [sflag:$0x7], $0x1400, $0x38;
	[tilespmem:$0x1E5A0] =	vst v63  }
0xd5: {  	_ =	swait.ge [sflag:s7], $0x1400  }
0xd6: {  	s13 =	sld [smem:$0x7F0]  }
0xd7: {  	[sflag:s7] =	ssyncset.done $0x0  }
0xd8: {  	[sflag:s7] =	ssyncadd.s32 $0xFFFFEC00  }
0xd9: {  	[spmem:s13] =	stream.linear.scatter [tilespmem:s8], [sflag:$0x7], $0x280, $0x38;
	[tilespmem:$0x1E5A0] =	vst v63  }
0xda: {  	_ =	swait.ge [sflag:s7], $0x280  }
0xdb: {  	s16 =	sld [smem:$0x7D8]  }
0xdc: {  	[sflag:s7] =	ssyncset.done $0x0  }
0xdd: {  	[sflag:s7] =	ssyncadd.s32 $0xFFFFFD80  }
0xde: {  	[spmem:s16] =	stream.linear.scatter [tilespmem:s6], [sflag:$0x7], $0x1400, $0x38;
	[tilespmem:$0x1E5A0] =	vst v63  }
0xdf: {  	_ =	swait.ge [sflag:s7], $0x1400  }
0xe0: {  	s18 =	sld [smem:$0x7F2]  }
0xe1: {  	[sflag:s7] =	ssyncset.done $0x0  }
0xe2: {  	[sflag:s7] =	ssyncadd.s32 $0xFFFFEC00  }
0xe3: {  	[spmem:s18] =	stream.linear.scatter [tilespmem:s8], [sflag:$0x7], $0x280, $0x38;
	[tilespmem:$0x1E5A0] =	vst v63  }
0xe4: {  	_ =	swait.ge [sflag:s7], $0x280  }
0xe5: {  	s31 =	sld [smem:$0x7D9]  }
0xe6: {  	[sflag:s7] =	ssyncset.done $0x0  }
0xe7: {  	[sflag:s7] =	ssyncadd.s32 $0xFFFFFD80  }
0xe8: {  	[spmem:s31] =	stream.linear.scatter [tilespmem:s6], [sflag:$0x7], $0x1400, $0x38;
	[tilespmem:$0x1E5A0] =	vst v63  }
0xe9: {  	_ =	swait.ge [sflag:s7], $0x1400  }
0xea: {  	s1 =	sld [smem:$0x7F4]  }
0xeb: {  	[sflag:s7] =	ssyncset.done $0x0  }
0xec: {  	[sflag:s7] =	ssyncadd.s32 $0xFFFFEC00  }
0xed: {  	[spmem:s1] =	stream.linear.scatter [tilespmem:s8], [sflag:$0x7], $0x280, $0x38;
	[tilespmem:$0x1E5A0] =	vst v63  }
0xee: {  	_ =	swait.ge [sflag:s7], $0x280  }
0xef: {  	s2 =	sld [smem:$0x7DA]  }
0xf0: {  	[sflag:s7] =	ssyncset.done $0x0  }
0xf1: {  	[sflag:s7] =	ssyncadd.s32 $0xFFFFFD80  }
0xf2: {  	[spmem:s2] =	stream.linear.scatter [tilespmem:s6], [sflag:$0x7], $0x1400, $0x38;
	[tilespmem:$0x1E5A0] =	vst v63  }
0xf3: {  	_ =	swait.ge [sflag:s7], $0x1400  }
0xf4: {  	[sflag:s7] =	ssyncset.done $0x0  }
0xf5: {  	[sflag:s7] =	ssyncadd.s32 $0xFFFFEC00  }
0xf6: {  	[spmem:s3] =	stream.linear.scatter [tilespmem:s8], [sflag:$0x7], $0x280, $0x38;
	[tilespmem:$0x1E5A0] =	vst v63  }
0xf7: {  	_ =	swait.ge [sflag:s7], $0x280  }
0xf8: {  	[sflag:s7] =	ssyncset.done $0x0  }
0xf9: {  	[sflag:s7] =	ssyncadd.s32 $0xFFFFFD80  }
0xfa: {  	[bflag:$0x0] =	sbarrier.arrive $0xFFFF  }
0xfb: {  	s3 =	sld [smem:$0x7F7];
	_ =	sdelay $0x1  }
0xfc: {  	s16 =	simm.s32 $0x0  }
0xfd: {  	[tilespmem:s16], [sflag:$0x7] =	stream.linear.gather [hbm4b:s3+s16], $0x28, $0x38;
	[tilespmem:$0x1E5A0] =	vst v63  }
0xfe: {  	_ =	swait.ge [sflag:s7], $0x28  }
0xff: {  	s13 =	sld [smem:$0x7F8]  }
0x100: {  	[sflag:s7] =	ssyncset.done $0x0  }
0x101: {  	[sflag:s7] =	ssyncadd.s32 $0xFFFFFFD8  }
0x102: {  	[tilespmem:s9], [sflag:$0x7] =	stream.linear.gather [hbm4b:s13+s16], $0x28, $0x38;
	[tilespmem:$0x1E5A0] =	vst v63  }
0x103: {  	_ =	swait.ge [sflag:s7], $0x28  }
0x104: {  	[sflag:s7] =	ssyncset.done $0x0  }
0x105: {  	s18 =	simm.s32 $0x50;
	[sflag:s7] =	ssyncadd.s32 $0xFFFFFFD8  }
0x106: {  	[tilespmem:s18], [sflag:$0x1] =	stream.indirect.gather [hbm4b:s14+s9], $0x80, s16, s9, $0xb8;
	[tilespmem:$0x1E5A0] =	vst v63  }
0x107: {  	s31 =	simm.s32 $0x1450  }
0x108: {  	[tilespmem:s31], [sflag:$0x2] =	stream.indirect.gather [hbm4b:s24+s9], $0x80, s9, s9, $0xb8;
	[tilespmem:$0x1E5A0] =	vst v63  }
0x109: {  	s1 =	simm.s32 $0x0  }
0x10a: {  	[tilespmem:s6], [sflag:$0x3] =	stream.indirect.gather [hbm4b:s25+s9], $0x80, s16, s9, $0xb8;
	[tilespmem:$0x1E5A0] =	vst v63  }
.LBB2_4:
0x10b: {  	s2 =	smul.u32 $0x50, s1;
	_ =	sdelay $0x1  }
0x10c: {  	s0 =	sadd.s32 s2, s4  }
0x10d: {  	s0 =	sshrl.u32 s0, $0x3  }
0x10e: {  	s3 =	sadd.s32 s22, s0  }
0x10f: {  	[tilespmem:s10], [sflag:$0x7] =	stream.linear.gather [hbm4b:s3+s16], $0x28, $0x38;
	[tilespmem:$0x1E5A0] =	vst v63  }
0x110: {  	_ =	swait.ge [sflag:s7], $0x28  }
0x111: {  	[sflag:s7] =	ssyncset.done $0x0  }
0x112: {  	s0 =	sadd.s32 s23, s0;
	[sflag:s7] =	ssyncadd.s32 $0xFFFFFFD8  }
0x113: {  	[tilespmem:s11], [sflag:$0x7] =	stream.linear.gather [hbm4b:s0+s16], $0x28, $0x38;
	[tilespmem:$0x1E5A0] =	vst v63  }
0x114: {  	_ =	swait.ge [sflag:s7], $0x28  }
0x115: {  	[sflag:s7] =	ssyncset.done $0x0  }
0x116: {  	s13 =	simm.s32 $0x3F20;
	[sflag:s7] =	ssyncadd.s32 $0xFFFFFFD8  }
0x117: {  	[tilespmem:s13], [sflag:$0x4] =	stream.indirect.gather [hbm4b:s14+s9], $0x80, s10, s9, $0xb8;
	[tilespmem:$0x1E5A0] =	vst v63  }
0x118: {  	s18 =	simm.s32 $0x5320  }
0x119: {  	[tilespmem:s18], [sflag:$0x5] =	stream.indirect.gather [hbm4b:s24+s9], $0x80, s11, s9, $0xb8;
	[tilespmem:$0x1E5A0] =	vst v63  }
0x11a: {  	_ = 	snop  }
0x11b: {  	[tilespmem:s21], [sflag:$0x6] =	stream.indirect.gather [hbm4b:s25+s9], $0x80, s10, s9, $0xb8;
	[tilespmem:$0x1E5A0] =	vst v63  }
0x11c: {  	_ =	swait.ge [sflag:s15], $0x1400  }
0x11d: {  	[sflag:s15] =	ssyncset.done $0x0  }
0x11e: {  	[sflag:s15] =	ssyncadd.s32 $0xFFFFEC00  }
0x11f: {  	_ =	swait.ge [sflag:s12], $0x1400  }
0x120: {  	[sflag:s12] =	ssyncset.done $0x0  }
0x121: {  	[sflag:s12] =	ssyncadd.s32 $0xFFFFEC00  }
0x122: {  	_ =	swait.ge [sflag:s20], $0x1400  }
0x123: {  	[sflag:s20] =	ssyncset.done $0x0  }
0x124: {  	s3 =	simm.s32 $0x0;
	[sflag:s20] =	ssyncadd.s32 $0xFFFFEC00  }
0x125: {  	v5 =	vld [tilespmem:s3+$0x1450]  }
0x126: {  	v6 =	vld [tilespmem:s3+$0x1460]  }
0x127: {  	v7 =	vld [tilespmem:s3+$0x50]  }
0x128: {  	v8 =	vld [tilespmem:s3+$0x60]  }
0x129: {  	v9 =	vld [tilespmem:s3+$0x1470]  }
0x12a: {  	v10 =	vld [tilespmem:s3+$0x14C0]  }
0x12b: {  	v11 =	vld [tilespmem:s3+$0x70]  }
0x12c: {  	v12 =	vld [tilespmem:s3+$0x14A0]  }
0x12d: {  	v13 =	vld [tilespmem:s3+$0xA0]  }
0x12e: {  	v14 =	vld [tilespmem:s3+$0x1480]  }
0x12f: {  	v15 =	vld [tilespmem:s3+$0x80];
	v5 =	vmul.f32 v5, v7;
	v6 =	vmul.f32 v6, v8  }
0x130: {  	v16 =	vld [tilespmem:s3+$0x1490]  }
0x131: {  	v17 =	vld [tilespmem:s3+$0x90];
	v5 =	vadd.f32 v6, v5  }
0x132: {  	v18 =	vld [tilespmem:s3+$0xC0]  }
0x133: {  	v19 =	vld [tilespmem:s3+$0x14B0];
	(xrf2) =	vadd.scan.msk.f32 $0xffff, v5  }
0x134: {  	v20 =	vld [tilespmem:s3+$0xB0]  }
0x135: {  	v7 =	vmul.f32 v9, v11;
	v61 =	vmul.f32 v14, v15;
	_ =	sdelay $0x1  }
0x136: {  	v62 =	vmul.f32 v12, v13;
	v6 =	vmul.f32 v16, v17;
	v7 =	vadd.f32 v61, v7;
	_ =	sdelay $0x1  }
0x137: {  	v63 =	vmul.f32 v10, v18;
	v6 =	vadd.f32 v62, v6;
	v5 =	vmul.f32 v19, v20;
	(xrf2) =	vadd.scan.msk.f32 $0xffff, v7;
	_ =	sdelay $0x1  }
0x138: {  	s31 =	simm.s32 $0x3C50;
	s0 =	simm.s32 $0x3C50;
	s13 =	simm.s32 $0x200;
	v5 =	vadd.f32 v63, v5;
	(xrf2) =	vadd.scan.msk.f32 $0xffff, v6  }
.LBB2_5:
0x139: {  	p0 =	sne.s32 s13, $0x4E00  }
0x13a: {  	s0 =	sadd.s32 $0x10, s0;
	v6, _, _ =	vpop (xrf2);
	s18 =	smov.u32 s13;
	s13 =	sadd.s32 $0x200, s13  }
0x13b: {  	v6 =	vmul.f32 $1.442695020e+00, v6  }
0x13c: {  	(xrf2) =	vadd.scan.msk.f32 $0xffff, v5  }
0x13d: {  	v6 =	vbroadcast v6, $0xF;
	_ =	sdelay $0x1  }
0x13e: {  	(erf) = vpow2.f32 v6  }
0x13f: {  	v5, _, _ =	vpop (xrf2)  }
0x140: {  	v5 =	vmul.f32 $1.442695020e+00, v5;
	_ =	sdelay $0x1  }
0x141: {  	v5 =	vbroadcast v5, $0xF;
	v6, _, _ =	vpop (xrf2)  }
0x142: {  	s18 =	sshra.s32 s18, $0x2;
	v7 =	vld [tilespmem:s3+$0x2860];
	v9 =	vmul.f32 $1.442695020e+00, v6  }
0x143: {  	v8 =	vld [tilespmem:s3+$0x2850];
	(erf) = vpow2.f32 v5  }
0x144: {  	v5 =	vbroadcast v9, $0xF;
	v6, _, _ =	vpop (xrf2)  }
0x145: {  	v6 =	vmul.f32 $1.442695020e+00, v6  }
0x146: {  	v9 =	vpop (erf);
	(erf) = vpow2.f32 v5  }
0x147: {  	v5 =	vmul.f32 v1, v9;
	v10 =	vld [tilespmem:s3+$0x2880];
	v6 =	vbroadcast v6, $0xF  }
0x148: {  	v7 =	vmul.f32 v9, v7;
	v8 =	vmul.f32 v9, v8;
	v9 =	vld [tilespmem:s3+$0x2870]  }
0x149: {  	(erf) = vpow2.f32 v6  }
0x14a: {  	[tilespmem:s3+$0x2850] =	vst v8  }
0x14b: {  	[tilespmem:s3+$0x2860] =	vst v7;
	v6 =	vld [tilespmem:s3+$0x2890]  }
0x14c: {  	v7 =	vld [tilespmem:s3+$0x28A0];
	v8 =	vpop (erf)  }
0x14d: {  	v9 =	vmul.f32 v8, v9;
	v10 =	vmul.f32 v8, v10  }
0x14e: {  	v11 =	vld [tilespmem:s3+$0x28B0]  }
0x14f: {  	v5 =	vadd.f32 $0.0e+00, v5;
	v8 =	vmul.f32 v2, v8;
	[tilespmem:s3+$0x2870] =	vst v9;
	v9 =	vld [tilespmem:s3+$0x28C0];
	v12 =	vpop (erf)  }
0x150: {  	[tilespmem:s3+$0x2880] =	vst v10;
	v13 =	vmul.f32 v12, v6;
	v10 =	vmul.f32 v3, v12  }
0x151: {  	v5 =	vadd.f32 v8, v5;
	v7 =	vmul.f32 v12, v7  }
0x152: {  	[tilespmem:s3+$0x2890] =	vst v13;
	v6 =	vpop (erf)  }
0x153: {  	v5 =	vadd.f32 v10, v5;
	[tilespmem:s3+$0x28A0] =	vst v7;
	v7 =	vmul.f32 v6, v11;
	v8 =	vmul.f32 v4, v6  }
0x154: {  	v6 =	vmul.f32 v6, v9  }
0x155: {  	[tilespmem:s3+$0x28B0] =	vst v7;
	v5 =	vadd.f32 v8, v5  }
0x156: {  	[tilespmem:s3+$0x28C0] =	vst v6;
	s3 =	smov.u32 s18  }
0x157: {  	[tilespmem:s31+$0x0] =	vst v5;
	s31 =	smov.u32 s0  }
0x158: {  	v5 =	vld [tilespmem:s3+$0x1450]  }
0x159: {  	v6 =	vld [tilespmem:s3+$0x1460]  }
0x15a: {  	v7 =	vld [tilespmem:s3+$0x50]  }
0x15b: {  	v8 =	vld [tilespmem:s3+$0x60]  }
0x15c: {  	v9 =	vld [tilespmem:s3+$0x1470]  }
0x15d: {  	v10 =	vld [tilespmem:s3+$0x14C0]  }
0x15e: {  	v11 =	vld [tilespmem:s3+$0x70]  }
0x15f: {  	v12 =	vld [tilespmem:s3+$0x14A0]  }
0x160: {  	v13 =	vld [tilespmem:s3+$0xA0]  }
0x161: {  	v5 =	vmul.f32 v5, v7;
	v6 =	vmul.f32 v6, v8;
	v7 =	vld [tilespmem:s3+$0x1480]  }
0x162: {  	v8 =	vld [tilespmem:s3+$0x80]  }
0x163: {  	v5 =	vadd.f32 v6, v5;
	v6 =	vld [tilespmem:s3+$0x1490]  }
0x164: {  	v14 =	vld [tilespmem:s3+$0x90]  }
0x165: {  	v15 =	vld [tilespmem:s3+$0xC0];
	(xrf2) =	vadd.scan.msk.f32 $0xffff, v5  }
0x166: {  	v5 =	vld [tilespmem:s3+$0x14B0]  }
0x167: {  	v9 =	vmul.f32 v9, v11;
	v7 =	vmul.f32 v7, v8;
	v8 =	vld [tilespmem:s3+$0xB0];
	_ =	sdelay $0x1  }
0x168: {  	v7 =	vadd.f32 v7, v9;
	v6 =	vmul.f32 v6, v14;
	v9 =	vmul.f32 v12, v13  }
.Ltmp1:
0x169: {  	(pc) =	sbr.rel @p0 .LBB2_5-.Ltmp1, $3  }
0x16a: {  	v6 =	vadd.f32 v9, v6;
	(xrf2) =	vadd.scan.msk.f32 $0xffff, v7  }
0x16b: {  	v7 =	vmul.f32 v10, v15;
	v5 =	vmul.f32 v5, v8;
	_ =	sdelay $0x1  }
0x16c: {  	v5 =	vadd.f32 v7, v5;
	(xrf2) =	vadd.scan.msk.f32 $0xffff, v6  }
0x16d: {  	v6, _, _ =	vpop (xrf2)  }
0x16e: {  	v6 =	vmul.f32 $1.442695020e+00, v6  }
0x16f: {  	(xrf2) =	vadd.scan.msk.f32 $0xffff, v5  }
0x170: {  	v5 =	vbroadcast v6, $0xF;
	_ =	sdelay $0x2  }
0x171: {  	(erf) = vpow2.f32 v5  }
0x172: {  	v5, _, _ =	vpop (xrf2)  }
0x173: {  	v5 =	vmul.f32 $1.442695020e+00, v5;
	_ =	sdelay $0x1  }
0x174: {  	v6, _, _ =	vpop (xrf2);
	v5 =	vbroadcast v5, $0xF  }
0x175: {  	v6 =	vmul.f32 $1.442695020e+00, v6  }
0x176: {  	v8, _, _ =	vpop (xrf2);
	(erf) = vpow2.f32 v5  }
0x177: {  	v5 =	vld [tilespmem:s3+$0x2860];
	v6 =	vbroadcast v6, $0xF;
	v8 =	vmul.f32 $1.442695020e+00, v8  }
0x178: {  	v7 =	vld [tilespmem:s3+$0x2850]  }
0x179: {  	v9 =	vpop (erf);
	(erf) = vpow2.f32 v6;
	v6 =	vbroadcast v8, $0xF;
	_ =	sdelay $0x1  }
0x17a: {  	(erf) = vpow2.f32 v6  }
0x17b: {  	v49 =	vld [tilespmem:s3+$0x2870];
	v5 =	vmul.f32 v9, v5  }
0x17c: {  	v10 =	vld [tilespmem:s3+$0x2880];
	v7 =	vmul.f32 v9, v7  }
0x17d: {  	[tilespmem:s3+$0x2860] =	vst v5;
	v5 =	vld [tilespmem:s3+$0x2890]  }
0x17e: {  	[tilespmem:s3+$0x2850] =	vst v7;
	v7 =	vld [tilespmem:s3+$0x28A0];
	v9 =	vmul.f32 v1, v9  }
0x17f: {  	v11 =	vld [tilespmem:s3+$0x28B0];
	v6 =	vpop (erf)  }
0x180: {  	v12 =	vld [tilespmem:s3+$0x28C0];
	v50 =	vadd.f32 $0.0e+00, v9;
	v8 =	vmul.f32 v6, v49;
	v51 =	vmul.f32 v2, v6  }
0x181: {  	v6 =	vmul.f32 v6, v10;
	v52 =	vpop (erf)  }
0x182: {  	[tilespmem:s3+$0x2870] =	vst v8;
	v5 =	vmul.f32 v52, v5;
	v13 =	vmul.f32 v3, v52;
	v8 =	vadd.f32 v51, v50  }
0x183: {  	[tilespmem:s3+$0x2880] =	vst v6;
	v6 =	vmul.f32 v52, v7;
	v7 =	vpop (erf)  }
0x184: {  	[tilespmem:s3+$0x2890] =	vst v5;
	v5 =	vadd.f32 v13, v8;
	v53 =	vmul.f32 v7, v11;
	v54 =	vmul.f32 v4, v7  }
0x185: {  	[tilespmem:s3+$0x28A0] =	vst v6;
	v6 =	vmul.f32 v7, v12  }
0x186: {  	[tilespmem:s3+$0x28B0] =	vst v53;
	v5 =	vadd.f32 v54, v5  }
0x187: {  	[tilespmem:s3+$0x28C0] =	vst v6  }
0x188: {  	[tilespmem:s31+$0x0] =	vst v5  }
0x189: {  	[spmem:s19] =	stream.indirect.scatter.add.f32 [tilespmem:s8], [sflag:$0x7], $0x10, s9, s9, $0xb8;
	[tilespmem:$0x1E5A0] =	vst v63  }
0x18a: {  	_ =	swait.ge [sflag:s7], $0x280  }
0x18b: {  	[sflag:s7] =	ssyncset.done $0x0  }
0x18c: {  	p0 =	seq.s32 s1, $0x7C;
	[sflag:s7] =	ssyncadd.s32 $0xFFFFFD80  }
0x18d: {  	[spmem:s17] =	stream.indirect.scatter.add.f32 [tilespmem:s6], [sflag:$0x7], $0x80, s9, s9, $0xb8;
	[tilespmem:$0x1E5A0] =	vst v63  }
0x18e: {  	s0 =	sadd.s32 @!p0 s2, s5;
	_ =	swait.ge [sflag:s7], $0x1400  }
0x18f: {  	s0 =	sshrl.u32 @!p0 s0, $0x3;
	[sflag:s7] =	ssyncset.done $0x0  }
0x190: {  	s2 =	sadd.s32 @!p0 s22, s0;
	s3 =	simm.s32 @!p0 $0x0;
	[sflag:s7] =	ssyncadd.s32 $0xFFFFEC00  }
0x191: {  	[tilespmem:s3], [sflag:$0x7] =	stream.linear.gather @!p0 [hbm4b:s2+s3], $0x28, $0x38;
	[tilespmem:$0x1E5A0] =	vst v63  }
0x192: {  	s2 =	simm.s32 @!p0 $0x7  }
0x193: {  	_ =	swait.ge @!p0 [sflag:s2], $0x28  }
0x194: {  	[sflag:s2] =	ssyncset.done @!p0 $0x0  }
0x195: {  	s13 =	simm.s32 @!p0 $0x28;
	s0 =	sadd.s32 @!p0 s23, s0;
	[sflag:s2] =	ssyncadd.s32 @!p0 $0xFFFFFFD8  }
0x196: {  	[tilespmem:s13], [sflag:$0x7] =	stream.linear.gather @!p0 [hbm4b:s0+s3], $0x28, $0x38;
	[tilespmem:$0x1E5A0] =	vst v63  }
0x197: {  	_ =	swait.ge @!p0 [sflag:s2], $0x28  }
0x198: {  	[sflag:s2] =	ssyncset.done @!p0 $0x0  }
0x199: {  	s0 =	simm.s32 @!p0 $0x50;
	[sflag:s2] =	ssyncadd.s32 @!p0 $0xFFFFFFD8  }
0x19a: {  	[tilespmem:s0], [sflag:$0x1] =	stream.indirect.gather @!p0 [hbm4b:s14+s13], $0x80, s3, s13, $0xb8;
	[tilespmem:$0x1E5A0] =	vst v63  }
0x19b: {  	s0 =	simm.s32 @!p0 $0x1450  }
0x19c: {  	[tilespmem:s0], [sflag:$0x2] =	stream.indirect.gather @!p0 [hbm4b:s24+s13], $0x80, s13, s13, $0xb8;
	[tilespmem:$0x1E5A0] =	vst v63  }
0x19d: {  	s0 =	simm.s32 @!p0 $0x2850  }
0x19e: {  	[tilespmem:s0], [sflag:$0x3] =	stream.indirect.gather @!p0 [hbm4b:s25+s13], $0x80, s3, s13, $0xb8;
	[tilespmem:$0x1E5A0] =	vst v63  }
0x19f: {  	_ =	swait.ge [sflag:s26], $0x1400  }
0x1a0: {  	[sflag:s26] =	ssyncset.done $0x0  }
0x1a1: {  	[sflag:s26] =	ssyncadd.s32 $0xFFFFEC00  }
0x1a2: {  	_ =	swait.ge [sflag:s28], $0x1400  }
0x1a3: {  	[sflag:s28] =	ssyncset.done $0x0  }
0x1a4: {  	[sflag:s28] =	ssyncadd.s32 $0xFFFFEC00  }
0x1a5: {  	_ =	swait.ge [sflag:s29], $0x1400  }
0x1a6: {  	[sflag:s29] =	ssyncset.done $0x0  }
0x1a7: {  	s2 =	simm.s32 $0x0;
	[sflag:s29] =	ssyncadd.s32 $0xFFFFEC00  }
0x1a8: {  	v5 =	vld [tilespmem:s2+$0x5320]  }
0x1a9: {  	v6 =	vld [tilespmem:s2+$0x5330]  }
0x1aa: {  	v7 =	vld [tilespmem:s2+$0x3F20]  }
0x1ab: {  	v55 =	vld [tilespmem:s2+$0x3F30]  }
0x1ac: {  	v56 =	vld [tilespmem:s2+$0x5340]  }
0x1ad: {  	v57 =	vld [tilespmem:s2+$0x5390]  }
0x1ae: {  	v58 =	vld [tilespmem:s2+$0x3F40]  }
0x1af: {  	v59 =	vld [tilespmem:s2+$0x5370]  }
0x1b0: {  	v60 =	vld [tilespmem:s2+$0x3F70]  }
0x1b1: {  	v14 =	vld [tilespmem:s2+$0x5350]  }
0x1b2: {  	v15 =	vld [tilespmem:s2+$0x3F50];
	v5 =	vmul.f32 v5, v7;
	v6 =	vmul.f32 v6, v55  }
0x1b3: {  	v16 =	vld [tilespmem:s2+$0x5360]  }
0x1b4: {  	v17 =	vld [tilespmem:s2+$0x3F60];
	v5 =	vadd.f32 v6, v5  }
0x1b5: {  	v18 =	vld [tilespmem:s2+$0x3F90]  }
0x1b6: {  	v19 =	vld [tilespmem:s2+$0x5380];
	(xrf2) =	vadd.scan.msk.f32 $0xffff, v5  }
0x1b7: {  	v20 =	vld [tilespmem:s2+$0x3F80]  }
0x1b8: {  	v7 =	vmul.f32 v56, v58;
	v61 =	vmul.f32 v14, v15;
	_ =	sdelay $0x1  }
0x1b9: {  	v62 =	vmul.f32 v59, v60;
	v6 =	vmul.f32 v16, v17;
	v7 =	vadd.f32 v61, v7;
	_ =	sdelay $0x1  }
0x1ba: {  	v63 =	vmul.f32 v57, v18;
	v6 =	vadd.f32 v62, v6;
	v5 =	vmul.f32 v19, v20;
	(xrf2) =	vadd.scan.msk.f32 $0xffff, v7;
	_ =	sdelay $0x1  }
0x1bb: {  	s0 =	simm.s32 $0x7B20;
	s13 =	simm.s32 $0x200;
	s3 =	simm.s32 $0x7B20;
	v5 =	vadd.f32 v63, v5;
	(xrf2) =	vadd.scan.msk.f32 $0xffff, v6  }
.LBB2_7:
0x1bc: {  	p0 =	sne.s32 s13, $0x4E00  }
0x1bd: {  	s0 =	sadd.s32 $0x10, s0;
	v6, _, _ =	vpop (xrf2);
	s18 =	smov.u32 s13;
	s13 =	sadd.s32 $0x200, s13  }
0x1be: {  	v6 =	vmul.f32 $1.442695020e+00, v6  }
0x1bf: {  	(xrf2) =	vadd.scan.msk.f32 $0xffff, v5  }
0x1c0: {  	v6 =	vbroadcast v6, $0xF;
	_ =	sdelay $0x1  }
0x1c1: {  	(erf) = vpow2.f32 v6  }
0x1c2: {  	v5, _, _ =	vpop (xrf2)  }
0x1c3: {  	v5 =	vmul.f32 $1.442695020e+00, v5;
	_ =	sdelay $0x1  }
0x1c4: {  	v5 =	vbroadcast v5, $0xF;
	v6, _, _ =	vpop (xrf2)  }
0x1c5: {  	s18 =	sshra.s32 s18, $0x2;
	v7 =	vld [tilespmem:s2+$0x6730];
	v9 =	vmul.f32 $1.442695020e+00, v6  }
0x1c6: {  	v8 =	vld [tilespmem:s2+$0x6720];
	(erf) = vpow2.f32 v5  }
0x1c7: {  	v5 =	vbroadcast v9, $0xF;
	v6, _, _ =	vpop (xrf2)  }
0x1c8: {  	v6 =	vmul.f32 $1.442695020e+00, v6  }
0x1c9: {  	v9 =	vpop (erf);
	(erf) = vpow2.f32 v5  }
0x1ca: {  	v5 =	vmul.f32 v1, v9;
	v10 =	vld [tilespmem:s2+$0x6750];
	v6 =	vbroadcast v6, $0xF  }
0x1cb: {  	v7 =	vmul.f32 v9, v7;
	v8 =	vmul.f32 v9, v8;
	v9 =	vld [tilespmem:s2+$0x6740]  }
0x1cc: {  	(erf) = vpow2.f32 v6  }
0x1cd: {  	[tilespmem:s2+$0x6720] =	vst v8  }
0x1ce: {  	[tilespmem:s2+$0x6730] =	vst v7;
	v6 =	vld [tilespmem:s2+$0x6760]  }
0x1cf: {  	v7 =	vld [tilespmem:s2+$0x6770];
	v8 =	vpop (erf)  }
0x1d0: {  	v9 =	vmul.f32 v8, v9;
	v10 =	vmul.f32 v8, v10  }
0x1d1: {  	v11 =	vld [tilespmem:s2+$0x6780]  }
0x1d2: {  	v5 =	vadd.f32 $0.0e+00, v5;
	v8 =	vmul.f32 v2, v8;
	[tilespmem:s2+$0x6740] =	vst v9;
	v9 =	vld [tilespmem:s2+$0x6790];
	v12 =	vpop (erf)  }
0x1d3: {  	[tilespmem:s2+$0x6750] =	vst v10;
	v13 =	vmul.f32 v12, v6;
	v10 =	vmul.f32 v3, v12  }
0x1d4: {  	v5 =	vadd.f32 v8, v5;
	v7 =	vmul.f32 v12, v7  }
0x1d5: {  	[tilespmem:s2+$0x6760] =	vst v13;
	v6 =	vpop (erf)  }
0x1d6: {  	v5 =	vadd.f32 v10, v5;
	[tilespmem:s2+$0x6770] =	vst v7;
	v7 =	vmul.f32 v6, v11;
	v8 =	vmul.f32 v4, v6  }
0x1d7: {  	v6 =	vmul.f32 v6, v9  }
0x1d8: {  	[tilespmem:s2+$0x6780] =	vst v7;
	v5 =	vadd.f32 v8, v5  }
0x1d9: {  	[tilespmem:s2+$0x6790] =	vst v6;
	s2 =	smov.u32 s18  }
0x1da: {  	[tilespmem:s3+$0x0] =	vst v5;
	s3 =	smov.u32 s0  }
0x1db: {  	v5 =	vld [tilespmem:s2+$0x5320]  }
0x1dc: {  	v6 =	vld [tilespmem:s2+$0x5330]  }
0x1dd: {  	v7 =	vld [tilespmem:s2+$0x3F20]  }
0x1de: {  	v8 =	vld [tilespmem:s2+$0x3F30]  }
0x1df: {  	v9 =	vld [tilespmem:s2+$0x5340]  }
0x1e0: {  	v10 =	vld [tilespmem:s2+$0x5390]  }
0x1e1: {  	v11 =	vld [tilespmem:s2+$0x3F40]  }
0x1e2: {  	v12 =	vld [tilespmem:s2+$0x5370]  }
0x1e3: {  	v13 =	vld [tilespmem:s2+$0x3F70]  }
0x1e4: {  	v5 =	vmul.f32 v5, v7;
	v6 =	vmul.f32 v6, v8;
	v7 =	vld [tilespmem:s2+$0x5350]  }
0x1e5: {  	v8 =	vld [tilespmem:s2+$0x3F50]  }
0x1e6: {  	v5 =	vadd.f32 v6, v5;
	v6 =	vld [tilespmem:s2+$0x5360]  }
0x1e7: {  	v14 =	vld [tilespmem:s2+$0x3F60]  }
0x1e8: {  	v15 =	vld [tilespmem:s2+$0x3F90];
	(xrf2) =	vadd.scan.msk.f32 $0xffff, v5  }
0x1e9: {  	v5 =	vld [tilespmem:s2+$0x5380]  }
0x1ea: {  	v9 =	vmul.f32 v9, v11;
	v7 =	vmul.f32 v7, v8;
	v8 =	vld [tilespmem:s2+$0x3F80];
	_ =	sdelay $0x1  }
0x1eb: {  	v7 =	vadd.f32 v7, v9;
	v6 =	vmul.f32 v6, v14;
	v9 =	vmul.f32 v12, v13  }
.Ltmp2:
0x1ec: {  	(pc) =	sbr.rel @p0 .LBB2_7-.Ltmp2, $3  }
0x1ed: {  	v6 =	vadd.f32 v9, v6;
	(xrf2) =	vadd.scan.msk.f32 $0xffff, v7  }
0x1ee: {  	v7 =	vmul.f32 v10, v15;
	v5 =	vmul.f32 v5, v8;
	_ =	sdelay $0x1  }
0x1ef: {  	v5 =	vadd.f32 v7, v5;
	(xrf2) =	vadd.scan.msk.f32 $0xffff, v6  }
0x1f0: {  	v6, _, _ =	vpop (xrf2)  }
0x1f1: {  	v6 =	vmul.f32 $1.442695020e+00, v6  }
0x1f2: {  	(xrf2) =	vadd.scan.msk.f32 $0xffff, v5  }
0x1f3: {  	v5 =	vbroadcast v6, $0xF;
	_ =	sdelay $0x2  }
0x1f4: {  	(erf) = vpow2.f32 v5  }
0x1f5: {  	v5, _, _ =	vpop (xrf2)  }
0x1f6: {  	v5 =	vmul.f32 $1.442695020e+00, v5;
	_ =	sdelay $0x1  }
0x1f7: {  	v6, _, _ =	vpop (xrf2);
	v5 =	vbroadcast v5, $0xF  }
0x1f8: {  	v6 =	vmul.f32 $1.442695020e+00, v6  }
0x1f9: {  	v8, _, _ =	vpop (xrf2);
	(erf) = vpow2.f32 v5  }
0x1fa: {  	v5 =	vld [tilespmem:s2+$0x6730];
	v6 =	vbroadcast v6, $0xF;
	v8 =	vmul.f32 $1.442695020e+00, v8  }
0x1fb: {  	v7 =	vld [tilespmem:s2+$0x6720]  }
0x1fc: {  	v9 =	vpop (erf);
	(erf) = vpow2.f32 v6;
	v6 =	vbroadcast v8, $0xF;
	_ =	sdelay $0x1  }
0x1fd: {  	(erf) = vpow2.f32 v6  }
0x1fe: {  	v57 =	vld [tilespmem:s2+$0x6740];
	v5 =	vmul.f32 v9, v5  }
0x1ff: {  	v10 =	vld [tilespmem:s2+$0x6750];
	v7 =	vmul.f32 v9, v7  }
0x200: {  	[tilespmem:s2+$0x6730] =	vst v5;
	v5 =	vld [tilespmem:s2+$0x6760]  }
0x201: {  	[tilespmem:s2+$0x6720] =	vst v7;
	v7 =	vld [tilespmem:s2+$0x6770];
	v9 =	vmul.f32 v1, v9  }
0x202: {  	v11 =	vld [tilespmem:s2+$0x6780];
	v6 =	vpop (erf)  }
0x203: {  	v12 =	vld [tilespmem:s2+$0x6790];
	v58 =	vadd.f32 $0.0e+00, v9;
	v8 =	vmul.f32 v6, v57;
	v59 =	vmul.f32 v2, v6  }
0x204: {  	v6 =	vmul.f32 v6, v10;
	v60 =	vpop (erf)  }
0x205: {  	[tilespmem:s2+$0x6740] =	vst v8;
	v5 =	vmul.f32 v60, v5;
	v8 =	vadd.f32 v59, v58;
	v61 =	vmul.f32 v3, v60  }
0x206: {  	[tilespmem:s2+$0x6750] =	vst v6;
	v6 =	vmul.f32 v60, v7;
	v7 =	vpop (erf)  }
0x207: {  	[tilespmem:s2+$0x6760] =	vst v5;
	v5 =	vadd.f32 v61, v8;
	v62 =	vmul.f32 v7, v11;
	v63 =	vmul.f32 v4, v7  }
0x208: {  	[tilespmem:s2+$0x6770] =	vst v6;
	v6 =	vmul.f32 v7, v12  }
0x209: {  	[tilespmem:s2+$0x6780] =	vst v62;
	v5 =	vadd.f32 v63, v5  }
0x20a: {  	[tilespmem:s2+$0x6790] =	vst v6  }
0x20b: {  	[tilespmem:s3+$0x0] =	vst v5  }
0x20c: {  	[spmem:s19] =	stream.indirect.scatter.add.f32 [tilespmem:s30], [sflag:$0x7], $0x10, s11, s9, $0xb8;
	[tilespmem:$0x1E5A0] =	vst v63  }
0x20d: {  	s1 =	sadd.s32 $0x1, s1;
	_ =	swait.ge [sflag:s7], $0x280  }
0x20e: {  	p0 =	sne.s32 s1, $0x7D;
	[sflag:s7] =	ssyncset.done $0x0  }
.Ltmp3:
0x20f: {  	[sflag:s7] =	ssyncadd.s32 $0xFFFFFD80;
	(pc) =	sbr.rel @p0 .LBB2_4-.Ltmp3, $4  }
0x210: {  	[spmem:s17] =	stream.indirect.scatter.add.f32 [tilespmem:s21], [sflag:$0x7], $0x80, s11, s9, $0xb8;
	[tilespmem:$0x1E5A0] =	vst v63  }
0x211: {  	_ =	swait.ge [sflag:s7], $0x1400  }
0x212: {  	[sflag:s7] =	ssyncset.done $0x0  }
0x213: {  	[sflag:s7] =	ssyncadd.s32 $0xFFFFEC00  }
0x214: {  	[bflag:$0x0] =	sbarrier.arrive $0xFFFF  }
0x215: {  	s0 =	sld [smem:$0x7DB];
	_ =	sdelay $0x2  }
0x216: {  	[tilespmem:s6], [sflag:$0x7] =	stream.linear.gather [spmem:s0], $0x1400, $0x38;
	[tilespmem:$0x1E5A0] =	vst v63  }
0x217: {  	_ =	swait.ge [sflag:s7], $0x1400  }
0x218: {  	s1 =	sld [smem:$0x7DC]  }
0x219: {  	[sflag:s7] =	ssyncset.done $0x0  }
0x21a: {  	s0 =	simm.s32 $0x0;
	[sflag:s7] =	ssyncadd.s32 $0xFFFFEC00  }
0x21b: {  	[hbm4b:s1+s0] =	stream.linear.scatter [tilespmem:s6], [sflag:$0x7], $0x1400, $0x38;
	[tilespmem:$0x1E5A0] =	vst v63  }
0x21c: {  	_ =	swait.ge [sflag:s7], $0x1400  }
0x21d: {  	[sflag:s7] =	ssyncset.done $0x0  }
0x21e: {  	s31 =	rddreg [dreg:$0x15];
	[sflag:s7] =	ssyncadd.s32 $0xFFFFEC00  }
0x21f: {  	[tilespmem:s8], [sflag:$0x7] =	stream.linear.gather [spmem:s31], $0x280, $0x38;
	[tilespmem:$0x1E5A0] =	vst v63  }
0x220: {  	_ =	swait.ge [sflag:s7], $0x280  }
0x221: {  	[sflag:s7] =	ssyncset.done $0x0  }
0x222: {  	s2 =	rddreg [dreg:$0x5];
	[sflag:s7] =	ssyncadd.s32 $0xFFFFFD80  }
0x223: {  	[hbm4b:s2+s0] =	stream.linear.scatter [tilespmem:s8], [sflag:$0x7], $0x280, $0x38;
	[tilespmem:$0x1E5A0] =	vst v63  }
0x224: {  	_ =	swait.ge [sflag:s7], $0x280  }
0x225: {  	[sflag:s7] =	ssyncset.done $0x0  }
0x226: {  	s3 =	rddreg [dreg:$0x16];
	[sflag:s7] =	ssyncadd.s32 $0xFFFFFD80  }
0x227: {  	[tilespmem:s6], [sflag:$0x7] =	stream.linear.gather [spmem:s3], $0x1400, $0x38;
	[tilespmem:$0x1E5A0] =	vst v63  }
0x228: {  	_ =	swait.ge [sflag:s7], $0x1400  }
0x229: {  	s13 =	sld [smem:$0x7DE]  }
0x22a: {  	[sflag:s7] =	ssyncset.done $0x0  }
0x22b: {  	[sflag:s7] =	ssyncadd.s32 $0xFFFFEC00  }
0x22c: {  	[hbm4b:s13+s0] =	stream.linear.scatter [tilespmem:s6], [sflag:$0x7], $0x1400, $0x38;
	[tilespmem:$0x1E5A0] =	vst v63  }
0x22d: {  	_ =	swait.ge [sflag:s7], $0x1400  }
0x22e: {  	s16 =	sld [smem:$0x7DD]  }
0x22f: {  	[sflag:s7] =	ssyncset.done $0x0  }
0x230: {  	[sflag:s7] =	ssyncadd.s32 $0xFFFFEC00  }
0x231: {  	[tilespmem:s8], [sflag:$0x7] =	stream.linear.gather [spmem:s16], $0x280, $0x38;
	[tilespmem:$0x1E5A0] =	vst v63  }
0x232: {  	_ =	swait.ge [sflag:s7], $0x280  }
0x233: {  	[sflag:s7] =	ssyncset.done $0x0  }
0x234: {  	s18 =	rddreg [dreg:$0x6];
	[sflag:s7] =	ssyncadd.s32 $0xFFFFFD80  }
0x235: {  	[hbm4b:s18+s0] =	stream.linear.scatter [tilespmem:s8], [sflag:$0x7], $0x280, $0x38;
	[tilespmem:$0x1E5A0] =	vst v63  }
0x236: {  	_ =	swait.ge [sflag:s7], $0x280  }
0x237: {  	[sflag:s7] =	ssyncset.done $0x0  }
0x238: {  	s2 =	rddreg [dreg:$0x17];
	[sflag:s7] =	ssyncadd.s32 $0xFFFFFD80  }
0x239: {  	[tilespmem:s6], [sflag:$0x7] =	stream.linear.gather [spmem:s2], $0x1400, $0x38;
	[tilespmem:$0x1E5A0] =	vst v63  }
0x23a: {  	_ =	swait.ge [sflag:s7], $0x1400  }
0x23b: {  	s3 =	sld [smem:$0x7E0]  }
0x23c: {  	[sflag:s7] =	ssyncset.done $0x0  }
0x23d: {  	[sflag:s7] =	ssyncadd.s32 $0xFFFFEC00  }
0x23e: {  	[hbm4b:s3+s0] =	stream.linear.scatter [tilespmem:s6], [sflag:$0x7], $0x1400, $0x38;
	[tilespmem:$0x1E5A0] =	vst v63  }
0x23f: {  	_ =	swait.ge [sflag:s7], $0x1400  }
0x240: {  	s13 =	sld [smem:$0x7DF]  }
0x241: {  	[sflag:s7] =	ssyncset.done $0x0  }
0x242: {  	[sflag:s7] =	ssyncadd.s32 $0xFFFFEC00  }
0x243: {  	[tilespmem:s8], [sflag:$0x7] =	stream.linear.gather [spmem:s13], $0x280, $0x38;
	[tilespmem:$0x1E5A0] =	vst v63  }
0x244: {  	_ =	swait.ge [sflag:s7], $0x280  }
0x245: {  	[sflag:s7] =	ssyncset.done $0x0  }
0x246: {  	s16 =	rddreg [dreg:$0x7];
	[sflag:s7] =	ssyncadd.s32 $0xFFFFFD80  }
0x247: {  	[hbm4b:s16+s0] =	stream.linear.scatter [tilespmem:s8], [sflag:$0x7], $0x280, $0x38;
	[tilespmem:$0x1E5A0] =	vst v63  }
0x248: {  	_ =	swait.ge [sflag:s7], $0x280  }
0x249: {  	[sflag:s7] =	ssyncset.done $0x0  }
0x24a: {  	s18 =	rddreg [dreg:$0x18];
	[sflag:s7] =	ssyncadd.s32 $0xFFFFFD80  }
0x24b: {  	[tilespmem:s6], [sflag:$0x7] =	stream.linear.gather [spmem:s18], $0x1400, $0x38;
	[tilespmem:$0x1E5A0] =	vst v63  }
0x24c: {  	_ =	swait.ge [sflag:s7], $0x1400  }
0x24d: {  	s2 =	sld [smem:$0x7E1]  }
0x24e: {  	[sflag:s7] =	ssyncset.done $0x0  }
0x24f: {  	[sflag:s7] =	ssyncadd.s32 $0xFFFFEC00  }
0x250: {  	[hbm4b:s2+s0] =	stream.linear.scatter [tilespmem:s6], [sflag:$0x7], $0x1400, $0x38;
	[tilespmem:$0x1E5A0] =	vst v63  }
0x251: {  	_ =	swait.ge [sflag:s7], $0x1400  }
0x252: {  	s18 =	sld [smem:$0x7FA]  }
0x253: {  	[sflag:s7] =	ssyncset.done $0x0  }
0x254: {  	[sflag:s7] =	ssyncadd.s32 $0xFFFFEC00  }
0x255: {  	[tilespmem:s8], [sflag:$0x7] =	stream.linear.gather [spmem:s18], $0x280, $0x38;
	[tilespmem:$0x1E5A0] =	vst v63  }
0x256: {  	_ =	swait.ge [sflag:s7], $0x280  }
0x257: {  	[sflag:s7] =	ssyncset.done $0x0  }
0x258: {  	s3 =	rddreg [dreg:$0x8];
	[sflag:s7] =	ssyncadd.s32 $0xFFFFFD80  }
0x259: {  	[hbm4b:s3+s0] =	stream.linear.scatter [tilespmem:s8], [sflag:$0x7], $0x280, $0x38;
	[tilespmem:$0x1E5A0] =	vst v63  }
0x25a: {  	_ =	swait.ge [sflag:s7], $0x280  }
0x25b: {  	[sflag:s7] =	ssyncset.done $0x0  }
0x25c: {  	s13 =	rddreg [dreg:$0x19];
	[sflag:s7] =	ssyncadd.s32 $0xFFFFFD80  }
0x25d: {  	[tilespmem:s6], [sflag:$0x7] =	stream.linear.gather [spmem:s13], $0x1400, $0x38;
	[tilespmem:$0x1E5A0] =	vst v63  }
0x25e: {  	_ =	swait.ge [sflag:s7], $0x1400  }
0x25f: {  	s16 =	sld [smem:$0x7E2]  }
0x260: {  	[sflag:s7] =	ssyncset.done $0x0  }
0x261: {  	[sflag:s7] =	ssyncadd.s32 $0xFFFFEC00  }
0x262: {  	[hbm4b:s16+s0] =	stream.linear.scatter [tilespmem:s6], [sflag:$0x7], $0x1400, $0x38;
	[tilespmem:$0x1E5A0] =	vst v63  }
0x263: {  	_ =	swait.ge [sflag:s7], $0x1400  }
0x264: {  	s16 =	sld [smem:$0x7FB]  }
0x265: {  	[sflag:s7] =	ssyncset.done $0x0  }
0x266: {  	[sflag:s7] =	ssyncadd.s32 $0xFFFFEC00  }
0x267: {  	[tilespmem:s8], [sflag:$0x7] =	stream.linear.gather [spmem:s16], $0x280, $0x38;
	[tilespmem:$0x1E5A0] =	vst v63  }
0x268: {  	_ =	swait.ge [sflag:s7], $0x280  }
0x269: {  	[sflag:s7] =	ssyncset.done $0x0  }
0x26a: {  	s2 =	rddreg [dreg:$0x9];
	[sflag:s7] =	ssyncadd.s32 $0xFFFFFD80  }
0x26b: {  	[hbm4b:s2+s0] =	stream.linear.scatter [tilespmem:s8], [sflag:$0x7], $0x280, $0x38;
	[tilespmem:$0x1E5A0] =	vst v63  }
0x26c: {  	_ =	swait.ge [sflag:s7], $0x280  }
0x26d: {  	[sflag:s7] =	ssyncset.done $0x0  }
0x26e: {  	s3 =	rddreg [dreg:$0x1a];
	[sflag:s7] =	ssyncadd.s32 $0xFFFFFD80  }
0x26f: {  	[tilespmem:s6], [sflag:$0x7] =	stream.linear.gather [spmem:s3], $0x1400, $0x38;
	[tilespmem:$0x1E5A0] =	vst v63  }
0x270: {  	_ =	swait.ge [sflag:s7], $0x1400  }
0x271: {  	s13 =	sld [smem:$0x7E4]  }
0x272: {  	[sflag:s7] =	ssyncset.done $0x0  }
0x273: {  	[sflag:s7] =	ssyncadd.s32 $0xFFFFEC00  }
0x274: {  	[hbm4b:s13+s0] =	stream.linear.scatter [tilespmem:s6], [sflag:$0x7], $0x1400, $0x38;
	[tilespmem:$0x1E5A0] =	vst v63  }
0x275: {  	_ =	swait.ge [sflag:s7], $0x1400  }
0x276: {  	s2 =	sld [smem:$0x7E3]  }
0x277: {  	[sflag:s7] =	ssyncset.done $0x0  }
0x278: {  	[sflag:s7] =	ssyncadd.s32 $0xFFFFEC00  }
0x279: {  	[tilespmem:s8], [sflag:$0x7] =	stream.linear.gather [spmem:s2], $0x280, $0x38;
	[tilespmem:$0x1E5A0] =	vst v63  }
0x27a: {  	_ =	swait.ge [sflag:s7], $0x280  }
0x27b: {  	[sflag:s7] =	ssyncset.done $0x0  }
0x27c: {  	s3 =	rddreg [dreg:$0xa];
	[sflag:s7] =	ssyncadd.s32 $0xFFFFFD80  }
0x27d: {  	[hbm4b:s3+s0] =	stream.linear.scatter [tilespmem:s8], [sflag:$0x7], $0x280, $0x38;
	[tilespmem:$0x1E5A0] =	vst v63  }
0x27e: {  	_ =	swait.ge [sflag:s7], $0x280  }
0x27f: {  	[sflag:s7] =	ssyncset.done $0x0  }
0x280: {  	s13 =	rddreg [dreg:$0x1b];
	[sflag:s7] =	ssyncadd.s32 $0xFFFFFD80  }
0x281: {  	[tilespmem:s6], [sflag:$0x7] =	stream.linear.gather [spmem:s13], $0x1400, $0x38;
	[tilespmem:$0x1E5A0] =	vst v63  }
0x282: {  	_ =	swait.ge [sflag:s7], $0x1400  }
0x283: {  	s2 =	sld [smem:$0x7E5]  }
0x284: {  	[sflag:s7] =	ssyncset.done $0x0  }
0x285: {  	[sflag:s7] =	ssyncadd.s32 $0xFFFFEC00  }
0x286: {  	[hbm4b:s2+s0] =	stream.linear.scatter [tilespmem:s6], [sflag:$0x7], $0x1400, $0x38;
	[tilespmem:$0x1E5A0] =	vst v63  }
0x287: {  	_ =	swait.ge [sflag:s7], $0x1400  }
0x288: {  	s13 =	sld [smem:$0x7FC]  }
0x289: {  	[sflag:s7] =	ssyncset.done $0x0  }
0x28a: {  	[sflag:s7] =	ssyncadd.s32 $0xFFFFEC00  }
0x28b: {  	[tilespmem:s8], [sflag:$0x7] =	stream.linear.gather [spmem:s13], $0x280, $0x38;
	[tilespmem:$0x1E5A0] =	vst v63  }
0x28c: {  	_ =	swait.ge [sflag:s7], $0x280  }
0x28d: {  	[sflag:s7] =	ssyncset.done $0x0  }
0x28e: {  	s3 =	rddreg [dreg:$0xb];
	[sflag:s7] =	ssyncadd.s32 $0xFFFFFD80  }
0x28f: {  	[hbm4b:s3+s0] =	stream.linear.scatter [tilespmem:s8], [sflag:$0x7], $0x280, $0x38;
	[tilespmem:$0x1E5A0] =	vst v63  }
0x290: {  	_ =	swait.ge [sflag:s7], $0x280  }
0x291: {  	[sflag:s7] =	ssyncset.done $0x0  }
0x292: {  	s2 =	rddreg [dreg:$0x1c];
	[sflag:s7] =	ssyncadd.s32 $0xFFFFFD80  }
0x293: {  	[tilespmem:s6], [sflag:$0x7] =	stream.linear.gather [spmem:s2], $0x1400, $0x38;
	[tilespmem:$0x1E5A0] =	vst v63  }
0x294: {  	_ =	swait.ge [sflag:s7], $0x1400  }
0x295: {  	s3 =	sld [smem:$0x7E7]  }
0x296: {  	[sflag:s7] =	ssyncset.done $0x0  }
0x297: {  	[sflag:s7] =	ssyncadd.s32 $0xFFFFEC00  }
0x298: {  	[hbm4b:s3+s0] =	stream.linear.scatter [tilespmem:s6], [sflag:$0x7], $0x1400, $0x38;
	[tilespmem:$0x1E5A0] =	vst v63  }
0x299: {  	_ =	swait.ge [sflag:s7], $0x1400  }
0x29a: {  	s2 =	sld [smem:$0x7E6]  }
0x29b: {  	[sflag:s7] =	ssyncset.done $0x0  }
0x29c: {  	[sflag:s7] =	ssyncadd.s32 $0xFFFFEC00  }
0x29d: {  	[tilespmem:s8], [sflag:$0x7] =	stream.linear.gather [spmem:s2], $0x280, $0x38;
	[tilespmem:$0x1E5A0] =	vst v63  }
0x29e: {  	_ =	swait.ge [sflag:s7], $0x280  }
0x29f: {  	[sflag:s7] =	ssyncset.done $0x0  }
0x2a0: {  	s3 =	rddreg [dreg:$0xc];
	[sflag:s7] =	ssyncadd.s32 $0xFFFFFD80  }
0x2a1: {  	[hbm4b:s3+s0] =	stream.linear.scatter [tilespmem:s8], [sflag:$0x7], $0x280, $0x38;
	[tilespmem:$0x1E5A0] =	vst v63  }
0x2a2: {  	_ =	swait.ge [sflag:s7], $0x280  }
0x2a3: {  	[sflag:s7] =	ssyncset.done $0x0  }
0x2a4: {  	s2 =	rddreg [dreg:$0x1d];
	[sflag:s7] =	ssyncadd.s32 $0xFFFFFD80  }
0x2a5: {  	[tilespmem:s6], [sflag:$0x7] =	stream.linear.gather [spmem:s2], $0x1400, $0x38;
	[tilespmem:$0x1E5A0] =	vst v63  }
0x2a6: {  	_ =	swait.ge [sflag:s7], $0x1400  }
0x2a7: {  	s3 =	sld [smem:$0x7E9]  }
0x2a8: {  	[sflag:s7] =	ssyncset.done $0x0  }
0x2a9: {  	[sflag:s7] =	ssyncadd.s32 $0xFFFFEC00  }
0x2aa: {  	[hbm4b:s3+s0] =	stream.linear.scatter [tilespmem:s6], [sflag:$0x7], $0x1400, $0x38;
	[tilespmem:$0x1E5A0] =	vst v63  }
0x2ab: {  	_ =	swait.ge [sflag:s7], $0x1400  }
0x2ac: {  	s2 =	sld [smem:$0x7E8]  }
0x2ad: {  	[sflag:s7] =	ssyncset.done $0x0  }
0x2ae: {  	[sflag:s7] =	ssyncadd.s32 $0xFFFFEC00  }
0x2af: {  	[tilespmem:s8], [sflag:$0x7] =	stream.linear.gather [spmem:s2], $0x280, $0x38;
	[tilespmem:$0x1E5A0] =	vst v63  }
0x2b0: {  	_ =	swait.ge [sflag:s7], $0x280  }
0x2b1: {  	[sflag:s7] =	ssyncset.done $0x0  }
0x2b2: {  	s3 =	rddreg [dreg:$0xd];
	[sflag:s7] =	ssyncadd.s32 $0xFFFFFD80  }
0x2b3: {  	[hbm4b:s3+s0] =	stream.linear.scatter [tilespmem:s8], [sflag:$0x7], $0x280, $0x38;
	[tilespmem:$0x1E5A0] =	vst v63  }
0x2b4: {  	_ =	swait.ge [sflag:s7], $0x280  }
0x2b5: {  	[sflag:s7] =	ssyncset.done $0x0  }
0x2b6: {  	s2 =	rddreg [dreg:$0x1e];
	[sflag:s7] =	ssyncadd.s32 $0xFFFFFD80  }
0x2b7: {  	[tilespmem:s6], [sflag:$0x7] =	stream.linear.gather [spmem:s2], $0x1400, $0x38;
	[tilespmem:$0x1E5A0] =	vst v63  }
0x2b8: {  	_ =	swait.ge [sflag:s7], $0x1400  }
0x2b9: {  	s3 =	sld [smem:$0x7EB]  }
0x2ba: {  	[sflag:s7] =	ssyncset.done $0x0  }
0x2bb: {  	[sflag:s7] =	ssyncadd.s32 $0xFFFFEC00  }
0x2bc: {  	[hbm4b:s3+s0] =	stream.linear.scatter [tilespmem:s6], [sflag:$0x7], $0x1400, $0x38;
	[tilespmem:$0x1E5A0] =	vst v63  }
0x2bd: {  	_ =	swait.ge [sflag:s7], $0x1400  }
0x2be: {  	s2 =	sld [smem:$0x7EA]  }
0x2bf: {  	[sflag:s7] =	ssyncset.done $0x0  }
0x2c0: {  	[sflag:s7] =	ssyncadd.s32 $0xFFFFEC00  }
0x2c1: {  	[tilespmem:s8], [sflag:$0x7] =	stream.linear.gather [spmem:s2], $0x280, $0x38;
	[tilespmem:$0x1E5A0] =	vst v63  }
0x2c2: {  	_ =	swait.ge [sflag:s7], $0x280  }
0x2c3: {  	[sflag:s7] =	ssyncset.done $0x0  }
0x2c4: {  	s3 =	rddreg [dreg:$0xe];
	[sflag:s7] =	ssyncadd.s32 $0xFFFFFD80  }
0x2c5: {  	[hbm4b:s3+s0] =	stream.linear.scatter [tilespmem:s8], [sflag:$0x7], $0x280, $0x38;
	[tilespmem:$0x1E5A0] =	vst v63  }
0x2c6: {  	_ =	swait.ge [sflag:s7], $0x280  }
0x2c7: {  	[sflag:s7] =	ssyncset.done $0x0  }
0x2c8: {  	s2 =	rddreg [dreg:$0x1f];
	[sflag:s7] =	ssyncadd.s32 $0xFFFFFD80  }
0x2c9: {  	[tilespmem:s6], [sflag:$0x7] =	stream.linear.gather [spmem:s2], $0x1400, $0x38;
	[tilespmem:$0x1E5A0] =	vst v63  }
0x2ca: {  	_ =	swait.ge [sflag:s7], $0x1400  }
0x2cb: {  	s3 =	sld [smem:$0x7ED]  }
0x2cc: {  	[sflag:s7] =	ssyncset.done $0x0  }
0x2cd: {  	[sflag:s7] =	ssyncadd.s32 $0xFFFFEC00  }
0x2ce: {  	[hbm4b:s3+s0] =	stream.linear.scatter [tilespmem:s6], [sflag:$0x7], $0x1400, $0x38;
	[tilespmem:$0x1E5A0] =	vst v63  }
0x2cf: {  	_ =	swait.ge [sflag:s7], $0x1400  }
0x2d0: {  	s2 =	sld [smem:$0x7EC]  }
0x2d1: {  	[sflag:s7] =	ssyncset.done $0x0  }
0x2d2: {  	[sflag:s7] =	ssyncadd.s32 $0xFFFFEC00  }
0x2d3: {  	[tilespmem:s8], [sflag:$0x7] =	stream.linear.gather [spmem:s2], $0x280, $0x38;
	[tilespmem:$0x1E5A0] =	vst v63  }
0x2d4: {  	_ =	swait.ge [sflag:s7], $0x280  }
0x2d5: {  	[sflag:s7] =	ssyncset.done $0x0  }
0x2d6: {  	s3 =	rddreg [dreg:$0xf];
	[sflag:s7] =	ssyncadd.s32 $0xFFFFFD80  }
0x2d7: {  	[hbm4b:s3+s0] =	stream.linear.scatter [tilespmem:s8], [sflag:$0x7], $0x280, $0x38;
	[tilespmem:$0x1E5A0] =	vst v63  }
0x2d8: {  	_ =	swait.ge [sflag:s7], $0x280  }
0x2d9: {  	s2 =	sld [smem:$0x7D6]  }
0x2da: {  	[sflag:s7] =	ssyncset.done $0x0  }
0x2db: {  	[sflag:s7] =	ssyncadd.s32 $0xFFFFFD80  }
0x2dc: {  	[tilespmem:s6], [sflag:$0x7] =	stream.linear.gather [spmem:s2], $0x1400, $0x38;
	[tilespmem:$0x1E5A0] =	vst v63  }
0x2dd: {  	_ =	swait.ge [sflag:s7], $0x1400  }
0x2de: {  	s3 =	sld [smem:$0x7EF]  }
0x2df: {  	[sflag:s7] =	ssyncset.done $0x0  }
0x2e0: {  	[sflag:s7] =	ssyncadd.s32 $0xFFFFEC00  }
0x2e1: {  	[hbm4b:s3+s0] =	stream.linear.scatter [tilespmem:s6], [sflag:$0x7], $0x1400, $0x38;
	[tilespmem:$0x1E5A0] =	vst v63  }
0x2e2: {  	_ =	swait.ge [sflag:s7], $0x1400  }
0x2e3: {  	s2 =	sld [smem:$0x7EE]  }
0x2e4: {  	[sflag:s7] =	ssyncset.done $0x0  }
0x2e5: {  	[sflag:s7] =	ssyncadd.s32 $0xFFFFEC00  }
0x2e6: {  	[tilespmem:s8], [sflag:$0x7] =	stream.linear.gather [spmem:s2], $0x280, $0x38;
	[tilespmem:$0x1E5A0] =	vst v63  }
0x2e7: {  	_ =	swait.ge [sflag:s7], $0x280  }
0x2e8: {  	[sflag:s7] =	ssyncset.done $0x0  }
0x2e9: {  	s3 =	rddreg [dreg:$0x10];
	[sflag:s7] =	ssyncadd.s32 $0xFFFFFD80  }
0x2ea: {  	[hbm4b:s3+s0] =	stream.linear.scatter [tilespmem:s8], [sflag:$0x7], $0x280, $0x38;
	[tilespmem:$0x1E5A0] =	vst v63  }
0x2eb: {  	_ =	swait.ge [sflag:s7], $0x280  }
0x2ec: {  	s2 =	sld [smem:$0x7D7]  }
0x2ed: {  	[sflag:s7] =	ssyncset.done $0x0  }
0x2ee: {  	[sflag:s7] =	ssyncadd.s32 $0xFFFFFD80  }
0x2ef: {  	[tilespmem:s6], [sflag:$0x7] =	stream.linear.gather [spmem:s2], $0x1400, $0x38;
	[tilespmem:$0x1E5A0] =	vst v63  }
0x2f0: {  	_ =	swait.ge [sflag:s7], $0x1400  }
0x2f1: {  	s3 =	sld [smem:$0x7F1]  }
0x2f2: {  	[sflag:s7] =	ssyncset.done $0x0  }
0x2f3: {  	[sflag:s7] =	ssyncadd.s32 $0xFFFFEC00  }
0x2f4: {  	[hbm4b:s3+s0] =	stream.linear.scatter [tilespmem:s6], [sflag:$0x7], $0x1400, $0x38;
	[tilespmem:$0x1E5A0] =	vst v63  }
0x2f5: {  	_ =	swait.ge [sflag:s7], $0x1400  }
0x2f6: {  	s2 =	sld [smem:$0x7F0]  }
0x2f7: {  	[sflag:s7] =	ssyncset.done $0x0  }
0x2f8: {  	[sflag:s7] =	ssyncadd.s32 $0xFFFFEC00  }
0x2f9: {  	[tilespmem:s8], [sflag:$0x7] =	stream.linear.gather [spmem:s2], $0x280, $0x38;
	[tilespmem:$0x1E5A0] =	vst v63  }
0x2fa: {  	_ =	swait.ge [sflag:s7], $0x280  }
0x2fb: {  	[sflag:s7] =	ssyncset.done $0x0  }
0x2fc: {  	s3 =	rddreg [dreg:$0x11];
	[sflag:s7] =	ssyncadd.s32 $0xFFFFFD80  }
0x2fd: {  	[hbm4b:s3+s0] =	stream.linear.scatter [tilespmem:s8], [sflag:$0x7], $0x280, $0x38;
	[tilespmem:$0x1E5A0] =	vst v63  }
0x2fe: {  	_ =	swait.ge [sflag:s7], $0x280  }
0x2ff: {  	s2 =	sld [smem:$0x7D8]  }
0x300: {  	[sflag:s7] =	ssyncset.done $0x0  }
0x301: {  	[sflag:s7] =	ssyncadd.s32 $0xFFFFFD80  }
0x302: {  	[tilespmem:s6], [sflag:$0x7] =	stream.linear.gather [spmem:s2], $0x1400, $0x38;
	[tilespmem:$0x1E5A0] =	vst v63  }
0x303: {  	_ =	swait.ge [sflag:s7], $0x1400  }
0x304: {  	s3 =	sld [smem:$0x7F3]  }
0x305: {  	[sflag:s7] =	ssyncset.done $0x0  }
0x306: {  	[sflag:s7] =	ssyncadd.s32 $0xFFFFEC00  }
0x307: {  	[hbm4b:s3+s0] =	stream.linear.scatter [tilespmem:s6], [sflag:$0x7], $0x1400, $0x38;
	[tilespmem:$0x1E5A0] =	vst v63  }
0x308: {  	_ =	swait.ge [sflag:s7], $0x1400  }
0x309: {  	s2 =	sld [smem:$0x7F2]  }
0x30a: {  	[sflag:s7] =	ssyncset.done $0x0  }
0x30b: {  	[sflag:s7] =	ssyncadd.s32 $0xFFFFEC00  }
0x30c: {  	[tilespmem:s8], [sflag:$0x7] =	stream.linear.gather [spmem:s2], $0x280, $0x38;
	[tilespmem:$0x1E5A0] =	vst v63  }
0x30d: {  	_ =	swait.ge [sflag:s7], $0x280  }
0x30e: {  	[sflag:s7] =	ssyncset.done $0x0  }
0x30f: {  	s3 =	rddreg [dreg:$0x12];
	[sflag:s7] =	ssyncadd.s32 $0xFFFFFD80  }
0x310: {  	[hbm4b:s3+s0] =	stream.linear.scatter [tilespmem:s8], [sflag:$0x7], $0x280, $0x38;
	[tilespmem:$0x1E5A0] =	vst v63  }
0x311: {  	_ =	swait.ge [sflag:s7], $0x280  }
0x312: {  	s2 =	sld [smem:$0x7D9]  }
0x313: {  	[sflag:s7] =	ssyncset.done $0x0  }
0x314: {  	[sflag:s7] =	ssyncadd.s32 $0xFFFFFD80  }
0x315: {  	[tilespmem:s6], [sflag:$0x7] =	stream.linear.gather [spmem:s2], $0x1400, $0x38;
	[tilespmem:$0x1E5A0] =	vst v63  }
0x316: {  	_ =	swait.ge [sflag:s7], $0x1400  }
0x317: {  	s3 =	sld [smem:$0x7F5]  }
0x318: {  	[sflag:s7] =	ssyncset.done $0x0  }
0x319: {  	[sflag:s7] =	ssyncadd.s32 $0xFFFFEC00  }
0x31a: {  	[hbm4b:s3+s0] =	stream.linear.scatter [tilespmem:s6], [sflag:$0x7], $0x1400, $0x38;
	[tilespmem:$0x1E5A0] =	vst v63  }
0x31b: {  	_ =	swait.ge [sflag:s7], $0x1400  }
0x31c: {  	s2 =	sld [smem:$0x7F4]  }
0x31d: {  	[sflag:s7] =	ssyncset.done $0x0  }
0x31e: {  	[sflag:s7] =	ssyncadd.s32 $0xFFFFEC00  }
0x31f: {  	[tilespmem:s8], [sflag:$0x7] =	stream.linear.gather [spmem:s2], $0x280, $0x38;
	[tilespmem:$0x1E5A0] =	vst v63  }
0x320: {  	_ =	swait.ge [sflag:s7], $0x280  }
0x321: {  	[sflag:s7] =	ssyncset.done $0x0  }
0x322: {  	s3 =	rddreg [dreg:$0x13];
	[sflag:s7] =	ssyncadd.s32 $0xFFFFFD80  }
0x323: {  	[hbm4b:s3+s0] =	stream.linear.scatter [tilespmem:s8], [sflag:$0x7], $0x280, $0x38;
	[tilespmem:$0x1E5A0] =	vst v63  }
0x324: {  	_ =	swait.ge [sflag:s7], $0x280  }
0x325: {  	s2 =	sld [smem:$0x7DA]  }
0x326: {  	[sflag:s7] =	ssyncset.done $0x0  }
0x327: {  	[sflag:s7] =	ssyncadd.s32 $0xFFFFFD80  }
0x328: {  	[tilespmem:s6], [sflag:$0x7] =	stream.linear.gather [spmem:s2], $0x1400, $0x38;
	[tilespmem:$0x1E5A0] =	vst v63  }
0x329: {  	_ =	swait.ge [sflag:s7], $0x1400  }
0x32a: {  	s3 =	sld [smem:$0x7F6]  }
0x32b: {  	[sflag:s7] =	ssyncset.done $0x0  }
0x32c: {  	[sflag:s7] =	ssyncadd.s32 $0xFFFFEC00  }
0x32d: {  	[hbm4b:s3+s0] =	stream.linear.scatter [tilespmem:s6], [sflag:$0x7], $0x1400, $0x38;
	[tilespmem:$0x1E5A0] =	vst v63  }
0x32e: {  	_ =	swait.ge [sflag:s7], $0x1400  }
0x32f: {  	s3 =	sld [smem:$0x7FD]  }
0x330: {  	[sflag:s7] =	ssyncset.done $0x0  }
0x331: {  	[sflag:s7] =	ssyncadd.s32 $0xFFFFEC00  }
0x332: {  	[tilespmem:s8], [sflag:$0x7] =	stream.linear.gather [spmem:s3], $0x280, $0x38;
	[tilespmem:$0x1E5A0] =	vst v63  }
0x333: {  	_ =	swait.ge [sflag:s7], $0x280  }
0x334: {  	[sflag:s7] =	ssyncset.done $0x0  }
0x335: {  	s2 =	rddreg [dreg:$0x14];
	[sflag:s7] =	ssyncadd.s32 $0xFFFFFD80  }
0x336: {  	[hbm4b:s2+s0] =	stream.linear.scatter [tilespmem:s8], [sflag:$0x7], $0x280, $0x38;
	[tilespmem:$0x1E5A0] =	vst v63  }
0x337: {  	_ =	swait.ge [sflag:s7], $0x280  }
0x338: {  	s0 =	sld [smem:$0x7D5]  }
0x339: {  	s2 =	sld [smem:$0x7F9];
	_ =	sdelay $0x1  }
0x33a: {  	s1 =	sadd.s32 $0x1, s0  }
0x33b: {  	p0 =	sne.s32 s1, s2  }
.Ltmp4:
0x33c: {  	_ = 	snop;
	(pc) =	sbr.rel @p0 .LBB2_1-.Ltmp4, $3  }
0x33d: {  	_ =	sdelay $0x1  }
0x33e: {  	[sflag:s7] =	ssyncset.done $0x0  }
0x33f: {  	[sflag:s7] =	ssyncadd.s32 $0xFFFFFD80  }
0x340: {  	_ =	sfence.sel $0x180000  }
0x341: {  	[bflag:$0x0] =	sbarrier.arrive $0xFFFF  }
0x342: {  	_ =	strace $0x90000047  }
0x343: {  	s0 =	stileid.u32;
	[bflag:$0x2] =	sbarrier.arrive $0xFFFF  }
0x344: {  	p0 =	sne.s32 s0, $0x0;
	s0 =	rddreg [dreg:$0x4]  }
0x345: {  	s0 =	sadd.s32 @!p0 $0x100000, s0  }
0x346: {  	[sflag:s0] =	ssyncadd.tile.s32 @!p0 $0x1;
	_ =	shalt  }
.Lfunc_end2:
_tile_overlayer_lowered:
.L_overlay_start_2:
0x347: {  	(tag) =	ssettag $0x2  }
0x348: {  	s0 =	rddreg [dreg:$0x0];
	s2 =	stileid.u32  }
0x349: {  	s1 =	rddreg [dreg:$0x1];
	p0 =	sne.s32 s2, $0x0  }
0x34a: {  	s3 =	rddreg [dreg:$0x2];
	[bflag:$0x3] =	sbarrier.arrive $0xFFFF;
	s2 =	simm.s32 @!p0 $0x1C07  }
0x34b: {  	[timem:s3], [sflag:s2] =	dma.local @!p0 [hbm:s0], s1  }
0x34c: {  	s0 =	simm.s32 @!p0 $0x7  }
0x34d: {  	_ =	swait.ge @!p0 [sflag:s0], s1  }
0x34e: {  	s1 =	ssub.s32 @!p0 $0x0, s1;
	[sflag:s0] =	ssyncset.done @!p0 $0x0  }
0x34f: {  	[sflag:s0] =	ssyncadd.s32 @!p0 s1  }
0x350: {  	[bflag:$0x3] =	sbarrier.arrive $0xFFFF  }
0x351: {  	_ =	shalt  }

</sc_bundles>
